<compile_context>
chip_gen: v7x
topology: tpu7x:2x2x1
jax: 0.10.2.dev20260603
libtpu: 0.0.44.dev20260713+nightly
codegen_flags: <defaults>
</compile_context>

<pallas_src>
import functools

import jax
import jax.numpy as jnp
from jax.experimental import pallas as pl
from jax.experimental.pallas import tpu as pltpu
from jax.experimental.pallas import tpu_sc as plsc

_BR = 64
_BC = 2048
_NS = 8
_NEG = -3.0e38
_LOG2E = 1.4426950408889634
_T = 16.0 * _LOG2E
_A = 1.012 * 16.0 * _LOG2E
_B2 = 0.012 * 16.0 * _LOG2E


def _sc_gather_pair(xf, pf, rows, w):
    n = rows.shape[1]
    out_t = (jax.ShapeDtypeStruct((n, 128), xf.dtype),
             jax.ShapeDtypeStruct((n, 128), pf.dtype))

    @pl.kernel(out_type=out_t,
               mesh=plsc.VectorSubcoreMesh(core_axis_name="c",
                                           subcore_axis_name="s"))
    def kern(x_hbm, p_hbm, i_hbm, o1_hbm, o2_hbm):
        def body(i_vmem, o1_vmem, o2_vmem):
            pltpu.sync_copy(x_hbm.at[i_vmem.at[0]], o1_vmem)
            pltpu.sync_copy(p_hbm.at[i_vmem.at[0]], o2_vmem)

        pltpu.emit_pipeline(
            body,
            grid=(n // w,),
            in_specs=[pl.BlockSpec((1, w), index_map=lambda i: (0, i))],
            out_specs=[pl.BlockSpec((w, 128), index_map=lambda i: (i, 0)),
                       pl.BlockSpec((w, 128), index_map=lambda i: (i, 0))],
            core_axis_name="s",
            dimension_semantics=(pltpu.PARALLEL,),
        )(i_hbm, o1_hbm, o2_hbm)

    return kern(xf, pf, rows)


def _lane_pick(vrow, lane_t):
    iota = jax.lax.broadcasted_iota(jnp.int32, vrow.shape, 1)
    return jnp.sum(jnp.where(iota == lane_t, vrow, 0.0), axis=1,
                   keepdims=True)


def _loss_body(*refs, ns, tail_valid, bc, inv_scale):
    n_tail = len(tail_valid)
    n_ops = ns + n_tail
    g16_ref, p16_ref, lt_ref = refs[0], refs[1], refs[2]
    x_refs = refs[3:3 + n_ops]
    p_refs = refs[3 + n_ops:3 + 2 * n_ops]
    out_ref, m_ref, s_ref, o_ref, gtb_ref = refs[3 + 2 * n_ops:]

    j = pl.program_id(1)
    nj = pl.num_programs(1)

    @pl.when(j == 0)
    def _init():
        m_ref[...] = jnp.full_like(m_ref, _NEG)
        s_ref[...] = jnp.zeros_like(s_ref)
        gt1 = _lane_pick(g16_ref[...], lt_ref[...])
        gtb_ref[...] = jnp.broadcast_to(gt1, gtb_ref.shape)

    gt = gtb_ref[...]

    def process(x_ref, p_ref, valid):
        n_chunks = (valid + 127) // 128
        m_acc = m_ref[...]
        m_run = m_acc
        for k in range(n_chunks):
            sl = slice(k * 128, (k + 1) * 128)
            xs = x_ref[:, sl]
            ps = p_ref[:, sl]
            cam = jnp.where(ps != 0.0, xs, -10000.0)
            o = jnp.where(cam >= gt, _A * xs + _B2, _T * xs)
            rem = valid - k * 128
            if rem < 128:
                lane = jax.lax.broadcasted_iota(jnp.int32, o.shape, 1)
                o = jnp.where(lane < rem, o, _NEG)
            o_ref[:, sl] = o
            m_run = jnp.maximum(m_run, o)
        s_even = s_ref[...] * jnp.exp2(m_acc - m_run)
        s_odd = jnp.zeros_like(s_even)
        for k in range(n_chunks):
            sl = slice(k * 128, (k + 1) * 128)
            e = jnp.exp2(o_ref[:, sl] - m_run)
            if k % 2 == 0:
                s_even = s_even + e
            else:
                s_odd = s_odd + e
        m_ref[...] = m_run
        s_ref[...] = s_even + s_odd

    for g in range(ns):
        process(x_refs[g], p_refs[g], bc)

    if n_tail:
        @pl.when(j == 0)
        def _tail():
            for tdx, tv in enumerate(tail_valid):
                process(x_refs[ns + tdx], p_refs[ns + tdx], tv)

    @pl.when(j == nj - 1)
    def _finalize():
        pt = _lane_pick(p16_ref[...], lt_ref[...])
        gt1 = gt[:, :1]
        m_acc = m_ref[...]
        s_acc = s_ref[...]
        m_row = jnp.max(m_acc, axis=1, keepdims=True)
        s_row = jnp.sum(s_acc * jnp.exp2(m_acc - m_row), axis=1,
                        keepdims=True)
        o_true = _T * (gt1 - 0.1)
        cam_t = jnp.where(pt != 0.0, gt1, -10000.0)
        o_gen = jnp.where(cam_t >= gt1, _A * gt1 + _B2, _T * gt1)
        m2 = jnp.maximum(m_row, o_true)
        s2 = (s_row * jnp.exp2(m_row - m2) - jnp.exp2(o_gen - m2)
              + jnp.exp2(o_true - m2))
        lse2 = m2 + jnp.log2(s2)
        out_ref[...] = (jnp.sum(lse2 - o_true) * inv_scale).reshape(1, 1, 1)


def kernel(inputs, targets, mask, pos_cam_mask):
    del mask
    b, c = inputs.shape

    br = min(_BR, b)
    bc = min(_BC, (c + 127) // 128 * 128)
    ni = (b + br - 1) // br

    n_full = c // bc
    if n_full >= _NS and n_full % _NS == 0:
        ns = _NS
    elif n_full >= 1:
        ns = 1
    else:
        ns = 0
    njh = n_full // ns if ns else 0
    covered = ns * njh * bc
    tail_valid = []
    pos = covered
    while pos < c:
        tail_valid.append(min(bc, c - pos))
        pos += bc

    t2d = targets[:, None]
    gw = 128
    while gw > 1 and b % gw:
        gw //= 2
    if (b * c) % 128 == 0 and b % gw == 0:
        flat = jnp.arange(b, dtype=jnp.int32) * c + targets
        rows = (flat // 128).reshape(1, b)
        lane = (flat % 128).astype(jnp.int32)[:, None]
        g16, p16 = _sc_gather_pair(inputs.reshape(-1, 128),
                                   pos_cam_mask.reshape(-1, 128), rows, gw)
    else:
        g16 = jnp.broadcast_to(
            jnp.take_along_axis(inputs, t2d, axis=1), (b, 128))
        p16 = jnp.broadcast_to(
            jnp.take_along_axis(pos_cam_mask, t2d, axis=1), (b, 128))
        lane = jnp.zeros((b, 1), jnp.int32)

    def group_spec(g):
        return pl.BlockSpec((br, bc), lambda i, j, g=g: (i, j + g * njh))

    def tail_spec(tdx):
        blk = ns * njh + tdx
        return pl.BlockSpec((br, bc), lambda i, j, blk=blk: (i, blk))

    data_specs = ([group_spec(g) for g in range(ns)]
                  + [tail_spec(tdx) for tdx in range(len(tail_valid))])
    in_specs = [
        pl.BlockSpec((br, 128), lambda i, j: (i, 0)),
        pl.BlockSpec((br, 128), lambda i, j: (i, 0)),
        pl.BlockSpec((br, 1), lambda i, j: (i, 0)),
    ] + data_specs + data_specs

    body = functools.partial(_loss_body, ns=ns, tail_valid=tuple(tail_valid),
                             bc=bc, inv_scale=1.0 / (b * _LOG2E))
    n_ops = ns + len(tail_valid)
    out = pl.pallas_call(
        body,
        grid=(ni, max(njh, 1)),
        in_specs=in_specs,
        out_specs=pl.BlockSpec((1, 1, 1), lambda i, j: (i, 0, 0)),
        out_shape=jax.ShapeDtypeStruct((ni, 1, 1), jnp.float32),
        scratch_shapes=[
            pltpu.VMEM((br, 128), jnp.float32),
            pltpu.VMEM((br, 128), jnp.float32),
            pltpu.VMEM((br, bc), jnp.float32),
            pltpu.VMEM((br, 128), jnp.float32),
        ],
        compiler_params=pltpu.CompilerParams(
            dimension_semantics=("parallel", "arbitrary")),
    )(g16, p16, lane, *([inputs] * n_ops + [pos_cam_mask] * n_ops))
    return jnp.sum(out)

# --- scband reference (transcript-rebuilt; emitter-appended) ---
"""Pipeline reference for scband-coscam-loss-57921928954243 (READ-ONLY COPY).

The authoritative reference and input builder live on the scoring server;
editing this copy changes nothing except your own understanding.
"""

import jax, jax.numpy as jnp
import numpy as np

SCALE = 16.0
MARGIN = 0.1


def setup_inputs(seed: int = 0) -> dict:
    key = jax.random.key(seed)
    k1, k2, k3 = jax.random.split(key, 3)
    B, C = 1024, 100000
    inputs = jax.random.normal(k1, (B, C), dtype=jnp.float32)
    targets = jax.random.randint(k2, (B,), 0, C, dtype=jnp.int32)
    mask = jnp.zeros((B, C), dtype=bool)  # unused: overwritten inside forward
    pos_cam_mask = jax.random.randint(k3, (B, C), 0, 2).astype(jnp.float32)
    return {"inputs": inputs, "targets": targets, "mask": mask, "pos_cam_mask": pos_cam_mask}


def reference(inputs, targets, mask, pos_cam_mask):
    B, C = inputs.shape
    row_idx = jnp.arange(B)
    # one_hot = zeros_like(inputs); scatter 1.0 at targets
    one_hot = jax.nn.one_hot(targets, C, dtype=inputs.dtype)
    # cam_inputs = pos_cam_mask * inputs + (1 - pos_cam_mask) * -10000
    cam_inputs = pos_cam_mask * inputs + (1.0 - pos_cam_mask) * (-10000.0)
    # gt = inputs[arange(B), targets].view(-1, 1)  (gather on ORIGINAL inputs)
    gt = inputs[row_idx, targets][:, None]
    # mask = cam_inputs >= gt  (overwrites the forward arg)
    hard_mask = cam_inputs >= gt
    # inputs[mask] = (0.012 + 1.0) * inputs[mask] + 0.012
    new_inputs = jnp.where(hard_mask, (0.012 + 1.0) * inputs + 0.012, inputs)
    # inputs.scatter_(1, targets, gt): restore original gt logit at the target column
    new_inputs = new_inputs.at[row_idx, targets].set(gt[:, 0])
    # output = s * (inputs - one_hot * m)
    output = SCALE * (new_inputs - one_hot * MARGIN)
    # F.cross_entropy(output, targets) with default mean reduction
    logp = jax.nn.log_softmax(output, axis=-1)
    loss = -jnp.mean(logp[row_idx, targets])
    return loss

if __name__ == "__main__":
    import jax
    _d = setup_inputs()
    print(jax.jit(kernel)(*tuple(_d.values())))

</pallas_src>

<mosaic_0001>
#map = affine_map<(d0, d1) -> (0, 0)>
module attributes {stable_mosaic.version = 14 : i64} {
  func.func @kern(%arg0: i32, %arg1: i32, %arg2: memref<800000x128xf32, #tpu.memory_space<hbm>>, %arg3: memref<800000x128xf32, #tpu.memory_space<hbm>>, %arg4: memref<1x1024xi32, #tpu.memory_space<hbm>>, %arg5: memref<1024x128xf32, #tpu.memory_space<hbm>>, %arg6: memref<1024x128xf32, #tpu.memory_space<hbm>>) attributes {dimension_semantics = [#tpu.dimension_semantics<core_parallel>, #tpu.dimension_semantics<subcore_parallel>], iteration_bounds = array<i64: 2, 16>, scalar_prefetch = 0 : i64, scratch_operands = 0 : i64, tpu.core_type = #tpu.core_type<sc_vector_subcore>, window_params = [{transform_indices = #map}, {transform_indices = #map}, {transform_indices = #map}, {transform_indices = #map}, {transform_indices = #map}]} {
    %lt3A = arith.constant 8 : i32
    %lt3A_0 = arith.cmpi slt, %arg1, %lt3A : i32
    %jit3A = arith.constant 1 : i32
    %jit3A_1 = arith.constant 0 : i32
    %select_n3A = arith.select %lt3A_0, %jit3A, %jit3A_1 : i32
    %lt3A_2 = arith.constant 8 : i32
    %lt3A_3 = arith.cmpi slt, %arg1, %lt3A_2 : i32
    %mul3A = arith.muli %arg1, %select_n3A : i32
    %mul3A_4 = arith.constant 0 : i32
    %mul3A_5 = arith.muli %arg1, %mul3A_4 : i32
    %add3A = arith.constant 8 : i32
    %add3A_6 = arith.addi %mul3A_5, %add3A : i32
    %select_n3A_7 = arith.select %lt3A_3, %mul3A, %add3A_6 : i32
    %mul3A_8 = arith.constant 1 : i32
    %mul3A_9 = arith.muli %mul3A_8, %select_n3A : i32
    "tpu.region"() ({
      %run_scoped3A = memref.alloca() : memref<2x1x128xi32, #tpu.memory_space<vmem>>
      %run_scoped3A_10 = tpu.sem_alloc : memref<2x!tpu.dma_semaphore, #tpu.memory_space<semaphore_mem>>
      %run_scoped3A_11 = memref.alloca() : memref<2x128x128xf32, #tpu.memory_space<vmem>>
      %run_scoped3A_12 = tpu.sem_alloc : memref<2x!tpu.dma_semaphore, #tpu.memory_space<semaphore_mem>>
      %run_scoped3A_13 = memref.alloca() : memref<2x128x128xf32, #tpu.memory_space<vmem>>
      %run_scoped3A_14 = tpu.sem_alloc : memref<2x!tpu.dma_semaphore, #tpu.memory_space<semaphore_mem>>
      %gt3A = arith.constant 0 : i32
      %gt3A_15 = arith.cmpi sgt, %mul3A_9, %gt3A : i32
      %convert_element_type3A = arith.extui %gt3A_15 : i1 to i32
      %cond3A = arith.constant 0 : i32
      %cond3A_16 = arith.cmpi ne, %convert_element_type3A, %cond3A : i32
      scf.if %cond3A_16 {
        %mul3A_17 = arith.constant 1 : i32
        %mul3A_18 = arith.muli %mul3A_17, %select_n3A : i32
        %sub3A = arith.constant 1 : i32
        %sub3A_19 = arith.subi %mul3A_18, %sub3A : i32
        %eq3A = arith.constant 0 : i32
        %eq3A_20 = arith.cmpi eq, %sub3A_19, %eq3A : i32
        %add3A_21 = arith.constant 0 : i32
        %add3A_22 = arith.addi %add3A_21, %select_n3A_7 : i32
        %select_n3A_23 = arith.constant true
        %select_n3A_24 = arith.constant 0 : i32
        %select_n3A_25 = arith.constant -1 : i32
        %select_n3A_26 = arith.select %select_n3A_23, %select_n3A_25, %select_n3A_24 : i32
        %eq3A_27 = arith.constant -1 : i32
        %eq3A_28 = arith.cmpi eq, %select_n3A_26, %eq3A_27 : i32
        %sub3A_29 = arith.constant 1 : i32
        %sub3A_30 = arith.subi %select_n3A, %sub3A_29 : i32
        %select_n3A_31 = arith.select %eq3A_28, %sub3A_30, %select_n3A_26 : i32
        %add3A_32 = arith.addi %select_n3A_31, %select_n3A_7 : i32
        %select_n3A_33 = arith.constant true
        %select_n3A_34 = arith.constant 0 : i32
        %select_n3A_35 = arith.constant 1 : i32
        %select_n3A_36 = arith.select %select_n3A_33, %select_n3A_35, %select_n3A_34 : i32
        %eq3A_37 = arith.cmpi eq, %select_n3A_36, %select_n3A : i32
        %select_n3A_38 = arith.constant 0 : i32
        %select_n3A_39 = arith.select %eq3A_37, %select_n3A_38, %select_n3A_36 : i32
        %add3A_40 = arith.addi %select_n3A_39, %select_n3A_7 : i32
        %add3A_41 = arith.constant 1 : i32
        %add3A_42 = arith.addi %select_n3A_39, %add3A_41 : i32
        %select_n3A_43 = arith.constant true
        %select_n3A_44 = arith.select %select_n3A_43, %add3A_42, %select_n3A_39 : i32
        %eq3A_45 = arith.cmpi eq, %select_n3A_44, %select_n3A : i32
        %select_n3A_46 = arith.constant 0 : i32
        %select_n3A_47 = arith.select %eq3A_45, %select_n3A_46, %select_n3A_44 : i32
        %add3A_48 = arith.addi %select_n3A_47, %select_n3A_7 : i32
        "tpu.trace_start"() <{level = 10 : i32, message = "ep_initialize_0"}> : () -> ()
        %rem3A = arith.constant 0 : i32
        %rem3A_49 = arith.constant 2 : i32
        %rem3A_50 = arith.remui %rem3A, %rem3A_49 : i32
        %mul3A_51 = arith.constant 128 : i32
        %mul3A_52 = arith.muli %mul3A_51, %add3A_22 : i32
        %dma_start3A = arith.constant 0 : i32
        %dma_start3A_53 = arith.constant 0 : i32
        %dma_start3A_54 = tpu.memref_slice %run_scoped3A[%rem3A_50, %dma_start3A, %dma_start3A_53] : memref<2x1x128xi32, #tpu.memory_space<vmem>> -> memref<1x1x128xi32, #tpu.memory_space<vmem>>
        %dma_start3A_55 = tpu.memref_squeeze %dma_start3A_54 : memref<1x1x128xi32, #tpu.memory_space<vmem>> -> memref<1x128xi32, #tpu.memory_space<vmem>>
        %dma_start3A_56 = arith.constant 0 : i32
        %dma_start3A_57 = tpu.memref_slice %arg4[%dma_start3A_56, %mul3A_52] : memref<1x1024xi32, #tpu.memory_space<hbm>> -> memref<1x128xi32, #tpu.memory_space<hbm>>
        %dma_start3A_58 = tpu.memref_slice %run_scoped3A_10[%rem3A_50] : memref<2x!tpu.dma_semaphore, #tpu.memory_space<semaphore_mem>> -> memref<1x!tpu.dma_semaphore, #tpu.memory_space<semaphore_mem>>
        %dma_start3A_59 = tpu.memref_squeeze %dma_start3A_58 : memref<1x!tpu.dma_semaphore, #tpu.memory_space<semaphore_mem>> -> memref<!tpu.dma_semaphore, #tpu.memory_space<semaphore_mem>>
        %dma_start3A_60 = arith.constant 0 : i32
        %dma_start3A_61 = arith.constant 0 : i32
        %dma_start3A_62 = tpu.memref_slice %run_scoped3A[%rem3A_50, %dma_start3A_60, %dma_start3A_61] : memref<2x1x128xi32, #tpu.memory_space<vmem>> -> memref<1x1x128xi32, #tpu.memory_space<vmem>>
        %dma_start3A_63 = tpu.memref_squeeze %dma_start3A_62 : memref<1x1x128xi32, #tpu.memory_space<vmem>> -> memref<1x128xi32, #tpu.memory_space<vmem>>
        %dma_start3A_64 = arith.constant 0 : i32
        %dma_start3A_65 = tpu.memref_slice %arg4[%dma_start3A_64, %mul3A_52] : memref<1x1024xi32, #tpu.memory_space<hbm>> -> memref<1x128xi32, #tpu.memory_space<hbm>>
        tpu.enqueue_dma source(%dma_start3A_65 : memref<1x128xi32, #tpu.memory_space<hbm>>) target(%dma_start3A_63 : memref<1x128xi32, #tpu.memory_space<vmem>>) target_semaphore(%dma_start3A_59 : memref<!tpu.dma_semaphore, #tpu.memory_space<semaphore_mem>>)
        %add3A_66 = arith.constant 0 : i32
        %add3A_67 = arith.constant 1 : i32
        %add3A_68 = arith.addi %add3A_66, %add3A_67 : i32
        %select_n3A_69 = arith.constant true
        %select_n3A_70 = arith.constant 0 : i32
        %select_n3A_71 = arith.select %select_n3A_69, %add3A_68, %select_n3A_70 : i32
        %while3A = arith.constant 0 : i32
        %while3A_72 = arith.constant 0 : i32
        %while3A_73 = arith.constant 0 : i32
        %while3A_74 = arith.constant 0 : i32
        %while3A_75 = arith.constant 0 : i32
        %while3A_76 = arith.constant 0 : i32
        %while3A_77 = arith.constant 0 : i32
        "tpu.trace_stop"() : () -> ()
        %while3A_78 = arith.subi %mul3A_9, %while3A : i32
        %while3A_79 = arith.addi %while3A, %while3A_78 : i32
        %while3A_80 = arith.constant 1 : i32
        %while3A_81 = arith.divsi %while3A_78, %while3A_80 : i32
        %while3A_82 = arith.muli %while3A_81, %while3A_80 : i32
        %while3A_83 = arith.addi %while3A, %while3A_82 : i32
        %while3A_84 = arith.constant 1 : i32
        %while3A_85:7 = scf.for %while3A_142 = %while3A to %while3A_83 step %while3A_84 iter_args(%while3A_143 = %select_n3A_71, %while3A_144 = %while3A_72, %while3A_145 = %while3A_73, %while3A_146 = %while3A_74, %while3A_147 = %while3A_75, %while3A_148 = %while3A_76, %while3A_149 = %while3A_77) -> (i32, i32, i32, i32, i32, i32, i32)  : i32 {
          %mul3A_150 = arith.constant 1 : i32
          %mul3A_151 = arith.muli %mul3A_150, %select_n3A : i32
          %eq3A_152 = arith.constant 0 : i32
          %eq3A_153 = arith.cmpi eq, %while3A_142, %eq3A_152 : i32
          %sub3A_154 = arith.constant 1 : i32
          %sub3A_155 = arith.subi %mul3A_151, %sub3A_154 : i32
          %eq3A_156 = arith.cmpi eq, %while3A_142, %sub3A_155 : i32
          %add3A_157 = arith.addi %while3A_149, %select_n3A_7 : i32
          %sub3A_158 = arith.constant 1 : i32
          %sub3A_159 = arith.subi %while3A_149, %sub3A_158 : i32
          %select_n3A_160 = arith.constant true
          %select_n3A_161 = arith.select %select_n3A_160, %sub3A_159, %while3A_149 : i32
          %eq3A_162 = arith.constant -1 : i32
          %eq3A_163 = arith.cmpi eq, %select_n3A_161, %eq3A_162 : i32
          %sub3A_164 = arith.constant 1 : i32
          %sub3A_165 = arith.subi %select_n3A, %sub3A_164 : i32
          %select_n3A_166 = arith.select %eq3A_163, %sub3A_165, %select_n3A_161 : i32
          %add3A_167 = arith.addi %select_n3A_166, %select_n3A_7 : i32
          %add3A_168 = arith.constant 1 : i32
          %add3A_169 = arith.addi %while3A_149, %add3A_168 : i32
          %select_n3A_170 = arith.constant true
          %select_n3A_171 = arith.select %select_n3A_170, %add3A_169, %while3A_149 : i32
          %eq3A_172 = arith.cmpi eq, %select_n3A_171, %select_n3A : i32
          %select_n3A_173 = arith.constant 0 : i32
          %select_n3A_174 = arith.select %eq3A_172, %select_n3A_173, %select_n3A_171 : i32
          %add3A_175 = arith.addi %select_n3A_174, %select_n3A_7 : i32
          %add3A_176 = arith.constant 1 : i32
          %add3A_177 = arith.addi %select_n3A_174, %add3A_176 : i32
          %select_n3A_178 = arith.constant true
          %select_n3A_179 = arith.select %select_n3A_178, %add3A_177, %select_n3A_174 : i32
          %eq3A_180 = arith.cmpi eq, %select_n3A_179, %select_n3A : i32
          %select_n3A_181 = arith.constant 0 : i32
          %select_n3A_182 = arith.select %eq3A_180, %select_n3A_181, %select_n3A_179 : i32
          %add3A_183 = arith.addi %select_n3A_182, %select_n3A_7 : i32
          %ne3A = arith.cmpi ne, %add3A_157, %add3A_175 : i32
          %or3A = arith.constant false
          %or3A_184 = arith.ori %or3A, %ne3A : i1
          %sub3A_185 = arith.constant 2 : i32
          %sub3A_186 = arith.subi %mul3A_151, %sub3A_185 : i32
          %add3A_187 = arith.constant 1 : i32
          %add3A_188 = arith.addi %sub3A_186, %add3A_187 : i32
          %ge3A = arith.cmpi sge, %while3A_142, %add3A_188 : i32
          %not3A = arith.constant true
          %not3A_189 = arith.xori %ge3A, %not3A : i1
          %and3A = arith.andi %or3A_184, %not3A_189 : i1
          %convert_element_type3A_190 = arith.extui %and3A : i1 to i32
          %cond3A_191 = arith.constant 0 : i32
          %cond3A_192 = arith.cmpi ne, %convert_element_type3A_190, %cond3A_191 : i32
          scf.if %cond3A_192 {
            "tpu.trace_start"() <{level = 10 : i32, message = "ep_copy_in"}> : () -> ()
            %rem3A_351 = arith.constant 2 : i32
            %rem3A_352 = arith.remui %while3A_143, %rem3A_351 : i32
            %mul3A_353 = arith.constant 128 : i32
            %mul3A_354 = arith.muli %mul3A_353, %add3A_175 : i32
            %dma_start3A_355 = arith.constant 0 : i32
            %dma_start3A_356 = arith.constant 0 : i32
            %dma_start3A_357 = tpu.memref_slice %run_scoped3A[%rem3A_352, %dma_start3A_355, %dma_start3A_356] : memref<2x1x128xi32, #tpu.memory_space<vmem>> -> memref<1x1x128xi32, #tpu.memory_space<vmem>>
            %dma_start3A_358 = tpu.memref_squeeze %dma_start3A_357 : memref<1x1x128xi32, #tpu.memory_space<vmem>> -> memref<1x128xi32, #tpu.memory_space<vmem>>
            %dma_start3A_359 = arith.constant 0 : i32
            %dma_start3A_360 = tpu.memref_slice %arg4[%dma_start3A_359, %mul3A_354] : memref<1x1024xi32, #tpu.memory_space<hbm>> -> memref<1x128xi32, #tpu.memory_space<hbm>>
            %dma_start3A_361 = tpu.memref_slice %run_scoped3A_10[%rem3A_352] : memref<2x!tpu.dma_semaphore, #tpu.memory_space<semaphore_mem>> -> memref<1x!tpu.dma_semaphore, #tpu.memory_space<semaphore_mem>>
            %dma_start3A_362 = tpu.memref_squeeze %dma_start3A_361 : memref<1x!tpu.dma_semaphore, #tpu.memory_space<semaphore_mem>> -> memref<!tpu.dma_semaphore, #tpu.memory_space<semaphore_mem>>
            %dma_start3A_363 = arith.constant 0 : i32
            %dma_start3A_364 = arith.constant 0 : i32
            %dma_start3A_365 = tpu.memref_slice %run_scoped3A[%rem3A_352, %dma_start3A_363, %dma_start3A_364] : memref<2x1x128xi32, #tpu.memory_space<vmem>> -> memref<1x1x128xi32, #tpu.memory_space<vmem>>
            %dma_start3A_366 = tpu.memref_squeeze %dma_start3A_365 : memref<1x1x128xi32, #tpu.memory_space<vmem>> -> memref<1x128xi32, #tpu.memory_space<vmem>>
            %dma_start3A_367 = arith.constant 0 : i32
            %dma_start3A_368 = tpu.memref_slice %arg4[%dma_start3A_367, %mul3A_354] : memref<1x1024xi32, #tpu.memory_space<hbm>> -> memref<1x128xi32, #tpu.memory_space<hbm>>
            tpu.enqueue_dma source(%dma_start3A_368 : memref<1x128xi32, #tpu.memory_space<hbm>>) target(%dma_start3A_366 : memref<1x128xi32, #tpu.memory_space<vmem>>) target_semaphore(%dma_start3A_362 : memref<!tpu.dma_semaphore, #tpu.memory_space<semaphore_mem>>)
            "tpu.trace_stop"() : () -> ()
          } else {
          }
          %and3A_193 = arith.constant true
          %and3A_194 = arith.andi %and3A, %and3A_193 : i1
          %add3A_195 = arith.constant 1 : i32
          %add3A_196 = arith.addi %while3A_143, %add3A_195 : i32
          %select_n3A_197 = arith.select %and3A_194, %add3A_196, %while3A_143 : i32
          %ne3A_198 = arith.cmpi ne, %add3A_157, %add3A_175 : i32
          %or3A_199 = arith.constant false
          %or3A_200 = arith.ori %or3A_199, %ne3A_198 : i1
          %or3A_201 = arith.constant false
          %or3A_202 = arith.ori %or3A_200, %or3A_201 : i1
          %sub3A_203 = arith.constant 2 : i32
          %sub3A_204 = arith.subi %mul3A_151, %sub3A_203 : i32
          %add3A_205 = arith.constant 1 : i32
          %add3A_206 = arith.addi %sub3A_204, %add3A_205 : i32
          %ge3A_207 = arith.cmpi sge, %while3A_142, %add3A_206 : i32
          %not3A_208 = arith.constant true
          %not3A_209 = arith.xori %ge3A_207, %not3A_208 : i1
          %and3A_210 = arith.andi %or3A_202, %not3A_209 : i1
          %ne3A_211 = arith.cmpi ne, %add3A_157, %add3A_175 : i32
          %or3A_212 = arith.constant false
          %or3A_213 = arith.ori %or3A_212, %ne3A_211 : i1
          %or3A_214 = arith.constant false
          %or3A_215 = arith.ori %or3A_213, %or3A_214 : i1
          %sub3A_216 = arith.constant 2 : i32
          %sub3A_217 = arith.subi %mul3A_151, %sub3A_216 : i32
          %add3A_218 = arith.constant 1 : i32
          %add3A_219 = arith.addi %sub3A_217, %add3A_218 : i32
          %ge3A_220 = arith.cmpi sge, %while3A_142, %add3A_219 : i32
          %not3A_221 = arith.constant true
          %not3A_222 = arith.xori %ge3A_220, %not3A_221 : i1
          %and3A_223 = arith.andi %or3A_215, %not3A_222 : i1
          %ne3A_224 = arith.cmpi ne, %add3A_157, %add3A_167 : i32
          %or3A_225 = arith.constant false
          %or3A_226 = arith.ori %or3A_225, %ne3A_224 : i1
          %or3A_227 = arith.ori %or3A_226, %eq3A_153 : i1
          %convert_element_type3A_228 = arith.extui %or3A_227 : i1 to i32
          %cond3A_229 = arith.constant 0 : i32
          %cond3A_230 = arith.cmpi ne, %convert_element_type3A_228, %cond3A_229 : i32
          scf.if %cond3A_230 {
            "tpu.trace_start"() <{level = 10 : i32, message = "ep_wait_in"}> : () -> ()
            %mul3A_351 = arith.constant 128 : i32
            %mul3A_352 = arith.muli %mul3A_351, %add3A_157 : i32
            %rem3A_353 = arith.constant 2 : i32
            %rem3A_354 = arith.remui %while3A_144, %rem3A_353 : i32
            %dma_wait3A = arith.constant 0 : i32
            %dma_wait3A_355 = arith.constant 0 : i32
            %dma_wait3A_356 = tpu.memref_slice %run_scoped3A[%rem3A_354, %dma_wait3A, %dma_wait3A_355] : memref<2x1x128xi32, #tpu.memory_space<vmem>> -> memref<1x1x128xi32, #tpu.memory_space<vmem>>
            %dma_wait3A_357 = tpu.memref_squeeze %dma_wait3A_356 : memref<1x1x128xi32, #tpu.memory_space<vmem>> -> memref<1x128xi32, #tpu.memory_space<vmem>>
            %dma_wait3A_358 = arith.constant 0 : i32
            %dma_wait3A_359 = tpu.memref_slice %arg4[%dma_wait3A_358, %mul3A_352] : memref<1x1024xi32, #tpu.memory_space<hbm>> -> memref<1x128xi32, #tpu.memory_space<hbm>>
            %dma_wait3A_360 = tpu.memref_slice %run_scoped3A_10[%rem3A_354] : memref<2x!tpu.dma_semaphore, #tpu.memory_space<semaphore_mem>> -> memref<1x!tpu.dma_semaphore, #tpu.memory_space<semaphore_mem>>
            %dma_wait3A_361 = tpu.memref_squeeze %dma_wait3A_360 : memref<1x!tpu.dma_semaphore, #tpu.memory_space<semaphore_mem>> -> memref<!tpu.dma_semaphore, #tpu.memory_space<semaphore_mem>>
            %dma_wait3A_362 = arith.constant 0 : i32
            %dma_wait3A_363 = arith.constant 0 : i32
            %dma_wait3A_364 = tpu.memref_slice %run_scoped3A[%rem3A_354, %dma_wait3A_362, %dma_wait3A_363] : memref<2x1x128xi32, #tpu.memory_space<vmem>> -> memref<1x1x128xi32, #tpu.memory_space<vmem>>
            %dma_wait3A_365 = tpu.memref_squeeze %dma_wait3A_364 : memref<1x1x128xi32, #tpu.memory_space<vmem>> -> memref<1x128xi32, #tpu.memory_space<vmem>>
            %dma_wait3A_366 = arith.constant 0 : i32
            %dma_wait3A_367 = tpu.memref_slice %arg4[%dma_wait3A_366, %mul3A_352] : memref<1x1024xi32, #tpu.memory_space<hbm>> -> memref<1x128xi32, #tpu.memory_space<hbm>>
            tpu.wait_dma2 semaphore(%dma_wait3A_361 : memref<!tpu.dma_semaphore, #tpu.memory_space<semaphore_mem>>) src(%dma_wait3A_367 : memref<1x128xi32, #tpu.memory_space<hbm>>) dst(%dma_wait3A_365 : memref<1x128xi32, #tpu.memory_space<vmem>>)
            "tpu.trace_stop"() : () -> ()
          } else {
          }
          %ne3A_231 = arith.cmpi ne, %add3A_157, %add3A_167 : i32
          %or3A_232 = arith.constant false
          %or3A_233 = arith.ori %or3A_232, %ne3A_231 : i1
          %or3A_234 = arith.constant false
          %or3A_235 = arith.ori %or3A_233, %or3A_234 : i1
          %or3A_236 = arith.ori %or3A_235, %eq3A_153 : i1
          %convert_element_type3A_237 = arith.extui %or3A_236 : i1 to i32
          %cond3A_238 = arith.constant 0 : i32
          %cond3A_239 = arith.cmpi ne, %convert_element_type3A_237, %cond3A_238 : i32
          scf.if %cond3A_239 {
          } else {
          }
          %ne3A_240 = arith.cmpi ne, %add3A_157, %add3A_167 : i32
          %or3A_241 = arith.constant false
          %or3A_242 = arith.ori %or3A_241, %ne3A_240 : i1
          %or3A_243 = arith.constant false
          %or3A_244 = arith.ori %or3A_242, %or3A_243 : i1
          %or3A_245 = arith.ori %or3A_244, %eq3A_153 : i1
          %convert_element_type3A_246 = arith.extui %or3A_245 : i1 to i32
          %cond3A_247 = arith.constant 0 : i32
          %cond3A_248 = arith.cmpi ne, %convert_element_type3A_246, %cond3A_247 : i32
          scf.if %cond3A_248 {
          } else {
          }
          %rem3A_249 = arith.constant 2 : i32
          %rem3A_250 = arith.remui %while3A_144, %rem3A_249 : i32
          %rem3A_251 = arith.constant 2 : i32
          %rem3A_252 = arith.remui %while3A_145, %rem3A_251 : i32
          %rem3A_253 = arith.constant 2 : i32
          %rem3A_254 = arith.remui %while3A_147, %rem3A_253 : i32
          %run_scoped3A_255 = arith.constant 0 : i32
          "tpu.trace_start"() <{level = 10 : i32, message = "ep_run_kernel"}> : () -> ()
          "tpu.region"() ({
            %run_scoped3A_351 = tpu.sem_alloc : memref<!tpu.dma_semaphore, #tpu.memory_space<semaphore_mem>>
            %dma_start3A_352 = arith.constant 0 : i32
            %dma_start3A_353 = arith.constant 0 : i32
            %dma_start3A_354 = tpu.memref_slice %run_scoped3A_11[%rem3A_252, %dma_start3A_352, %dma_start3A_353] : memref<2x128x128xf32, #tpu.memory_space<vmem>> -> memref<1x128x128xf32, #tpu.memory_space<vmem>>
            %dma_start3A_355 = tpu.memref_squeeze %dma_start3A_354 : memref<1x128x128xf32, #tpu.memory_space<vmem>> -> memref<128x128xf32, #tpu.memory_space<vmem>>
            %dma_start3A_356 = arith.constant 0 : i32
            %dma_start3A_357 = arith.constant 0 : i32
            %dma_start3A_358 = tpu.memref_slice %run_scoped3A[%rem3A_250, %dma_start3A_356, %dma_start3A_357] : memref<2x1x128xi32, #tpu.memory_space<vmem>> -> memref<1x1x128xi32, #tpu.memory_space<vmem>>
            %dma_start3A_359 = tpu.memref_squeeze %dma_start3A_358 : memref<1x1x128xi32, #tpu.memory_space<vmem>> -> memref<1x128xi32, #tpu.memory_space<vmem>>
            %dma_start3A_360 = arith.constant 0 : i32
            %dma_start3A_361 = tpu.memref_slice %dma_start3A_359[%run_scoped3A_255, %dma_start3A_360] : memref<1x128xi32, #tpu.memory_space<vmem>> -> memref<1x128xi32, #tpu.memory_space<vmem>>
            %dma_start3A_362 = tpu.memref_squeeze %dma_start3A_361 : memref<1x128xi32, #tpu.memory_space<vmem>> -> memref<128xi32, #tpu.memory_space<vmem>>
            %dma_start3A_363 = arith.constant 0 : i32
            %dma_start3A_364 = arith.constant 0 : i32
            %dma_start3A_365 = tpu.memref_slice %arg2[%dma_start3A_363, %dma_start3A_364] : memref<800000x128xf32, #tpu.memory_space<hbm>> -> memref<800000x128xf32, #tpu.memory_space<hbm>>
            tpu.enqueue_indirect_dma source(%dma_start3A_365 : memref<800000x128xf32, #tpu.memory_space<hbm>>) target(%dma_start3A_355 : memref<128x128xf32, #tpu.memory_space<vmem>>) offsets(%dma_start3A_362 : memref<128xi32, #tpu.memory_space<vmem>>) semaphore(%run_scoped3A_351 : memref<!tpu.dma_semaphore, #tpu.memory_space<semaphore_mem>>)
            %dma_wait3A = arith.constant 0 : i32
            %dma_wait3A_366 = arith.constant 0 : i32
            %dma_wait3A_367 = tpu.memref_slice %run_scoped3A_11[%rem3A_252, %dma_wait3A, %dma_wait3A_366] : memref<2x128x128xf32, #tpu.memory_space<vmem>> -> memref<1x128x128xf32, #tpu.memory_space<vmem>>
            %dma_wait3A_368 = tpu.memref_squeeze %dma_wait3A_367 : memref<1x128x128xf32, #tpu.memory_space<vmem>> -> memref<128x128xf32, #tpu.memory_space<vmem>>
            %dma_wait3A_369 = arith.constant 0 : i32
            %dma_wait3A_370 = arith.constant 0 : i32
            %dma_wait3A_371 = tpu.memref_slice %run_scoped3A[%rem3A_250, %dma_wait3A_369, %dma_wait3A_370] : memref<2x1x128xi32, #tpu.memory_space<vmem>> -> memref<1x1x128xi32, #tpu.memory_space<vmem>>
            %dma_wait3A_372 = tpu.memref_squeeze %dma_wait3A_371 : memref<1x1x128xi32, #tpu.memory_space<vmem>> -> memref<1x128xi32, #tpu.memory_space<vmem>>
            %dma_wait3A_373 = arith.constant 0 : i32
            %dma_wait3A_374 = tpu.memref_slice %dma_wait3A_372[%run_scoped3A_255, %dma_wait3A_373] : memref<1x128xi32, #tpu.memory_space<vmem>> -> memref<1x128xi32, #tpu.memory_space<vmem>>
            %dma_wait3A_375 = tpu.memref_squeeze %dma_wait3A_374 : memref<1x128xi32, #tpu.memory_space<vmem>> -> memref<128xi32, #tpu.memory_space<vmem>>
            %dma_wait3A_376 = arith.constant 0 : i32
            %dma_wait3A_377 = arith.constant 0 : i32
            %dma_wait3A_378 = tpu.memref_slice %arg2[%dma_wait3A_376, %dma_wait3A_377] : memref<800000x128xf32, #tpu.memory_space<hbm>> -> memref<800000x128xf32, #tpu.memory_space<hbm>>
            tpu.wait_indirect_dma semaphore(%run_scoped3A_351 : memref<!tpu.dma_semaphore, #tpu.memory_space<semaphore_mem>>) src(%dma_wait3A_378 : memref<800000x128xf32, #tpu.memory_space<hbm>>) dst(%dma_wait3A_368 : memref<128x128xf32, #tpu.memory_space<vmem>>)
            tpu.yield
          }) : () -> ()
          %run_scoped3A_256 = arith.constant 0 : i32
          "tpu.region"() ({
            %run_scoped3A_351 = tpu.sem_alloc : memref<!tpu.dma_semaphore, #tpu.memory_space<semaphore_mem>>
            %dma_start3A_352 = arith.constant 0 : i32
            %dma_start3A_353 = arith.constant 0 : i32
            %dma_start3A_354 = tpu.memref_slice %run_scoped3A_13[%rem3A_254, %dma_start3A_352, %dma_start3A_353] : memref<2x128x128xf32, #tpu.memory_space<vmem>> -> memref<1x128x128xf32, #tpu.memory_space<vmem>>
            %dma_start3A_355 = tpu.memref_squeeze %dma_start3A_354 : memref<1x128x128xf32, #tpu.memory_space<vmem>> -> memref<128x128xf32, #tpu.memory_space<vmem>>
            %dma_start3A_356 = arith.constant 0 : i32
            %dma_start3A_357 = arith.constant 0 : i32
            %dma_start3A_358 = tpu.memref_slice %run_scoped3A[%rem3A_250, %dma_start3A_356, %dma_start3A_357] : memref<2x1x128xi32, #tpu.memory_space<vmem>> -> memref<1x1x128xi32, #tpu.memory_space<vmem>>
            %dma_start3A_359 = tpu.memref_squeeze %dma_start3A_358 : memref<1x1x128xi32, #tpu.memory_space<vmem>> -> memref<1x128xi32, #tpu.memory_space<vmem>>
            %dma_start3A_360 = arith.constant 0 : i32
            %dma_start3A_361 = tpu.memref_slice %dma_start3A_359[%run_scoped3A_256, %dma_start3A_360] : memref<1x128xi32, #tpu.memory_space<vmem>> -> memref<1x128xi32, #tpu.memory_space<vmem>>
            %dma_start3A_362 = tpu.memref_squeeze %dma_start3A_361 : memref<1x128xi32, #tpu.memory_space<vmem>> -> memref<128xi32, #tpu.memory_space<vmem>>
            %dma_start3A_363 = arith.constant 0 : i32
            %dma_start3A_364 = arith.constant 0 : i32
            %dma_start3A_365 = tpu.memref_slice %arg3[%dma_start3A_363, %dma_start3A_364] : memref<800000x128xf32, #tpu.memory_space<hbm>> -> memref<800000x128xf32, #tpu.memory_space<hbm>>
            tpu.enqueue_indirect_dma source(%dma_start3A_365 : memref<800000x128xf32, #tpu.memory_space<hbm>>) target(%dma_start3A_355 : memref<128x128xf32, #tpu.memory_space<vmem>>) offsets(%dma_start3A_362 : memref<128xi32, #tpu.memory_space<vmem>>) semaphore(%run_scoped3A_351 : memref<!tpu.dma_semaphore, #tpu.memory_space<semaphore_mem>>)
            %dma_wait3A = arith.constant 0 : i32
            %dma_wait3A_366 = arith.constant 0 : i32
            %dma_wait3A_367 = tpu.memref_slice %run_scoped3A_13[%rem3A_254, %dma_wait3A, %dma_wait3A_366] : memref<2x128x128xf32, #tpu.memory_space<vmem>> -> memref<1x128x128xf32, #tpu.memory_space<vmem>>
            %dma_wait3A_368 = tpu.memref_squeeze %dma_wait3A_367 : memref<1x128x128xf32, #tpu.memory_space<vmem>> -> memref<128x128xf32, #tpu.memory_space<vmem>>
            %dma_wait3A_369 = arith.constant 0 : i32
            %dma_wait3A_370 = arith.constant 0 : i32
            %dma_wait3A_371 = tpu.memref_slice %run_scoped3A[%rem3A_250, %dma_wait3A_369, %dma_wait3A_370] : memref<2x1x128xi32, #tpu.memory_space<vmem>> -> memref<1x1x128xi32, #tpu.memory_space<vmem>>
            %dma_wait3A_372 = tpu.memref_squeeze %dma_wait3A_371 : memref<1x1x128xi32, #tpu.memory_space<vmem>> -> memref<1x128xi32, #tpu.memory_space<vmem>>
            %dma_wait3A_373 = arith.constant 0 : i32
            %dma_wait3A_374 = tpu.memref_slice %dma_wait3A_372[%run_scoped3A_256, %dma_wait3A_373] : memref<1x128xi32, #tpu.memory_space<vmem>> -> memref<1x128xi32, #tpu.memory_space<vmem>>
            %dma_wait3A_375 = tpu.memref_squeeze %dma_wait3A_374 : memref<1x128xi32, #tpu.memory_space<vmem>> -> memref<128xi32, #tpu.memory_space<vmem>>
            %dma_wait3A_376 = arith.constant 0 : i32
            %dma_wait3A_377 = arith.constant 0 : i32
            %dma_wait3A_378 = tpu.memref_slice %arg3[%dma_wait3A_376, %dma_wait3A_377] : memref<800000x128xf32, #tpu.memory_space<hbm>> -> memref<800000x128xf32, #tpu.memory_space<hbm>>
            tpu.wait_indirect_dma semaphore(%run_scoped3A_351 : memref<!tpu.dma_semaphore, #tpu.memory_space<semaphore_mem>>) src(%dma_wait3A_378 : memref<800000x128xf32, #tpu.memory_space<hbm>>) dst(%dma_wait3A_368 : memref<128x128xf32, #tpu.memory_space<vmem>>)
            tpu.yield
          }) : () -> ()
          "tpu.trace_stop"() : () -> ()
          %ne3A_257 = arith.cmpi ne, %add3A_157, %add3A_175 : i32
          %or3A_258 = arith.constant false
          %or3A_259 = arith.ori %or3A_258, %ne3A_257 : i1
          %or3A_260 = arith.ori %or3A_259, %eq3A_156 : i1
          %convert_element_type3A_261 = arith.extui %or3A_260 : i1 to i32
          %cond3A_262 = arith.constant 0 : i32
          %cond3A_263 = arith.cmpi ne, %convert_element_type3A_261, %cond3A_262 : i32
          scf.if %cond3A_263 {
          } else {
          }
          %and3A_264 = arith.constant false
          %and3A_265 = arith.andi %or3A_260, %and3A_264 : i1
          %ne3A_266 = arith.cmpi ne, %add3A_157, %add3A_175 : i32
          %or3A_267 = arith.constant false
          %or3A_268 = arith.ori %or3A_267, %ne3A_266 : i1
          %or3A_269 = arith.constant false
          %or3A_270 = arith.ori %or3A_268, %or3A_269 : i1
          %or3A_271 = arith.ori %or3A_270, %eq3A_156 : i1
          %convert_element_type3A_272 = arith.extui %or3A_271 : i1 to i32
          %cond3A_273 = arith.constant 0 : i32
          %cond3A_274 = arith.cmpi ne, %convert_element_type3A_272, %cond3A_273 : i32
          scf.if %cond3A_274 {
            "tpu.trace_start"() <{level = 10 : i32, message = "ep_copy_out"}> : () -> ()
            %rem3A_351 = arith.constant 2 : i32
            %rem3A_352 = arith.remui %while3A_145, %rem3A_351 : i32
            %mul3A_353 = arith.constant 128 : i32
            %mul3A_354 = arith.muli %mul3A_353, %add3A_157 : i32
            %dma_start3A_355 = arith.constant 0 : i32
            %dma_start3A_356 = arith.constant 0 : i32
            %dma_start3A_357 = tpu.memref_slice %run_scoped3A_11[%rem3A_352, %dma_start3A_355, %dma_start3A_356] : memref<2x128x128xf32, #tpu.memory_space<vmem>> -> memref<1x128x128xf32, #tpu.memory_space<vmem>>
            %dma_start3A_358 = tpu.memref_squeeze %dma_start3A_357 : memref<1x128x128xf32, #tpu.memory_space<vmem>> -> memref<128x128xf32, #tpu.memory_space<vmem>>
            %dma_start3A_359 = arith.constant 0 : i32
            %dma_start3A_360 = tpu.memref_slice %arg5[%mul3A_354, %dma_start3A_359] : memref<1024x128xf32, #tpu.memory_space<hbm>> -> memref<128x128xf32, #tpu.memory_space<hbm>>
            %dma_start3A_361 = tpu.memref_slice %run_scoped3A_12[%rem3A_352] : memref<2x!tpu.dma_semaphore, #tpu.memory_space<semaphore_mem>> -> memref<1x!tpu.dma_semaphore, #tpu.memory_space<semaphore_mem>>
            %dma_start3A_362 = tpu.memref_squeeze %dma_start3A_361 : memref<1x!tpu.dma_semaphore, #tpu.memory_space<semaphore_mem>> -> memref<!tpu.dma_semaphore, #tpu.memory_space<semaphore_mem>>
            %dma_start3A_363 = arith.constant 0 : i32
            %dma_start3A_364 = tpu.memref_slice %arg5[%mul3A_354, %dma_start3A_363] : memref<1024x128xf32, #tpu.memory_space<hbm>> -> memref<128x128xf32, #tpu.memory_space<hbm>>
            %dma_start3A_365 = arith.constant 0 : i32
            %dma_start3A_366 = arith.constant 0 : i32
            %dma_start3A_367 = tpu.memref_slice %run_scoped3A_11[%rem3A_352, %dma_start3A_365, %dma_start3A_366] : memref<2x128x128xf32, #tpu.memory_space<vmem>> -> memref<1x128x128xf32, #tpu.memory_space<vmem>>
            %dma_start3A_368 = tpu.memref_squeeze %dma_start3A_367 : memref<1x128x128xf32, #tpu.memory_space<vmem>> -> memref<128x128xf32, #tpu.memory_space<vmem>>
            tpu.enqueue_dma source(%dma_start3A_368 : memref<128x128xf32, #tpu.memory_space<vmem>>) target(%dma_start3A_364 : memref<128x128xf32, #tpu.memory_space<hbm>>) target_semaphore(%dma_start3A_362 : memref<!tpu.dma_semaphore, #tpu.memory_space<semaphore_mem>>)
            "tpu.trace_stop"() : () -> ()
          } else {
          }
          %and3A_275 = arith.constant true
          %and3A_276 = arith.andi %or3A_271, %and3A_275 : i1
          %add3A_277 = arith.constant 1 : i32
          %add3A_278 = arith.addi %while3A_145, %add3A_277 : i32
          %select_n3A_279 = arith.select %and3A_276, %add3A_278, %while3A_145 : i32
          %ne3A_280 = arith.cmpi ne, %add3A_157, %add3A_175 : i32
          %or3A_281 = arith.constant false
          %or3A_282 = arith.ori %or3A_281, %ne3A_280 : i1
          %or3A_283 = arith.constant false
          %or3A_284 = arith.ori %or3A_282, %or3A_283 : i1
          %or3A_285 = arith.ori %or3A_284, %eq3A_156 : i1
          %convert_element_type3A_286 = arith.extui %or3A_285 : i1 to i32
          %cond3A_287 = arith.constant 0 : i32
          %cond3A_288 = arith.cmpi ne, %convert_element_type3A_286, %cond3A_287 : i32
          scf.if %cond3A_288 {
            "tpu.trace_start"() <{level = 10 : i32, message = "ep_copy_out"}> : () -> ()
            %rem3A_351 = arith.constant 2 : i32
            %rem3A_352 = arith.remui %while3A_147, %rem3A_351 : i32
            %mul3A_353 = arith.constant 128 : i32
            %mul3A_354 = arith.muli %mul3A_353, %add3A_157 : i32
            %dma_start3A_355 = arith.constant 0 : i32
            %dma_start3A_356 = arith.constant 0 : i32
            %dma_start3A_357 = tpu.memref_slice %run_scoped3A_13[%rem3A_352, %dma_start3A_355, %dma_start3A_356] : memref<2x128x128xf32, #tpu.memory_space<vmem>> -> memref<1x128x128xf32, #tpu.memory_space<vmem>>
            %dma_start3A_358 = tpu.memref_squeeze %dma_start3A_357 : memref<1x128x128xf32, #tpu.memory_space<vmem>> -> memref<128x128xf32, #tpu.memory_space<vmem>>
            %dma_start3A_359 = arith.constant 0 : i32
            %dma_start3A_360 = tpu.memref_slice %arg6[%mul3A_354, %dma_start3A_359] : memref<1024x128xf32, #tpu.memory_space<hbm>> -> memref<128x128xf32, #tpu.memory_space<hbm>>
            %dma_start3A_361 = tpu.memref_slice %run_scoped3A_14[%rem3A_352] : memref<2x!tpu.dma_semaphore, #tpu.memory_space<semaphore_mem>> -> memref<1x!tpu.dma_semaphore, #tpu.memory_space<semaphore_mem>>
            %dma_start3A_362 = tpu.memref_squeeze %dma_start3A_361 : memref<1x!tpu.dma_semaphore, #tpu.memory_space<semaphore_mem>> -> memref<!tpu.dma_semaphore, #tpu.memory_space<semaphore_mem>>
            %dma_start3A_363 = arith.constant 0 : i32
            %dma_start3A_364 = tpu.memref_slice %arg6[%mul3A_354, %dma_start3A_363] : memref<1024x128xf32, #tpu.memory_space<hbm>> -> memref<128x128xf32, #tpu.memory_space<hbm>>
            %dma_start3A_365 = arith.constant 0 : i32
            %dma_start3A_366 = arith.constant 0 : i32
            %dma_start3A_367 = tpu.memref_slice %run_scoped3A_13[%rem3A_352, %dma_start3A_365, %dma_start3A_366] : memref<2x128x128xf32, #tpu.memory_space<vmem>> -> memref<1x128x128xf32, #tpu.memory_space<vmem>>
            %dma_start3A_368 = tpu.memref_squeeze %dma_start3A_367 : memref<1x128x128xf32, #tpu.memory_space<vmem>> -> memref<128x128xf32, #tpu.memory_space<vmem>>
            tpu.enqueue_dma source(%dma_start3A_368 : memref<128x128xf32, #tpu.memory_space<vmem>>) target(%dma_start3A_364 : memref<128x128xf32, #tpu.memory_space<hbm>>) target_semaphore(%dma_start3A_362 : memref<!tpu.dma_semaphore, #tpu.memory_space<semaphore_mem>>)
            "tpu.trace_stop"() : () -> ()
          } else {
          }
          %and3A_289 = arith.constant true
          %and3A_290 = arith.andi %or3A_285, %and3A_289 : i1
          %add3A_291 = arith.constant 1 : i32
          %add3A_292 = arith.addi %while3A_147, %add3A_291 : i32
          %select_n3A_293 = arith.select %and3A_290, %add3A_292, %while3A_147 : i32
          %ne3A_294 = arith.cmpi ne, %add3A_157, %add3A_167 : i32
          %or3A_295 = arith.constant false
          %or3A_296 = arith.ori %or3A_295, %ne3A_294 : i1
          %not3A_297 = arith.constant true
          %not3A_298 = arith.xori %eq3A_153, %not3A_297 : i1
          %and3A_299 = arith.andi %or3A_296, %not3A_298 : i1
          %convert_element_type3A_300 = arith.extui %and3A_299 : i1 to i32
          %cond3A_301 = arith.constant 0 : i32
          %cond3A_302 = arith.cmpi ne, %convert_element_type3A_300, %cond3A_301 : i32
          scf.if %cond3A_302 {
          } else {
          }
          %and3A_303 = arith.constant false
          %and3A_304 = arith.andi %and3A_299, %and3A_303 : i1
          %ne3A_305 = arith.cmpi ne, %add3A_157, %add3A_167 : i32
          %or3A_306 = arith.constant false
          %or3A_307 = arith.ori %or3A_306, %ne3A_305 : i1
          %or3A_308 = arith.constant false
          %or3A_309 = arith.ori %or3A_307, %or3A_308 : i1
          %not3A_310 = arith.constant true
          %not3A_311 = arith.xori %eq3A_153, %not3A_310 : i1
          %and3A_312 = arith.andi %or3A_309, %not3A_311 : i1
          %convert_element_type3A_313 = arith.extui %and3A_312 : i1 to i32
          %cond3A_314 = arith.constant 0 : i32
          %cond3A_315 = arith.cmpi ne, %convert_element_type3A_313, %cond3A_314 : i32
          scf.if %cond3A_315 {
            "tpu.trace_start"() <{level = 10 : i32, message = "ep_wait_out"}> : () -> ()
            %rem3A_351 = arith.constant 2 : i32
            %rem3A_352 = arith.remui %while3A_146, %rem3A_351 : i32
            %mul3A_353 = arith.constant 128 : i32
            %mul3A_354 = arith.muli %mul3A_353, %add3A_167 : i32
            %dma_wait3A = arith.constant 0 : i32
            %dma_wait3A_355 = arith.constant 0 : i32
            %dma_wait3A_356 = tpu.memref_slice %run_scoped3A_11[%rem3A_352, %dma_wait3A, %dma_wait3A_355] : memref<2x128x128xf32, #tpu.memory_space<vmem>> -> memref<1x128x128xf32, #tpu.memory_space<vmem>>
            %dma_wait3A_357 = tpu.memref_squeeze %dma_wait3A_356 : memref<1x128x128xf32, #tpu.memory_space<vmem>> -> memref<128x128xf32, #tpu.memory_space<vmem>>
            %dma_wait3A_358 = arith.constant 0 : i32
            %dma_wait3A_359 = tpu.memref_slice %arg5[%mul3A_354, %dma_wait3A_358] : memref<1024x128xf32, #tpu.memory_space<hbm>> -> memref<128x128xf32, #tpu.memory_space<hbm>>
            %dma_wait3A_360 = tpu.memref_slice %run_scoped3A_12[%rem3A_352] : memref<2x!tpu.dma_semaphore, #tpu.memory_space<semaphore_mem>> -> memref<1x!tpu.dma_semaphore, #tpu.memory_space<semaphore_mem>>
            %dma_wait3A_361 = tpu.memref_squeeze %dma_wait3A_360 : memref<1x!tpu.dma_semaphore, #tpu.memory_space<semaphore_mem>> -> memref<!tpu.dma_semaphore, #tpu.memory_space<semaphore_mem>>
            %dma_wait3A_362 = arith.constant 0 : i32
            %dma_wait3A_363 = tpu.memref_slice %arg5[%mul3A_354, %dma_wait3A_362] : memref<1024x128xf32, #tpu.memory_space<hbm>> -> memref<128x128xf32, #tpu.memory_space<hbm>>
            %dma_wait3A_364 = arith.constant 0 : i32
            %dma_wait3A_365 = arith.constant 0 : i32
            %dma_wait3A_366 = tpu.memref_slice %run_scoped3A_11[%rem3A_352, %dma_wait3A_364, %dma_wait3A_365] : memref<2x128x128xf32, #tpu.memory_space<vmem>> -> memref<1x128x128xf32, #tpu.memory_space<vmem>>
            %dma_wait3A_367 = tpu.memref_squeeze %dma_wait3A_366 : memref<1x128x128xf32, #tpu.memory_space<vmem>> -> memref<128x128xf32, #tpu.memory_space<vmem>>
            tpu.wait_dma2 semaphore(%dma_wait3A_361 : memref<!tpu.dma_semaphore, #tpu.memory_space<semaphore_mem>>) src(%dma_wait3A_367 : memref<128x128xf32, #tpu.memory_space<vmem>>) dst(%dma_wait3A_363 : memref<128x128xf32, #tpu.memory_space<hbm>>)
            "tpu.trace_stop"() : () -> ()
          } else {
          }
          %and3A_316 = arith.constant true
          %and3A_317 = arith.andi %and3A_312, %and3A_316 : i1
          %add3A_318 = arith.constant 1 : i32
          %add3A_319 = arith.addi %while3A_146, %add3A_318 : i32
          %select_n3A_320 = arith.select %and3A_317, %add3A_319, %while3A_146 : i32
          %ne3A_321 = arith.cmpi ne, %add3A_157, %add3A_167 : i32
          %or3A_322 = arith.constant false
          %or3A_323 = arith.ori %or3A_322, %ne3A_321 : i1
          %or3A_324 = arith.constant false
          %or3A_325 = arith.ori %or3A_323, %or3A_324 : i1
          %not3A_326 = arith.constant true
          %not3A_327 = arith.xori %eq3A_153, %not3A_326 : i1
          %and3A_328 = arith.andi %or3A_325, %not3A_327 : i1
          %convert_element_type3A_329 = arith.extui %and3A_328 : i1 to i32
          %cond3A_330 = arith.constant 0 : i32
          %cond3A_331 = arith.cmpi ne, %convert_element_type3A_329, %cond3A_330 : i32
          scf.if %cond3A_331 {
            "tpu.trace_start"() <{level = 10 : i32, message = "ep_wait_out"}> : () -> ()
            %rem3A_351 = arith.constant 2 : i32
            %rem3A_352 = arith.remui %while3A_148, %rem3A_351 : i32
            %mul3A_353 = arith.constant 128 : i32
            %mul3A_354 = arith.muli %mul3A_353, %add3A_167 : i32
            %dma_wait3A = arith.constant 0 : i32
            %dma_wait3A_355 = arith.constant 0 : i32
            %dma_wait3A_356 = tpu.memref_slice %run_scoped3A_13[%rem3A_352, %dma_wait3A, %dma_wait3A_355] : memref<2x128x128xf32, #tpu.memory_space<vmem>> -> memref<1x128x128xf32, #tpu.memory_space<vmem>>
            %dma_wait3A_357 = tpu.memref_squeeze %dma_wait3A_356 : memref<1x128x128xf32, #tpu.memory_space<vmem>> -> memref<128x128xf32, #tpu.memory_space<vmem>>
            %dma_wait3A_358 = arith.constant 0 : i32
            %dma_wait3A_359 = tpu.memref_slice %arg6[%mul3A_354, %dma_wait3A_358] : memref<1024x128xf32, #tpu.memory_space<hbm>> -> memref<128x128xf32, #tpu.memory_space<hbm>>
            %dma_wait3A_360 = tpu.memref_slice %run_scoped3A_14[%rem3A_352] : memref<2x!tpu.dma_semaphore, #tpu.memory_space<semaphore_mem>> -> memref<1x!tpu.dma_semaphore, #tpu.memory_space<semaphore_mem>>
            %dma_wait3A_361 = tpu.memref_squeeze %dma_wait3A_360 : memref<1x!tpu.dma_semaphore, #tpu.memory_space<semaphore_mem>> -> memref<!tpu.dma_semaphore, #tpu.memory_space<semaphore_mem>>
            %dma_wait3A_362 = arith.constant 0 : i32
            %dma_wait3A_363 = tpu.memref_slice %arg6[%mul3A_354, %dma_wait3A_362] : memref<1024x128xf32, #tpu.memory_space<hbm>> -> memref<128x128xf32, #tpu.memory_space<hbm>>
            %dma_wait3A_364 = arith.constant 0 : i32
            %dma_wait3A_365 = arith.constant 0 : i32
            %dma_wait3A_366 = tpu.memref_slice %run_scoped3A_13[%rem3A_352, %dma_wait3A_364, %dma_wait3A_365] : memref<2x128x128xf32, #tpu.memory_space<vmem>> -> memref<1x128x128xf32, #tpu.memory_space<vmem>>
            %dma_wait3A_367 = tpu.memref_squeeze %dma_wait3A_366 : memref<1x128x128xf32, #tpu.memory_space<vmem>> -> memref<128x128xf32, #tpu.memory_space<vmem>>
            tpu.wait_dma2 semaphore(%dma_wait3A_361 : memref<!tpu.dma_semaphore, #tpu.memory_space<semaphore_mem>>) src(%dma_wait3A_367 : memref<128x128xf32, #tpu.memory_space<vmem>>) dst(%dma_wait3A_363 : memref<128x128xf32, #tpu.memory_space<hbm>>)
            "tpu.trace_stop"() : () -> ()
          } else {
          }
          %and3A_332 = arith.constant true
          %and3A_333 = arith.andi %and3A_328, %and3A_332 : i1
          %add3A_334 = arith.constant 1 : i32
          %add3A_335 = arith.addi %while3A_148, %add3A_334 : i32
          %select_n3A_336 = arith.select %and3A_333, %add3A_335, %while3A_148 : i32
          %ne3A_337 = arith.cmpi ne, %add3A_157, %add3A_175 : i32
          %or3A_338 = arith.constant false
          %or3A_339 = arith.ori %or3A_338, %ne3A_337 : i1
          %or3A_340 = arith.ori %or3A_339, %eq3A_156 : i1
          %add3A_341 = arith.constant 1 : i32
          %add3A_342 = arith.addi %while3A_144, %add3A_341 : i32
          %select_n3A_343 = arith.select %or3A_340, %add3A_342, %while3A_144 : i32
          %add3A_344 = arith.constant 1 : i32
          %add3A_345 = arith.addi %while3A_149, %add3A_344 : i32
          %select_n3A_346 = arith.constant true
          %select_n3A_347 = arith.select %select_n3A_346, %add3A_345, %while3A_149 : i32
          %eq3A_348 = arith.cmpi eq, %select_n3A_347, %select_n3A : i32
          %select_n3A_349 = arith.constant 0 : i32
          %select_n3A_350 = arith.select %eq3A_348, %select_n3A_349, %select_n3A_347 : i32
          scf.yield %select_n3A_197, %select_n3A_343, %select_n3A_279, %select_n3A_320, %select_n3A_293, %select_n3A_336, %select_n3A_350 : i32, i32, i32, i32, i32, i32, i32
        }
        %while3A_86 = arith.constant 1 : i32
        %while3A_87:7 = scf.for %while3A_142 = %while3A_83 to %while3A_79 step %while3A_86 iter_args(%while3A_143 = %while3A_85#0, %while3A_144 = %while3A_85#1, %while3A_145 = %while3A_85#2, %while3A_146 = %while3A_85#3, %while3A_147 = %while3A_85#4, %while3A_148 = %while3A_85#5, %while3A_149 = %while3A_85#6) -> (i32, i32, i32, i32, i32, i32, i32)  : i32 {
          %mul3A_150 = arith.constant 1 : i32
          %mul3A_151 = arith.muli %mul3A_150, %select_n3A : i32
          %eq3A_152 = arith.constant 0 : i32
          %eq3A_153 = arith.cmpi eq, %while3A_142, %eq3A_152 : i32
          %sub3A_154 = arith.constant 1 : i32
          %sub3A_155 = arith.subi %mul3A_151, %sub3A_154 : i32
          %eq3A_156 = arith.cmpi eq, %while3A_142, %sub3A_155 : i32
          %add3A_157 = arith.addi %while3A_149, %select_n3A_7 : i32
          %sub3A_158 = arith.constant 1 : i32
          %sub3A_159 = arith.subi %while3A_149, %sub3A_158 : i32
          %select_n3A_160 = arith.constant true
          %select_n3A_161 = arith.select %select_n3A_160, %sub3A_159, %while3A_149 : i32
          %eq3A_162 = arith.constant -1 : i32
          %eq3A_163 = arith.cmpi eq, %select_n3A_161, %eq3A_162 : i32
          %sub3A_164 = arith.constant 1 : i32
          %sub3A_165 = arith.subi %select_n3A, %sub3A_164 : i32
          %select_n3A_166 = arith.select %eq3A_163, %sub3A_165, %select_n3A_161 : i32
          %add3A_167 = arith.addi %select_n3A_166, %select_n3A_7 : i32
          %add3A_168 = arith.constant 1 : i32
          %add3A_169 = arith.addi %while3A_149, %add3A_168 : i32
          %select_n3A_170 = arith.constant true
          %select_n3A_171 = arith.select %select_n3A_170, %add3A_169, %while3A_149 : i32
          %eq3A_172 = arith.cmpi eq, %select_n3A_171, %select_n3A : i32
          %select_n3A_173 = arith.constant 0 : i32
          %select_n3A_174 = arith.select %eq3A_172, %select_n3A_173, %select_n3A_171 : i32
          %add3A_175 = arith.addi %select_n3A_174, %select_n3A_7 : i32
          %add3A_176 = arith.constant 1 : i32
          %add3A_177 = arith.addi %select_n3A_174, %add3A_176 : i32
          %select_n3A_178 = arith.constant true
          %select_n3A_179 = arith.select %select_n3A_178, %add3A_177, %select_n3A_174 : i32
          %eq3A_180 = arith.cmpi eq, %select_n3A_179, %select_n3A : i32
          %select_n3A_181 = arith.constant 0 : i32
          %select_n3A_182 = arith.select %eq3A_180, %select_n3A_181, %select_n3A_179 : i32
          %add3A_183 = arith.addi %select_n3A_182, %select_n3A_7 : i32
          %ne3A = arith.cmpi ne, %add3A_157, %add3A_175 : i32
          %or3A = arith.constant false
          %or3A_184 = arith.ori %or3A, %ne3A : i1
          %sub3A_185 = arith.constant 2 : i32
          %sub3A_186 = arith.subi %mul3A_151, %sub3A_185 : i32
          %add3A_187 = arith.constant 1 : i32
          %add3A_188 = arith.addi %sub3A_186, %add3A_187 : i32
          %ge3A = arith.cmpi sge, %while3A_142, %add3A_188 : i32
          %not3A = arith.constant true
          %not3A_189 = arith.xori %ge3A, %not3A : i1
          %and3A = arith.andi %or3A_184, %not3A_189 : i1
          %convert_element_type3A_190 = arith.extui %and3A : i1 to i32
          %cond3A_191 = arith.constant 0 : i32
          %cond3A_192 = arith.cmpi ne, %convert_element_type3A_190, %cond3A_191 : i32
          scf.if %cond3A_192 {
            "tpu.trace_start"() <{level = 10 : i32, message = "ep_copy_in"}> : () -> ()
            %rem3A_351 = arith.constant 2 : i32
            %rem3A_352 = arith.remui %while3A_143, %rem3A_351 : i32
            %mul3A_353 = arith.constant 128 : i32
            %mul3A_354 = arith.muli %mul3A_353, %add3A_175 : i32
            %dma_start3A_355 = arith.constant 0 : i32
            %dma_start3A_356 = arith.constant 0 : i32
            %dma_start3A_357 = tpu.memref_slice %run_scoped3A[%rem3A_352, %dma_start3A_355, %dma_start3A_356] : memref<2x1x128xi32, #tpu.memory_space<vmem>> -> memref<1x1x128xi32, #tpu.memory_space<vmem>>
            %dma_start3A_358 = tpu.memref_squeeze %dma_start3A_357 : memref<1x1x128xi32, #tpu.memory_space<vmem>> -> memref<1x128xi32, #tpu.memory_space<vmem>>
            %dma_start3A_359 = arith.constant 0 : i32
            %dma_start3A_360 = tpu.memref_slice %arg4[%dma_start3A_359, %mul3A_354] : memref<1x1024xi32, #tpu.memory_space<hbm>> -> memref<1x128xi32, #tpu.memory_space<hbm>>
            %dma_start3A_361 = tpu.memref_slice %run_scoped3A_10[%rem3A_352] : memref<2x!tpu.dma_semaphore, #tpu.memory_space<semaphore_mem>> -> memref<1x!tpu.dma_semaphore, #tpu.memory_space<semaphore_mem>>
            %dma_start3A_362 = tpu.memref_squeeze %dma_start3A_361 : memref<1x!tpu.dma_semaphore, #tpu.memory_space<semaphore_mem>> -> memref<!tpu.dma_semaphore, #tpu.memory_space<semaphore_mem>>
            %dma_start3A_363 = arith.constant 0 : i32
            %dma_start3A_364 = arith.constant 0 : i32
            %dma_start3A_365 = tpu.memref_slice %run_scoped3A[%rem3A_352, %dma_start3A_363, %dma_start3A_364] : memref<2x1x128xi32, #tpu.memory_space<vmem>> -> memref<1x1x128xi32, #tpu.memory_space<vmem>>
            %dma_start3A_366 = tpu.memref_squeeze %dma_start3A_365 : memref<1x1x128xi32, #tpu.memory_space<vmem>> -> memref<1x128xi32, #tpu.memory_space<vmem>>
            %dma_start3A_367 = arith.constant 0 : i32
            %dma_start3A_368 = tpu.memref_slice %arg4[%dma_start3A_367, %mul3A_354] : memref<1x1024xi32, #tpu.memory_space<hbm>> -> memref<1x128xi32, #tpu.memory_space<hbm>>
            tpu.enqueue_dma source(%dma_start3A_368 : memref<1x128xi32, #tpu.memory_space<hbm>>) target(%dma_start3A_366 : memref<1x128xi32, #tpu.memory_space<vmem>>) target_semaphore(%dma_start3A_362 : memref<!tpu.dma_semaphore, #tpu.memory_space<semaphore_mem>>)
            "tpu.trace_stop"() : () -> ()
          } else {
          }
          %and3A_193 = arith.constant true
          %and3A_194 = arith.andi %and3A, %and3A_193 : i1
          %add3A_195 = arith.constant 1 : i32
          %add3A_196 = arith.addi %while3A_143, %add3A_195 : i32
          %select_n3A_197 = arith.select %and3A_194, %add3A_196, %while3A_143 : i32
          %ne3A_198 = arith.cmpi ne, %add3A_157, %add3A_175 : i32
          %or3A_199 = arith.constant false
          %or3A_200 = arith.ori %or3A_199, %ne3A_198 : i1
          %or3A_201 = arith.constant false
          %or3A_202 = arith.ori %or3A_200, %or3A_201 : i1
          %sub3A_203 = arith.constant 2 : i32
          %sub3A_204 = arith.subi %mul3A_151, %sub3A_203 : i32
          %add3A_205 = arith.constant 1 : i32
          %add3A_206 = arith.addi %sub3A_204, %add3A_205 : i32
          %ge3A_207 = arith.cmpi sge, %while3A_142, %add3A_206 : i32
          %not3A_208 = arith.constant true
          %not3A_209 = arith.xori %ge3A_207, %not3A_208 : i1
          %and3A_210 = arith.andi %or3A_202, %not3A_209 : i1
          %ne3A_211 = arith.cmpi ne, %add3A_157, %add3A_175 : i32
          %or3A_212 = arith.constant false
          %or3A_213 = arith.ori %or3A_212, %ne3A_211 : i1
          %or3A_214 = arith.constant false
          %or3A_215 = arith.ori %or3A_213, %or3A_214 : i1
          %sub3A_216 = arith.constant 2 : i32
          %sub3A_217 = arith.subi %mul3A_151, %sub3A_216 : i32
          %add3A_218 = arith.constant 1 : i32
          %add3A_219 = arith.addi %sub3A_217, %add3A_218 : i32
          %ge3A_220 = arith.cmpi sge, %while3A_142, %add3A_219 : i32
          %not3A_221 = arith.constant true
          %not3A_222 = arith.xori %ge3A_220, %not3A_221 : i1
          %and3A_223 = arith.andi %or3A_215, %not3A_222 : i1
          %ne3A_224 = arith.cmpi ne, %add3A_157, %add3A_167 : i32
          %or3A_225 = arith.constant false
          %or3A_226 = arith.ori %or3A_225, %ne3A_224 : i1
          %or3A_227 = arith.ori %or3A_226, %eq3A_153 : i1
          %convert_element_type3A_228 = arith.extui %or3A_227 : i1 to i32
          %cond3A_229 = arith.constant 0 : i32
          %cond3A_230 = arith.cmpi ne, %convert_element_type3A_228, %cond3A_229 : i32
          scf.if %cond3A_230 {
            "tpu.trace_start"() <{level = 10 : i32, message = "ep_wait_in"}> : () -> ()
            %mul3A_351 = arith.constant 128 : i32
            %mul3A_352 = arith.muli %mul3A_351, %add3A_157 : i32
            %rem3A_353 = arith.constant 2 : i32
            %rem3A_354 = arith.remui %while3A_144, %rem3A_353 : i32
            %dma_wait3A = arith.constant 0 : i32
            %dma_wait3A_355 = arith.constant 0 : i32
            %dma_wait3A_356 = tpu.memref_slice %run_scoped3A[%rem3A_354, %dma_wait3A, %dma_wait3A_355] : memref<2x1x128xi32, #tpu.memory_space<vmem>> -> memref<1x1x128xi32, #tpu.memory_space<vmem>>
            %dma_wait3A_357 = tpu.memref_squeeze %dma_wait3A_356 : memref<1x1x128xi32, #tpu.memory_space<vmem>> -> memref<1x128xi32, #tpu.memory_space<vmem>>
            %dma_wait3A_358 = arith.constant 0 : i32
            %dma_wait3A_359 = tpu.memref_slice %arg4[%dma_wait3A_358, %mul3A_352] : memref<1x1024xi32, #tpu.memory_space<hbm>> -> memref<1x128xi32, #tpu.memory_space<hbm>>
            %dma_wait3A_360 = tpu.memref_slice %run_scoped3A_10[%rem3A_354] : memref<2x!tpu.dma_semaphore, #tpu.memory_space<semaphore_mem>> -> memref<1x!tpu.dma_semaphore, #tpu.memory_space<semaphore_mem>>
            %dma_wait3A_361 = tpu.memref_squeeze %dma_wait3A_360 : memref<1x!tpu.dma_semaphore, #tpu.memory_space<semaphore_mem>> -> memref<!tpu.dma_semaphore, #tpu.memory_space<semaphore_mem>>
            %dma_wait3A_362 = arith.constant 0 : i32
            %dma_wait3A_363 = arith.constant 0 : i32
            %dma_wait3A_364 = tpu.memref_slice %run_scoped3A[%rem3A_354, %dma_wait3A_362, %dma_wait3A_363] : memref<2x1x128xi32, #tpu.memory_space<vmem>> -> memref<1x1x128xi32, #tpu.memory_space<vmem>>
            %dma_wait3A_365 = tpu.memref_squeeze %dma_wait3A_364 : memref<1x1x128xi32, #tpu.memory_space<vmem>> -> memref<1x128xi32, #tpu.memory_space<vmem>>
            %dma_wait3A_366 = arith.constant 0 : i32
            %dma_wait3A_367 = tpu.memref_slice %arg4[%dma_wait3A_366, %mul3A_352] : memref<1x1024xi32, #tpu.memory_space<hbm>> -> memref<1x128xi32, #tpu.memory_space<hbm>>
            tpu.wait_dma2 semaphore(%dma_wait3A_361 : memref<!tpu.dma_semaphore, #tpu.memory_space<semaphore_mem>>) src(%dma_wait3A_367 : memref<1x128xi32, #tpu.memory_space<hbm>>) dst(%dma_wait3A_365 : memref<1x128xi32, #tpu.memory_space<vmem>>)
            "tpu.trace_stop"() : () -> ()
          } else {
          }
          %ne3A_231 = arith.cmpi ne, %add3A_157, %add3A_167 : i32
          %or3A_232 = arith.constant false
          %or3A_233 = arith.ori %or3A_232, %ne3A_231 : i1
          %or3A_234 = arith.constant false
          %or3A_235 = arith.ori %or3A_233, %or3A_234 : i1
          %or3A_236 = arith.ori %or3A_235, %eq3A_153 : i1
          %convert_element_type3A_237 = arith.extui %or3A_236 : i1 to i32
          %cond3A_238 = arith.constant 0 : i32
          %cond3A_239 = arith.cmpi ne, %convert_element_type3A_237, %cond3A_238 : i32
          scf.if %cond3A_239 {
          } else {
          }
          %ne3A_240 = arith.cmpi ne, %add3A_157, %add3A_167 : i32
          %or3A_241 = arith.constant false
          %or3A_242 = arith.ori %or3A_241, %ne3A_240 : i1
          %or3A_243 = arith.constant false
          %or3A_244 = arith.ori %or3A_242, %or3A_243 : i1
          %or3A_245 = arith.ori %or3A_244, %eq3A_153 : i1
          %convert_element_type3A_246 = arith.extui %or3A_245 : i1 to i32
          %cond3A_247 = arith.constant 0 : i32
          %cond3A_248 = arith.cmpi ne, %convert_element_type3A_246, %cond3A_247 : i32
          scf.if %cond3A_248 {
          } else {
          }
          %rem3A_249 = arith.constant 2 : i32
          %rem3A_250 = arith.remui %while3A_144, %rem3A_249 : i32
          %rem3A_251 = arith.constant 2 : i32
          %rem3A_252 = arith.remui %while3A_145, %rem3A_251 : i32
          %rem3A_253 = arith.constant 2 : i32
          %rem3A_254 = arith.remui %while3A_147, %rem3A_253 : i32
          %run_scoped3A_255 = arith.constant 0 : i32
          "tpu.trace_start"() <{level = 10 : i32, message = "ep_run_kernel"}> : () -> ()
          "tpu.region"() ({
            %run_scoped3A_351 = tpu.sem_alloc : memref<!tpu.dma_semaphore, #tpu.memory_space<semaphore_mem>>
            %dma_start3A_352 = arith.constant 0 : i32
            %dma_start3A_353 = arith.constant 0 : i32
            %dma_start3A_354 = tpu.memref_slice %run_scoped3A_11[%rem3A_252, %dma_start3A_352, %dma_start3A_353] : memref<2x128x128xf32, #tpu.memory_space<vmem>> -> memref<1x128x128xf32, #tpu.memory_space<vmem>>
            %dma_start3A_355 = tpu.memref_squeeze %dma_start3A_354 : memref<1x128x128xf32, #tpu.memory_space<vmem>> -> memref<128x128xf32, #tpu.memory_space<vmem>>
            %dma_start3A_356 = arith.constant 0 : i32
            %dma_start3A_357 = arith.constant 0 : i32
            %dma_start3A_358 = tpu.memref_slice %run_scoped3A[%rem3A_250, %dma_start3A_356, %dma_start3A_357] : memref<2x1x128xi32, #tpu.memory_space<vmem>> -> memref<1x1x128xi32, #tpu.memory_space<vmem>>
            %dma_start3A_359 = tpu.memref_squeeze %dma_start3A_358 : memref<1x1x128xi32, #tpu.memory_space<vmem>> -> memref<1x128xi32, #tpu.memory_space<vmem>>
            %dma_start3A_360 = arith.constant 0 : i32
            %dma_start3A_361 = tpu.memref_slice %dma_start3A_359[%run_scoped3A_255, %dma_start3A_360] : memref<1x128xi32, #tpu.memory_space<vmem>> -> memref<1x128xi32, #tpu.memory_space<vmem>>
            %dma_start3A_362 = tpu.memref_squeeze %dma_start3A_361 : memref<1x128xi32, #tpu.memory_space<vmem>> -> memref<128xi32, #tpu.memory_space<vmem>>
            %dma_start3A_363 = arith.constant 0 : i32
            %dma_start3A_364 = arith.constant 0 : i32
            %dma_start3A_365 = tpu.memref_slice %arg2[%dma_start3A_363, %dma_start3A_364] : memref<800000x128xf32, #tpu.memory_space<hbm>> -> memref<800000x128xf32, #tpu.memory_space<hbm>>
            tpu.enqueue_indirect_dma source(%dma_start3A_365 : memref<800000x128xf32, #tpu.memory_space<hbm>>) target(%dma_start3A_355 : memref<128x128xf32, #tpu.memory_space<vmem>>) offsets(%dma_start3A_362 : memref<128xi32, #tpu.memory_space<vmem>>) semaphore(%run_scoped3A_351 : memref<!tpu.dma_semaphore, #tpu.memory_space<semaphore_mem>>)
            %dma_wait3A = arith.constant 0 : i32
            %dma_wait3A_366 = arith.constant 0 : i32
            %dma_wait3A_367 = tpu.memref_slice %run_scoped3A_11[%rem3A_252, %dma_wait3A, %dma_wait3A_366] : memref<2x128x128xf32, #tpu.memory_space<vmem>> -> memref<1x128x128xf32, #tpu.memory_space<vmem>>
            %dma_wait3A_368 = tpu.memref_squeeze %dma_wait3A_367 : memref<1x128x128xf32, #tpu.memory_space<vmem>> -> memref<128x128xf32, #tpu.memory_space<vmem>>
            %dma_wait3A_369 = arith.constant 0 : i32
            %dma_wait3A_370 = arith.constant 0 : i32
            %dma_wait3A_371 = tpu.memref_slice %run_scoped3A[%rem3A_250, %dma_wait3A_369, %dma_wait3A_370] : memref<2x1x128xi32, #tpu.memory_space<vmem>> -> memref<1x1x128xi32, #tpu.memory_space<vmem>>
            %dma_wait3A_372 = tpu.memref_squeeze %dma_wait3A_371 : memref<1x1x128xi32, #tpu.memory_space<vmem>> -> memref<1x128xi32, #tpu.memory_space<vmem>>
            %dma_wait3A_373 = arith.constant 0 : i32
            %dma_wait3A_374 = tpu.memref_slice %dma_wait3A_372[%run_scoped3A_255, %dma_wait3A_373] : memref<1x128xi32, #tpu.memory_space<vmem>> -> memref<1x128xi32, #tpu.memory_space<vmem>>
            %dma_wait3A_375 = tpu.memref_squeeze %dma_wait3A_374 : memref<1x128xi32, #tpu.memory_space<vmem>> -> memref<128xi32, #tpu.memory_space<vmem>>
            %dma_wait3A_376 = arith.constant 0 : i32
            %dma_wait3A_377 = arith.constant 0 : i32
            %dma_wait3A_378 = tpu.memref_slice %arg2[%dma_wait3A_376, %dma_wait3A_377] : memref<800000x128xf32, #tpu.memory_space<hbm>> -> memref<800000x128xf32, #tpu.memory_space<hbm>>
            tpu.wait_indirect_dma semaphore(%run_scoped3A_351 : memref<!tpu.dma_semaphore, #tpu.memory_space<semaphore_mem>>) src(%dma_wait3A_378 : memref<800000x128xf32, #tpu.memory_space<hbm>>) dst(%dma_wait3A_368 : memref<128x128xf32, #tpu.memory_space<vmem>>)
            tpu.yield
          }) : () -> ()
          %run_scoped3A_256 = arith.constant 0 : i32
          "tpu.region"() ({
            %run_scoped3A_351 = tpu.sem_alloc : memref<!tpu.dma_semaphore, #tpu.memory_space<semaphore_mem>>
            %dma_start3A_352 = arith.constant 0 : i32
            %dma_start3A_353 = arith.constant 0 : i32
            %dma_start3A_354 = tpu.memref_slice %run_scoped3A_13[%rem3A_254, %dma_start3A_352, %dma_start3A_353] : memref<2x128x128xf32, #tpu.memory_space<vmem>> -> memref<1x128x128xf32, #tpu.memory_space<vmem>>
            %dma_start3A_355 = tpu.memref_squeeze %dma_start3A_354 : memref<1x128x128xf32, #tpu.memory_space<vmem>> -> memref<128x128xf32, #tpu.memory_space<vmem>>
            %dma_start3A_356 = arith.constant 0 : i32
            %dma_start3A_357 = arith.constant 0 : i32
            %dma_start3A_358 = tpu.memref_slice %run_scoped3A[%rem3A_250, %dma_start3A_356, %dma_start3A_357] : memref<2x1x128xi32, #tpu.memory_space<vmem>> -> memref<1x1x128xi32, #tpu.memory_space<vmem>>
            %dma_start3A_359 = tpu.memref_squeeze %dma_start3A_358 : memref<1x1x128xi32, #tpu.memory_space<vmem>> -> memref<1x128xi32, #tpu.memory_space<vmem>>
            %dma_start3A_360 = arith.constant 0 : i32
            %dma_start3A_361 = tpu.memref_slice %dma_start3A_359[%run_scoped3A_256, %dma_start3A_360] : memref<1x128xi32, #tpu.memory_space<vmem>> -> memref<1x128xi32, #tpu.memory_space<vmem>>
            %dma_start3A_362 = tpu.memref_squeeze %dma_start3A_361 : memref<1x128xi32, #tpu.memory_space<vmem>> -> memref<128xi32, #tpu.memory_space<vmem>>
            %dma_start3A_363 = arith.constant 0 : i32
            %dma_start3A_364 = arith.constant 0 : i32
            %dma_start3A_365 = tpu.memref_slice %arg3[%dma_start3A_363, %dma_start3A_364] : memref<800000x128xf32, #tpu.memory_space<hbm>> -> memref<800000x128xf32, #tpu.memory_space<hbm>>
            tpu.enqueue_indirect_dma source(%dma_start3A_365 : memref<800000x128xf32, #tpu.memory_space<hbm>>) target(%dma_start3A_355 : memref<128x128xf32, #tpu.memory_space<vmem>>) offsets(%dma_start3A_362 : memref<128xi32, #tpu.memory_space<vmem>>) semaphore(%run_scoped3A_351 : memref<!tpu.dma_semaphore, #tpu.memory_space<semaphore_mem>>)
            %dma_wait3A = arith.constant 0 : i32
            %dma_wait3A_366 = arith.constant 0 : i32
            %dma_wait3A_367 = tpu.memref_slice %run_scoped3A_13[%rem3A_254, %dma_wait3A, %dma_wait3A_366] : memref<2x128x128xf32, #tpu.memory_space<vmem>> -> memref<1x128x128xf32, #tpu.memory_space<vmem>>
            %dma_wait3A_368 = tpu.memref_squeeze %dma_wait3A_367 : memref<1x128x128xf32, #tpu.memory_space<vmem>> -> memref<128x128xf32, #tpu.memory_space<vmem>>
            %dma_wait3A_369 = arith.constant 0 : i32
            %dma_wait3A_370 = arith.constant 0 : i32
            %dma_wait3A_371 = tpu.memref_slice %run_scoped3A[%rem3A_250, %dma_wait3A_369, %dma_wait3A_370] : memref<2x1x128xi32, #tpu.memory_space<vmem>> -> memref<1x1x128xi32, #tpu.memory_space<vmem>>
            %dma_wait3A_372 = tpu.memref_squeeze %dma_wait3A_371 : memref<1x1x128xi32, #tpu.memory_space<vmem>> -> memref<1x128xi32, #tpu.memory_space<vmem>>
            %dma_wait3A_373 = arith.constant 0 : i32
            %dma_wait3A_374 = tpu.memref_slice %dma_wait3A_372[%run_scoped3A_256, %dma_wait3A_373] : memref<1x128xi32, #tpu.memory_space<vmem>> -> memref<1x128xi32, #tpu.memory_space<vmem>>
            %dma_wait3A_375 = tpu.memref_squeeze %dma_wait3A_374 : memref<1x128xi32, #tpu.memory_space<vmem>> -> memref<128xi32, #tpu.memory_space<vmem>>
            %dma_wait3A_376 = arith.constant 0 : i32
            %dma_wait3A_377 = arith.constant 0 : i32
            %dma_wait3A_378 = tpu.memref_slice %arg3[%dma_wait3A_376, %dma_wait3A_377] : memref<800000x128xf32, #tpu.memory_space<hbm>> -> memref<800000x128xf32, #tpu.memory_space<hbm>>
            tpu.wait_indirect_dma semaphore(%run_scoped3A_351 : memref<!tpu.dma_semaphore, #tpu.memory_space<semaphore_mem>>) src(%dma_wait3A_378 : memref<800000x128xf32, #tpu.memory_space<hbm>>) dst(%dma_wait3A_368 : memref<128x128xf32, #tpu.memory_space<vmem>>)
            tpu.yield
          }) : () -> ()
          "tpu.trace_stop"() : () -> ()
          %ne3A_257 = arith.cmpi ne, %add3A_157, %add3A_175 : i32
          %or3A_258 = arith.constant false
          %or3A_259 = arith.ori %or3A_258, %ne3A_257 : i1
          %or3A_260 = arith.ori %or3A_259, %eq3A_156 : i1
          %convert_element_type3A_261 = arith.extui %or3A_260 : i1 to i32
          %cond3A_262 = arith.constant 0 : i32
          %cond3A_263 = arith.cmpi ne, %convert_element_type3A_261, %cond3A_262 : i32
          scf.if %cond3A_263 {
          } else {
          }
          %and3A_264 = arith.constant false
          %and3A_265 = arith.andi %or3A_260, %and3A_264 : i1
          %ne3A_266 = arith.cmpi ne, %add3A_157, %add3A_175 : i32
          %or3A_267 = arith.constant false
          %or3A_268 = arith.ori %or3A_267, %ne3A_266 : i1
          %or3A_269 = arith.constant false
          %or3A_270 = arith.ori %or3A_268, %or3A_269 : i1
          %or3A_271 = arith.ori %or3A_270, %eq3A_156 : i1
          %convert_element_type3A_272 = arith.extui %or3A_271 : i1 to i32
          %cond3A_273 = arith.constant 0 : i32
          %cond3A_274 = arith.cmpi ne, %convert_element_type3A_272, %cond3A_273 : i32
          scf.if %cond3A_274 {
            "tpu.trace_start"() <{level = 10 : i32, message = "ep_copy_out"}> : () -> ()
            %rem3A_351 = arith.constant 2 : i32
            %rem3A_352 = arith.remui %while3A_145, %rem3A_351 : i32
            %mul3A_353 = arith.constant 128 : i32
            %mul3A_354 = arith.muli %mul3A_353, %add3A_157 : i32
            %dma_start3A_355 = arith.constant 0 : i32
            %dma_start3A_356 = arith.constant 0 : i32
            %dma_start3A_357 = tpu.memref_slice %run_scoped3A_11[%rem3A_352, %dma_start3A_355, %dma_start3A_356] : memref<2x128x128xf32, #tpu.memory_space<vmem>> -> memref<1x128x128xf32, #tpu.memory_space<vmem>>
            %dma_start3A_358 = tpu.memref_squeeze %dma_start3A_357 : memref<1x128x128xf32, #tpu.memory_space<vmem>> -> memref<128x128xf32, #tpu.memory_space<vmem>>
            %dma_start3A_359 = arith.constant 0 : i32
            %dma_start3A_360 = tpu.memref_slice %arg5[%mul3A_354, %dma_start3A_359] : memref<1024x128xf32, #tpu.memory_space<hbm>> -> memref<128x128xf32, #tpu.memory_space<hbm>>
            %dma_start3A_361 = tpu.memref_slice %run_scoped3A_12[%rem3A_352] : memref<2x!tpu.dma_semaphore, #tpu.memory_space<semaphore_mem>> -> memref<1x!tpu.dma_semaphore, #tpu.memory_space<semaphore_mem>>
            %dma_start3A_362 = tpu.memref_squeeze %dma_start3A_361 : memref<1x!tpu.dma_semaphore, #tpu.memory_space<semaphore_mem>> -> memref<!tpu.dma_semaphore, #tpu.memory_space<semaphore_mem>>
            %dma_start3A_363 = arith.constant 0 : i32
            %dma_start3A_364 = tpu.memref_slice %arg5[%mul3A_354, %dma_start3A_363] : memref<1024x128xf32, #tpu.memory_space<hbm>> -> memref<128x128xf32, #tpu.memory_space<hbm>>
            %dma_start3A_365 = arith.constant 0 : i32
            %dma_start3A_366 = arith.constant 0 : i32
            %dma_start3A_367 = tpu.memref_slice %run_scoped3A_11[%rem3A_352, %dma_start3A_365, %dma_start3A_366] : memref<2x128x128xf32, #tpu.memory_space<vmem>> -> memref<1x128x128xf32, #tpu.memory_space<vmem>>
            %dma_start3A_368 = tpu.memref_squeeze %dma_start3A_367 : memref<1x128x128xf32, #tpu.memory_space<vmem>> -> memref<128x128xf32, #tpu.memory_space<vmem>>
            tpu.enqueue_dma source(%dma_start3A_368 : memref<128x128xf32, #tpu.memory_space<vmem>>) target(%dma_start3A_364 : memref<128x128xf32, #tpu.memory_space<hbm>>) target_semaphore(%dma_start3A_362 : memref<!tpu.dma_semaphore, #tpu.memory_space<semaphore_mem>>)
            "tpu.trace_stop"() : () -> ()
          } else {
          }
          %and3A_275 = arith.constant true
          %and3A_276 = arith.andi %or3A_271, %and3A_275 : i1
          %add3A_277 = arith.constant 1 : i32
          %add3A_278 = arith.addi %while3A_145, %add3A_277 : i32
          %select_n3A_279 = arith.select %and3A_276, %add3A_278, %while3A_145 : i32
          %ne3A_280 = arith.cmpi ne, %add3A_157, %add3A_175 : i32
          %or3A_281 = arith.constant false
          %or3A_282 = arith.ori %or3A_281, %ne3A_280 : i1
          %or3A_283 = arith.constant false
          %or3A_284 = arith.ori %or3A_282, %or3A_283 : i1
          %or3A_285 = arith.ori %or3A_284, %eq3A_156 : i1
          %convert_element_type3A_286 = arith.extui %or3A_285 : i1 to i32
          %cond3A_287 = arith.constant 0 : i32
          %cond3A_288 = arith.cmpi ne, %convert_element_type3A_286, %cond3A_287 : i32
          scf.if %cond3A_288 {
            "tpu.trace_start"() <{level = 10 : i32, message = "ep_copy_out"}> : () -> ()
            %rem3A_351 = arith.constant 2 : i32
            %rem3A_352 = arith.remui %while3A_147, %rem3A_351 : i32
            %mul3A_353 = arith.constant 128 : i32
            %mul3A_354 = arith.muli %mul3A_353, %add3A_157 : i32
            %dma_start3A_355 = arith.constant 0 : i32
            %dma_start3A_356 = arith.constant 0 : i32
            %dma_start3A_357 = tpu.memref_slice %run_scoped3A_13[%rem3A_352, %dma_start3A_355, %dma_start3A_356] : memref<2x128x128xf32, #tpu.memory_space<vmem>> -> memref<1x128x128xf32, #tpu.memory_space<vmem>>
            %dma_start3A_358 = tpu.memref_squeeze %dma_start3A_357 : memref<1x128x128xf32, #tpu.memory_space<vmem>> -> memref<128x128xf32, #tpu.memory_space<vmem>>
            %dma_start3A_359 = arith.constant 0 : i32
            %dma_start3A_360 = tpu.memref_slice %arg6[%mul3A_354, %dma_start3A_359] : memref<1024x128xf32, #tpu.memory_space<hbm>> -> memref<128x128xf32, #tpu.memory_space<hbm>>
            %dma_start3A_361 = tpu.memref_slice %run_scoped3A_14[%rem3A_352] : memref<2x!tpu.dma_semaphore, #tpu.memory_space<semaphore_mem>> -> memref<1x!tpu.dma_semaphore, #tpu.memory_space<semaphore_mem>>
            %dma_start3A_362 = tpu.memref_squeeze %dma_start3A_361 : memref<1x!tpu.dma_semaphore, #tpu.memory_space<semaphore_mem>> -> memref<!tpu.dma_semaphore, #tpu.memory_space<semaphore_mem>>
            %dma_start3A_363 = arith.constant 0 : i32
            %dma_start3A_364 = tpu.memref_slice %arg6[%mul3A_354, %dma_start3A_363] : memref<1024x128xf32, #tpu.memory_space<hbm>> -> memref<128x128xf32, #tpu.memory_space<hbm>>
            %dma_start3A_365 = arith.constant 0 : i32
            %dma_start3A_366 = arith.constant 0 : i32
            %dma_start3A_367 = tpu.memref_slice %run_scoped3A_13[%rem3A_352, %dma_start3A_365, %dma_start3A_366] : memref<2x128x128xf32, #tpu.memory_space<vmem>> -> memref<1x128x128xf32, #tpu.memory_space<vmem>>
            %dma_start3A_368 = tpu.memref_squeeze %dma_start3A_367 : memref<1x128x128xf32, #tpu.memory_space<vmem>> -> memref<128x128xf32, #tpu.memory_space<vmem>>
            tpu.enqueue_dma source(%dma_start3A_368 : memref<128x128xf32, #tpu.memory_space<vmem>>) target(%dma_start3A_364 : memref<128x128xf32, #tpu.memory_space<hbm>>) target_semaphore(%dma_start3A_362 : memref<!tpu.dma_semaphore, #tpu.memory_space<semaphore_mem>>)
            "tpu.trace_stop"() : () -> ()
          } else {
          }
          %and3A_289 = arith.constant true
          %and3A_290 = arith.andi %or3A_285, %and3A_289 : i1
          %add3A_291 = arith.constant 1 : i32
          %add3A_292 = arith.addi %while3A_147, %add3A_291 : i32
          %select_n3A_293 = arith.select %and3A_290, %add3A_292, %while3A_147 : i32
          %ne3A_294 = arith.cmpi ne, %add3A_157, %add3A_167 : i32
          %or3A_295 = arith.constant false
          %or3A_296 = arith.ori %or3A_295, %ne3A_294 : i1
          %not3A_297 = arith.constant true
          %not3A_298 = arith.xori %eq3A_153, %not3A_297 : i1
          %and3A_299 = arith.andi %or3A_296, %not3A_298 : i1
          %convert_element_type3A_300 = arith.extui %and3A_299 : i1 to i32
          %cond3A_301 = arith.constant 0 : i32
          %cond3A_302 = arith.cmpi ne, %convert_element_type3A_300, %cond3A_301 : i32
          scf.if %cond3A_302 {
          } else {
          }
          %and3A_303 = arith.constant false
          %and3A_304 = arith.andi %and3A_299, %and3A_303 : i1
          %ne3A_305 = arith.cmpi ne, %add3A_157, %add3A_167 : i32
          %or3A_306 = arith.constant false
          %or3A_307 = arith.ori %or3A_306, %ne3A_305 : i1
          %or3A_308 = arith.constant false
          %or3A_309 = arith.ori %or3A_307, %or3A_308 : i1
          %not3A_310 = arith.constant true
          %not3A_311 = arith.xori %eq3A_153, %not3A_310 : i1
          %and3A_312 = arith.andi %or3A_309, %not3A_311 : i1
          %convert_element_type3A_313 = arith.extui %and3A_312 : i1 to i32
          %cond3A_314 = arith.constant 0 : i32
          %cond3A_315 = arith.cmpi ne, %convert_element_type3A_313, %cond3A_314 : i32
          scf.if %cond3A_315 {
            "tpu.trace_start"() <{level = 10 : i32, message = "ep_wait_out"}> : () -> ()
            %rem3A_351 = arith.constant 2 : i32
            %rem3A_352 = arith.remui %while3A_146, %rem3A_351 : i32
            %mul3A_353 = arith.constant 128 : i32
            %mul3A_354 = arith.muli %mul3A_353, %add3A_167 : i32
            %dma_wait3A = arith.constant 0 : i32
            %dma_wait3A_355 = arith.constant 0 : i32
            %dma_wait3A_356 = tpu.memref_slice %run_scoped3A_11[%rem3A_352, %dma_wait3A, %dma_wait3A_355] : memref<2x128x128xf32, #tpu.memory_space<vmem>> -> memref<1x128x128xf32, #tpu.memory_space<vmem>>
            %dma_wait3A_357 = tpu.memref_squeeze %dma_wait3A_356 : memref<1x128x128xf32, #tpu.memory_space<vmem>> -> memref<128x128xf32, #tpu.memory_space<vmem>>
            %dma_wait3A_358 = arith.constant 0 : i32
            %dma_wait3A_359 = tpu.memref_slice %arg5[%mul3A_354, %dma_wait3A_358] : memref<1024x128xf32, #tpu.memory_space<hbm>> -> memref<128x128xf32, #tpu.memory_space<hbm>>
            %dma_wait3A_360 = tpu.memref_slice %run_scoped3A_12[%rem3A_352] : memref<2x!tpu.dma_semaphore, #tpu.memory_space<semaphore_mem>> -> memref<1x!tpu.dma_semaphore, #tpu.memory_space<semaphore_mem>>
            %dma_wait3A_361 = tpu.memref_squeeze %dma_wait3A_360 : memref<1x!tpu.dma_semaphore, #tpu.memory_space<semaphore_mem>> -> memref<!tpu.dma_semaphore, #tpu.memory_space<semaphore_mem>>
            %dma_wait3A_362 = arith.constant 0 : i32
            %dma_wait3A_363 = tpu.memref_slice %arg5[%mul3A_354, %dma_wait3A_362] : memref<1024x128xf32, #tpu.memory_space<hbm>> -> memref<128x128xf32, #tpu.memory_space<hbm>>
            %dma_wait3A_364 = arith.constant 0 : i32
            %dma_wait3A_365 = arith.constant 0 : i32
            %dma_wait3A_366 = tpu.memref_slice %run_scoped3A_11[%rem3A_352, %dma_wait3A_364, %dma_wait3A_365] : memref<2x128x128xf32, #tpu.memory_space<vmem>> -> memref<1x128x128xf32, #tpu.memory_space<vmem>>
            %dma_wait3A_367 = tpu.memref_squeeze %dma_wait3A_366 : memref<1x128x128xf32, #tpu.memory_space<vmem>> -> memref<128x128xf32, #tpu.memory_space<vmem>>
            tpu.wait_dma2 semaphore(%dma_wait3A_361 : memref<!tpu.dma_semaphore, #tpu.memory_space<semaphore_mem>>) src(%dma_wait3A_367 : memref<128x128xf32, #tpu.memory_space<vmem>>) dst(%dma_wait3A_363 : memref<128x128xf32, #tpu.memory_space<hbm>>)
            "tpu.trace_stop"() : () -> ()
          } else {
          }
          %and3A_316 = arith.constant true
          %and3A_317 = arith.andi %and3A_312, %and3A_316 : i1
          %add3A_318 = arith.constant 1 : i32
          %add3A_319 = arith.addi %while3A_146, %add3A_318 : i32
          %select_n3A_320 = arith.select %and3A_317, %add3A_319, %while3A_146 : i32
          %ne3A_321 = arith.cmpi ne, %add3A_157, %add3A_167 : i32
          %or3A_322 = arith.constant false
          %or3A_323 = arith.ori %or3A_322, %ne3A_321 : i1
          %or3A_324 = arith.constant false
          %or3A_325 = arith.ori %or3A_323, %or3A_324 : i1
          %not3A_326 = arith.constant true
          %not3A_327 = arith.xori %eq3A_153, %not3A_326 : i1
          %and3A_328 = arith.andi %or3A_325, %not3A_327 : i1
          %convert_element_type3A_329 = arith.extui %and3A_328 : i1 to i32
          %cond3A_330 = arith.constant 0 : i32
          %cond3A_331 = arith.cmpi ne, %convert_element_type3A_329, %cond3A_330 : i32
          scf.if %cond3A_331 {
            "tpu.trace_start"() <{level = 10 : i32, message = "ep_wait_out"}> : () -> ()
            %rem3A_351 = arith.constant 2 : i32
            %rem3A_352 = arith.remui %while3A_148, %rem3A_351 : i32
            %mul3A_353 = arith.constant 128 : i32
            %mul3A_354 = arith.muli %mul3A_353, %add3A_167 : i32
            %dma_wait3A = arith.constant 0 : i32
            %dma_wait3A_355 = arith.constant 0 : i32
            %dma_wait3A_356 = tpu.memref_slice %run_scoped3A_13[%rem3A_352, %dma_wait3A, %dma_wait3A_355] : memref<2x128x128xf32, #tpu.memory_space<vmem>> -> memref<1x128x128xf32, #tpu.memory_space<vmem>>
            %dma_wait3A_357 = tpu.memref_squeeze %dma_wait3A_356 : memref<1x128x128xf32, #tpu.memory_space<vmem>> -> memref<128x128xf32, #tpu.memory_space<vmem>>
            %dma_wait3A_358 = arith.constant 0 : i32
            %dma_wait3A_359 = tpu.memref_slice %arg6[%mul3A_354, %dma_wait3A_358] : memref<1024x128xf32, #tpu.memory_space<hbm>> -> memref<128x128xf32, #tpu.memory_space<hbm>>
            %dma_wait3A_360 = tpu.memref_slice %run_scoped3A_14[%rem3A_352] : memref<2x!tpu.dma_semaphore, #tpu.memory_space<semaphore_mem>> -> memref<1x!tpu.dma_semaphore, #tpu.memory_space<semaphore_mem>>
            %dma_wait3A_361 = tpu.memref_squeeze %dma_wait3A_360 : memref<1x!tpu.dma_semaphore, #tpu.memory_space<semaphore_mem>> -> memref<!tpu.dma_semaphore, #tpu.memory_space<semaphore_mem>>
            %dma_wait3A_362 = arith.constant 0 : i32
            %dma_wait3A_363 = tpu.memref_slice %arg6[%mul3A_354, %dma_wait3A_362] : memref<1024x128xf32, #tpu.memory_space<hbm>> -> memref<128x128xf32, #tpu.memory_space<hbm>>
            %dma_wait3A_364 = arith.constant 0 : i32
            %dma_wait3A_365 = arith.constant 0 : i32
            %dma_wait3A_366 = tpu.memref_slice %run_scoped3A_13[%rem3A_352, %dma_wait3A_364, %dma_wait3A_365] : memref<2x128x128xf32, #tpu.memory_space<vmem>> -> memref<1x128x128xf32, #tpu.memory_space<vmem>>
            %dma_wait3A_367 = tpu.memref_squeeze %dma_wait3A_366 : memref<1x128x128xf32, #tpu.memory_space<vmem>> -> memref<128x128xf32, #tpu.memory_space<vmem>>
            tpu.wait_dma2 semaphore(%dma_wait3A_361 : memref<!tpu.dma_semaphore, #tpu.memory_space<semaphore_mem>>) src(%dma_wait3A_367 : memref<128x128xf32, #tpu.memory_space<vmem>>) dst(%dma_wait3A_363 : memref<128x128xf32, #tpu.memory_space<hbm>>)
            "tpu.trace_stop"() : () -> ()
          } else {
          }
          %and3A_332 = arith.constant true
          %and3A_333 = arith.andi %and3A_328, %and3A_332 : i1
          %add3A_334 = arith.constant 1 : i32
          %add3A_335 = arith.addi %while3A_148, %add3A_334 : i32
          %select_n3A_336 = arith.select %and3A_333, %add3A_335, %while3A_148 : i32
          %ne3A_337 = arith.cmpi ne, %add3A_157, %add3A_175 : i32
          %or3A_338 = arith.constant false
          %or3A_339 = arith.ori %or3A_338, %ne3A_337 : i1
          %or3A_340 = arith.ori %or3A_339, %eq3A_156 : i1
          %add3A_341 = arith.constant 1 : i32
          %add3A_342 = arith.addi %while3A_144, %add3A_341 : i32
          %select_n3A_343 = arith.select %or3A_340, %add3A_342, %while3A_144 : i32
          %add3A_344 = arith.constant 1 : i32
          %add3A_345 = arith.addi %while3A_149, %add3A_344 : i32
          %select_n3A_346 = arith.constant true
          %select_n3A_347 = arith.select %select_n3A_346, %add3A_345, %while3A_149 : i32
          %eq3A_348 = arith.cmpi eq, %select_n3A_347, %select_n3A : i32
          %select_n3A_349 = arith.constant 0 : i32
          %select_n3A_350 = arith.select %eq3A_348, %select_n3A_349, %select_n3A_347 : i32
          scf.yield %select_n3A_197, %select_n3A_343, %select_n3A_279, %select_n3A_320, %select_n3A_293, %select_n3A_336, %select_n3A_350 : i32, i32, i32, i32, i32, i32, i32
        }
        %sub3A_88 = arith.constant 1 : i32
        %sub3A_89 = arith.subi %while3A_87#6, %sub3A_88 : i32
        %select_n3A_90 = arith.constant true
        %select_n3A_91 = arith.select %select_n3A_90, %sub3A_89, %while3A_87#6 : i32
        %eq3A_92 = arith.constant -1 : i32
        %eq3A_93 = arith.cmpi eq, %select_n3A_91, %eq3A_92 : i32
        %sub3A_94 = arith.constant 1 : i32
        %sub3A_95 = arith.subi %select_n3A, %sub3A_94 : i32
        %select_n3A_96 = arith.select %eq3A_93, %sub3A_95, %select_n3A_91 : i32
        %sub3A_97 = arith.constant 1 : i32
        %sub3A_98 = arith.subi %mul3A_9, %sub3A_97 : i32
        %mul3A_99 = arith.constant 1 : i32
        %mul3A_100 = arith.muli %mul3A_99, %select_n3A : i32
        %eq3A_101 = arith.constant 0 : i32
        %eq3A_102 = arith.cmpi eq, %sub3A_98, %eq3A_101 : i32
        %sub3A_103 = arith.constant 1 : i32
        %sub3A_104 = arith.subi %mul3A_100, %sub3A_103 : i32
        %eq3A_105 = arith.cmpi eq, %sub3A_98, %sub3A_104 : i32
        %add3A_106 = arith.addi %select_n3A_96, %select_n3A_7 : i32
        %sub3A_107 = arith.constant 1 : i32
        %sub3A_108 = arith.subi %select_n3A_96, %sub3A_107 : i32
        %select_n3A_109 = arith.constant true
        %select_n3A_110 = arith.select %select_n3A_109, %sub3A_108, %select_n3A_96 : i32
        %eq3A_111 = arith.constant -1 : i32
        %eq3A_112 = arith.cmpi eq, %select_n3A_110, %eq3A_111 : i32
        %sub3A_113 = arith.constant 1 : i32
        %sub3A_114 = arith.subi %select_n3A, %sub3A_113 : i32
        %select_n3A_115 = arith.select %eq3A_112, %sub3A_114, %select_n3A_110 : i32
        %add3A_116 = arith.addi %select_n3A_115, %select_n3A_7 : i32
        %add3A_117 = arith.constant 1 : i32
        %add3A_118 = arith.addi %select_n3A_96, %add3A_117 : i32
        %select_n3A_119 = arith.constant true
        %select_n3A_120 = arith.select %select_n3A_119, %add3A_118, %select_n3A_96 : i32
        %eq3A_121 = arith.cmpi eq, %select_n3A_120, %select_n3A : i32
        %select_n3A_122 = arith.constant 0 : i32
        %select_n3A_123 = arith.select %eq3A_121, %select_n3A_122, %select_n3A_120 : i32
        %add3A_124 = arith.addi %select_n3A_123, %select_n3A_7 : i32
        %add3A_125 = arith.constant 1 : i32
        %add3A_126 = arith.addi %select_n3A_123, %add3A_125 : i32
        %select_n3A_127 = arith.constant true
        %select_n3A_128 = arith.select %select_n3A_127, %add3A_126, %select_n3A_123 : i32
        %eq3A_129 = arith.cmpi eq, %select_n3A_128, %select_n3A : i32
        %select_n3A_130 = arith.constant 0 : i32
        %select_n3A_131 = arith.select %eq3A_129, %select_n3A_130, %select_n3A_128 : i32
        %add3A_132 = arith.addi %select_n3A_131, %select_n3A_7 : i32
        %convert_element_type3A_133 = arith.extui %eq3A_105 : i1 to i32
        %cond3A_134 = arith.constant 0 : i32
        %cond3A_135 = arith.cmpi ne, %convert_element_type3A_133, %cond3A_134 : i32
        scf.if %cond3A_135 {
        } else {
        }
        %convert_element_type3A_136 = arith.extui %eq3A_105 : i1 to i32
        %cond3A_137 = arith.constant 0 : i32
        %cond3A_138 = arith.cmpi ne, %convert_element_type3A_136, %cond3A_137 : i32
        scf.if %cond3A_138 {
          "tpu.trace_start"() <{level = 10 : i32, message = "ep_finalize"}> : () -> ()
          %rem3A_142 = arith.constant 2 : i32
          %rem3A_143 = arith.remui %while3A_87#3, %rem3A_142 : i32
          %mul3A_144 = arith.constant 128 : i32
          %mul3A_145 = arith.muli %mul3A_144, %add3A_106 : i32
          %dma_wait3A = arith.constant 0 : i32
          %dma_wait3A_146 = arith.constant 0 : i32
          %dma_wait3A_147 = tpu.memref_slice %run_scoped3A_11[%rem3A_143, %dma_wait3A, %dma_wait3A_146] : memref<2x128x128xf32, #tpu.memory_space<vmem>> -> memref<1x128x128xf32, #tpu.memory_space<vmem>>
          %dma_wait3A_148 = tpu.memref_squeeze %dma_wait3A_147 : memref<1x128x128xf32, #tpu.memory_space<vmem>> -> memref<128x128xf32, #tpu.memory_space<vmem>>
          %dma_wait3A_149 = arith.constant 0 : i32
          %dma_wait3A_150 = tpu.memref_slice %arg5[%mul3A_145, %dma_wait3A_149] : memref<1024x128xf32, #tpu.memory_space<hbm>> -> memref<128x128xf32, #tpu.memory_space<hbm>>
          %dma_wait3A_151 = tpu.memref_slice %run_scoped3A_12[%rem3A_143] : memref<2x!tpu.dma_semaphore, #tpu.memory_space<semaphore_mem>> -> memref<1x!tpu.dma_semaphore, #tpu.memory_space<semaphore_mem>>
          %dma_wait3A_152 = tpu.memref_squeeze %dma_wait3A_151 : memref<1x!tpu.dma_semaphore, #tpu.memory_space<semaphore_mem>> -> memref<!tpu.dma_semaphore, #tpu.memory_space<semaphore_mem>>
          %dma_wait3A_153 = arith.constant 0 : i32
          %dma_wait3A_154 = tpu.memref_slice %arg5[%mul3A_145, %dma_wait3A_153] : memref<1024x128xf32, #tpu.memory_space<hbm>> -> memref<128x128xf32, #tpu.memory_space<hbm>>
          %dma_wait3A_155 = arith.constant 0 : i32
          %dma_wait3A_156 = arith.constant 0 : i32
          %dma_wait3A_157 = tpu.memref_slice %run_scoped3A_11[%rem3A_143, %dma_wait3A_155, %dma_wait3A_156] : memref<2x128x128xf32, #tpu.memory_space<vmem>> -> memref<1x128x128xf32, #tpu.memory_space<vmem>>
          %dma_wait3A_158 = tpu.memref_squeeze %dma_wait3A_157 : memref<1x128x128xf32, #tpu.memory_space<vmem>> -> memref<128x128xf32, #tpu.memory_space<vmem>>
          tpu.wait_dma2 semaphore(%dma_wait3A_152 : memref<!tpu.dma_semaphore, #tpu.memory_space<semaphore_mem>>) src(%dma_wait3A_158 : memref<128x128xf32, #tpu.memory_space<vmem>>) dst(%dma_wait3A_154 : memref<128x128xf32, #tpu.memory_space<hbm>>)
          "tpu.trace_stop"() : () -> ()
        } else {
        }
        %convert_element_type3A_139 = arith.extui %eq3A_105 : i1 to i32
        %cond3A_140 = arith.constant 0 : i32
        %cond3A_141 = arith.cmpi ne, %convert_element_type3A_139, %cond3A_140 : i32
        scf.if %cond3A_141 {
          "tpu.trace_start"() <{level = 10 : i32, message = "ep_finalize"}> : () -> ()
          %rem3A_142 = arith.constant 2 : i32
          %rem3A_143 = arith.remui %while3A_87#5, %rem3A_142 : i32
          %mul3A_144 = arith.constant 128 : i32
          %mul3A_145 = arith.muli %mul3A_144, %add3A_106 : i32
          %dma_wait3A = arith.constant 0 : i32
          %dma_wait3A_146 = arith.constant 0 : i32
          %dma_wait3A_147 = tpu.memref_slice %run_scoped3A_13[%rem3A_143, %dma_wait3A, %dma_wait3A_146] : memref<2x128x128xf32, #tpu.memory_space<vmem>> -> memref<1x128x128xf32, #tpu.memory_space<vmem>>
          %dma_wait3A_148 = tpu.memref_squeeze %dma_wait3A_147 : memref<1x128x128xf32, #tpu.memory_space<vmem>> -> memref<128x128xf32, #tpu.memory_space<vmem>>
          %dma_wait3A_149 = arith.constant 0 : i32
          %dma_wait3A_150 = tpu.memref_slice %arg6[%mul3A_145, %dma_wait3A_149] : memref<1024x128xf32, #tpu.memory_space<hbm>> -> memref<128x128xf32, #tpu.memory_space<hbm>>
          %dma_wait3A_151 = tpu.memref_slice %run_scoped3A_14[%rem3A_143] : memref<2x!tpu.dma_semaphore, #tpu.memory_space<semaphore_mem>> -> memref<1x!tpu.dma_semaphore, #tpu.memory_space<semaphore_mem>>
          %dma_wait3A_152 = tpu.memref_squeeze %dma_wait3A_151 : memref<1x!tpu.dma_semaphore, #tpu.memory_space<semaphore_mem>> -> memref<!tpu.dma_semaphore, #tpu.memory_space<semaphore_mem>>
          %dma_wait3A_153 = arith.constant 0 : i32
          %dma_wait3A_154 = tpu.memref_slice %arg6[%mul3A_145, %dma_wait3A_153] : memref<1024x128xf32, #tpu.memory_space<hbm>> -> memref<128x128xf32, #tpu.memory_space<hbm>>
          %dma_wait3A_155 = arith.constant 0 : i32
          %dma_wait3A_156 = arith.constant 0 : i32
          %dma_wait3A_157 = tpu.memref_slice %run_scoped3A_13[%rem3A_143, %dma_wait3A_155, %dma_wait3A_156] : memref<2x128x128xf32, #tpu.memory_space<vmem>> -> memref<1x128x128xf32, #tpu.memory_space<vmem>>
          %dma_wait3A_158 = tpu.memref_squeeze %dma_wait3A_157 : memref<1x128x128xf32, #tpu.memory_space<vmem>> -> memref<128x128xf32, #tpu.memory_space<vmem>>
          tpu.wait_dma2 semaphore(%dma_wait3A_152 : memref<!tpu.dma_semaphore, #tpu.memory_space<semaphore_mem>>) src(%dma_wait3A_158 : memref<128x128xf32, #tpu.memory_space<vmem>>) dst(%dma_wait3A_154 : memref<128x128xf32, #tpu.memory_space<hbm>>)
          "tpu.trace_stop"() : () -> ()
        } else {
        }
      } else {
      }
      tpu.yield
    }) : () -> ()
    return
  }
}

module attributes {stable_mosaic.version = 14 : i64} {
  func.func @_loss_body(%arg0: i32, %arg1: i32, %arg2: memref<64x128xf32, #tpu.memory_space<vmem>>, %arg3: memref<64x128xf32, #tpu.memory_space<vmem>>, %arg4: memref<64x1xi32, #tpu.memory_space<vmem>>, %arg5: memref<64x2048xf32, #tpu.memory_space<vmem>>, %arg6: memref<64x2048xf32, #tpu.memory_space<vmem>>, %arg7: memref<64x2048xf32, #tpu.memory_space<vmem>>, %arg8: memref<64x2048xf32, #tpu.memory_space<vmem>>, %arg9: memref<64x2048xf32, #tpu.memory_space<vmem>>, %arg10: memref<64x2048xf32, #tpu.memory_space<vmem>>, %arg11: memref<64x2048xf32, #tpu.memory_space<vmem>>, %arg12: memref<64x2048xf32, #tpu.memory_space<vmem>>, %arg13: memref<64x2048xf32, #tpu.memory_space<vmem>>, %arg14: memref<64x2048xf32, #tpu.memory_space<vmem>>, %arg15: memref<64x2048xf32, #tpu.memory_space<vmem>>, %arg16: memref<64x2048xf32, #tpu.memory_space<vmem>>, %arg17: memref<64x2048xf32, #tpu.memory_space<vmem>>, %arg18: memref<64x2048xf32, #tpu.memory_space<vmem>>, %arg19: memref<64x2048xf32, #tpu.memory_space<vmem>>, %arg20: memref<64x2048xf32, #tpu.memory_space<vmem>>, %arg21: memref<64x2048xf32, #tpu.memory_space<vmem>>, %arg22: memref<64x2048xf32, #tpu.memory_space<vmem>>, %arg23: memref<1x1x1xf32, #tpu.memory_space<vmem>>, %arg24: memref<64x128xf32, #tpu.memory_space<vmem>>, %arg25: memref<64x128xf32, #tpu.memory_space<vmem>>, %arg26: memref<64x2048xf32, #tpu.memory_space<vmem>>, %arg27: memref<64x128xf32, #tpu.memory_space<vmem>>) attributes {dimension_semantics = [#tpu.dimension_semantics<parallel>, #tpu.dimension_semantics<arbitrary>], iteration_bounds = array<i64: 16, 6>, scalar_prefetch = 0 : i64, scratch_operands = 4 : i64, tpu.core_type = #tpu.core_type<tc>, window_params = [{transform_indices = @transform_0, window_bounds = array<i64: 64, 128>}, {transform_indices = @transform_1, window_bounds = array<i64: 64, 128>}, {transform_indices = @transform_2, window_bounds = array<i64: 64, 1>}, {transform_indices = @transform_3, window_bounds = array<i64: 64, 2048>}, {transform_indices = @transform_4, window_bounds = array<i64: 64, 2048>}, {transform_indices = @transform_5, window_bounds = array<i64: 64, 2048>}, {transform_indices = @transform_6, window_bounds = array<i64: 64, 2048>}, {transform_indices = @transform_7, window_bounds = array<i64: 64, 2048>}, {transform_indices = @transform_8, window_bounds = array<i64: 64, 2048>}, {transform_indices = @transform_9, window_bounds = array<i64: 64, 2048>}, {transform_indices = @transform_10, window_bounds = array<i64: 64, 2048>}, {transform_indices = @transform_11, window_bounds = array<i64: 64, 2048>}, {transform_indices = @transform_12, window_bounds = array<i64: 64, 2048>}, {transform_indices = @transform_13, window_bounds = array<i64: 64, 2048>}, {transform_indices = @transform_14, window_bounds = array<i64: 64, 2048>}, {transform_indices = @transform_15, window_bounds = array<i64: 64, 2048>}, {transform_indices = @transform_16, window_bounds = array<i64: 64, 2048>}, {transform_indices = @transform_17, window_bounds = array<i64: 64, 2048>}, {transform_indices = @transform_18, window_bounds = array<i64: 64, 2048>}, {transform_indices = @transform_19, window_bounds = array<i64: 64, 2048>}, {transform_indices = @transform_20, window_bounds = array<i64: 64, 2048>}, {transform_indices = @transform_21, window_bounds = array<i64: 1, 1, 1>}]} {
    %eq3A = arith.constant 0 : i32
    %eq3A_0 = arith.cmpi eq, %arg1, %eq3A : i32
    %convert_element_type3A = arith.extui %eq3A_0 : i1 to i32
    %cond3A = arith.constant 0 : i32
    %cond3A_1 = arith.cmpi ne, %convert_element_type3A, %cond3A : i32
    scf.if %cond3A_1 {
      %broadcast_in_dim3A_4371 = arith.constant -3.000000e+38 : f32
      %broadcast_in_dim3A_4372 = vector.broadcast %broadcast_in_dim3A_4371 : f32 to vector<64x128xf32>
      %swap3A_4373 = arith.constant 0 : index
      %swap3A_4374 = arith.constant 0 : index
      %swap3A_4375 = vector.load %arg24[%swap3A_4373, %swap3A_4374] : memref<64x128xf32, #tpu.memory_space<vmem>>, vector<64x128xf32>
      tpu.vector_store %arg24[%swap3A_4373, %swap3A_4374], %broadcast_in_dim3A_4372 {strides = array<i32>} : memref<64x128xf32, #tpu.memory_space<vmem>>, vector<64x128xf32>,
      %broadcast_in_dim3A_4376 = arith.constant 0.000000e+00 : f32
      %broadcast_in_dim3A_4377 = vector.broadcast %broadcast_in_dim3A_4376 : f32 to vector<64x128xf32>
      %swap3A_4378 = arith.constant 0 : index
      %swap3A_4379 = arith.constant 0 : index
      %swap3A_4380 = vector.load %arg25[%swap3A_4378, %swap3A_4379] : memref<64x128xf32, #tpu.memory_space<vmem>>, vector<64x128xf32>
      tpu.vector_store %arg25[%swap3A_4378, %swap3A_4379], %broadcast_in_dim3A_4377 {strides = array<i32>} : memref<64x128xf32, #tpu.memory_space<vmem>>, vector<64x128xf32>,
      %get3A_4381 = arith.constant 0 : index
      %get3A_4382 = arith.constant 0 : index
      %get3A_4383 = vector.load %arg2[%get3A_4381, %get3A_4382] : memref<64x128xf32, #tpu.memory_space<vmem>>, vector<64x128xf32>
      %get3A_4384 = arith.constant 0 : index
      %get3A_4385 = arith.constant 0 : index
      %get3A_4386 = vector.load %arg4[%get3A_4384, %get3A_4385] : memref<64x1xi32, #tpu.memory_space<vmem>>, vector<64x1xi32>
      %iota3A = tpu.iota {dimensions = array<i32: 1>} : vector<64x128xi32>
      %eq3A_4387 = vector.broadcast %get3A_4386 : vector<64x1xi32> to vector<64x128xi32>
      %eq3A_4388 = arith.cmpi eq, %iota3A, %eq3A_4387 : vector<64x128xi32>
      %jit3A_4389 = arith.constant 0.000000e+00 : f32
      %broadcast_in_dim3A_4390 = vector.broadcast %jit3A_4389 : f32 to vector<64x128xf32>
      %select_n3A_4391 = arith.select %eq3A_4388, %get3A_4383, %broadcast_in_dim3A_4390 : vector<64x128xi1>, vector<64x128xf32>
      %reduce_sum3A = arith.constant dense<0.000000e+00> : vector<64xf32>
      %reduce_sum3A_4392 = vector.multi_reduction <add>, %select_n3A_4391, %reduce_sum3A [1] : vector<64x128xf32> to vector<64xf32>
      %broadcast_in_dim3A_4393 = vector.shape_cast %reduce_sum3A_4392 : vector<64xf32> to vector<64x1xf32>
      %broadcast_in_dim3A_4394 = vector.shape_cast %broadcast_in_dim3A_4393 : vector<64x1xf32> to vector<64x1xf32>
      %broadcast_in_dim3A_4395 = vector.broadcast %broadcast_in_dim3A_4394 : vector<64x1xf32> to vector<64x128xf32>
      %swap3A_4396 = arith.constant 0 : index
      %swap3A_4397 = arith.constant 0 : index
      %swap3A_4398 = vector.load %arg27[%swap3A_4396, %swap3A_4397] : memref<64x128xf32, #tpu.memory_space<vmem>>, vector<64x128xf32>
      tpu.vector_store %arg27[%swap3A_4396, %swap3A_4397], %broadcast_in_dim3A_4395 {strides = array<i32>} : memref<64x128xf32, #tpu.memory_space<vmem>>, vector<64x128xf32>,
    } else {
    }
    %get3A = arith.constant 0 : index
    %get3A_2 = arith.constant 0 : index
    %get3A_3 = vector.load %arg27[%get3A, %get3A_2] : memref<64x128xf32, #tpu.memory_space<vmem>>, vector<64x128xf32>
    %get3A_4 = arith.constant 0 : index
    %get3A_5 = arith.constant 0 : index
    %get3A_6 = vector.load %arg24[%get3A_4, %get3A_5] : memref<64x128xf32, #tpu.memory_space<vmem>>, vector<64x128xf32>
    %get3A_7 = arith.constant 0 : index
    %get3A_8 = arith.constant 0 : index
    %get3A_9 = vector.load %arg5[%get3A_7, %get3A_8] : memref<64x2048xf32, #tpu.memory_space<vmem>>, vector<64x128xf32>
    %get3A_10 = arith.constant 0 : index
    %get3A_11 = arith.constant 0 : index
    %get3A_12 = vector.load %arg14[%get3A_10, %get3A_11] : memref<64x2048xf32, #tpu.memory_space<vmem>>, vector<64x128xf32>
    %ne3A = arith.constant 0.000000e+00 : f32
    %ne3A_13 = vector.broadcast %ne3A : f32 to vector<64x128xf32>
    %ne3A_14 = arith.cmpf one, %get3A_12, %ne3A_13 : vector<64x128xf32>
    %jit3A = arith.constant -1.000000e+04 : f32
    %broadcast_in_dim3A = vector.broadcast %jit3A : f32 to vector<64x128xf32>
    %select_n3A = arith.select %ne3A_14, %get3A_9, %broadcast_in_dim3A : vector<64x128xi1>, vector<64x128xf32>
    %ge3A = arith.cmpf oge, %select_n3A, %get3A_3 : vector<64x128xf32>
    %mul3A = arith.constant 23.3601189 : f32
    %mul3A_15 = vector.broadcast %mul3A : f32 to vector<64x128xf32>
    %mul3A_16 = arith.mulf %mul3A_15, %get3A_9 : vector<64x128xf32>
    %add3A = arith.constant 0.276997447 : f32
    %add3A_17 = vector.broadcast %add3A : f32 to vector<64x128xf32>
    %add3A_18 = arith.addf %mul3A_16, %add3A_17 : vector<64x128xf32>
    %mul3A_19 = arith.constant 23.0831203 : f32
    %mul3A_20 = vector.broadcast %mul3A_19 : f32 to vector<64x128xf32>
    %mul3A_21 = arith.mulf %mul3A_20, %get3A_9 : vector<64x128xf32>
    %select_n3A_22 = arith.select %ge3A, %add3A_18, %mul3A_21 : vector<64x128xi1>, vector<64x128xf32>
    %swap3A = arith.constant 0 : index
    %swap3A_23 = arith.constant 0 : index
    %swap3A_24 = vector.load %arg26[%swap3A, %swap3A_23] : memref<64x2048xf32, #tpu.memory_space<vmem>>, vector<64x128xf32>
    tpu.vector_store %arg26[%swap3A, %swap3A_23], %select_n3A_22 {strides = array<i32>} : memref<64x2048xf32, #tpu.memory_space<vmem>>, vector<64x128xf32>,
    %max3A = arith.maximumf %get3A_6, %select_n3A_22 : vector<64x128xf32>
    %get3A_25 = arith.constant 0 : index
    %get3A_26 = arith.constant 128 : index
    %get3A_27 = vector.load %arg5[%get3A_25, %get3A_26] : memref<64x2048xf32, #tpu.memory_space<vmem>>, vector<64x128xf32>
    %get3A_28 = arith.constant 0 : index
    %get3A_29 = arith.constant 128 : index
    %get3A_30 = vector.load %arg14[%get3A_28, %get3A_29] : memref<64x2048xf32, #tpu.memory_space<vmem>>, vector<64x128xf32>
    %ne3A_31 = arith.constant 0.000000e+00 : f32
    %ne3A_32 = vector.broadcast %ne3A_31 : f32 to vector<64x128xf32>
    %ne3A_33 = arith.cmpf one, %get3A_30, %ne3A_32 : vector<64x128xf32>
    %jit3A_34 = arith.constant -1.000000e+04 : f32
    %broadcast_in_dim3A_35 = vector.broadcast %jit3A_34 : f32 to vector<64x128xf32>
    %select_n3A_36 = arith.select %ne3A_33, %get3A_27, %broadcast_in_dim3A_35 : vector<64x128xi1>, vector<64x128xf32>
    %ge3A_37 = arith.cmpf oge, %select_n3A_36, %get3A_3 : vector<64x128xf32>
    %mul3A_38 = arith.constant 23.3601189 : f32
    %mul3A_39 = vector.broadcast %mul3A_38 : f32 to vector<64x128xf32>
    %mul3A_40 = arith.mulf %mul3A_39, %get3A_27 : vector<64x128xf32>
    %add3A_41 = arith.constant 0.276997447 : f32
    %add3A_42 = vector.broadcast %add3A_41 : f32 to vector<64x128xf32>
    %add3A_43 = arith.addf %mul3A_40, %add3A_42 : vector<64x128xf32>
    %mul3A_44 = arith.constant 23.0831203 : f32
    %mul3A_45 = vector.broadcast %mul3A_44 : f32 to vector<64x128xf32>
    %mul3A_46 = arith.mulf %mul3A_45, %get3A_27 : vector<64x128xf32>
    %select_n3A_47 = arith.select %ge3A_37, %add3A_43, %mul3A_46 : vector<64x128xi1>, vector<64x128xf32>
    %swap3A_48 = arith.constant 0 : index
    %swap3A_49 = arith.constant 128 : index
    %swap3A_50 = vector.load %arg26[%swap3A_48, %swap3A_49] : memref<64x2048xf32, #tpu.memory_space<vmem>>, vector<64x128xf32>
    tpu.vector_store %arg26[%swap3A_48, %swap3A_49], %select_n3A_47 {strides = array<i32>} : memref<64x2048xf32, #tpu.memory_space<vmem>>, vector<64x128xf32>,
    %max3A_51 = arith.maximumf %max3A, %select_n3A_47 : vector<64x128xf32>
    %get3A_52 = arith.constant 0 : index
    %get3A_53 = arith.constant 256 : index
    %get3A_54 = vector.load %arg5[%get3A_52, %get3A_53] : memref<64x2048xf32, #tpu.memory_space<vmem>>, vector<64x128xf32>
    %get3A_55 = arith.constant 0 : index
    %get3A_56 = arith.constant 256 : index
    %get3A_57 = vector.load %arg14[%get3A_55, %get3A_56] : memref<64x2048xf32, #tpu.memory_space<vmem>>, vector<64x128xf32>
    %ne3A_58 = arith.constant 0.000000e+00 : f32
    %ne3A_59 = vector.broadcast %ne3A_58 : f32 to vector<64x128xf32>
    %ne3A_60 = arith.cmpf one, %get3A_57, %ne3A_59 : vector<64x128xf32>
    %jit3A_61 = arith.constant -1.000000e+04 : f32
    %broadcast_in_dim3A_62 = vector.broadcast %jit3A_61 : f32 to vector<64x128xf32>
    %select_n3A_63 = arith.select %ne3A_60, %get3A_54, %broadcast_in_dim3A_62 : vector<64x128xi1>, vector<64x128xf32>
    %ge3A_64 = arith.cmpf oge, %select_n3A_63, %get3A_3 : vector<64x128xf32>
    %mul3A_65 = arith.constant 23.3601189 : f32
    %mul3A_66 = vector.broadcast %mul3A_65 : f32 to vector<64x128xf32>
    %mul3A_67 = arith.mulf %mul3A_66, %get3A_54 : vector<64x128xf32>
    %add3A_68 = arith.constant 0.276997447 : f32
    %add3A_69 = vector.broadcast %add3A_68 : f32 to vector<64x128xf32>
    %add3A_70 = arith.addf %mul3A_67, %add3A_69 : vector<64x128xf32>
    %mul3A_71 = arith.constant 23.0831203 : f32
    %mul3A_72 = vector.broadcast %mul3A_71 : f32 to vector<64x128xf32>
    %mul3A_73 = arith.mulf %mul3A_72, %get3A_54 : vector<64x128xf32>
    %select_n3A_74 = arith.select %ge3A_64, %add3A_70, %mul3A_73 : vector<64x128xi1>, vector<64x128xf32>
    %swap3A_75 = arith.constant 0 : index
    %swap3A_76 = arith.constant 256 : index
    %swap3A_77 = vector.load %arg26[%swap3A_75, %swap3A_76] : memref<64x2048xf32, #tpu.memory_space<vmem>>, vector<64x128xf32>
    tpu.vector_store %arg26[%swap3A_75, %swap3A_76], %select_n3A_74 {strides = array<i32>} : memref<64x2048xf32, #tpu.memory_space<vmem>>, vector<64x128xf32>,
    %max3A_78 = arith.maximumf %max3A_51, %select_n3A_74 : vector<64x128xf32>
    %get3A_79 = arith.constant 0 : index
    %get3A_80 = arith.constant 384 : index
    %get3A_81 = vector.load %arg5[%get3A_79, %get3A_80] : memref<64x2048xf32, #tpu.memory_space<vmem>>, vector<64x128xf32>
    %get3A_82 = arith.constant 0 : index
    %get3A_83 = arith.constant 384 : index
    %get3A_84 = vector.load %arg14[%get3A_82, %get3A_83] : memref<64x2048xf32, #tpu.memory_space<vmem>>, vector<64x128xf32>
    %ne3A_85 = arith.constant 0.000000e+00 : f32
    %ne3A_86 = vector.broadcast %ne3A_85 : f32 to vector<64x128xf32>
    %ne3A_87 = arith.cmpf one, %get3A_84, %ne3A_86 : vector<64x128xf32>
    %jit3A_88 = arith.constant -1.000000e+04 : f32
    %broadcast_in_dim3A_89 = vector.broadcast %jit3A_88 : f32 to vector<64x128xf32>
    %select_n3A_90 = arith.select %ne3A_87, %get3A_81, %broadcast_in_dim3A_89 : vector<64x128xi1>, vector<64x128xf32>
    %ge3A_91 = arith.cmpf oge, %select_n3A_90, %get3A_3 : vector<64x128xf32>
    %mul3A_92 = arith.constant 23.3601189 : f32
    %mul3A_93 = vector.broadcast %mul3A_92 : f32 to vector<64x128xf32>
    %mul3A_94 = arith.mulf %mul3A_93, %get3A_81 : vector<64x128xf32>
    %add3A_95 = arith.constant 0.276997447 : f32
    %add3A_96 = vector.broadcast %add3A_95 : f32 to vector<64x128xf32>
    %add3A_97 = arith.addf %mul3A_94, %add3A_96 : vector<64x128xf32>
    %mul3A_98 = arith.constant 23.0831203 : f32
    %mul3A_99 = vector.broadcast %mul3A_98 : f32 to vector<64x128xf32>
    %mul3A_100 = arith.mulf %mul3A_99, %get3A_81 : vector<64x128xf32>
    %select_n3A_101 = arith.select %ge3A_91, %add3A_97, %mul3A_100 : vector<64x128xi1>, vector<64x128xf32>
    %swap3A_102 = arith.constant 0 : index
    %swap3A_103 = arith.constant 384 : index
    %swap3A_104 = vector.load %arg26[%swap3A_102, %swap3A_103] : memref<64x2048xf32, #tpu.memory_space<vmem>>, vector<64x128xf32>
    tpu.vector_store %arg26[%swap3A_102, %swap3A_103], %select_n3A_101 {strides = array<i32>} : memref<64x2048xf32, #tpu.memory_space<vmem>>, vector<64x128xf32>,
    %max3A_105 = arith.maximumf %max3A_78, %select_n3A_101 : vector<64x128xf32>
    %get3A_106 = arith.constant 0 : index
    %get3A_107 = arith.constant 512 : index
    %get3A_108 = vector.load %arg5[%get3A_106, %get3A_107] : memref<64x2048xf32, #tpu.memory_space<vmem>>, vector<64x128xf32>
    %get3A_109 = arith.constant 0 : index
    %get3A_110 = arith.constant 512 : index
    %get3A_111 = vector.load %arg14[%get3A_109, %get3A_110] : memref<64x2048xf32, #tpu.memory_space<vmem>>, vector<64x128xf32>
    %ne3A_112 = arith.constant 0.000000e+00 : f32
    %ne3A_113 = vector.broadcast %ne3A_112 : f32 to vector<64x128xf32>
    %ne3A_114 = arith.cmpf one, %get3A_111, %ne3A_113 : vector<64x128xf32>
    %jit3A_115 = arith.constant -1.000000e+04 : f32
    %broadcast_in_dim3A_116 = vector.broadcast %jit3A_115 : f32 to vector<64x128xf32>
    %select_n3A_117 = arith.select %ne3A_114, %get3A_108, %broadcast_in_dim3A_116 : vector<64x128xi1>, vector<64x128xf32>
    %ge3A_118 = arith.cmpf oge, %select_n3A_117, %get3A_3 : vector<64x128xf32>
    %mul3A_119 = arith.constant 23.3601189 : f32
    %mul3A_120 = vector.broadcast %mul3A_119 : f32 to vector<64x128xf32>
    %mul3A_121 = arith.mulf %mul3A_120, %get3A_108 : vector<64x128xf32>
    %add3A_122 = arith.constant 0.276997447 : f32
    %add3A_123 = vector.broadcast %add3A_122 : f32 to vector<64x128xf32>
    %add3A_124 = arith.addf %mul3A_121, %add3A_123 : vector<64x128xf32>
    %mul3A_125 = arith.constant 23.0831203 : f32
    %mul3A_126 = vector.broadcast %mul3A_125 : f32 to vector<64x128xf32>
    %mul3A_127 = arith.mulf %mul3A_126, %get3A_108 : vector<64x128xf32>
    %select_n3A_128 = arith.select %ge3A_118, %add3A_124, %mul3A_127 : vector<64x128xi1>, vector<64x128xf32>
    %swap3A_129 = arith.constant 0 : index
    %swap3A_130 = arith.constant 512 : index
    %swap3A_131 = vector.load %arg26[%swap3A_129, %swap3A_130] : memref<64x2048xf32, #tpu.memory_space<vmem>>, vector<64x128xf32>
    tpu.vector_store %arg26[%swap3A_129, %swap3A_130], %select_n3A_128 {strides = array<i32>} : memref<64x2048xf32, #tpu.memory_space<vmem>>, vector<64x128xf32>,
    %max3A_132 = arith.maximumf %max3A_105, %select_n3A_128 : vector<64x128xf32>
    %get3A_133 = arith.constant 0 : index
    %get3A_134 = arith.constant 640 : index
    %get3A_135 = vector.load %arg5[%get3A_133, %get3A_134] : memref<64x2048xf32, #tpu.memory_space<vmem>>, vector<64x128xf32>
    %get3A_136 = arith.constant 0 : index
    %get3A_137 = arith.constant 640 : index
    %get3A_138 = vector.load %arg14[%get3A_136, %get3A_137] : memref<64x2048xf32, #tpu.memory_space<vmem>>, vector<64x128xf32>
    %ne3A_139 = arith.constant 0.000000e+00 : f32
    %ne3A_140 = vector.broadcast %ne3A_139 : f32 to vector<64x128xf32>
    %ne3A_141 = arith.cmpf one, %get3A_138, %ne3A_140 : vector<64x128xf32>
    %jit3A_142 = arith.constant -1.000000e+04 : f32
    %broadcast_in_dim3A_143 = vector.broadcast %jit3A_142 : f32 to vector<64x128xf32>
    %select_n3A_144 = arith.select %ne3A_141, %get3A_135, %broadcast_in_dim3A_143 : vector<64x128xi1>, vector<64x128xf32>
    %ge3A_145 = arith.cmpf oge, %select_n3A_144, %get3A_3 : vector<64x128xf32>
    %mul3A_146 = arith.constant 23.3601189 : f32
    %mul3A_147 = vector.broadcast %mul3A_146 : f32 to vector<64x128xf32>
    %mul3A_148 = arith.mulf %mul3A_147, %get3A_135 : vector<64x128xf32>
    %add3A_149 = arith.constant 0.276997447 : f32
    %add3A_150 = vector.broadcast %add3A_149 : f32 to vector<64x128xf32>
    %add3A_151 = arith.addf %mul3A_148, %add3A_150 : vector<64x128xf32>
    %mul3A_152 = arith.constant 23.0831203 : f32
    %mul3A_153 = vector.broadcast %mul3A_152 : f32 to vector<64x128xf32>
    %mul3A_154 = arith.mulf %mul3A_153, %get3A_135 : vector<64x128xf32>
    %select_n3A_155 = arith.select %ge3A_145, %add3A_151, %mul3A_154 : vector<64x128xi1>, vector<64x128xf32>
    %swap3A_156 = arith.constant 0 : index
    %swap3A_157 = arith.constant 640 : index
    %swap3A_158 = vector.load %arg26[%swap3A_156, %swap3A_157] : memref<64x2048xf32, #tpu.memory_space<vmem>>, vector<64x128xf32>
    tpu.vector_store %arg26[%swap3A_156, %swap3A_157], %select_n3A_155 {strides = array<i32>} : memref<64x2048xf32, #tpu.memory_space<vmem>>, vector<64x128xf32>,
    %max3A_159 = arith.maximumf %max3A_132, %select_n3A_155 : vector<64x128xf32>
    %get3A_160 = arith.constant 0 : index
    %get3A_161 = arith.constant 768 : index
    %get3A_162 = vector.load %arg5[%get3A_160, %get3A_161] : memref<64x2048xf32, #tpu.memory_space<vmem>>, vector<64x128xf32>
    %get3A_163 = arith.constant 0 : index
    %get3A_164 = arith.constant 768 : index
    %get3A_165 = vector.load %arg14[%get3A_163, %get3A_164] : memref<64x2048xf32, #tpu.memory_space<vmem>>, vector<64x128xf32>
    %ne3A_166 = arith.constant 0.000000e+00 : f32
    %ne3A_167 = vector.broadcast %ne3A_166 : f32 to vector<64x128xf32>
    %ne3A_168 = arith.cmpf one, %get3A_165, %ne3A_167 : vector<64x128xf32>
    %jit3A_169 = arith.constant -1.000000e+04 : f32
    %broadcast_in_dim3A_170 = vector.broadcast %jit3A_169 : f32 to vector<64x128xf32>
    %select_n3A_171 = arith.select %ne3A_168, %get3A_162, %broadcast_in_dim3A_170 : vector<64x128xi1>, vector<64x128xf32>
    %ge3A_172 = arith.cmpf oge, %select_n3A_171, %get3A_3 : vector<64x128xf32>
    %mul3A_173 = arith.constant 23.3601189 : f32
    %mul3A_174 = vector.broadcast %mul3A_173 : f32 to vector<64x128xf32>
    %mul3A_175 = arith.mulf %mul3A_174, %get3A_162 : vector<64x128xf32>
    %add3A_176 = arith.constant 0.276997447 : f32
    %add3A_177 = vector.broadcast %add3A_176 : f32 to vector<64x128xf32>
    %add3A_178 = arith.addf %mul3A_175, %add3A_177 : vector<64x128xf32>
    %mul3A_179 = arith.constant 23.0831203 : f32
    %mul3A_180 = vector.broadcast %mul3A_179 : f32 to vector<64x128xf32>
    %mul3A_181 = arith.mulf %mul3A_180, %get3A_162 : vector<64x128xf32>
    %select_n3A_182 = arith.select %ge3A_172, %add3A_178, %mul3A_181 : vector<64x128xi1>, vector<64x128xf32>
    %swap3A_183 = arith.constant 0 : index
    %swap3A_184 = arith.constant 768 : index
    %swap3A_185 = vector.load %arg26[%swap3A_183, %swap3A_184] : memref<64x2048xf32, #tpu.memory_space<vmem>>, vector<64x128xf32>
    tpu.vector_store %arg26[%swap3A_183, %swap3A_184], %select_n3A_182 {strides = array<i32>} : memref<64x2048xf32, #tpu.memory_space<vmem>>, vector<64x128xf32>,
    %max3A_186 = arith.maximumf %max3A_159, %select_n3A_182 : vector<64x128xf32>
    %get3A_187 = arith.constant 0 : index
    %get3A_188 = arith.constant 896 : index
    %get3A_189 = vector.load %arg5[%get3A_187, %get3A_188] : memref<64x2048xf32, #tpu.memory_space<vmem>>, vector<64x128xf32>
    %get3A_190 = arith.constant 0 : index
    %get3A_191 = arith.constant 896 : index
    %get3A_192 = vector.load %arg14[%get3A_190, %get3A_191] : memref<64x2048xf32, #tpu.memory_space<vmem>>, vector<64x128xf32>
    %ne3A_193 = arith.constant 0.000000e+00 : f32
    %ne3A_194 = vector.broadcast %ne3A_193 : f32 to vector<64x128xf32>
    %ne3A_195 = arith.cmpf one, %get3A_192, %ne3A_194 : vector<64x128xf32>
    %jit3A_196 = arith.constant -1.000000e+04 : f32
    %broadcast_in_dim3A_197 = vector.broadcast %jit3A_196 : f32 to vector<64x128xf32>
    %select_n3A_198 = arith.select %ne3A_195, %get3A_189, %broadcast_in_dim3A_197 : vector<64x128xi1>, vector<64x128xf32>
    %ge3A_199 = arith.cmpf oge, %select_n3A_198, %get3A_3 : vector<64x128xf32>
    %mul3A_200 = arith.constant 23.3601189 : f32
    %mul3A_201 = vector.broadcast %mul3A_200 : f32 to vector<64x128xf32>
    %mul3A_202 = arith.mulf %mul3A_201, %get3A_189 : vector<64x128xf32>
    %add3A_203 = arith.constant 0.276997447 : f32
    %add3A_204 = vector.broadcast %add3A_203 : f32 to vector<64x128xf32>
    %add3A_205 = arith.addf %mul3A_202, %add3A_204 : vector<64x128xf32>
    %mul3A_206 = arith.constant 23.0831203 : f32
    %mul3A_207 = vector.broadcast %mul3A_206 : f32 to vector<64x128xf32>
    %mul3A_208 = arith.mulf %mul3A_207, %get3A_189 : vector<64x128xf32>
    %select_n3A_209 = arith.select %ge3A_199, %add3A_205, %mul3A_208 : vector<64x128xi1>, vector<64x128xf32>
    %swap3A_210 = arith.constant 0 : index
    %swap3A_211 = arith.constant 896 : index
    %swap3A_212 = vector.load %arg26[%swap3A_210, %swap3A_211] : memref<64x2048xf32, #tpu.memory_space<vmem>>, vector<64x128xf32>
    tpu.vector_store %arg26[%swap3A_210, %swap3A_211], %select_n3A_209 {strides = array<i32>} : memref<64x2048xf32, #tpu.memory_space<vmem>>, vector<64x128xf32>,
    %max3A_213 = arith.maximumf %max3A_186, %select_n3A_209 : vector<64x128xf32>
    %get3A_214 = arith.constant 0 : index
    %get3A_215 = arith.constant 1024 : index
    %get3A_216 = vector.load %arg5[%get3A_214, %get3A_215] : memref<64x2048xf32, #tpu.memory_space<vmem>>, vector<64x128xf32>
    %get3A_217 = arith.constant 0 : index
    %get3A_218 = arith.constant 1024 : index
    %get3A_219 = vector.load %arg14[%get3A_217, %get3A_218] : memref<64x2048xf32, #tpu.memory_space<vmem>>, vector<64x128xf32>
    %ne3A_220 = arith.constant 0.000000e+00 : f32
    %ne3A_221 = vector.broadcast %ne3A_220 : f32 to vector<64x128xf32>
    %ne3A_222 = arith.cmpf one, %get3A_219, %ne3A_221 : vector<64x128xf32>
    %jit3A_223 = arith.constant -1.000000e+04 : f32
    %broadcast_in_dim3A_224 = vector.broadcast %jit3A_223 : f32 to vector<64x128xf32>
    %select_n3A_225 = arith.select %ne3A_222, %get3A_216, %broadcast_in_dim3A_224 : vector<64x128xi1>, vector<64x128xf32>
    %ge3A_226 = arith.cmpf oge, %select_n3A_225, %get3A_3 : vector<64x128xf32>
    %mul3A_227 = arith.constant 23.3601189 : f32
    %mul3A_228 = vector.broadcast %mul3A_227 : f32 to vector<64x128xf32>
    %mul3A_229 = arith.mulf %mul3A_228, %get3A_216 : vector<64x128xf32>
    %add3A_230 = arith.constant 0.276997447 : f32
    %add3A_231 = vector.broadcast %add3A_230 : f32 to vector<64x128xf32>
    %add3A_232 = arith.addf %mul3A_229, %add3A_231 : vector<64x128xf32>
    %mul3A_233 = arith.constant 23.0831203 : f32
    %mul3A_234 = vector.broadcast %mul3A_233 : f32 to vector<64x128xf32>
    %mul3A_235 = arith.mulf %mul3A_234, %get3A_216 : vector<64x128xf32>
    %select_n3A_236 = arith.select %ge3A_226, %add3A_232, %mul3A_235 : vector<64x128xi1>, vector<64x128xf32>
    %swap3A_237 = arith.constant 0 : index
    %swap3A_238 = arith.constant 1024 : index
    %swap3A_239 = vector.load %arg26[%swap3A_237, %swap3A_238] : memref<64x2048xf32, #tpu.memory_space<vmem>>, vector<64x128xf32>
    tpu.vector_store %arg26[%swap3A_237, %swap3A_238], %select_n3A_236 {strides = array<i32>} : memref<64x2048xf32, #tpu.memory_space<vmem>>, vector<64x128xf32>,
    %max3A_240 = arith.maximumf %max3A_213, %select_n3A_236 : vector<64x128xf32>
    %get3A_241 = arith.constant 0 : index
    %get3A_242 = arith.constant 1152 : index
    %get3A_243 = vector.load %arg5[%get3A_241, %get3A_242] : memref<64x2048xf32, #tpu.memory_space<vmem>>, vector<64x128xf32>
    %get3A_244 = arith.constant 0 : index
    %get3A_245 = arith.constant 1152 : index
    %get3A_246 = vector.load %arg14[%get3A_244, %get3A_245] : memref<64x2048xf32, #tpu.memory_space<vmem>>, vector<64x128xf32>
    %ne3A_247 = arith.constant 0.000000e+00 : f32
    %ne3A_248 = vector.broadcast %ne3A_247 : f32 to vector<64x128xf32>
    %ne3A_249 = arith.cmpf one, %get3A_246, %ne3A_248 : vector<64x128xf32>
    %jit3A_250 = arith.constant -1.000000e+04 : f32
    %broadcast_in_dim3A_251 = vector.broadcast %jit3A_250 : f32 to vector<64x128xf32>
    %select_n3A_252 = arith.select %ne3A_249, %get3A_243, %broadcast_in_dim3A_251 : vector<64x128xi1>, vector<64x128xf32>
    %ge3A_253 = arith.cmpf oge, %select_n3A_252, %get3A_3 : vector<64x128xf32>
    %mul3A_254 = arith.constant 23.3601189 : f32
    %mul3A_255 = vector.broadcast %mul3A_254 : f32 to vector<64x128xf32>
    %mul3A_256 = arith.mulf %mul3A_255, %get3A_243 : vector<64x128xf32>
    %add3A_257 = arith.constant 0.276997447 : f32
    %add3A_258 = vector.broadcast %add3A_257 : f32 to vector<64x128xf32>
    %add3A_259 = arith.addf %mul3A_256, %add3A_258 : vector<64x128xf32>
    %mul3A_260 = arith.constant 23.0831203 : f32
    %mul3A_261 = vector.broadcast %mul3A_260 : f32 to vector<64x128xf32>
    %mul3A_262 = arith.mulf %mul3A_261, %get3A_243 : vector<64x128xf32>
    %select_n3A_263 = arith.select %ge3A_253, %add3A_259, %mul3A_262 : vector<64x128xi1>, vector<64x128xf32>
    %swap3A_264 = arith.constant 0 : index
    %swap3A_265 = arith.constant 1152 : index
    %swap3A_266 = vector.load %arg26[%swap3A_264, %swap3A_265] : memref<64x2048xf32, #tpu.memory_space<vmem>>, vector<64x128xf32>
    tpu.vector_store %arg26[%swap3A_264, %swap3A_265], %select_n3A_263 {strides = array<i32>} : memref<64x2048xf32, #tpu.memory_space<vmem>>, vector<64x128xf32>,
    %max3A_267 = arith.maximumf %max3A_240, %select_n3A_263 : vector<64x128xf32>
    %get3A_268 = arith.constant 0 : index
    %get3A_269 = arith.constant 1280 : index
    %get3A_270 = vector.load %arg5[%get3A_268, %get3A_269] : memref<64x2048xf32, #tpu.memory_space<vmem>>, vector<64x128xf32>
    %get3A_271 = arith.constant 0 : index
    %get3A_272 = arith.constant 1280 : index
    %get3A_273 = vector.load %arg14[%get3A_271, %get3A_272] : memref<64x2048xf32, #tpu.memory_space<vmem>>, vector<64x128xf32>
    %ne3A_274 = arith.constant 0.000000e+00 : f32
    %ne3A_275 = vector.broadcast %ne3A_274 : f32 to vector<64x128xf32>
    %ne3A_276 = arith.cmpf one, %get3A_273, %ne3A_275 : vector<64x128xf32>
    %jit3A_277 = arith.constant -1.000000e+04 : f32
    %broadcast_in_dim3A_278 = vector.broadcast %jit3A_277 : f32 to vector<64x128xf32>
    %select_n3A_279 = arith.select %ne3A_276, %get3A_270, %broadcast_in_dim3A_278 : vector<64x128xi1>, vector<64x128xf32>
    %ge3A_280 = arith.cmpf oge, %select_n3A_279, %get3A_3 : vector<64x128xf32>
    %mul3A_281 = arith.constant 23.3601189 : f32
    %mul3A_282 = vector.broadcast %mul3A_281 : f32 to vector<64x128xf32>
    %mul3A_283 = arith.mulf %mul3A_282, %get3A_270 : vector<64x128xf32>
    %add3A_284 = arith.constant 0.276997447 : f32
    %add3A_285 = vector.broadcast %add3A_284 : f32 to vector<64x128xf32>
    %add3A_286 = arith.addf %mul3A_283, %add3A_285 : vector<64x128xf32>
    %mul3A_287 = arith.constant 23.0831203 : f32
    %mul3A_288 = vector.broadcast %mul3A_287 : f32 to vector<64x128xf32>
    %mul3A_289 = arith.mulf %mul3A_288, %get3A_270 : vector<64x128xf32>
    %select_n3A_290 = arith.select %ge3A_280, %add3A_286, %mul3A_289 : vector<64x128xi1>, vector<64x128xf32>
    %swap3A_291 = arith.constant 0 : index
    %swap3A_292 = arith.constant 1280 : index
    %swap3A_293 = vector.load %arg26[%swap3A_291, %swap3A_292] : memref<64x2048xf32, #tpu.memory_space<vmem>>, vector<64x128xf32>
    tpu.vector_store %arg26[%swap3A_291, %swap3A_292], %select_n3A_290 {strides = array<i32>} : memref<64x2048xf32, #tpu.memory_space<vmem>>, vector<64x128xf32>,
    %max3A_294 = arith.maximumf %max3A_267, %select_n3A_290 : vector<64x128xf32>
    %get3A_295 = arith.constant 0 : index
    %get3A_296 = arith.constant 1408 : index
    %get3A_297 = vector.load %arg5[%get3A_295, %get3A_296] : memref<64x2048xf32, #tpu.memory_space<vmem>>, vector<64x128xf32>
    %get3A_298 = arith.constant 0 : index
    %get3A_299 = arith.constant 1408 : index
    %get3A_300 = vector.load %arg14[%get3A_298, %get3A_299] : memref<64x2048xf32, #tpu.memory_space<vmem>>, vector<64x128xf32>
    %ne3A_301 = arith.constant 0.000000e+00 : f32
    %ne3A_302 = vector.broadcast %ne3A_301 : f32 to vector<64x128xf32>
    %ne3A_303 = arith.cmpf one, %get3A_300, %ne3A_302 : vector<64x128xf32>
    %jit3A_304 = arith.constant -1.000000e+04 : f32
    %broadcast_in_dim3A_305 = vector.broadcast %jit3A_304 : f32 to vector<64x128xf32>
    %select_n3A_306 = arith.select %ne3A_303, %get3A_297, %broadcast_in_dim3A_305 : vector<64x128xi1>, vector<64x128xf32>
    %ge3A_307 = arith.cmpf oge, %select_n3A_306, %get3A_3 : vector<64x128xf32>
    %mul3A_308 = arith.constant 23.3601189 : f32
    %mul3A_309 = vector.broadcast %mul3A_308 : f32 to vector<64x128xf32>
    %mul3A_310 = arith.mulf %mul3A_309, %get3A_297 : vector<64x128xf32>
    %add3A_311 = arith.constant 0.276997447 : f32
    %add3A_312 = vector.broadcast %add3A_311 : f32 to vector<64x128xf32>
    %add3A_313 = arith.addf %mul3A_310, %add3A_312 : vector<64x128xf32>
    %mul3A_314 = arith.constant 23.0831203 : f32
    %mul3A_315 = vector.broadcast %mul3A_314 : f32 to vector<64x128xf32>
    %mul3A_316 = arith.mulf %mul3A_315, %get3A_297 : vector<64x128xf32>
    %select_n3A_317 = arith.select %ge3A_307, %add3A_313, %mul3A_316 : vector<64x128xi1>, vector<64x128xf32>
    %swap3A_318 = arith.constant 0 : index
    %swap3A_319 = arith.constant 1408 : index
    %swap3A_320 = vector.load %arg26[%swap3A_318, %swap3A_319] : memref<64x2048xf32, #tpu.memory_space<vmem>>, vector<64x128xf32>
    tpu.vector_store %arg26[%swap3A_318, %swap3A_319], %select_n3A_317 {strides = array<i32>} : memref<64x2048xf32, #tpu.memory_space<vmem>>, vector<64x128xf32>,
    %max3A_321 = arith.maximumf %max3A_294, %select_n3A_317 : vector<64x128xf32>
    %get3A_322 = arith.constant 0 : index
    %get3A_323 = arith.constant 1536 : index
    %get3A_324 = vector.load %arg5[%get3A_322, %get3A_323] : memref<64x2048xf32, #tpu.memory_space<vmem>>, vector<64x128xf32>
    %get3A_325 = arith.constant 0 : index
    %get3A_326 = arith.constant 1536 : index
    %get3A_327 = vector.load %arg14[%get3A_325, %get3A_326] : memref<64x2048xf32, #tpu.memory_space<vmem>>, vector<64x128xf32>
    %ne3A_328 = arith.constant 0.000000e+00 : f32
    %ne3A_329 = vector.broadcast %ne3A_328 : f32 to vector<64x128xf32>
    %ne3A_330 = arith.cmpf one, %get3A_327, %ne3A_329 : vector<64x128xf32>
    %jit3A_331 = arith.constant -1.000000e+04 : f32
    %broadcast_in_dim3A_332 = vector.broadcast %jit3A_331 : f32 to vector<64x128xf32>
    %select_n3A_333 = arith.select %ne3A_330, %get3A_324, %broadcast_in_dim3A_332 : vector<64x128xi1>, vector<64x128xf32>
    %ge3A_334 = arith.cmpf oge, %select_n3A_333, %get3A_3 : vector<64x128xf32>
    %mul3A_335 = arith.constant 23.3601189 : f32
    %mul3A_336 = vector.broadcast %mul3A_335 : f32 to vector<64x128xf32>
    %mul3A_337 = arith.mulf %mul3A_336, %get3A_324 : vector<64x128xf32>
    %add3A_338 = arith.constant 0.276997447 : f32
    %add3A_339 = vector.broadcast %add3A_338 : f32 to vector<64x128xf32>
    %add3A_340 = arith.addf %mul3A_337, %add3A_339 : vector<64x128xf32>
    %mul3A_341 = arith.constant 23.0831203 : f32
    %mul3A_342 = vector.broadcast %mul3A_341 : f32 to vector<64x128xf32>
    %mul3A_343 = arith.mulf %mul3A_342, %get3A_324 : vector<64x128xf32>
    %select_n3A_344 = arith.select %ge3A_334, %add3A_340, %mul3A_343 : vector<64x128xi1>, vector<64x128xf32>
    %swap3A_345 = arith.constant 0 : index
    %swap3A_346 = arith.constant 1536 : index
    %swap3A_347 = vector.load %arg26[%swap3A_345, %swap3A_346] : memref<64x2048xf32, #tpu.memory_space<vmem>>, vector<64x128xf32>
    tpu.vector_store %arg26[%swap3A_345, %swap3A_346], %select_n3A_344 {strides = array<i32>} : memref<64x2048xf32, #tpu.memory_space<vmem>>, vector<64x128xf32>,
    %max3A_348 = arith.maximumf %max3A_321, %select_n3A_344 : vector<64x128xf32>
    %get3A_349 = arith.constant 0 : index
    %get3A_350 = arith.constant 1664 : index
    %get3A_351 = vector.load %arg5[%get3A_349, %get3A_350] : memref<64x2048xf32, #tpu.memory_space<vmem>>, vector<64x128xf32>
    %get3A_352 = arith.constant 0 : index
    %get3A_353 = arith.constant 1664 : index
    %get3A_354 = vector.load %arg14[%get3A_352, %get3A_353] : memref<64x2048xf32, #tpu.memory_space<vmem>>, vector<64x128xf32>
    %ne3A_355 = arith.constant 0.000000e+00 : f32
    %ne3A_356 = vector.broadcast %ne3A_355 : f32 to vector<64x128xf32>
    %ne3A_357 = arith.cmpf one, %get3A_354, %ne3A_356 : vector<64x128xf32>
    %jit3A_358 = arith.constant -1.000000e+04 : f32
    %broadcast_in_dim3A_359 = vector.broadcast %jit3A_358 : f32 to vector<64x128xf32>
    %select_n3A_360 = arith.select %ne3A_357, %get3A_351, %broadcast_in_dim3A_359 : vector<64x128xi1>, vector<64x128xf32>
    %ge3A_361 = arith.cmpf oge, %select_n3A_360, %get3A_3 : vector<64x128xf32>
    %mul3A_362 = arith.constant 23.3601189 : f32
    %mul3A_363 = vector.broadcast %mul3A_362 : f32 to vector<64x128xf32>
    %mul3A_364 = arith.mulf %mul3A_363, %get3A_351 : vector<64x128xf32>
    %add3A_365 = arith.constant 0.276997447 : f32
    %add3A_366 = vector.broadcast %add3A_365 : f32 to vector<64x128xf32>
    %add3A_367 = arith.addf %mul3A_364, %add3A_366 : vector<64x128xf32>
    %mul3A_368 = arith.constant 23.0831203 : f32
    %mul3A_369 = vector.broadcast %mul3A_368 : f32 to vector<64x128xf32>
    %mul3A_370 = arith.mulf %mul3A_369, %get3A_351 : vector<64x128xf32>
    %select_n3A_371 = arith.select %ge3A_361, %add3A_367, %mul3A_370 : vector<64x128xi1>, vector<64x128xf32>
    %swap3A_372 = arith.constant 0 : index
    %swap3A_373 = arith.constant 1664 : index
    %swap3A_374 = vector.load %arg26[%swap3A_372, %swap3A_373] : memref<64x2048xf32, #tpu.memory_space<vmem>>, vector<64x128xf32>
    tpu.vector_store %arg26[%swap3A_372, %swap3A_373], %select_n3A_371 {strides = array<i32>} : memref<64x2048xf32, #tpu.memory_space<vmem>>, vector<64x128xf32>,
    %max3A_375 = arith.maximumf %max3A_348, %select_n3A_371 : vector<64x128xf32>
    %get3A_376 = arith.constant 0 : index
    %get3A_377 = arith.constant 1792 : index
    %get3A_378 = vector.load %arg5[%get3A_376, %get3A_377] : memref<64x2048xf32, #tpu.memory_space<vmem>>, vector<64x128xf32>
    %get3A_379 = arith.constant 0 : index
    %get3A_380 = arith.constant 1792 : index
    %get3A_381 = vector.load %arg14[%get3A_379, %get3A_380] : memref<64x2048xf32, #tpu.memory_space<vmem>>, vector<64x128xf32>
    %ne3A_382 = arith.constant 0.000000e+00 : f32
    %ne3A_383 = vector.broadcast %ne3A_382 : f32 to vector<64x128xf32>
    %ne3A_384 = arith.cmpf one, %get3A_381, %ne3A_383 : vector<64x128xf32>
    %jit3A_385 = arith.constant -1.000000e+04 : f32
    %broadcast_in_dim3A_386 = vector.broadcast %jit3A_385 : f32 to vector<64x128xf32>
    %select_n3A_387 = arith.select %ne3A_384, %get3A_378, %broadcast_in_dim3A_386 : vector<64x128xi1>, vector<64x128xf32>
    %ge3A_388 = arith.cmpf oge, %select_n3A_387, %get3A_3 : vector<64x128xf32>
    %mul3A_389 = arith.constant 23.3601189 : f32
    %mul3A_390 = vector.broadcast %mul3A_389 : f32 to vector<64x128xf32>
    %mul3A_391 = arith.mulf %mul3A_390, %get3A_378 : vector<64x128xf32>
    %add3A_392 = arith.constant 0.276997447 : f32
    %add3A_393 = vector.broadcast %add3A_392 : f32 to vector<64x128xf32>
    %add3A_394 = arith.addf %mul3A_391, %add3A_393 : vector<64x128xf32>
    %mul3A_395 = arith.constant 23.0831203 : f32
    %mul3A_396 = vector.broadcast %mul3A_395 : f32 to vector<64x128xf32>
    %mul3A_397 = arith.mulf %mul3A_396, %get3A_378 : vector<64x128xf32>
    %select_n3A_398 = arith.select %ge3A_388, %add3A_394, %mul3A_397 : vector<64x128xi1>, vector<64x128xf32>
    %swap3A_399 = arith.constant 0 : index
    %swap3A_400 = arith.constant 1792 : index
    %swap3A_401 = vector.load %arg26[%swap3A_399, %swap3A_400] : memref<64x2048xf32, #tpu.memory_space<vmem>>, vector<64x128xf32>
    tpu.vector_store %arg26[%swap3A_399, %swap3A_400], %select_n3A_398 {strides = array<i32>} : memref<64x2048xf32, #tpu.memory_space<vmem>>, vector<64x128xf32>,
    %max3A_402 = arith.maximumf %max3A_375, %select_n3A_398 : vector<64x128xf32>
    %get3A_403 = arith.constant 0 : index
    %get3A_404 = arith.constant 1920 : index
    %get3A_405 = vector.load %arg5[%get3A_403, %get3A_404] : memref<64x2048xf32, #tpu.memory_space<vmem>>, vector<64x128xf32>
    %get3A_406 = arith.constant 0 : index
    %get3A_407 = arith.constant 1920 : index
    %get3A_408 = vector.load %arg14[%get3A_406, %get3A_407] : memref<64x2048xf32, #tpu.memory_space<vmem>>, vector<64x128xf32>
    %ne3A_409 = arith.constant 0.000000e+00 : f32
    %ne3A_410 = vector.broadcast %ne3A_409 : f32 to vector<64x128xf32>
    %ne3A_411 = arith.cmpf one, %get3A_408, %ne3A_410 : vector<64x128xf32>
    %jit3A_412 = arith.constant -1.000000e+04 : f32
    %broadcast_in_dim3A_413 = vector.broadcast %jit3A_412 : f32 to vector<64x128xf32>
    %select_n3A_414 = arith.select %ne3A_411, %get3A_405, %broadcast_in_dim3A_413 : vector<64x128xi1>, vector<64x128xf32>
    %ge3A_415 = arith.cmpf oge, %select_n3A_414, %get3A_3 : vector<64x128xf32>
    %mul3A_416 = arith.constant 23.3601189 : f32
    %mul3A_417 = vector.broadcast %mul3A_416 : f32 to vector<64x128xf32>
    %mul3A_418 = arith.mulf %mul3A_417, %get3A_405 : vector<64x128xf32>
    %add3A_419 = arith.constant 0.276997447 : f32
    %add3A_420 = vector.broadcast %add3A_419 : f32 to vector<64x128xf32>
    %add3A_421 = arith.addf %mul3A_418, %add3A_420 : vector<64x128xf32>
    %mul3A_422 = arith.constant 23.0831203 : f32
    %mul3A_423 = vector.broadcast %mul3A_422 : f32 to vector<64x128xf32>
    %mul3A_424 = arith.mulf %mul3A_423, %get3A_405 : vector<64x128xf32>
    %select_n3A_425 = arith.select %ge3A_415, %add3A_421, %mul3A_424 : vector<64x128xi1>, vector<64x128xf32>
    %swap3A_426 = arith.constant 0 : index
    %swap3A_427 = arith.constant 1920 : index
    %swap3A_428 = vector.load %arg26[%swap3A_426, %swap3A_427] : memref<64x2048xf32, #tpu.memory_space<vmem>>, vector<64x128xf32>
    tpu.vector_store %arg26[%swap3A_426, %swap3A_427], %select_n3A_425 {strides = array<i32>} : memref<64x2048xf32, #tpu.memory_space<vmem>>, vector<64x128xf32>,
    %max3A_429 = arith.maximumf %max3A_402, %select_n3A_425 : vector<64x128xf32>
    %get3A_430 = arith.constant 0 : index
    %get3A_431 = arith.constant 0 : index
    %get3A_432 = vector.load %arg25[%get3A_430, %get3A_431] : memref<64x128xf32, #tpu.memory_space<vmem>>, vector<64x128xf32>
    %sub3A = arith.subf %get3A_6, %max3A_429 : vector<64x128xf32>
    %exp23A = math.exp2 %sub3A : vector<64x128xf32>
    %mul3A_433 = arith.mulf %get3A_432, %exp23A : vector<64x128xf32>
    %broadcast_in_dim3A_434 = arith.constant 0.000000e+00 : f32
    %broadcast_in_dim3A_435 = vector.broadcast %broadcast_in_dim3A_434 : f32 to vector<64x128xf32>
    %get3A_436 = arith.constant 0 : index
    %get3A_437 = arith.constant 0 : index
    %get3A_438 = vector.load %arg26[%get3A_436, %get3A_437] : memref<64x2048xf32, #tpu.memory_space<vmem>>, vector<64x128xf32>
    %sub3A_439 = arith.subf %get3A_438, %max3A_429 : vector<64x128xf32>
    %exp23A_440 = math.exp2 %sub3A_439 : vector<64x128xf32>
    %add3A_441 = arith.addf %mul3A_433, %exp23A_440 : vector<64x128xf32>
    %get3A_442 = arith.constant 0 : index
    %get3A_443 = arith.constant 128 : index
    %get3A_444 = vector.load %arg26[%get3A_442, %get3A_443] : memref<64x2048xf32, #tpu.memory_space<vmem>>, vector<64x128xf32>
    %sub3A_445 = arith.subf %get3A_444, %max3A_429 : vector<64x128xf32>
    %exp23A_446 = math.exp2 %sub3A_445 : vector<64x128xf32>
    %add3A_447 = arith.addf %broadcast_in_dim3A_435, %exp23A_446 : vector<64x128xf32>
    %get3A_448 = arith.constant 0 : index
    %get3A_449 = arith.constant 256 : index
    %get3A_450 = vector.load %arg26[%get3A_448, %get3A_449] : memref<64x2048xf32, #tpu.memory_space<vmem>>, vector<64x128xf32>
    %sub3A_451 = arith.subf %get3A_450, %max3A_429 : vector<64x128xf32>
    %exp23A_452 = math.exp2 %sub3A_451 : vector<64x128xf32>
    %add3A_453 = arith.addf %add3A_441, %exp23A_452 : vector<64x128xf32>
    %get3A_454 = arith.constant 0 : index
    %get3A_455 = arith.constant 384 : index
    %get3A_456 = vector.load %arg26[%get3A_454, %get3A_455] : memref<64x2048xf32, #tpu.memory_space<vmem>>, vector<64x128xf32>
    %sub3A_457 = arith.subf %get3A_456, %max3A_429 : vector<64x128xf32>
    %exp23A_458 = math.exp2 %sub3A_457 : vector<64x128xf32>
    %add3A_459 = arith.addf %add3A_447, %exp23A_458 : vector<64x128xf32>
    %get3A_460 = arith.constant 0 : index
    %get3A_461 = arith.constant 512 : index
    %get3A_462 = vector.load %arg26[%get3A_460, %get3A_461] : memref<64x2048xf32, #tpu.memory_space<vmem>>, vector<64x128xf32>
    %sub3A_463 = arith.subf %get3A_462, %max3A_429 : vector<64x128xf32>
    %exp23A_464 = math.exp2 %sub3A_463 : vector<64x128xf32>
    %add3A_465 = arith.addf %add3A_453, %exp23A_464 : vector<64x128xf32>
    %get3A_466 = arith.constant 0 : index
    %get3A_467 = arith.constant 640 : index
    %get3A_468 = vector.load %arg26[%get3A_466, %get3A_467] : memref<64x2048xf32, #tpu.memory_space<vmem>>, vector<64x128xf32>
    %sub3A_469 = arith.subf %get3A_468, %max3A_429 : vector<64x128xf32>
    %exp23A_470 = math.exp2 %sub3A_469 : vector<64x128xf32>
    %add3A_471 = arith.addf %add3A_459, %exp23A_470 : vector<64x128xf32>
    %get3A_472 = arith.constant 0 : index
    %get3A_473 = arith.constant 768 : index
    %get3A_474 = vector.load %arg26[%get3A_472, %get3A_473] : memref<64x2048xf32, #tpu.memory_space<vmem>>, vector<64x128xf32>
    %sub3A_475 = arith.subf %get3A_474, %max3A_429 : vector<64x128xf32>
    %exp23A_476 = math.exp2 %sub3A_475 : vector<64x128xf32>
    %add3A_477 = arith.addf %add3A_465, %exp23A_476 : vector<64x128xf32>
    %get3A_478 = arith.constant 0 : index
    %get3A_479 = arith.constant 896 : index
    %get3A_480 = vector.load %arg26[%get3A_478, %get3A_479] : memref<64x2048xf32, #tpu.memory_space<vmem>>, vector<64x128xf32>
    %sub3A_481 = arith.subf %get3A_480, %max3A_429 : vector<64x128xf32>
    %exp23A_482 = math.exp2 %sub3A_481 : vector<64x128xf32>
    %add3A_483 = arith.addf %add3A_471, %exp23A_482 : vector<64x128xf32>
    %get3A_484 = arith.constant 0 : index
    %get3A_485 = arith.constant 1024 : index
    %get3A_486 = vector.load %arg26[%get3A_484, %get3A_485] : memref<64x2048xf32, #tpu.memory_space<vmem>>, vector<64x128xf32>
    %sub3A_487 = arith.subf %get3A_486, %max3A_429 : vector<64x128xf32>
    %exp23A_488 = math.exp2 %sub3A_487 : vector<64x128xf32>
    %add3A_489 = arith.addf %add3A_477, %exp23A_488 : vector<64x128xf32>
    %get3A_490 = arith.constant 0 : index
    %get3A_491 = arith.constant 1152 : index
    %get3A_492 = vector.load %arg26[%get3A_490, %get3A_491] : memref<64x2048xf32, #tpu.memory_space<vmem>>, vector<64x128xf32>
    %sub3A_493 = arith.subf %get3A_492, %max3A_429 : vector<64x128xf32>
    %exp23A_494 = math.exp2 %sub3A_493 : vector<64x128xf32>
    %add3A_495 = arith.addf %add3A_483, %exp23A_494 : vector<64x128xf32>
    %get3A_496 = arith.constant 0 : index
    %get3A_497 = arith.constant 1280 : index
    %get3A_498 = vector.load %arg26[%get3A_496, %get3A_497] : memref<64x2048xf32, #tpu.memory_space<vmem>>, vector<64x128xf32>
    %sub3A_499 = arith.subf %get3A_498, %max3A_429 : vector<64x128xf32>
    %exp23A_500 = math.exp2 %sub3A_499 : vector<64x128xf32>
    %add3A_501 = arith.addf %add3A_489, %exp23A_500 : vector<64x128xf32>
    %get3A_502 = arith.constant 0 : index
    %get3A_503 = arith.constant 1408 : index
    %get3A_504 = vector.load %arg26[%get3A_502, %get3A_503] : memref<64x2048xf32, #tpu.memory_space<vmem>>, vector<64x128xf32>
    %sub3A_505 = arith.subf %get3A_504, %max3A_429 : vector<64x128xf32>
    %exp23A_506 = math.exp2 %sub3A_505 : vector<64x128xf32>
    %add3A_507 = arith.addf %add3A_495, %exp23A_506 : vector<64x128xf32>
    %get3A_508 = arith.constant 0 : index
    %get3A_509 = arith.constant 1536 : index
    %get3A_510 = vector.load %arg26[%get3A_508, %get3A_509] : memref<64x2048xf32, #tpu.memory_space<vmem>>, vector<64x128xf32>
    %sub3A_511 = arith.subf %get3A_510, %max3A_429 : vector<64x128xf32>
    %exp23A_512 = math.exp2 %sub3A_511 : vector<64x128xf32>
    %add3A_513 = arith.addf %add3A_501, %exp23A_512 : vector<64x128xf32>
    %get3A_514 = arith.constant 0 : index
    %get3A_515 = arith.constant 1664 : index
    %get3A_516 = vector.load %arg26[%get3A_514, %get3A_515] : memref<64x2048xf32, #tpu.memory_space<vmem>>, vector<64x128xf32>
    %sub3A_517 = arith.subf %get3A_516, %max3A_429 : vector<64x128xf32>
    %exp23A_518 = math.exp2 %sub3A_517 : vector<64x128xf32>
    %add3A_519 = arith.addf %add3A_507, %exp23A_518 : vector<64x128xf32>
    %get3A_520 = arith.constant 0 : index
    %get3A_521 = arith.constant 1792 : index
    %get3A_522 = vector.load %arg26[%get3A_520, %get3A_521] : memref<64x2048xf32, #tpu.memory_space<vmem>>, vector<64x128xf32>
    %sub3A_523 = arith.subf %get3A_522, %max3A_429 : vector<64x128xf32>
    %exp23A_524 = math.exp2 %sub3A_523 : vector<64x128xf32>
    %add3A_525 = arith.addf %add3A_513, %exp23A_524 : vector<64x128xf32>
    %get3A_526 = arith.constant 0 : index
    %get3A_527 = arith.constant 1920 : index
    %get3A_528 = vector.load %arg26[%get3A_526, %get3A_527] : memref<64x2048xf32, #tpu.memory_space<vmem>>, vector<64x128xf32>
    %sub3A_529 = arith.subf %get3A_528, %max3A_429 : vector<64x128xf32>
    %exp23A_530 = math.exp2 %sub3A_529 : vector<64x128xf32>
    %add3A_531 = arith.addf %add3A_519, %exp23A_530 : vector<64x128xf32>
    %swap3A_532 = arith.constant 0 : index
    %swap3A_533 = arith.constant 0 : index
    %swap3A_534 = vector.load %arg24[%swap3A_532, %swap3A_533] : memref<64x128xf32, #tpu.memory_space<vmem>>, vector<64x128xf32>
    tpu.vector_store %arg24[%swap3A_532, %swap3A_533], %max3A_429 {strides = array<i32>} : memref<64x128xf32, #tpu.memory_space<vmem>>, vector<64x128xf32>,
    %add3A_535 = arith.addf %add3A_525, %add3A_531 : vector<64x128xf32>
    %swap3A_536 = arith.constant 0 : index
    %swap3A_537 = arith.constant 0 : index
    %swap3A_538 = vector.load %arg25[%swap3A_536, %swap3A_537] : memref<64x128xf32, #tpu.memory_space<vmem>>, vector<64x128xf32>
    tpu.vector_store %arg25[%swap3A_536, %swap3A_537], %add3A_535 {strides = array<i32>} : memref<64x128xf32, #tpu.memory_space<vmem>>, vector<64x128xf32>,
    %get3A_539 = arith.constant 0 : index
    %get3A_540 = arith.constant 0 : index
    %get3A_541 = vector.load %arg24[%get3A_539, %get3A_540] : memref<64x128xf32, #tpu.memory_space<vmem>>, vector<64x128xf32>
    %get3A_542 = arith.constant 0 : index
    %get3A_543 = arith.constant 0 : index
    %get3A_544 = vector.load %arg6[%get3A_542, %get3A_543] : memref<64x2048xf32, #tpu.memory_space<vmem>>, vector<64x128xf32>
    %get3A_545 = arith.constant 0 : index
    %get3A_546 = arith.constant 0 : index
    %get3A_547 = vector.load %arg15[%get3A_545, %get3A_546] : memref<64x2048xf32, #tpu.memory_space<vmem>>, vector<64x128xf32>
    %ne3A_548 = arith.constant 0.000000e+00 : f32
    %ne3A_549 = vector.broadcast %ne3A_548 : f32 to vector<64x128xf32>
    %ne3A_550 = arith.cmpf one, %get3A_547, %ne3A_549 : vector<64x128xf32>
    %jit3A_551 = arith.constant -1.000000e+04 : f32
    %broadcast_in_dim3A_552 = vector.broadcast %jit3A_551 : f32 to vector<64x128xf32>
    %select_n3A_553 = arith.select %ne3A_550, %get3A_544, %broadcast_in_dim3A_552 : vector<64x128xi1>, vector<64x128xf32>
    %ge3A_554 = arith.cmpf oge, %select_n3A_553, %get3A_3 : vector<64x128xf32>
    %mul3A_555 = arith.constant 23.3601189 : f32
    %mul3A_556 = vector.broadcast %mul3A_555 : f32 to vector<64x128xf32>
    %mul3A_557 = arith.mulf %mul3A_556, %get3A_544 : vector<64x128xf32>
    %add3A_558 = arith.constant 0.276997447 : f32
    %add3A_559 = vector.broadcast %add3A_558 : f32 to vector<64x128xf32>
    %add3A_560 = arith.addf %mul3A_557, %add3A_559 : vector<64x128xf32>
    %mul3A_561 = arith.constant 23.0831203 : f32
    %mul3A_562 = vector.broadcast %mul3A_561 : f32 to vector<64x128xf32>
    %mul3A_563 = arith.mulf %mul3A_562, %get3A_544 : vector<64x128xf32>
    %select_n3A_564 = arith.select %ge3A_554, %add3A_560, %mul3A_563 : vector<64x128xi1>, vector<64x128xf32>
    %swap3A_565 = arith.constant 0 : index
    %swap3A_566 = arith.constant 0 : index
    %swap3A_567 = vector.load %arg26[%swap3A_565, %swap3A_566] : memref<64x2048xf32, #tpu.memory_space<vmem>>, vector<64x128xf32>
    tpu.vector_store %arg26[%swap3A_565, %swap3A_566], %select_n3A_564 {strides = array<i32>} : memref<64x2048xf32, #tpu.memory_space<vmem>>, vector<64x128xf32>,
    %max3A_568 = arith.maximumf %get3A_541, %select_n3A_564 : vector<64x128xf32>
    %get3A_569 = arith.constant 0 : index
    %get3A_570 = arith.constant 128 : index
    %get3A_571 = vector.load %arg6[%get3A_569, %get3A_570] : memref<64x2048xf32, #tpu.memory_space<vmem>>, vector<64x128xf32>
    %get3A_572 = arith.constant 0 : index
    %get3A_573 = arith.constant 128 : index
    %get3A_574 = vector.load %arg15[%get3A_572, %get3A_573] : memref<64x2048xf32, #tpu.memory_space<vmem>>, vector<64x128xf32>
    %ne3A_575 = arith.constant 0.000000e+00 : f32
    %ne3A_576 = vector.broadcast %ne3A_575 : f32 to vector<64x128xf32>
    %ne3A_577 = arith.cmpf one, %get3A_574, %ne3A_576 : vector<64x128xf32>
    %jit3A_578 = arith.constant -1.000000e+04 : f32
    %broadcast_in_dim3A_579 = vector.broadcast %jit3A_578 : f32 to vector<64x128xf32>
    %select_n3A_580 = arith.select %ne3A_577, %get3A_571, %broadcast_in_dim3A_579 : vector<64x128xi1>, vector<64x128xf32>
    %ge3A_581 = arith.cmpf oge, %select_n3A_580, %get3A_3 : vector<64x128xf32>
    %mul3A_582 = arith.constant 23.3601189 : f32
    %mul3A_583 = vector.broadcast %mul3A_582 : f32 to vector<64x128xf32>
    %mul3A_584 = arith.mulf %mul3A_583, %get3A_571 : vector<64x128xf32>
    %add3A_585 = arith.constant 0.276997447 : f32
    %add3A_586 = vector.broadcast %add3A_585 : f32 to vector<64x128xf32>
    %add3A_587 = arith.addf %mul3A_584, %add3A_586 : vector<64x128xf32>
    %mul3A_588 = arith.constant 23.0831203 : f32
    %mul3A_589 = vector.broadcast %mul3A_588 : f32 to vector<64x128xf32>
    %mul3A_590 = arith.mulf %mul3A_589, %get3A_571 : vector<64x128xf32>
    %select_n3A_591 = arith.select %ge3A_581, %add3A_587, %mul3A_590 : vector<64x128xi1>, vector<64x128xf32>
    %swap3A_592 = arith.constant 0 : index
    %swap3A_593 = arith.constant 128 : index
    %swap3A_594 = vector.load %arg26[%swap3A_592, %swap3A_593] : memref<64x2048xf32, #tpu.memory_space<vmem>>, vector<64x128xf32>
    tpu.vector_store %arg26[%swap3A_592, %swap3A_593], %select_n3A_591 {strides = array<i32>} : memref<64x2048xf32, #tpu.memory_space<vmem>>, vector<64x128xf32>,
    %max3A_595 = arith.maximumf %max3A_568, %select_n3A_591 : vector<64x128xf32>
    %get3A_596 = arith.constant 0 : index
    %get3A_597 = arith.constant 256 : index
    %get3A_598 = vector.load %arg6[%get3A_596, %get3A_597] : memref<64x2048xf32, #tpu.memory_space<vmem>>, vector<64x128xf32>
    %get3A_599 = arith.constant 0 : index
    %get3A_600 = arith.constant 256 : index
    %get3A_601 = vector.load %arg15[%get3A_599, %get3A_600] : memref<64x2048xf32, #tpu.memory_space<vmem>>, vector<64x128xf32>
    %ne3A_602 = arith.constant 0.000000e+00 : f32
    %ne3A_603 = vector.broadcast %ne3A_602 : f32 to vector<64x128xf32>
    %ne3A_604 = arith.cmpf one, %get3A_601, %ne3A_603 : vector<64x128xf32>
    %jit3A_605 = arith.constant -1.000000e+04 : f32
    %broadcast_in_dim3A_606 = vector.broadcast %jit3A_605 : f32 to vector<64x128xf32>
    %select_n3A_607 = arith.select %ne3A_604, %get3A_598, %broadcast_in_dim3A_606 : vector<64x128xi1>, vector<64x128xf32>
    %ge3A_608 = arith.cmpf oge, %select_n3A_607, %get3A_3 : vector<64x128xf32>
    %mul3A_609 = arith.constant 23.3601189 : f32
    %mul3A_610 = vector.broadcast %mul3A_609 : f32 to vector<64x128xf32>
    %mul3A_611 = arith.mulf %mul3A_610, %get3A_598 : vector<64x128xf32>
    %add3A_612 = arith.constant 0.276997447 : f32
    %add3A_613 = vector.broadcast %add3A_612 : f32 to vector<64x128xf32>
    %add3A_614 = arith.addf %mul3A_611, %add3A_613 : vector<64x128xf32>
    %mul3A_615 = arith.constant 23.0831203 : f32
    %mul3A_616 = vector.broadcast %mul3A_615 : f32 to vector<64x128xf32>
    %mul3A_617 = arith.mulf %mul3A_616, %get3A_598 : vector<64x128xf32>
    %select_n3A_618 = arith.select %ge3A_608, %add3A_614, %mul3A_617 : vector<64x128xi1>, vector<64x128xf32>
    %swap3A_619 = arith.constant 0 : index
    %swap3A_620 = arith.constant 256 : index
    %swap3A_621 = vector.load %arg26[%swap3A_619, %swap3A_620] : memref<64x2048xf32, #tpu.memory_space<vmem>>, vector<64x128xf32>
    tpu.vector_store %arg26[%swap3A_619, %swap3A_620], %select_n3A_618 {strides = array<i32>} : memref<64x2048xf32, #tpu.memory_space<vmem>>, vector<64x128xf32>,
    %max3A_622 = arith.maximumf %max3A_595, %select_n3A_618 : vector<64x128xf32>
    %get3A_623 = arith.constant 0 : index
    %get3A_624 = arith.constant 384 : index
    %get3A_625 = vector.load %arg6[%get3A_623, %get3A_624] : memref<64x2048xf32, #tpu.memory_space<vmem>>, vector<64x128xf32>
    %get3A_626 = arith.constant 0 : index
    %get3A_627 = arith.constant 384 : index
    %get3A_628 = vector.load %arg15[%get3A_626, %get3A_627] : memref<64x2048xf32, #tpu.memory_space<vmem>>, vector<64x128xf32>
    %ne3A_629 = arith.constant 0.000000e+00 : f32
    %ne3A_630 = vector.broadcast %ne3A_629 : f32 to vector<64x128xf32>
    %ne3A_631 = arith.cmpf one, %get3A_628, %ne3A_630 : vector<64x128xf32>
    %jit3A_632 = arith.constant -1.000000e+04 : f32
    %broadcast_in_dim3A_633 = vector.broadcast %jit3A_632 : f32 to vector<64x128xf32>
    %select_n3A_634 = arith.select %ne3A_631, %get3A_625, %broadcast_in_dim3A_633 : vector<64x128xi1>, vector<64x128xf32>
    %ge3A_635 = arith.cmpf oge, %select_n3A_634, %get3A_3 : vector<64x128xf32>
    %mul3A_636 = arith.constant 23.3601189 : f32
    %mul3A_637 = vector.broadcast %mul3A_636 : f32 to vector<64x128xf32>
    %mul3A_638 = arith.mulf %mul3A_637, %get3A_625 : vector<64x128xf32>
    %add3A_639 = arith.constant 0.276997447 : f32
    %add3A_640 = vector.broadcast %add3A_639 : f32 to vector<64x128xf32>
    %add3A_641 = arith.addf %mul3A_638, %add3A_640 : vector<64x128xf32>
    %mul3A_642 = arith.constant 23.0831203 : f32
    %mul3A_643 = vector.broadcast %mul3A_642 : f32 to vector<64x128xf32>
    %mul3A_644 = arith.mulf %mul3A_643, %get3A_625 : vector<64x128xf32>
    %select_n3A_645 = arith.select %ge3A_635, %add3A_641, %mul3A_644 : vector<64x128xi1>, vector<64x128xf32>
    %swap3A_646 = arith.constant 0 : index
    %swap3A_647 = arith.constant 384 : index
    %swap3A_648 = vector.load %arg26[%swap3A_646, %swap3A_647] : memref<64x2048xf32, #tpu.memory_space<vmem>>, vector<64x128xf32>
    tpu.vector_store %arg26[%swap3A_646, %swap3A_647], %select_n3A_645 {strides = array<i32>} : memref<64x2048xf32, #tpu.memory_space<vmem>>, vector<64x128xf32>,
    %max3A_649 = arith.maximumf %max3A_622, %select_n3A_645 : vector<64x128xf32>
    %get3A_650 = arith.constant 0 : index
    %get3A_651 = arith.constant 512 : index
    %get3A_652 = vector.load %arg6[%get3A_650, %get3A_651] : memref<64x2048xf32, #tpu.memory_space<vmem>>, vector<64x128xf32>
    %get3A_653 = arith.constant 0 : index
    %get3A_654 = arith.constant 512 : index
    %get3A_655 = vector.load %arg15[%get3A_653, %get3A_654] : memref<64x2048xf32, #tpu.memory_space<vmem>>, vector<64x128xf32>
    %ne3A_656 = arith.constant 0.000000e+00 : f32
    %ne3A_657 = vector.broadcast %ne3A_656 : f32 to vector<64x128xf32>
    %ne3A_658 = arith.cmpf one, %get3A_655, %ne3A_657 : vector<64x128xf32>
    %jit3A_659 = arith.constant -1.000000e+04 : f32
    %broadcast_in_dim3A_660 = vector.broadcast %jit3A_659 : f32 to vector<64x128xf32>
    %select_n3A_661 = arith.select %ne3A_658, %get3A_652, %broadcast_in_dim3A_660 : vector<64x128xi1>, vector<64x128xf32>
    %ge3A_662 = arith.cmpf oge, %select_n3A_661, %get3A_3 : vector<64x128xf32>
    %mul3A_663 = arith.constant 23.3601189 : f32
    %mul3A_664 = vector.broadcast %mul3A_663 : f32 to vector<64x128xf32>
    %mul3A_665 = arith.mulf %mul3A_664, %get3A_652 : vector<64x128xf32>
    %add3A_666 = arith.constant 0.276997447 : f32
    %add3A_667 = vector.broadcast %add3A_666 : f32 to vector<64x128xf32>
    %add3A_668 = arith.addf %mul3A_665, %add3A_667 : vector<64x128xf32>
    %mul3A_669 = arith.constant 23.0831203 : f32
    %mul3A_670 = vector.broadcast %mul3A_669 : f32 to vector<64x128xf32>
    %mul3A_671 = arith.mulf %mul3A_670, %get3A_652 : vector<64x128xf32>
    %select_n3A_672 = arith.select %ge3A_662, %add3A_668, %mul3A_671 : vector<64x128xi1>, vector<64x128xf32>
    %swap3A_673 = arith.constant 0 : index
    %swap3A_674 = arith.constant 512 : index
    %swap3A_675 = vector.load %arg26[%swap3A_673, %swap3A_674] : memref<64x2048xf32, #tpu.memory_space<vmem>>, vector<64x128xf32>
    tpu.vector_store %arg26[%swap3A_673, %swap3A_674], %select_n3A_672 {strides = array<i32>} : memref<64x2048xf32, #tpu.memory_space<vmem>>, vector<64x128xf32>,
    %max3A_676 = arith.maximumf %max3A_649, %select_n3A_672 : vector<64x128xf32>
    %get3A_677 = arith.constant 0 : index
    %get3A_678 = arith.constant 640 : index
    %get3A_679 = vector.load %arg6[%get3A_677, %get3A_678] : memref<64x2048xf32, #tpu.memory_space<vmem>>, vector<64x128xf32>
    %get3A_680 = arith.constant 0 : index
    %get3A_681 = arith.constant 640 : index
    %get3A_682 = vector.load %arg15[%get3A_680, %get3A_681] : memref<64x2048xf32, #tpu.memory_space<vmem>>, vector<64x128xf32>
    %ne3A_683 = arith.constant 0.000000e+00 : f32
    %ne3A_684 = vector.broadcast %ne3A_683 : f32 to vector<64x128xf32>
    %ne3A_685 = arith.cmpf one, %get3A_682, %ne3A_684 : vector<64x128xf32>
    %jit3A_686 = arith.constant -1.000000e+04 : f32
    %broadcast_in_dim3A_687 = vector.broadcast %jit3A_686 : f32 to vector<64x128xf32>
    %select_n3A_688 = arith.select %ne3A_685, %get3A_679, %broadcast_in_dim3A_687 : vector<64x128xi1>, vector<64x128xf32>
    %ge3A_689 = arith.cmpf oge, %select_n3A_688, %get3A_3 : vector<64x128xf32>
    %mul3A_690 = arith.constant 23.3601189 : f32
    %mul3A_691 = vector.broadcast %mul3A_690 : f32 to vector<64x128xf32>
    %mul3A_692 = arith.mulf %mul3A_691, %get3A_679 : vector<64x128xf32>
    %add3A_693 = arith.constant 0.276997447 : f32
    %add3A_694 = vector.broadcast %add3A_693 : f32 to vector<64x128xf32>
    %add3A_695 = arith.addf %mul3A_692, %add3A_694 : vector<64x128xf32>
    %mul3A_696 = arith.constant 23.0831203 : f32
    %mul3A_697 = vector.broadcast %mul3A_696 : f32 to vector<64x128xf32>
    %mul3A_698 = arith.mulf %mul3A_697, %get3A_679 : vector<64x128xf32>
    %select_n3A_699 = arith.select %ge3A_689, %add3A_695, %mul3A_698 : vector<64x128xi1>, vector<64x128xf32>
    %swap3A_700 = arith.constant 0 : index
    %swap3A_701 = arith.constant 640 : index
    %swap3A_702 = vector.load %arg26[%swap3A_700, %swap3A_701] : memref<64x2048xf32, #tpu.memory_space<vmem>>, vector<64x128xf32>
    tpu.vector_store %arg26[%swap3A_700, %swap3A_701], %select_n3A_699 {strides = array<i32>} : memref<64x2048xf32, #tpu.memory_space<vmem>>, vector<64x128xf32>,
    %max3A_703 = arith.maximumf %max3A_676, %select_n3A_699 : vector<64x128xf32>
    %get3A_704 = arith.constant 0 : index
    %get3A_705 = arith.constant 768 : index
    %get3A_706 = vector.load %arg6[%get3A_704, %get3A_705] : memref<64x2048xf32, #tpu.memory_space<vmem>>, vector<64x128xf32>
    %get3A_707 = arith.constant 0 : index
    %get3A_708 = arith.constant 768 : index
    %get3A_709 = vector.load %arg15[%get3A_707, %get3A_708] : memref<64x2048xf32, #tpu.memory_space<vmem>>, vector<64x128xf32>
    %ne3A_710 = arith.constant 0.000000e+00 : f32
    %ne3A_711 = vector.broadcast %ne3A_710 : f32 to vector<64x128xf32>
    %ne3A_712 = arith.cmpf one, %get3A_709, %ne3A_711 : vector<64x128xf32>
    %jit3A_713 = arith.constant -1.000000e+04 : f32
    %broadcast_in_dim3A_714 = vector.broadcast %jit3A_713 : f32 to vector<64x128xf32>
    %select_n3A_715 = arith.select %ne3A_712, %get3A_706, %broadcast_in_dim3A_714 : vector<64x128xi1>, vector<64x128xf32>
    %ge3A_716 = arith.cmpf oge, %select_n3A_715, %get3A_3 : vector<64x128xf32>
    %mul3A_717 = arith.constant 23.3601189 : f32
    %mul3A_718 = vector.broadcast %mul3A_717 : f32 to vector<64x128xf32>
    %mul3A_719 = arith.mulf %mul3A_718, %get3A_706 : vector<64x128xf32>
    %add3A_720 = arith.constant 0.276997447 : f32
    %add3A_721 = vector.broadcast %add3A_720 : f32 to vector<64x128xf32>
    %add3A_722 = arith.addf %mul3A_719, %add3A_721 : vector<64x128xf32>
    %mul3A_723 = arith.constant 23.0831203 : f32
    %mul3A_724 = vector.broadcast %mul3A_723 : f32 to vector<64x128xf32>
    %mul3A_725 = arith.mulf %mul3A_724, %get3A_706 : vector<64x128xf32>
    %select_n3A_726 = arith.select %ge3A_716, %add3A_722, %mul3A_725 : vector<64x128xi1>, vector<64x128xf32>
    %swap3A_727 = arith.constant 0 : index
    %swap3A_728 = arith.constant 768 : index
    %swap3A_729 = vector.load %arg26[%swap3A_727, %swap3A_728] : memref<64x2048xf32, #tpu.memory_space<vmem>>, vector<64x128xf32>
    tpu.vector_store %arg26[%swap3A_727, %swap3A_728], %select_n3A_726 {strides = array<i32>} : memref<64x2048xf32, #tpu.memory_space<vmem>>, vector<64x128xf32>,
    %max3A_730 = arith.maximumf %max3A_703, %select_n3A_726 : vector<64x128xf32>
    %get3A_731 = arith.constant 0 : index
    %get3A_732 = arith.constant 896 : index
    %get3A_733 = vector.load %arg6[%get3A_731, %get3A_732] : memref<64x2048xf32, #tpu.memory_space<vmem>>, vector<64x128xf32>
    %get3A_734 = arith.constant 0 : index
    %get3A_735 = arith.constant 896 : index
    %get3A_736 = vector.load %arg15[%get3A_734, %get3A_735] : memref<64x2048xf32, #tpu.memory_space<vmem>>, vector<64x128xf32>
    %ne3A_737 = arith.constant 0.000000e+00 : f32
    %ne3A_738 = vector.broadcast %ne3A_737 : f32 to vector<64x128xf32>
    %ne3A_739 = arith.cmpf one, %get3A_736, %ne3A_738 : vector<64x128xf32>
    %jit3A_740 = arith.constant -1.000000e+04 : f32
    %broadcast_in_dim3A_741 = vector.broadcast %jit3A_740 : f32 to vector<64x128xf32>
    %select_n3A_742 = arith.select %ne3A_739, %get3A_733, %broadcast_in_dim3A_741 : vector<64x128xi1>, vector<64x128xf32>
    %ge3A_743 = arith.cmpf oge, %select_n3A_742, %get3A_3 : vector<64x128xf32>
    %mul3A_744 = arith.constant 23.3601189 : f32
    %mul3A_745 = vector.broadcast %mul3A_744 : f32 to vector<64x128xf32>
    %mul3A_746 = arith.mulf %mul3A_745, %get3A_733 : vector<64x128xf32>
    %add3A_747 = arith.constant 0.276997447 : f32
    %add3A_748 = vector.broadcast %add3A_747 : f32 to vector<64x128xf32>
    %add3A_749 = arith.addf %mul3A_746, %add3A_748 : vector<64x128xf32>
    %mul3A_750 = arith.constant 23.0831203 : f32
    %mul3A_751 = vector.broadcast %mul3A_750 : f32 to vector<64x128xf32>
    %mul3A_752 = arith.mulf %mul3A_751, %get3A_733 : vector<64x128xf32>
    %select_n3A_753 = arith.select %ge3A_743, %add3A_749, %mul3A_752 : vector<64x128xi1>, vector<64x128xf32>
    %swap3A_754 = arith.constant 0 : index
    %swap3A_755 = arith.constant 896 : index
    %swap3A_756 = vector.load %arg26[%swap3A_754, %swap3A_755] : memref<64x2048xf32, #tpu.memory_space<vmem>>, vector<64x128xf32>
    tpu.vector_store %arg26[%swap3A_754, %swap3A_755], %select_n3A_753 {strides = array<i32>} : memref<64x2048xf32, #tpu.memory_space<vmem>>, vector<64x128xf32>,
    %max3A_757 = arith.maximumf %max3A_730, %select_n3A_753 : vector<64x128xf32>
    %get3A_758 = arith.constant 0 : index
    %get3A_759 = arith.constant 1024 : index
    %get3A_760 = vector.load %arg6[%get3A_758, %get3A_759] : memref<64x2048xf32, #tpu.memory_space<vmem>>, vector<64x128xf32>
    %get3A_761 = arith.constant 0 : index
    %get3A_762 = arith.constant 1024 : index
    %get3A_763 = vector.load %arg15[%get3A_761, %get3A_762] : memref<64x2048xf32, #tpu.memory_space<vmem>>, vector<64x128xf32>
    %ne3A_764 = arith.constant 0.000000e+00 : f32
    %ne3A_765 = vector.broadcast %ne3A_764 : f32 to vector<64x128xf32>
    %ne3A_766 = arith.cmpf one, %get3A_763, %ne3A_765 : vector<64x128xf32>
    %jit3A_767 = arith.constant -1.000000e+04 : f32
    %broadcast_in_dim3A_768 = vector.broadcast %jit3A_767 : f32 to vector<64x128xf32>
    %select_n3A_769 = arith.select %ne3A_766, %get3A_760, %broadcast_in_dim3A_768 : vector<64x128xi1>, vector<64x128xf32>
    %ge3A_770 = arith.cmpf oge, %select_n3A_769, %get3A_3 : vector<64x128xf32>
    %mul3A_771 = arith.constant 23.3601189 : f32
    %mul3A_772 = vector.broadcast %mul3A_771 : f32 to vector<64x128xf32>
    %mul3A_773 = arith.mulf %mul3A_772, %get3A_760 : vector<64x128xf32>
    %add3A_774 = arith.constant 0.276997447 : f32
    %add3A_775 = vector.broadcast %add3A_774 : f32 to vector<64x128xf32>
    %add3A_776 = arith.addf %mul3A_773, %add3A_775 : vector<64x128xf32>
    %mul3A_777 = arith.constant 23.0831203 : f32
    %mul3A_778 = vector.broadcast %mul3A_777 : f32 to vector<64x128xf32>
    %mul3A_779 = arith.mulf %mul3A_778, %get3A_760 : vector<64x128xf32>
    %select_n3A_780 = arith.select %ge3A_770, %add3A_776, %mul3A_779 : vector<64x128xi1>, vector<64x128xf32>
    %swap3A_781 = arith.constant 0 : index
    %swap3A_782 = arith.constant 1024 : index
    %swap3A_783 = vector.load %arg26[%swap3A_781, %swap3A_782] : memref<64x2048xf32, #tpu.memory_space<vmem>>, vector<64x128xf32>
    tpu.vector_store %arg26[%swap3A_781, %swap3A_782], %select_n3A_780 {strides = array<i32>} : memref<64x2048xf32, #tpu.memory_space<vmem>>, vector<64x128xf32>,
    %max3A_784 = arith.maximumf %max3A_757, %select_n3A_780 : vector<64x128xf32>
    %get3A_785 = arith.constant 0 : index
    %get3A_786 = arith.constant 1152 : index
    %get3A_787 = vector.load %arg6[%get3A_785, %get3A_786] : memref<64x2048xf32, #tpu.memory_space<vmem>>, vector<64x128xf32>
    %get3A_788 = arith.constant 0 : index
    %get3A_789 = arith.constant 1152 : index
    %get3A_790 = vector.load %arg15[%get3A_788, %get3A_789] : memref<64x2048xf32, #tpu.memory_space<vmem>>, vector<64x128xf32>
    %ne3A_791 = arith.constant 0.000000e+00 : f32
    %ne3A_792 = vector.broadcast %ne3A_791 : f32 to vector<64x128xf32>
    %ne3A_793 = arith.cmpf one, %get3A_790, %ne3A_792 : vector<64x128xf32>
    %jit3A_794 = arith.constant -1.000000e+04 : f32
    %broadcast_in_dim3A_795 = vector.broadcast %jit3A_794 : f32 to vector<64x128xf32>
    %select_n3A_796 = arith.select %ne3A_793, %get3A_787, %broadcast_in_dim3A_795 : vector<64x128xi1>, vector<64x128xf32>
    %ge3A_797 = arith.cmpf oge, %select_n3A_796, %get3A_3 : vector<64x128xf32>
    %mul3A_798 = arith.constant 23.3601189 : f32
    %mul3A_799 = vector.broadcast %mul3A_798 : f32 to vector<64x128xf32>
    %mul3A_800 = arith.mulf %mul3A_799, %get3A_787 : vector<64x128xf32>
    %add3A_801 = arith.constant 0.276997447 : f32
    %add3A_802 = vector.broadcast %add3A_801 : f32 to vector<64x128xf32>
    %add3A_803 = arith.addf %mul3A_800, %add3A_802 : vector<64x128xf32>
    %mul3A_804 = arith.constant 23.0831203 : f32
    %mul3A_805 = vector.broadcast %mul3A_804 : f32 to vector<64x128xf32>
    %mul3A_806 = arith.mulf %mul3A_805, %get3A_787 : vector<64x128xf32>
    %select_n3A_807 = arith.select %ge3A_797, %add3A_803, %mul3A_806 : vector<64x128xi1>, vector<64x128xf32>
    %swap3A_808 = arith.constant 0 : index
    %swap3A_809 = arith.constant 1152 : index
    %swap3A_810 = vector.load %arg26[%swap3A_808, %swap3A_809] : memref<64x2048xf32, #tpu.memory_space<vmem>>, vector<64x128xf32>
    tpu.vector_store %arg26[%swap3A_808, %swap3A_809], %select_n3A_807 {strides = array<i32>} : memref<64x2048xf32, #tpu.memory_space<vmem>>, vector<64x128xf32>,
    %max3A_811 = arith.maximumf %max3A_784, %select_n3A_807 : vector<64x128xf32>
    %get3A_812 = arith.constant 0 : index
    %get3A_813 = arith.constant 1280 : index
    %get3A_814 = vector.load %arg6[%get3A_812, %get3A_813] : memref<64x2048xf32, #tpu.memory_space<vmem>>, vector<64x128xf32>
    %get3A_815 = arith.constant 0 : index
    %get3A_816 = arith.constant 1280 : index
    %get3A_817 = vector.load %arg15[%get3A_815, %get3A_816] : memref<64x2048xf32, #tpu.memory_space<vmem>>, vector<64x128xf32>
    %ne3A_818 = arith.constant 0.000000e+00 : f32
    %ne3A_819 = vector.broadcast %ne3A_818 : f32 to vector<64x128xf32>
    %ne3A_820 = arith.cmpf one, %get3A_817, %ne3A_819 : vector<64x128xf32>
    %jit3A_821 = arith.constant -1.000000e+04 : f32
    %broadcast_in_dim3A_822 = vector.broadcast %jit3A_821 : f32 to vector<64x128xf32>
    %select_n3A_823 = arith.select %ne3A_820, %get3A_814, %broadcast_in_dim3A_822 : vector<64x128xi1>, vector<64x128xf32>
    %ge3A_824 = arith.cmpf oge, %select_n3A_823, %get3A_3 : vector<64x128xf32>
    %mul3A_825 = arith.constant 23.3601189 : f32
    %mul3A_826 = vector.broadcast %mul3A_825 : f32 to vector<64x128xf32>
    %mul3A_827 = arith.mulf %mul3A_826, %get3A_814 : vector<64x128xf32>
    %add3A_828 = arith.constant 0.276997447 : f32
    %add3A_829 = vector.broadcast %add3A_828 : f32 to vector<64x128xf32>
    %add3A_830 = arith.addf %mul3A_827, %add3A_829 : vector<64x128xf32>
    %mul3A_831 = arith.constant 23.0831203 : f32
    %mul3A_832 = vector.broadcast %mul3A_831 : f32 to vector<64x128xf32>
    %mul3A_833 = arith.mulf %mul3A_832, %get3A_814 : vector<64x128xf32>
    %select_n3A_834 = arith.select %ge3A_824, %add3A_830, %mul3A_833 : vector<64x128xi1>, vector<64x128xf32>
    %swap3A_835 = arith.constant 0 : index
    %swap3A_836 = arith.constant 1280 : index
    %swap3A_837 = vector.load %arg26[%swap3A_835, %swap3A_836] : memref<64x2048xf32, #tpu.memory_space<vmem>>, vector<64x128xf32>
    tpu.vector_store %arg26[%swap3A_835, %swap3A_836], %select_n3A_834 {strides = array<i32>} : memref<64x2048xf32, #tpu.memory_space<vmem>>, vector<64x128xf32>,
    %max3A_838 = arith.maximumf %max3A_811, %select_n3A_834 : vector<64x128xf32>
    %get3A_839 = arith.constant 0 : index
    %get3A_840 = arith.constant 1408 : index
    %get3A_841 = vector.load %arg6[%get3A_839, %get3A_840] : memref<64x2048xf32, #tpu.memory_space<vmem>>, vector<64x128xf32>
    %get3A_842 = arith.constant 0 : index
    %get3A_843 = arith.constant 1408 : index
    %get3A_844 = vector.load %arg15[%get3A_842, %get3A_843] : memref<64x2048xf32, #tpu.memory_space<vmem>>, vector<64x128xf32>
    %ne3A_845 = arith.constant 0.000000e+00 : f32
    %ne3A_846 = vector.broadcast %ne3A_845 : f32 to vector<64x128xf32>
    %ne3A_847 = arith.cmpf one, %get3A_844, %ne3A_846 : vector<64x128xf32>
    %jit3A_848 = arith.constant -1.000000e+04 : f32
    %broadcast_in_dim3A_849 = vector.broadcast %jit3A_848 : f32 to vector<64x128xf32>
    %select_n3A_850 = arith.select %ne3A_847, %get3A_841, %broadcast_in_dim3A_849 : vector<64x128xi1>, vector<64x128xf32>
    %ge3A_851 = arith.cmpf oge, %select_n3A_850, %get3A_3 : vector<64x128xf32>
    %mul3A_852 = arith.constant 23.3601189 : f32
    %mul3A_853 = vector.broadcast %mul3A_852 : f32 to vector<64x128xf32>
    %mul3A_854 = arith.mulf %mul3A_853, %get3A_841 : vector<64x128xf32>
    %add3A_855 = arith.constant 0.276997447 : f32
    %add3A_856 = vector.broadcast %add3A_855 : f32 to vector<64x128xf32>
    %add3A_857 = arith.addf %mul3A_854, %add3A_856 : vector<64x128xf32>
    %mul3A_858 = arith.constant 23.0831203 : f32
    %mul3A_859 = vector.broadcast %mul3A_858 : f32 to vector<64x128xf32>
    %mul3A_860 = arith.mulf %mul3A_859, %get3A_841 : vector<64x128xf32>
    %select_n3A_861 = arith.select %ge3A_851, %add3A_857, %mul3A_860 : vector<64x128xi1>, vector<64x128xf32>
    %swap3A_862 = arith.constant 0 : index
    %swap3A_863 = arith.constant 1408 : index
    %swap3A_864 = vector.load %arg26[%swap3A_862, %swap3A_863] : memref<64x2048xf32, #tpu.memory_space<vmem>>, vector<64x128xf32>
    tpu.vector_store %arg26[%swap3A_862, %swap3A_863], %select_n3A_861 {strides = array<i32>} : memref<64x2048xf32, #tpu.memory_space<vmem>>, vector<64x128xf32>,
    %max3A_865 = arith.maximumf %max3A_838, %select_n3A_861 : vector<64x128xf32>
    %get3A_866 = arith.constant 0 : index
    %get3A_867 = arith.constant 1536 : index
    %get3A_868 = vector.load %arg6[%get3A_866, %get3A_867] : memref<64x2048xf32, #tpu.memory_space<vmem>>, vector<64x128xf32>
    %get3A_869 = arith.constant 0 : index
    %get3A_870 = arith.constant 1536 : index
    %get3A_871 = vector.load %arg15[%get3A_869, %get3A_870] : memref<64x2048xf32, #tpu.memory_space<vmem>>, vector<64x128xf32>
    %ne3A_872 = arith.constant 0.000000e+00 : f32
    %ne3A_873 = vector.broadcast %ne3A_872 : f32 to vector<64x128xf32>
    %ne3A_874 = arith.cmpf one, %get3A_871, %ne3A_873 : vector<64x128xf32>
    %jit3A_875 = arith.constant -1.000000e+04 : f32
    %broadcast_in_dim3A_876 = vector.broadcast %jit3A_875 : f32 to vector<64x128xf32>
    %select_n3A_877 = arith.select %ne3A_874, %get3A_868, %broadcast_in_dim3A_876 : vector<64x128xi1>, vector<64x128xf32>
    %ge3A_878 = arith.cmpf oge, %select_n3A_877, %get3A_3 : vector<64x128xf32>
    %mul3A_879 = arith.constant 23.3601189 : f32
    %mul3A_880 = vector.broadcast %mul3A_879 : f32 to vector<64x128xf32>
    %mul3A_881 = arith.mulf %mul3A_880, %get3A_868 : vector<64x128xf32>
    %add3A_882 = arith.constant 0.276997447 : f32
    %add3A_883 = vector.broadcast %add3A_882 : f32 to vector<64x128xf32>
    %add3A_884 = arith.addf %mul3A_881, %add3A_883 : vector<64x128xf32>
    %mul3A_885 = arith.constant 23.0831203 : f32
    %mul3A_886 = vector.broadcast %mul3A_885 : f32 to vector<64x128xf32>
    %mul3A_887 = arith.mulf %mul3A_886, %get3A_868 : vector<64x128xf32>
    %select_n3A_888 = arith.select %ge3A_878, %add3A_884, %mul3A_887 : vector<64x128xi1>, vector<64x128xf32>
    %swap3A_889 = arith.constant 0 : index
    %swap3A_890 = arith.constant 1536 : index
    %swap3A_891 = vector.load %arg26[%swap3A_889, %swap3A_890] : memref<64x2048xf32, #tpu.memory_space<vmem>>, vector<64x128xf32>
    tpu.vector_store %arg26[%swap3A_889, %swap3A_890], %select_n3A_888 {strides = array<i32>} : memref<64x2048xf32, #tpu.memory_space<vmem>>, vector<64x128xf32>,
    %max3A_892 = arith.maximumf %max3A_865, %select_n3A_888 : vector<64x128xf32>
    %get3A_893 = arith.constant 0 : index
    %get3A_894 = arith.constant 1664 : index
    %get3A_895 = vector.load %arg6[%get3A_893, %get3A_894] : memref<64x2048xf32, #tpu.memory_space<vmem>>, vector<64x128xf32>
    %get3A_896 = arith.constant 0 : index
    %get3A_897 = arith.constant 1664 : index
    %get3A_898 = vector.load %arg15[%get3A_896, %get3A_897] : memref<64x2048xf32, #tpu.memory_space<vmem>>, vector<64x128xf32>
    %ne3A_899 = arith.constant 0.000000e+00 : f32
    %ne3A_900 = vector.broadcast %ne3A_899 : f32 to vector<64x128xf32>
    %ne3A_901 = arith.cmpf one, %get3A_898, %ne3A_900 : vector<64x128xf32>
    %jit3A_902 = arith.constant -1.000000e+04 : f32
    %broadcast_in_dim3A_903 = vector.broadcast %jit3A_902 : f32 to vector<64x128xf32>
    %select_n3A_904 = arith.select %ne3A_901, %get3A_895, %broadcast_in_dim3A_903 : vector<64x128xi1>, vector<64x128xf32>
    %ge3A_905 = arith.cmpf oge, %select_n3A_904, %get3A_3 : vector<64x128xf32>
    %mul3A_906 = arith.constant 23.3601189 : f32
    %mul3A_907 = vector.broadcast %mul3A_906 : f32 to vector<64x128xf32>
    %mul3A_908 = arith.mulf %mul3A_907, %get3A_895 : vector<64x128xf32>
    %add3A_909 = arith.constant 0.276997447 : f32
    %add3A_910 = vector.broadcast %add3A_909 : f32 to vector<64x128xf32>
    %add3A_911 = arith.addf %mul3A_908, %add3A_910 : vector<64x128xf32>
    %mul3A_912 = arith.constant 23.0831203 : f32
    %mul3A_913 = vector.broadcast %mul3A_912 : f32 to vector<64x128xf32>
    %mul3A_914 = arith.mulf %mul3A_913, %get3A_895 : vector<64x128xf32>
    %select_n3A_915 = arith.select %ge3A_905, %add3A_911, %mul3A_914 : vector<64x128xi1>, vector<64x128xf32>
    %swap3A_916 = arith.constant 0 : index
    %swap3A_917 = arith.constant 1664 : index
    %swap3A_918 = vector.load %arg26[%swap3A_916, %swap3A_917] : memref<64x2048xf32, #tpu.memory_space<vmem>>, vector<64x128xf32>
    tpu.vector_store %arg26[%swap3A_916, %swap3A_917], %select_n3A_915 {strides = array<i32>} : memref<64x2048xf32, #tpu.memory_space<vmem>>, vector<64x128xf32>,
    %max3A_919 = arith.maximumf %max3A_892, %select_n3A_915 : vector<64x128xf32>
    %get3A_920 = arith.constant 0 : index
    %get3A_921 = arith.constant 1792 : index
    %get3A_922 = vector.load %arg6[%get3A_920, %get3A_921] : memref<64x2048xf32, #tpu.memory_space<vmem>>, vector<64x128xf32>
    %get3A_923 = arith.constant 0 : index
    %get3A_924 = arith.constant 1792 : index
    %get3A_925 = vector.load %arg15[%get3A_923, %get3A_924] : memref<64x2048xf32, #tpu.memory_space<vmem>>, vector<64x128xf32>
    %ne3A_926 = arith.constant 0.000000e+00 : f32
    %ne3A_927 = vector.broadcast %ne3A_926 : f32 to vector<64x128xf32>
    %ne3A_928 = arith.cmpf one, %get3A_925, %ne3A_927 : vector<64x128xf32>
    %jit3A_929 = arith.constant -1.000000e+04 : f32
    %broadcast_in_dim3A_930 = vector.broadcast %jit3A_929 : f32 to vector<64x128xf32>
    %select_n3A_931 = arith.select %ne3A_928, %get3A_922, %broadcast_in_dim3A_930 : vector<64x128xi1>, vector<64x128xf32>
    %ge3A_932 = arith.cmpf oge, %select_n3A_931, %get3A_3 : vector<64x128xf32>
    %mul3A_933 = arith.constant 23.3601189 : f32
    %mul3A_934 = vector.broadcast %mul3A_933 : f32 to vector<64x128xf32>
    %mul3A_935 = arith.mulf %mul3A_934, %get3A_922 : vector<64x128xf32>
    %add3A_936 = arith.constant 0.276997447 : f32
    %add3A_937 = vector.broadcast %add3A_936 : f32 to vector<64x128xf32>
    %add3A_938 = arith.addf %mul3A_935, %add3A_937 : vector<64x128xf32>
    %mul3A_939 = arith.constant 23.0831203 : f32
    %mul3A_940 = vector.broadcast %mul3A_939 : f32 to vector<64x128xf32>
    %mul3A_941 = arith.mulf %mul3A_940, %get3A_922 : vector<64x128xf32>
    %select_n3A_942 = arith.select %ge3A_932, %add3A_938, %mul3A_941 : vector<64x128xi1>, vector<64x128xf32>
    %swap3A_943 = arith.constant 0 : index
    %swap3A_944 = arith.constant 1792 : index
    %swap3A_945 = vector.load %arg26[%swap3A_943, %swap3A_944] : memref<64x2048xf32, #tpu.memory_space<vmem>>, vector<64x128xf32>
    tpu.vector_store %arg26[%swap3A_943, %swap3A_944], %select_n3A_942 {strides = array<i32>} : memref<64x2048xf32, #tpu.memory_space<vmem>>, vector<64x128xf32>,
    %max3A_946 = arith.maximumf %max3A_919, %select_n3A_942 : vector<64x128xf32>
    %get3A_947 = arith.constant 0 : index
    %get3A_948 = arith.constant 1920 : index
    %get3A_949 = vector.load %arg6[%get3A_947, %get3A_948] : memref<64x2048xf32, #tpu.memory_space<vmem>>, vector<64x128xf32>
    %get3A_950 = arith.constant 0 : index
    %get3A_951 = arith.constant 1920 : index
    %get3A_952 = vector.load %arg15[%get3A_950, %get3A_951] : memref<64x2048xf32, #tpu.memory_space<vmem>>, vector<64x128xf32>
    %ne3A_953 = arith.constant 0.000000e+00 : f32
    %ne3A_954 = vector.broadcast %ne3A_953 : f32 to vector<64x128xf32>
    %ne3A_955 = arith.cmpf one, %get3A_952, %ne3A_954 : vector<64x128xf32>
    %jit3A_956 = arith.constant -1.000000e+04 : f32
    %broadcast_in_dim3A_957 = vector.broadcast %jit3A_956 : f32 to vector<64x128xf32>
    %select_n3A_958 = arith.select %ne3A_955, %get3A_949, %broadcast_in_dim3A_957 : vector<64x128xi1>, vector<64x128xf32>
    %ge3A_959 = arith.cmpf oge, %select_n3A_958, %get3A_3 : vector<64x128xf32>
    %mul3A_960 = arith.constant 23.3601189 : f32
    %mul3A_961 = vector.broadcast %mul3A_960 : f32 to vector<64x128xf32>
    %mul3A_962 = arith.mulf %mul3A_961, %get3A_949 : vector<64x128xf32>
    %add3A_963 = arith.constant 0.276997447 : f32
    %add3A_964 = vector.broadcast %add3A_963 : f32 to vector<64x128xf32>
    %add3A_965 = arith.addf %mul3A_962, %add3A_964 : vector<64x128xf32>
    %mul3A_966 = arith.constant 23.0831203 : f32
    %mul3A_967 = vector.broadcast %mul3A_966 : f32 to vector<64x128xf32>
    %mul3A_968 = arith.mulf %mul3A_967, %get3A_949 : vector<64x128xf32>
    %select_n3A_969 = arith.select %ge3A_959, %add3A_965, %mul3A_968 : vector<64x128xi1>, vector<64x128xf32>
    %swap3A_970 = arith.constant 0 : index
    %swap3A_971 = arith.constant 1920 : index
    %swap3A_972 = vector.load %arg26[%swap3A_970, %swap3A_971] : memref<64x2048xf32, #tpu.memory_space<vmem>>, vector<64x128xf32>
    tpu.vector_store %arg26[%swap3A_970, %swap3A_971], %select_n3A_969 {strides = array<i32>} : memref<64x2048xf32, #tpu.memory_space<vmem>>, vector<64x128xf32>,
    %max3A_973 = arith.maximumf %max3A_946, %select_n3A_969 : vector<64x128xf32>
    %get3A_974 = arith.constant 0 : index
    %get3A_975 = arith.constant 0 : index
    %get3A_976 = vector.load %arg25[%get3A_974, %get3A_975] : memref<64x128xf32, #tpu.memory_space<vmem>>, vector<64x128xf32>
    %sub3A_977 = arith.subf %get3A_541, %max3A_973 : vector<64x128xf32>
    %exp23A_978 = math.exp2 %sub3A_977 : vector<64x128xf32>
    %mul3A_979 = arith.mulf %get3A_976, %exp23A_978 : vector<64x128xf32>
    %broadcast_in_dim3A_980 = arith.constant 0.000000e+00 : f32
    %broadcast_in_dim3A_981 = vector.broadcast %broadcast_in_dim3A_980 : f32 to vector<64x128xf32>
    %get3A_982 = arith.constant 0 : index
    %get3A_983 = arith.constant 0 : index
    %get3A_984 = vector.load %arg26[%get3A_982, %get3A_983] : memref<64x2048xf32, #tpu.memory_space<vmem>>, vector<64x128xf32>
    %sub3A_985 = arith.subf %get3A_984, %max3A_973 : vector<64x128xf32>
    %exp23A_986 = math.exp2 %sub3A_985 : vector<64x128xf32>
    %add3A_987 = arith.addf %mul3A_979, %exp23A_986 : vector<64x128xf32>
    %get3A_988 = arith.constant 0 : index
    %get3A_989 = arith.constant 128 : index
    %get3A_990 = vector.load %arg26[%get3A_988, %get3A_989] : memref<64x2048xf32, #tpu.memory_space<vmem>>, vector<64x128xf32>
    %sub3A_991 = arith.subf %get3A_990, %max3A_973 : vector<64x128xf32>
    %exp23A_992 = math.exp2 %sub3A_991 : vector<64x128xf32>
    %add3A_993 = arith.addf %broadcast_in_dim3A_981, %exp23A_992 : vector<64x128xf32>
    %get3A_994 = arith.constant 0 : index
    %get3A_995 = arith.constant 256 : index
    %get3A_996 = vector.load %arg26[%get3A_994, %get3A_995] : memref<64x2048xf32, #tpu.memory_space<vmem>>, vector<64x128xf32>
    %sub3A_997 = arith.subf %get3A_996, %max3A_973 : vector<64x128xf32>
    %exp23A_998 = math.exp2 %sub3A_997 : vector<64x128xf32>
    %add3A_999 = arith.addf %add3A_987, %exp23A_998 : vector<64x128xf32>
    %get3A_1000 = arith.constant 0 : index
    %get3A_1001 = arith.constant 384 : index
    %get3A_1002 = vector.load %arg26[%get3A_1000, %get3A_1001] : memref<64x2048xf32, #tpu.memory_space<vmem>>, vector<64x128xf32>
    %sub3A_1003 = arith.subf %get3A_1002, %max3A_973 : vector<64x128xf32>
    %exp23A_1004 = math.exp2 %sub3A_1003 : vector<64x128xf32>
    %add3A_1005 = arith.addf %add3A_993, %exp23A_1004 : vector<64x128xf32>
    %get3A_1006 = arith.constant 0 : index
    %get3A_1007 = arith.constant 512 : index
    %get3A_1008 = vector.load %arg26[%get3A_1006, %get3A_1007] : memref<64x2048xf32, #tpu.memory_space<vmem>>, vector<64x128xf32>
    %sub3A_1009 = arith.subf %get3A_1008, %max3A_973 : vector<64x128xf32>
    %exp23A_1010 = math.exp2 %sub3A_1009 : vector<64x128xf32>
    %add3A_1011 = arith.addf %add3A_999, %exp23A_1010 : vector<64x128xf32>
    %get3A_1012 = arith.constant 0 : index
    %get3A_1013 = arith.constant 640 : index
    %get3A_1014 = vector.load %arg26[%get3A_1012, %get3A_1013] : memref<64x2048xf32, #tpu.memory_space<vmem>>, vector<64x128xf32>
    %sub3A_1015 = arith.subf %get3A_1014, %max3A_973 : vector<64x128xf32>
    %exp23A_1016 = math.exp2 %sub3A_1015 : vector<64x128xf32>
    %add3A_1017 = arith.addf %add3A_1005, %exp23A_1016 : vector<64x128xf32>
    %get3A_1018 = arith.constant 0 : index
    %get3A_1019 = arith.constant 768 : index
    %get3A_1020 = vector.load %arg26[%get3A_1018, %get3A_1019] : memref<64x2048xf32, #tpu.memory_space<vmem>>, vector<64x128xf32>
    %sub3A_1021 = arith.subf %get3A_1020, %max3A_973 : vector<64x128xf32>
    %exp23A_1022 = math.exp2 %sub3A_1021 : vector<64x128xf32>
    %add3A_1023 = arith.addf %add3A_1011, %exp23A_1022 : vector<64x128xf32>
    %get3A_1024 = arith.constant 0 : index
    %get3A_1025 = arith.constant 896 : index
    %get3A_1026 = vector.load %arg26[%get3A_1024, %get3A_1025] : memref<64x2048xf32, #tpu.memory_space<vmem>>, vector<64x128xf32>
    %sub3A_1027 = arith.subf %get3A_1026, %max3A_973 : vector<64x128xf32>
    %exp23A_1028 = math.exp2 %sub3A_1027 : vector<64x128xf32>
    %add3A_1029 = arith.addf %add3A_1017, %exp23A_1028 : vector<64x128xf32>
    %get3A_1030 = arith.constant 0 : index
    %get3A_1031 = arith.constant 1024 : index
    %get3A_1032 = vector.load %arg26[%get3A_1030, %get3A_1031] : memref<64x2048xf32, #tpu.memory_space<vmem>>, vector<64x128xf32>
    %sub3A_1033 = arith.subf %get3A_1032, %max3A_973 : vector<64x128xf32>
    %exp23A_1034 = math.exp2 %sub3A_1033 : vector<64x128xf32>
    %add3A_1035 = arith.addf %add3A_1023, %exp23A_1034 : vector<64x128xf32>
    %get3A_1036 = arith.constant 0 : index
    %get3A_1037 = arith.constant 1152 : index
    %get3A_1038 = vector.load %arg26[%get3A_1036, %get3A_1037] : memref<64x2048xf32, #tpu.memory_space<vmem>>, vector<64x128xf32>
    %sub3A_1039 = arith.subf %get3A_1038, %max3A_973 : vector<64x128xf32>
    %exp23A_1040 = math.exp2 %sub3A_1039 : vector<64x128xf32>
    %add3A_1041 = arith.addf %add3A_1029, %exp23A_1040 : vector<64x128xf32>
    %get3A_1042 = arith.constant 0 : index
    %get3A_1043 = arith.constant 1280 : index
    %get3A_1044 = vector.load %arg26[%get3A_1042, %get3A_1043] : memref<64x2048xf32, #tpu.memory_space<vmem>>, vector<64x128xf32>
    %sub3A_1045 = arith.subf %get3A_1044, %max3A_973 : vector<64x128xf32>
    %exp23A_1046 = math.exp2 %sub3A_1045 : vector<64x128xf32>
    %add3A_1047 = arith.addf %add3A_1035, %exp23A_1046 : vector<64x128xf32>
    %get3A_1048 = arith.constant 0 : index
    %get3A_1049 = arith.constant 1408 : index
    %get3A_1050 = vector.load %arg26[%get3A_1048, %get3A_1049] : memref<64x2048xf32, #tpu.memory_space<vmem>>, vector<64x128xf32>
    %sub3A_1051 = arith.subf %get3A_1050, %max3A_973 : vector<64x128xf32>
    %exp23A_1052 = math.exp2 %sub3A_1051 : vector<64x128xf32>
    %add3A_1053 = arith.addf %add3A_1041, %exp23A_1052 : vector<64x128xf32>
    %get3A_1054 = arith.constant 0 : index
    %get3A_1055 = arith.constant 1536 : index
    %get3A_1056 = vector.load %arg26[%get3A_1054, %get3A_1055] : memref<64x2048xf32, #tpu.memory_space<vmem>>, vector<64x128xf32>
    %sub3A_1057 = arith.subf %get3A_1056, %max3A_973 : vector<64x128xf32>
    %exp23A_1058 = math.exp2 %sub3A_1057 : vector<64x128xf32>
    %add3A_1059 = arith.addf %add3A_1047, %exp23A_1058 : vector<64x128xf32>
    %get3A_1060 = arith.constant 0 : index
    %get3A_1061 = arith.constant 1664 : index
    %get3A_1062 = vector.load %arg26[%get3A_1060, %get3A_1061] : memref<64x2048xf32, #tpu.memory_space<vmem>>, vector<64x128xf32>
    %sub3A_1063 = arith.subf %get3A_1062, %max3A_973 : vector<64x128xf32>
    %exp23A_1064 = math.exp2 %sub3A_1063 : vector<64x128xf32>
    %add3A_1065 = arith.addf %add3A_1053, %exp23A_1064 : vector<64x128xf32>
    %get3A_1066 = arith.constant 0 : index
    %get3A_1067 = arith.constant 1792 : index
    %get3A_1068 = vector.load %arg26[%get3A_1066, %get3A_1067] : memref<64x2048xf32, #tpu.memory_space<vmem>>, vector<64x128xf32>
    %sub3A_1069 = arith.subf %get3A_1068, %max3A_973 : vector<64x128xf32>
    %exp23A_1070 = math.exp2 %sub3A_1069 : vector<64x128xf32>
    %add3A_1071 = arith.addf %add3A_1059, %exp23A_1070 : vector<64x128xf32>
    %get3A_1072 = arith.constant 0 : index
    %get3A_1073 = arith.constant 1920 : index
    %get3A_1074 = vector.load %arg26[%get3A_1072, %get3A_1073] : memref<64x2048xf32, #tpu.memory_space<vmem>>, vector<64x128xf32>
    %sub3A_1075 = arith.subf %get3A_1074, %max3A_973 : vector<64x128xf32>
    %exp23A_1076 = math.exp2 %sub3A_1075 : vector<64x128xf32>
    %add3A_1077 = arith.addf %add3A_1065, %exp23A_1076 : vector<64x128xf32>
    %swap3A_1078 = arith.constant 0 : index
    %swap3A_1079 = arith.constant 0 : index
    %swap3A_1080 = vector.load %arg24[%swap3A_1078, %swap3A_1079] : memref<64x128xf32, #tpu.memory_space<vmem>>, vector<64x128xf32>
    tpu.vector_store %arg24[%swap3A_1078, %swap3A_1079], %max3A_973 {strides = array<i32>} : memref<64x128xf32, #tpu.memory_space<vmem>>, vector<64x128xf32>,
    %add3A_1081 = arith.addf %add3A_1071, %add3A_1077 : vector<64x128xf32>
    %swap3A_1082 = arith.constant 0 : index
    %swap3A_1083 = arith.constant 0 : index
    %swap3A_1084 = vector.load %arg25[%swap3A_1082, %swap3A_1083] : memref<64x128xf32, #tpu.memory_space<vmem>>, vector<64x128xf32>
    tpu.vector_store %arg25[%swap3A_1082, %swap3A_1083], %add3A_1081 {strides = array<i32>} : memref<64x128xf32, #tpu.memory_space<vmem>>, vector<64x128xf32>,
    %get3A_1085 = arith.constant 0 : index
    %get3A_1086 = arith.constant 0 : index
    %get3A_1087 = vector.load %arg24[%get3A_1085, %get3A_1086] : memref<64x128xf32, #tpu.memory_space<vmem>>, vector<64x128xf32>
    %get3A_1088 = arith.constant 0 : index
    %get3A_1089 = arith.constant 0 : index
    %get3A_1090 = vector.load %arg7[%get3A_1088, %get3A_1089] : memref<64x2048xf32, #tpu.memory_space<vmem>>, vector<64x128xf32>
    %get3A_1091 = arith.constant 0 : index
    %get3A_1092 = arith.constant 0 : index
    %get3A_1093 = vector.load %arg16[%get3A_1091, %get3A_1092] : memref<64x2048xf32, #tpu.memory_space<vmem>>, vector<64x128xf32>
    %ne3A_1094 = arith.constant 0.000000e+00 : f32
    %ne3A_1095 = vector.broadcast %ne3A_1094 : f32 to vector<64x128xf32>
    %ne3A_1096 = arith.cmpf one, %get3A_1093, %ne3A_1095 : vector<64x128xf32>
    %jit3A_1097 = arith.constant -1.000000e+04 : f32
    %broadcast_in_dim3A_1098 = vector.broadcast %jit3A_1097 : f32 to vector<64x128xf32>
    %select_n3A_1099 = arith.select %ne3A_1096, %get3A_1090, %broadcast_in_dim3A_1098 : vector<64x128xi1>, vector<64x128xf32>
    %ge3A_1100 = arith.cmpf oge, %select_n3A_1099, %get3A_3 : vector<64x128xf32>
    %mul3A_1101 = arith.constant 23.3601189 : f32
    %mul3A_1102 = vector.broadcast %mul3A_1101 : f32 to vector<64x128xf32>
    %mul3A_1103 = arith.mulf %mul3A_1102, %get3A_1090 : vector<64x128xf32>
    %add3A_1104 = arith.constant 0.276997447 : f32
    %add3A_1105 = vector.broadcast %add3A_1104 : f32 to vector<64x128xf32>
    %add3A_1106 = arith.addf %mul3A_1103, %add3A_1105 : vector<64x128xf32>
    %mul3A_1107 = arith.constant 23.0831203 : f32
    %mul3A_1108 = vector.broadcast %mul3A_1107 : f32 to vector<64x128xf32>
    %mul3A_1109 = arith.mulf %mul3A_1108, %get3A_1090 : vector<64x128xf32>
    %select_n3A_1110 = arith.select %ge3A_1100, %add3A_1106, %mul3A_1109 : vector<64x128xi1>, vector<64x128xf32>
    %swap3A_1111 = arith.constant 0 : index
    %swap3A_1112 = arith.constant 0 : index
    %swap3A_1113 = vector.load %arg26[%swap3A_1111, %swap3A_1112] : memref<64x2048xf32, #tpu.memory_space<vmem>>, vector<64x128xf32>
    tpu.vector_store %arg26[%swap3A_1111, %swap3A_1112], %select_n3A_1110 {strides = array<i32>} : memref<64x2048xf32, #tpu.memory_space<vmem>>, vector<64x128xf32>,
    %max3A_1114 = arith.maximumf %get3A_1087, %select_n3A_1110 : vector<64x128xf32>
    %get3A_1115 = arith.constant 0 : index
    %get3A_1116 = arith.constant 128 : index
    %get3A_1117 = vector.load %arg7[%get3A_1115, %get3A_1116] : memref<64x2048xf32, #tpu.memory_space<vmem>>, vector<64x128xf32>
    %get3A_1118 = arith.constant 0 : index
    %get3A_1119 = arith.constant 128 : index
    %get3A_1120 = vector.load %arg16[%get3A_1118, %get3A_1119] : memref<64x2048xf32, #tpu.memory_space<vmem>>, vector<64x128xf32>
    %ne3A_1121 = arith.constant 0.000000e+00 : f32
    %ne3A_1122 = vector.broadcast %ne3A_1121 : f32 to vector<64x128xf32>
    %ne3A_1123 = arith.cmpf one, %get3A_1120, %ne3A_1122 : vector<64x128xf32>
    %jit3A_1124 = arith.constant -1.000000e+04 : f32
    %broadcast_in_dim3A_1125 = vector.broadcast %jit3A_1124 : f32 to vector<64x128xf32>
    %select_n3A_1126 = arith.select %ne3A_1123, %get3A_1117, %broadcast_in_dim3A_1125 : vector<64x128xi1>, vector<64x128xf32>
    %ge3A_1127 = arith.cmpf oge, %select_n3A_1126, %get3A_3 : vector<64x128xf32>
    %mul3A_1128 = arith.constant 23.3601189 : f32
    %mul3A_1129 = vector.broadcast %mul3A_1128 : f32 to vector<64x128xf32>
    %mul3A_1130 = arith.mulf %mul3A_1129, %get3A_1117 : vector<64x128xf32>
    %add3A_1131 = arith.constant 0.276997447 : f32
    %add3A_1132 = vector.broadcast %add3A_1131 : f32 to vector<64x128xf32>
    %add3A_1133 = arith.addf %mul3A_1130, %add3A_1132 : vector<64x128xf32>
    %mul3A_1134 = arith.constant 23.0831203 : f32
    %mul3A_1135 = vector.broadcast %mul3A_1134 : f32 to vector<64x128xf32>
    %mul3A_1136 = arith.mulf %mul3A_1135, %get3A_1117 : vector<64x128xf32>
    %select_n3A_1137 = arith.select %ge3A_1127, %add3A_1133, %mul3A_1136 : vector<64x128xi1>, vector<64x128xf32>
    %swap3A_1138 = arith.constant 0 : index
    %swap3A_1139 = arith.constant 128 : index
    %swap3A_1140 = vector.load %arg26[%swap3A_1138, %swap3A_1139] : memref<64x2048xf32, #tpu.memory_space<vmem>>, vector<64x128xf32>
    tpu.vector_store %arg26[%swap3A_1138, %swap3A_1139], %select_n3A_1137 {strides = array<i32>} : memref<64x2048xf32, #tpu.memory_space<vmem>>, vector<64x128xf32>,
    %max3A_1141 = arith.maximumf %max3A_1114, %select_n3A_1137 : vector<64x128xf32>
    %get3A_1142 = arith.constant 0 : index
    %get3A_1143 = arith.constant 256 : index
    %get3A_1144 = vector.load %arg7[%get3A_1142, %get3A_1143] : memref<64x2048xf32, #tpu.memory_space<vmem>>, vector<64x128xf32>
    %get3A_1145 = arith.constant 0 : index
    %get3A_1146 = arith.constant 256 : index
    %get3A_1147 = vector.load %arg16[%get3A_1145, %get3A_1146] : memref<64x2048xf32, #tpu.memory_space<vmem>>, vector<64x128xf32>
    %ne3A_1148 = arith.constant 0.000000e+00 : f32
    %ne3A_1149 = vector.broadcast %ne3A_1148 : f32 to vector<64x128xf32>
    %ne3A_1150 = arith.cmpf one, %get3A_1147, %ne3A_1149 : vector<64x128xf32>
    %jit3A_1151 = arith.constant -1.000000e+04 : f32
    %broadcast_in_dim3A_1152 = vector.broadcast %jit3A_1151 : f32 to vector<64x128xf32>
    %select_n3A_1153 = arith.select %ne3A_1150, %get3A_1144, %broadcast_in_dim3A_1152 : vector<64x128xi1>, vector<64x128xf32>
    %ge3A_1154 = arith.cmpf oge, %select_n3A_1153, %get3A_3 : vector<64x128xf32>
    %mul3A_1155 = arith.constant 23.3601189 : f32
    %mul3A_1156 = vector.broadcast %mul3A_1155 : f32 to vector<64x128xf32>
    %mul3A_1157 = arith.mulf %mul3A_1156, %get3A_1144 : vector<64x128xf32>
    %add3A_1158 = arith.constant 0.276997447 : f32
    %add3A_1159 = vector.broadcast %add3A_1158 : f32 to vector<64x128xf32>
    %add3A_1160 = arith.addf %mul3A_1157, %add3A_1159 : vector<64x128xf32>
    %mul3A_1161 = arith.constant 23.0831203 : f32
    %mul3A_1162 = vector.broadcast %mul3A_1161 : f32 to vector<64x128xf32>
    %mul3A_1163 = arith.mulf %mul3A_1162, %get3A_1144 : vector<64x128xf32>
    %select_n3A_1164 = arith.select %ge3A_1154, %add3A_1160, %mul3A_1163 : vector<64x128xi1>, vector<64x128xf32>
    %swap3A_1165 = arith.constant 0 : index
    %swap3A_1166 = arith.constant 256 : index
    %swap3A_1167 = vector.load %arg26[%swap3A_1165, %swap3A_1166] : memref<64x2048xf32, #tpu.memory_space<vmem>>, vector<64x128xf32>
    tpu.vector_store %arg26[%swap3A_1165, %swap3A_1166], %select_n3A_1164 {strides = array<i32>} : memref<64x2048xf32, #tpu.memory_space<vmem>>, vector<64x128xf32>,
    %max3A_1168 = arith.maximumf %max3A_1141, %select_n3A_1164 : vector<64x128xf32>
    %get3A_1169 = arith.constant 0 : index
    %get3A_1170 = arith.constant 384 : index
    %get3A_1171 = vector.load %arg7[%get3A_1169, %get3A_1170] : memref<64x2048xf32, #tpu.memory_space<vmem>>, vector<64x128xf32>
    %get3A_1172 = arith.constant 0 : index
    %get3A_1173 = arith.constant 384 : index
    %get3A_1174 = vector.load %arg16[%get3A_1172, %get3A_1173] : memref<64x2048xf32, #tpu.memory_space<vmem>>, vector<64x128xf32>
    %ne3A_1175 = arith.constant 0.000000e+00 : f32
    %ne3A_1176 = vector.broadcast %ne3A_1175 : f32 to vector<64x128xf32>
    %ne3A_1177 = arith.cmpf one, %get3A_1174, %ne3A_1176 : vector<64x128xf32>
    %jit3A_1178 = arith.constant -1.000000e+04 : f32
    %broadcast_in_dim3A_1179 = vector.broadcast %jit3A_1178 : f32 to vector<64x128xf32>
    %select_n3A_1180 = arith.select %ne3A_1177, %get3A_1171, %broadcast_in_dim3A_1179 : vector<64x128xi1>, vector<64x128xf32>
    %ge3A_1181 = arith.cmpf oge, %select_n3A_1180, %get3A_3 : vector<64x128xf32>
    %mul3A_1182 = arith.constant 23.3601189 : f32
    %mul3A_1183 = vector.broadcast %mul3A_1182 : f32 to vector<64x128xf32>
    %mul3A_1184 = arith.mulf %mul3A_1183, %get3A_1171 : vector<64x128xf32>
    %add3A_1185 = arith.constant 0.276997447 : f32
    %add3A_1186 = vector.broadcast %add3A_1185 : f32 to vector<64x128xf32>
    %add3A_1187 = arith.addf %mul3A_1184, %add3A_1186 : vector<64x128xf32>
    %mul3A_1188 = arith.constant 23.0831203 : f32
    %mul3A_1189 = vector.broadcast %mul3A_1188 : f32 to vector<64x128xf32>
    %mul3A_1190 = arith.mulf %mul3A_1189, %get3A_1171 : vector<64x128xf32>
    %select_n3A_1191 = arith.select %ge3A_1181, %add3A_1187, %mul3A_1190 : vector<64x128xi1>, vector<64x128xf32>
    %swap3A_1192 = arith.constant 0 : index
    %swap3A_1193 = arith.constant 384 : index
    %swap3A_1194 = vector.load %arg26[%swap3A_1192, %swap3A_1193] : memref<64x2048xf32, #tpu.memory_space<vmem>>, vector<64x128xf32>
    tpu.vector_store %arg26[%swap3A_1192, %swap3A_1193], %select_n3A_1191 {strides = array<i32>} : memref<64x2048xf32, #tpu.memory_space<vmem>>, vector<64x128xf32>,
    %max3A_1195 = arith.maximumf %max3A_1168, %select_n3A_1191 : vector<64x128xf32>
    %get3A_1196 = arith.constant 0 : index
    %get3A_1197 = arith.constant 512 : index
    %get3A_1198 = vector.load %arg7[%get3A_1196, %get3A_1197] : memref<64x2048xf32, #tpu.memory_space<vmem>>, vector<64x128xf32>
    %get3A_1199 = arith.constant 0 : index
    %get3A_1200 = arith.constant 512 : index
    %get3A_1201 = vector.load %arg16[%get3A_1199, %get3A_1200] : memref<64x2048xf32, #tpu.memory_space<vmem>>, vector<64x128xf32>
    %ne3A_1202 = arith.constant 0.000000e+00 : f32
    %ne3A_1203 = vector.broadcast %ne3A_1202 : f32 to vector<64x128xf32>
    %ne3A_1204 = arith.cmpf one, %get3A_1201, %ne3A_1203 : vector<64x128xf32>
    %jit3A_1205 = arith.constant -1.000000e+04 : f32
    %broadcast_in_dim3A_1206 = vector.broadcast %jit3A_1205 : f32 to vector<64x128xf32>
    %select_n3A_1207 = arith.select %ne3A_1204, %get3A_1198, %broadcast_in_dim3A_1206 : vector<64x128xi1>, vector<64x128xf32>
    %ge3A_1208 = arith.cmpf oge, %select_n3A_1207, %get3A_3 : vector<64x128xf32>
    %mul3A_1209 = arith.constant 23.3601189 : f32
    %mul3A_1210 = vector.broadcast %mul3A_1209 : f32 to vector<64x128xf32>
    %mul3A_1211 = arith.mulf %mul3A_1210, %get3A_1198 : vector<64x128xf32>
    %add3A_1212 = arith.constant 0.276997447 : f32
    %add3A_1213 = vector.broadcast %add3A_1212 : f32 to vector<64x128xf32>
    %add3A_1214 = arith.addf %mul3A_1211, %add3A_1213 : vector<64x128xf32>
    %mul3A_1215 = arith.constant 23.0831203 : f32
    %mul3A_1216 = vector.broadcast %mul3A_1215 : f32 to vector<64x128xf32>
    %mul3A_1217 = arith.mulf %mul3A_1216, %get3A_1198 : vector<64x128xf32>
    %select_n3A_1218 = arith.select %ge3A_1208, %add3A_1214, %mul3A_1217 : vector<64x128xi1>, vector<64x128xf32>
    %swap3A_1219 = arith.constant 0 : index
    %swap3A_1220 = arith.constant 512 : index
    %swap3A_1221 = vector.load %arg26[%swap3A_1219, %swap3A_1220] : memref<64x2048xf32, #tpu.memory_space<vmem>>, vector<64x128xf32>
    tpu.vector_store %arg26[%swap3A_1219, %swap3A_1220], %select_n3A_1218 {strides = array<i32>} : memref<64x2048xf32, #tpu.memory_space<vmem>>, vector<64x128xf32>,
    %max3A_1222 = arith.maximumf %max3A_1195, %select_n3A_1218 : vector<64x128xf32>
    %get3A_1223 = arith.constant 0 : index
    %get3A_1224 = arith.constant 640 : index
    %get3A_1225 = vector.load %arg7[%get3A_1223, %get3A_1224] : memref<64x2048xf32, #tpu.memory_space<vmem>>, vector<64x128xf32>
    %get3A_1226 = arith.constant 0 : index
    %get3A_1227 = arith.constant 640 : index
    %get3A_1228 = vector.load %arg16[%get3A_1226, %get3A_1227] : memref<64x2048xf32, #tpu.memory_space<vmem>>, vector<64x128xf32>
    %ne3A_1229 = arith.constant 0.000000e+00 : f32
    %ne3A_1230 = vector.broadcast %ne3A_1229 : f32 to vector<64x128xf32>
    %ne3A_1231 = arith.cmpf one, %get3A_1228, %ne3A_1230 : vector<64x128xf32>
    %jit3A_1232 = arith.constant -1.000000e+04 : f32
    %broadcast_in_dim3A_1233 = vector.broadcast %jit3A_1232 : f32 to vector<64x128xf32>
    %select_n3A_1234 = arith.select %ne3A_1231, %get3A_1225, %broadcast_in_dim3A_1233 : vector<64x128xi1>, vector<64x128xf32>
    %ge3A_1235 = arith.cmpf oge, %select_n3A_1234, %get3A_3 : vector<64x128xf32>
    %mul3A_1236 = arith.constant 23.3601189 : f32
    %mul3A_1237 = vector.broadcast %mul3A_1236 : f32 to vector<64x128xf32>
    %mul3A_1238 = arith.mulf %mul3A_1237, %get3A_1225 : vector<64x128xf32>
    %add3A_1239 = arith.constant 0.276997447 : f32
    %add3A_1240 = vector.broadcast %add3A_1239 : f32 to vector<64x128xf32>
    %add3A_1241 = arith.addf %mul3A_1238, %add3A_1240 : vector<64x128xf32>
    %mul3A_1242 = arith.constant 23.0831203 : f32
    %mul3A_1243 = vector.broadcast %mul3A_1242 : f32 to vector<64x128xf32>
    %mul3A_1244 = arith.mulf %mul3A_1243, %get3A_1225 : vector<64x128xf32>
    %select_n3A_1245 = arith.select %ge3A_1235, %add3A_1241, %mul3A_1244 : vector<64x128xi1>, vector<64x128xf32>
    %swap3A_1246 = arith.constant 0 : index
    %swap3A_1247 = arith.constant 640 : index
    %swap3A_1248 = vector.load %arg26[%swap3A_1246, %swap3A_1247] : memref<64x2048xf32, #tpu.memory_space<vmem>>, vector<64x128xf32>
    tpu.vector_store %arg26[%swap3A_1246, %swap3A_1247], %select_n3A_1245 {strides = array<i32>} : memref<64x2048xf32, #tpu.memory_space<vmem>>, vector<64x128xf32>,
    %max3A_1249 = arith.maximumf %max3A_1222, %select_n3A_1245 : vector<64x128xf32>
    %get3A_1250 = arith.constant 0 : index
    %get3A_1251 = arith.constant 768 : index
    %get3A_1252 = vector.load %arg7[%get3A_1250, %get3A_1251] : memref<64x2048xf32, #tpu.memory_space<vmem>>, vector<64x128xf32>
    %get3A_1253 = arith.constant 0 : index
    %get3A_1254 = arith.constant 768 : index
    %get3A_1255 = vector.load %arg16[%get3A_1253, %get3A_1254] : memref<64x2048xf32, #tpu.memory_space<vmem>>, vector<64x128xf32>
    %ne3A_1256 = arith.constant 0.000000e+00 : f32
    %ne3A_1257 = vector.broadcast %ne3A_1256 : f32 to vector<64x128xf32>
    %ne3A_1258 = arith.cmpf one, %get3A_1255, %ne3A_1257 : vector<64x128xf32>
    %jit3A_1259 = arith.constant -1.000000e+04 : f32
    %broadcast_in_dim3A_1260 = vector.broadcast %jit3A_1259 : f32 to vector<64x128xf32>
    %select_n3A_1261 = arith.select %ne3A_1258, %get3A_1252, %broadcast_in_dim3A_1260 : vector<64x128xi1>, vector<64x128xf32>
    %ge3A_1262 = arith.cmpf oge, %select_n3A_1261, %get3A_3 : vector<64x128xf32>
    %mul3A_1263 = arith.constant 23.3601189 : f32
    %mul3A_1264 = vector.broadcast %mul3A_1263 : f32 to vector<64x128xf32>
    %mul3A_1265 = arith.mulf %mul3A_1264, %get3A_1252 : vector<64x128xf32>
    %add3A_1266 = arith.constant 0.276997447 : f32
    %add3A_1267 = vector.broadcast %add3A_1266 : f32 to vector<64x128xf32>
    %add3A_1268 = arith.addf %mul3A_1265, %add3A_1267 : vector<64x128xf32>
    %mul3A_1269 = arith.constant 23.0831203 : f32
    %mul3A_1270 = vector.broadcast %mul3A_1269 : f32 to vector<64x128xf32>
    %mul3A_1271 = arith.mulf %mul3A_1270, %get3A_1252 : vector<64x128xf32>
    %select_n3A_1272 = arith.select %ge3A_1262, %add3A_1268, %mul3A_1271 : vector<64x128xi1>, vector<64x128xf32>
    %swap3A_1273 = arith.constant 0 : index
    %swap3A_1274 = arith.constant 768 : index
    %swap3A_1275 = vector.load %arg26[%swap3A_1273, %swap3A_1274] : memref<64x2048xf32, #tpu.memory_space<vmem>>, vector<64x128xf32>
    tpu.vector_store %arg26[%swap3A_1273, %swap3A_1274], %select_n3A_1272 {strides = array<i32>} : memref<64x2048xf32, #tpu.memory_space<vmem>>, vector<64x128xf32>,
    %max3A_1276 = arith.maximumf %max3A_1249, %select_n3A_1272 : vector<64x128xf32>
    %get3A_1277 = arith.constant 0 : index
    %get3A_1278 = arith.constant 896 : index
    %get3A_1279 = vector.load %arg7[%get3A_1277, %get3A_1278] : memref<64x2048xf32, #tpu.memory_space<vmem>>, vector<64x128xf32>
    %get3A_1280 = arith.constant 0 : index
    %get3A_1281 = arith.constant 896 : index
    %get3A_1282 = vector.load %arg16[%get3A_1280, %get3A_1281] : memref<64x2048xf32, #tpu.memory_space<vmem>>, vector<64x128xf32>
    %ne3A_1283 = arith.constant 0.000000e+00 : f32
    %ne3A_1284 = vector.broadcast %ne3A_1283 : f32 to vector<64x128xf32>
    %ne3A_1285 = arith.cmpf one, %get3A_1282, %ne3A_1284 : vector<64x128xf32>
    %jit3A_1286 = arith.constant -1.000000e+04 : f32
    %broadcast_in_dim3A_1287 = vector.broadcast %jit3A_1286 : f32 to vector<64x128xf32>
    %select_n3A_1288 = arith.select %ne3A_1285, %get3A_1279, %broadcast_in_dim3A_1287 : vector<64x128xi1>, vector<64x128xf32>
    %ge3A_1289 = arith.cmpf oge, %select_n3A_1288, %get3A_3 : vector<64x128xf32>
    %mul3A_1290 = arith.constant 23.3601189 : f32
    %mul3A_1291 = vector.broadcast %mul3A_1290 : f32 to vector<64x128xf32>
    %mul3A_1292 = arith.mulf %mul3A_1291, %get3A_1279 : vector<64x128xf32>
    %add3A_1293 = arith.constant 0.276997447 : f32
    %add3A_1294 = vector.broadcast %add3A_1293 : f32 to vector<64x128xf32>
    %add3A_1295 = arith.addf %mul3A_1292, %add3A_1294 : vector<64x128xf32>
    %mul3A_1296 = arith.constant 23.0831203 : f32
    %mul3A_1297 = vector.broadcast %mul3A_1296 : f32 to vector<64x128xf32>
    %mul3A_1298 = arith.mulf %mul3A_1297, %get3A_1279 : vector<64x128xf32>
    %select_n3A_1299 = arith.select %ge3A_1289, %add3A_1295, %mul3A_1298 : vector<64x128xi1>, vector<64x128xf32>
    %swap3A_1300 = arith.constant 0 : index
    %swap3A_1301 = arith.constant 896 : index
    %swap3A_1302 = vector.load %arg26[%swap3A_1300, %swap3A_1301] : memref<64x2048xf32, #tpu.memory_space<vmem>>, vector<64x128xf32>
    tpu.vector_store %arg26[%swap3A_1300, %swap3A_1301], %select_n3A_1299 {strides = array<i32>} : memref<64x2048xf32, #tpu.memory_space<vmem>>, vector<64x128xf32>,
    %max3A_1303 = arith.maximumf %max3A_1276, %select_n3A_1299 : vector<64x128xf32>
    %get3A_1304 = arith.constant 0 : index
    %get3A_1305 = arith.constant 1024 : index
    %get3A_1306 = vector.load %arg7[%get3A_1304, %get3A_1305] : memref<64x2048xf32, #tpu.memory_space<vmem>>, vector<64x128xf32>
    %get3A_1307 = arith.constant 0 : index
    %get3A_1308 = arith.constant 1024 : index
    %get3A_1309 = vector.load %arg16[%get3A_1307, %get3A_1308] : memref<64x2048xf32, #tpu.memory_space<vmem>>, vector<64x128xf32>
    %ne3A_1310 = arith.constant 0.000000e+00 : f32
    %ne3A_1311 = vector.broadcast %ne3A_1310 : f32 to vector<64x128xf32>
    %ne3A_1312 = arith.cmpf one, %get3A_1309, %ne3A_1311 : vector<64x128xf32>
    %jit3A_1313 = arith.constant -1.000000e+04 : f32
    %broadcast_in_dim3A_1314 = vector.broadcast %jit3A_1313 : f32 to vector<64x128xf32>
    %select_n3A_1315 = arith.select %ne3A_1312, %get3A_1306, %broadcast_in_dim3A_1314 : vector<64x128xi1>, vector<64x128xf32>
    %ge3A_1316 = arith.cmpf oge, %select_n3A_1315, %get3A_3 : vector<64x128xf32>
    %mul3A_1317 = arith.constant 23.3601189 : f32
    %mul3A_1318 = vector.broadcast %mul3A_1317 : f32 to vector<64x128xf32>
    %mul3A_1319 = arith.mulf %mul3A_1318, %get3A_1306 : vector<64x128xf32>
    %add3A_1320 = arith.constant 0.276997447 : f32
    %add3A_1321 = vector.broadcast %add3A_1320 : f32 to vector<64x128xf32>
    %add3A_1322 = arith.addf %mul3A_1319, %add3A_1321 : vector<64x128xf32>
    %mul3A_1323 = arith.constant 23.0831203 : f32
    %mul3A_1324 = vector.broadcast %mul3A_1323 : f32 to vector<64x128xf32>
    %mul3A_1325 = arith.mulf %mul3A_1324, %get3A_1306 : vector<64x128xf32>
    %select_n3A_1326 = arith.select %ge3A_1316, %add3A_1322, %mul3A_1325 : vector<64x128xi1>, vector<64x128xf32>
    %swap3A_1327 = arith.constant 0 : index
    %swap3A_1328 = arith.constant 1024 : index
    %swap3A_1329 = vector.load %arg26[%swap3A_1327, %swap3A_1328] : memref<64x2048xf32, #tpu.memory_space<vmem>>, vector<64x128xf32>
    tpu.vector_store %arg26[%swap3A_1327, %swap3A_1328], %select_n3A_1326 {strides = array<i32>} : memref<64x2048xf32, #tpu.memory_space<vmem>>, vector<64x128xf32>,
    %max3A_1330 = arith.maximumf %max3A_1303, %select_n3A_1326 : vector<64x128xf32>
    %get3A_1331 = arith.constant 0 : index
    %get3A_1332 = arith.constant 1152 : index
    %get3A_1333 = vector.load %arg7[%get3A_1331, %get3A_1332] : memref<64x2048xf32, #tpu.memory_space<vmem>>, vector<64x128xf32>
    %get3A_1334 = arith.constant 0 : index
    %get3A_1335 = arith.constant 1152 : index
    %get3A_1336 = vector.load %arg16[%get3A_1334, %get3A_1335] : memref<64x2048xf32, #tpu.memory_space<vmem>>, vector<64x128xf32>
    %ne3A_1337 = arith.constant 0.000000e+00 : f32
    %ne3A_1338 = vector.broadcast %ne3A_1337 : f32 to vector<64x128xf32>
    %ne3A_1339 = arith.cmpf one, %get3A_1336, %ne3A_1338 : vector<64x128xf32>
    %jit3A_1340 = arith.constant -1.000000e+04 : f32
    %broadcast_in_dim3A_1341 = vector.broadcast %jit3A_1340 : f32 to vector<64x128xf32>
    %select_n3A_1342 = arith.select %ne3A_1339, %get3A_1333, %broadcast_in_dim3A_1341 : vector<64x128xi1>, vector<64x128xf32>
    %ge3A_1343 = arith.cmpf oge, %select_n3A_1342, %get3A_3 : vector<64x128xf32>
    %mul3A_1344 = arith.constant 23.3601189 : f32
    %mul3A_1345 = vector.broadcast %mul3A_1344 : f32 to vector<64x128xf32>
    %mul3A_1346 = arith.mulf %mul3A_1345, %get3A_1333 : vector<64x128xf32>
    %add3A_1347 = arith.constant 0.276997447 : f32
    %add3A_1348 = vector.broadcast %add3A_1347 : f32 to vector<64x128xf32>
    %add3A_1349 = arith.addf %mul3A_1346, %add3A_1348 : vector<64x128xf32>
    %mul3A_1350 = arith.constant 23.0831203 : f32
    %mul3A_1351 = vector.broadcast %mul3A_1350 : f32 to vector<64x128xf32>
    %mul3A_1352 = arith.mulf %mul3A_1351, %get3A_1333 : vector<64x128xf32>
    %select_n3A_1353 = arith.select %ge3A_1343, %add3A_1349, %mul3A_1352 : vector<64x128xi1>, vector<64x128xf32>
    %swap3A_1354 = arith.constant 0 : index
    %swap3A_1355 = arith.constant 1152 : index
    %swap3A_1356 = vector.load %arg26[%swap3A_1354, %swap3A_1355] : memref<64x2048xf32, #tpu.memory_space<vmem>>, vector<64x128xf32>
    tpu.vector_store %arg26[%swap3A_1354, %swap3A_1355], %select_n3A_1353 {strides = array<i32>} : memref<64x2048xf32, #tpu.memory_space<vmem>>, vector<64x128xf32>,
    %max3A_1357 = arith.maximumf %max3A_1330, %select_n3A_1353 : vector<64x128xf32>
    %get3A_1358 = arith.constant 0 : index
    %get3A_1359 = arith.constant 1280 : index
    %get3A_1360 = vector.load %arg7[%get3A_1358, %get3A_1359] : memref<64x2048xf32, #tpu.memory_space<vmem>>, vector<64x128xf32>
    %get3A_1361 = arith.constant 0 : index
    %get3A_1362 = arith.constant 1280 : index
    %get3A_1363 = vector.load %arg16[%get3A_1361, %get3A_1362] : memref<64x2048xf32, #tpu.memory_space<vmem>>, vector<64x128xf32>
    %ne3A_1364 = arith.constant 0.000000e+00 : f32
    %ne3A_1365 = vector.broadcast %ne3A_1364 : f32 to vector<64x128xf32>
    %ne3A_1366 = arith.cmpf one, %get3A_1363, %ne3A_1365 : vector<64x128xf32>
    %jit3A_1367 = arith.constant -1.000000e+04 : f32
    %broadcast_in_dim3A_1368 = vector.broadcast %jit3A_1367 : f32 to vector<64x128xf32>
    %select_n3A_1369 = arith.select %ne3A_1366, %get3A_1360, %broadcast_in_dim3A_1368 : vector<64x128xi1>, vector<64x128xf32>
    %ge3A_1370 = arith.cmpf oge, %select_n3A_1369, %get3A_3 : vector<64x128xf32>
    %mul3A_1371 = arith.constant 23.3601189 : f32
    %mul3A_1372 = vector.broadcast %mul3A_1371 : f32 to vector<64x128xf32>
    %mul3A_1373 = arith.mulf %mul3A_1372, %get3A_1360 : vector<64x128xf32>
    %add3A_1374 = arith.constant 0.276997447 : f32
    %add3A_1375 = vector.broadcast %add3A_1374 : f32 to vector<64x128xf32>
    %add3A_1376 = arith.addf %mul3A_1373, %add3A_1375 : vector<64x128xf32>
    %mul3A_1377 = arith.constant 23.0831203 : f32
    %mul3A_1378 = vector.broadcast %mul3A_1377 : f32 to vector<64x128xf32>
    %mul3A_1379 = arith.mulf %mul3A_1378, %get3A_1360 : vector<64x128xf32>
    %select_n3A_1380 = arith.select %ge3A_1370, %add3A_1376, %mul3A_1379 : vector<64x128xi1>, vector<64x128xf32>
    %swap3A_1381 = arith.constant 0 : index
    %swap3A_1382 = arith.constant 1280 : index
    %swap3A_1383 = vector.load %arg26[%swap3A_1381, %swap3A_1382] : memref<64x2048xf32, #tpu.memory_space<vmem>>, vector<64x128xf32>
    tpu.vector_store %arg26[%swap3A_1381, %swap3A_1382], %select_n3A_1380 {strides = array<i32>} : memref<64x2048xf32, #tpu.memory_space<vmem>>, vector<64x128xf32>,
    %max3A_1384 = arith.maximumf %max3A_1357, %select_n3A_1380 : vector<64x128xf32>
    %get3A_1385 = arith.constant 0 : index
    %get3A_1386 = arith.constant 1408 : index
    %get3A_1387 = vector.load %arg7[%get3A_1385, %get3A_1386] : memref<64x2048xf32, #tpu.memory_space<vmem>>, vector<64x128xf32>
    %get3A_1388 = arith.constant 0 : index
    %get3A_1389 = arith.constant 1408 : index
    %get3A_1390 = vector.load %arg16[%get3A_1388, %get3A_1389] : memref<64x2048xf32, #tpu.memory_space<vmem>>, vector<64x128xf32>
    %ne3A_1391 = arith.constant 0.000000e+00 : f32
    %ne3A_1392 = vector.broadcast %ne3A_1391 : f32 to vector<64x128xf32>
    %ne3A_1393 = arith.cmpf one, %get3A_1390, %ne3A_1392 : vector<64x128xf32>
    %jit3A_1394 = arith.constant -1.000000e+04 : f32
    %broadcast_in_dim3A_1395 = vector.broadcast %jit3A_1394 : f32 to vector<64x128xf32>
    %select_n3A_1396 = arith.select %ne3A_1393, %get3A_1387, %broadcast_in_dim3A_1395 : vector<64x128xi1>, vector<64x128xf32>
    %ge3A_1397 = arith.cmpf oge, %select_n3A_1396, %get3A_3 : vector<64x128xf32>
    %mul3A_1398 = arith.constant 23.3601189 : f32
    %mul3A_1399 = vector.broadcast %mul3A_1398 : f32 to vector<64x128xf32>
    %mul3A_1400 = arith.mulf %mul3A_1399, %get3A_1387 : vector<64x128xf32>
    %add3A_1401 = arith.constant 0.276997447 : f32
    %add3A_1402 = vector.broadcast %add3A_1401 : f32 to vector<64x128xf32>
    %add3A_1403 = arith.addf %mul3A_1400, %add3A_1402 : vector<64x128xf32>
    %mul3A_1404 = arith.constant 23.0831203 : f32
    %mul3A_1405 = vector.broadcast %mul3A_1404 : f32 to vector<64x128xf32>
    %mul3A_1406 = arith.mulf %mul3A_1405, %get3A_1387 : vector<64x128xf32>
    %select_n3A_1407 = arith.select %ge3A_1397, %add3A_1403, %mul3A_1406 : vector<64x128xi1>, vector<64x128xf32>
    %swap3A_1408 = arith.constant 0 : index
    %swap3A_1409 = arith.constant 1408 : index
    %swap3A_1410 = vector.load %arg26[%swap3A_1408, %swap3A_1409] : memref<64x2048xf32, #tpu.memory_space<vmem>>, vector<64x128xf32>
    tpu.vector_store %arg26[%swap3A_1408, %swap3A_1409], %select_n3A_1407 {strides = array<i32>} : memref<64x2048xf32, #tpu.memory_space<vmem>>, vector<64x128xf32>,
    %max3A_1411 = arith.maximumf %max3A_1384, %select_n3A_1407 : vector<64x128xf32>
    %get3A_1412 = arith.constant 0 : index
    %get3A_1413 = arith.constant 1536 : index
    %get3A_1414 = vector.load %arg7[%get3A_1412, %get3A_1413] : memref<64x2048xf32, #tpu.memory_space<vmem>>, vector<64x128xf32>
    %get3A_1415 = arith.constant 0 : index
    %get3A_1416 = arith.constant 1536 : index
    %get3A_1417 = vector.load %arg16[%get3A_1415, %get3A_1416] : memref<64x2048xf32, #tpu.memory_space<vmem>>, vector<64x128xf32>
    %ne3A_1418 = arith.constant 0.000000e+00 : f32
    %ne3A_1419 = vector.broadcast %ne3A_1418 : f32 to vector<64x128xf32>
    %ne3A_1420 = arith.cmpf one, %get3A_1417, %ne3A_1419 : vector<64x128xf32>
    %jit3A_1421 = arith.constant -1.000000e+04 : f32
    %broadcast_in_dim3A_1422 = vector.broadcast %jit3A_1421 : f32 to vector<64x128xf32>
    %select_n3A_1423 = arith.select %ne3A_1420, %get3A_1414, %broadcast_in_dim3A_1422 : vector<64x128xi1>, vector<64x128xf32>
    %ge3A_1424 = arith.cmpf oge, %select_n3A_1423, %get3A_3 : vector<64x128xf32>
    %mul3A_1425 = arith.constant 23.3601189 : f32
    %mul3A_1426 = vector.broadcast %mul3A_1425 : f32 to vector<64x128xf32>
    %mul3A_1427 = arith.mulf %mul3A_1426, %get3A_1414 : vector<64x128xf32>
    %add3A_1428 = arith.constant 0.276997447 : f32
    %add3A_1429 = vector.broadcast %add3A_1428 : f32 to vector<64x128xf32>
    %add3A_1430 = arith.addf %mul3A_1427, %add3A_1429 : vector<64x128xf32>
    %mul3A_1431 = arith.constant 23.0831203 : f32
    %mul3A_1432 = vector.broadcast %mul3A_1431 : f32 to vector<64x128xf32>
    %mul3A_1433 = arith.mulf %mul3A_1432, %get3A_1414 : vector<64x128xf32>
    %select_n3A_1434 = arith.select %ge3A_1424, %add3A_1430, %mul3A_1433 : vector<64x128xi1>, vector<64x128xf32>
    %swap3A_1435 = arith.constant 0 : index
    %swap3A_1436 = arith.constant 1536 : index
    %swap3A_1437 = vector.load %arg26[%swap3A_1435, %swap3A_1436] : memref<64x2048xf32, #tpu.memory_space<vmem>>, vector<64x128xf32>
    tpu.vector_store %arg26[%swap3A_1435, %swap3A_1436], %select_n3A_1434 {strides = array<i32>} : memref<64x2048xf32, #tpu.memory_space<vmem>>, vector<64x128xf32>,
    %max3A_1438 = arith.maximumf %max3A_1411, %select_n3A_1434 : vector<64x128xf32>
    %get3A_1439 = arith.constant 0 : index
    %get3A_1440 = arith.constant 1664 : index
    %get3A_1441 = vector.load %arg7[%get3A_1439, %get3A_1440] : memref<64x2048xf32, #tpu.memory_space<vmem>>, vector<64x128xf32>
    %get3A_1442 = arith.constant 0 : index
    %get3A_1443 = arith.constant 1664 : index
    %get3A_1444 = vector.load %arg16[%get3A_1442, %get3A_1443] : memref<64x2048xf32, #tpu.memory_space<vmem>>, vector<64x128xf32>
    %ne3A_1445 = arith.constant 0.000000e+00 : f32
    %ne3A_1446 = vector.broadcast %ne3A_1445 : f32 to vector<64x128xf32>
    %ne3A_1447 = arith.cmpf one, %get3A_1444, %ne3A_1446 : vector<64x128xf32>
    %jit3A_1448 = arith.constant -1.000000e+04 : f32
    %broadcast_in_dim3A_1449 = vector.broadcast %jit3A_1448 : f32 to vector<64x128xf32>
    %select_n3A_1450 = arith.select %ne3A_1447, %get3A_1441, %broadcast_in_dim3A_1449 : vector<64x128xi1>, vector<64x128xf32>
    %ge3A_1451 = arith.cmpf oge, %select_n3A_1450, %get3A_3 : vector<64x128xf32>
    %mul3A_1452 = arith.constant 23.3601189 : f32
    %mul3A_1453 = vector.broadcast %mul3A_1452 : f32 to vector<64x128xf32>
    %mul3A_1454 = arith.mulf %mul3A_1453, %get3A_1441 : vector<64x128xf32>
    %add3A_1455 = arith.constant 0.276997447 : f32
    %add3A_1456 = vector.broadcast %add3A_1455 : f32 to vector<64x128xf32>
    %add3A_1457 = arith.addf %mul3A_1454, %add3A_1456 : vector<64x128xf32>
    %mul3A_1458 = arith.constant 23.0831203 : f32
    %mul3A_1459 = vector.broadcast %mul3A_1458 : f32 to vector<64x128xf32>
    %mul3A_1460 = arith.mulf %mul3A_1459, %get3A_1441 : vector<64x128xf32>
    %select_n3A_1461 = arith.select %ge3A_1451, %add3A_1457, %mul3A_1460 : vector<64x128xi1>, vector<64x128xf32>
    %swap3A_1462 = arith.constant 0 : index
    %swap3A_1463 = arith.constant 1664 : index
    %swap3A_1464 = vector.load %arg26[%swap3A_1462, %swap3A_1463] : memref<64x2048xf32, #tpu.memory_space<vmem>>, vector<64x128xf32>
    tpu.vector_store %arg26[%swap3A_1462, %swap3A_1463], %select_n3A_1461 {strides = array<i32>} : memref<64x2048xf32, #tpu.memory_space<vmem>>, vector<64x128xf32>,
    %max3A_1465 = arith.maximumf %max3A_1438, %select_n3A_1461 : vector<64x128xf32>
    %get3A_1466 = arith.constant 0 : index
    %get3A_1467 = arith.constant 1792 : index
    %get3A_1468 = vector.load %arg7[%get3A_1466, %get3A_1467] : memref<64x2048xf32, #tpu.memory_space<vmem>>, vector<64x128xf32>
    %get3A_1469 = arith.constant 0 : index
    %get3A_1470 = arith.constant 1792 : index
    %get3A_1471 = vector.load %arg16[%get3A_1469, %get3A_1470] : memref<64x2048xf32, #tpu.memory_space<vmem>>, vector<64x128xf32>
    %ne3A_1472 = arith.constant 0.000000e+00 : f32
    %ne3A_1473 = vector.broadcast %ne3A_1472 : f32 to vector<64x128xf32>
    %ne3A_1474 = arith.cmpf one, %get3A_1471, %ne3A_1473 : vector<64x128xf32>
    %jit3A_1475 = arith.constant -1.000000e+04 : f32
    %broadcast_in_dim3A_1476 = vector.broadcast %jit3A_1475 : f32 to vector<64x128xf32>
    %select_n3A_1477 = arith.select %ne3A_1474, %get3A_1468, %broadcast_in_dim3A_1476 : vector<64x128xi1>, vector<64x128xf32>
    %ge3A_1478 = arith.cmpf oge, %select_n3A_1477, %get3A_3 : vector<64x128xf32>
    %mul3A_1479 = arith.constant 23.3601189 : f32
    %mul3A_1480 = vector.broadcast %mul3A_1479 : f32 to vector<64x128xf32>
    %mul3A_1481 = arith.mulf %mul3A_1480, %get3A_1468 : vector<64x128xf32>
    %add3A_1482 = arith.constant 0.276997447 : f32
    %add3A_1483 = vector.broadcast %add3A_1482 : f32 to vector<64x128xf32>
    %add3A_1484 = arith.addf %mul3A_1481, %add3A_1483 : vector<64x128xf32>
    %mul3A_1485 = arith.constant 23.0831203 : f32
    %mul3A_1486 = vector.broadcast %mul3A_1485 : f32 to vector<64x128xf32>
    %mul3A_1487 = arith.mulf %mul3A_1486, %get3A_1468 : vector<64x128xf32>
    %select_n3A_1488 = arith.select %ge3A_1478, %add3A_1484, %mul3A_1487 : vector<64x128xi1>, vector<64x128xf32>
    %swap3A_1489 = arith.constant 0 : index
    %swap3A_1490 = arith.constant 1792 : index
    %swap3A_1491 = vector.load %arg26[%swap3A_1489, %swap3A_1490] : memref<64x2048xf32, #tpu.memory_space<vmem>>, vector<64x128xf32>
    tpu.vector_store %arg26[%swap3A_1489, %swap3A_1490], %select_n3A_1488 {strides = array<i32>} : memref<64x2048xf32, #tpu.memory_space<vmem>>, vector<64x128xf32>,
    %max3A_1492 = arith.maximumf %max3A_1465, %select_n3A_1488 : vector<64x128xf32>
    %get3A_1493 = arith.constant 0 : index
    %get3A_1494 = arith.constant 1920 : index
    %get3A_1495 = vector.load %arg7[%get3A_1493, %get3A_1494] : memref<64x2048xf32, #tpu.memory_space<vmem>>, vector<64x128xf32>
    %get3A_1496 = arith.constant 0 : index
    %get3A_1497 = arith.constant 1920 : index
    %get3A_1498 = vector.load %arg16[%get3A_1496, %get3A_1497] : memref<64x2048xf32, #tpu.memory_space<vmem>>, vector<64x128xf32>
    %ne3A_1499 = arith.constant 0.000000e+00 : f32
    %ne3A_1500 = vector.broadcast %ne3A_1499 : f32 to vector<64x128xf32>
    %ne3A_1501 = arith.cmpf one, %get3A_1498, %ne3A_1500 : vector<64x128xf32>
    %jit3A_1502 = arith.constant -1.000000e+04 : f32
    %broadcast_in_dim3A_1503 = vector.broadcast %jit3A_1502 : f32 to vector<64x128xf32>
    %select_n3A_1504 = arith.select %ne3A_1501, %get3A_1495, %broadcast_in_dim3A_1503 : vector<64x128xi1>, vector<64x128xf32>
    %ge3A_1505 = arith.cmpf oge, %select_n3A_1504, %get3A_3 : vector<64x128xf32>
    %mul3A_1506 = arith.constant 23.3601189 : f32
    %mul3A_1507 = vector.broadcast %mul3A_1506 : f32 to vector<64x128xf32>
    %mul3A_1508 = arith.mulf %mul3A_1507, %get3A_1495 : vector<64x128xf32>
    %add3A_1509 = arith.constant 0.276997447 : f32
    %add3A_1510 = vector.broadcast %add3A_1509 : f32 to vector<64x128xf32>
    %add3A_1511 = arith.addf %mul3A_1508, %add3A_1510 : vector<64x128xf32>
    %mul3A_1512 = arith.constant 23.0831203 : f32
    %mul3A_1513 = vector.broadcast %mul3A_1512 : f32 to vector<64x128xf32>
    %mul3A_1514 = arith.mulf %mul3A_1513, %get3A_1495 : vector<64x128xf32>
    %select_n3A_1515 = arith.select %ge3A_1505, %add3A_1511, %mul3A_1514 : vector<64x128xi1>, vector<64x128xf32>
    %swap3A_1516 = arith.constant 0 : index
    %swap3A_1517 = arith.constant 1920 : index
    %swap3A_1518 = vector.load %arg26[%swap3A_1516, %swap3A_1517] : memref<64x2048xf32, #tpu.memory_space<vmem>>, vector<64x128xf32>
    tpu.vector_store %arg26[%swap3A_1516, %swap3A_1517], %select_n3A_1515 {strides = array<i32>} : memref<64x2048xf32, #tpu.memory_space<vmem>>, vector<64x128xf32>,
    %max3A_1519 = arith.maximumf %max3A_1492, %select_n3A_1515 : vector<64x128xf32>
    %get3A_1520 = arith.constant 0 : index
    %get3A_1521 = arith.constant 0 : index
    %get3A_1522 = vector.load %arg25[%get3A_1520, %get3A_1521] : memref<64x128xf32, #tpu.memory_space<vmem>>, vector<64x128xf32>
    %sub3A_1523 = arith.subf %get3A_1087, %max3A_1519 : vector<64x128xf32>
    %exp23A_1524 = math.exp2 %sub3A_1523 : vector<64x128xf32>
    %mul3A_1525 = arith.mulf %get3A_1522, %exp23A_1524 : vector<64x128xf32>
    %broadcast_in_dim3A_1526 = arith.constant 0.000000e+00 : f32
    %broadcast_in_dim3A_1527 = vector.broadcast %broadcast_in_dim3A_1526 : f32 to vector<64x128xf32>
    %get3A_1528 = arith.constant 0 : index
    %get3A_1529 = arith.constant 0 : index
    %get3A_1530 = vector.load %arg26[%get3A_1528, %get3A_1529] : memref<64x2048xf32, #tpu.memory_space<vmem>>, vector<64x128xf32>
    %sub3A_1531 = arith.subf %get3A_1530, %max3A_1519 : vector<64x128xf32>
    %exp23A_1532 = math.exp2 %sub3A_1531 : vector<64x128xf32>
    %add3A_1533 = arith.addf %mul3A_1525, %exp23A_1532 : vector<64x128xf32>
    %get3A_1534 = arith.constant 0 : index
    %get3A_1535 = arith.constant 128 : index
    %get3A_1536 = vector.load %arg26[%get3A_1534, %get3A_1535] : memref<64x2048xf32, #tpu.memory_space<vmem>>, vector<64x128xf32>
    %sub3A_1537 = arith.subf %get3A_1536, %max3A_1519 : vector<64x128xf32>
    %exp23A_1538 = math.exp2 %sub3A_1537 : vector<64x128xf32>
    %add3A_1539 = arith.addf %broadcast_in_dim3A_1527, %exp23A_1538 : vector<64x128xf32>
    %get3A_1540 = arith.constant 0 : index
    %get3A_1541 = arith.constant 256 : index
    %get3A_1542 = vector.load %arg26[%get3A_1540, %get3A_1541] : memref<64x2048xf32, #tpu.memory_space<vmem>>, vector<64x128xf32>
    %sub3A_1543 = arith.subf %get3A_1542, %max3A_1519 : vector<64x128xf32>
    %exp23A_1544 = math.exp2 %sub3A_1543 : vector<64x128xf32>
    %add3A_1545 = arith.addf %add3A_1533, %exp23A_1544 : vector<64x128xf32>
    %get3A_1546 = arith.constant 0 : index
    %get3A_1547 = arith.constant 384 : index
    %get3A_1548 = vector.load %arg26[%get3A_1546, %get3A_1547] : memref<64x2048xf32, #tpu.memory_space<vmem>>, vector<64x128xf32>
    %sub3A_1549 = arith.subf %get3A_1548, %max3A_1519 : vector<64x128xf32>
    %exp23A_1550 = math.exp2 %sub3A_1549 : vector<64x128xf32>
    %add3A_1551 = arith.addf %add3A_1539, %exp23A_1550 : vector<64x128xf32>
    %get3A_1552 = arith.constant 0 : index
    %get3A_1553 = arith.constant 512 : index
    %get3A_1554 = vector.load %arg26[%get3A_1552, %get3A_1553] : memref<64x2048xf32, #tpu.memory_space<vmem>>, vector<64x128xf32>
    %sub3A_1555 = arith.subf %get3A_1554, %max3A_1519 : vector<64x128xf32>
    %exp23A_1556 = math.exp2 %sub3A_1555 : vector<64x128xf32>
    %add3A_1557 = arith.addf %add3A_1545, %exp23A_1556 : vector<64x128xf32>
    %get3A_1558 = arith.constant 0 : index
    %get3A_1559 = arith.constant 640 : index
    %get3A_1560 = vector.load %arg26[%get3A_1558, %get3A_1559] : memref<64x2048xf32, #tpu.memory_space<vmem>>, vector<64x128xf32>
    %sub3A_1561 = arith.subf %get3A_1560, %max3A_1519 : vector<64x128xf32>
    %exp23A_1562 = math.exp2 %sub3A_1561 : vector<64x128xf32>
    %add3A_1563 = arith.addf %add3A_1551, %exp23A_1562 : vector<64x128xf32>
    %get3A_1564 = arith.constant 0 : index
    %get3A_1565 = arith.constant 768 : index
    %get3A_1566 = vector.load %arg26[%get3A_1564, %get3A_1565] : memref<64x2048xf32, #tpu.memory_space<vmem>>, vector<64x128xf32>
    %sub3A_1567 = arith.subf %get3A_1566, %max3A_1519 : vector<64x128xf32>
    %exp23A_1568 = math.exp2 %sub3A_1567 : vector<64x128xf32>
    %add3A_1569 = arith.addf %add3A_1557, %exp23A_1568 : vector<64x128xf32>
    %get3A_1570 = arith.constant 0 : index
    %get3A_1571 = arith.constant 896 : index
    %get3A_1572 = vector.load %arg26[%get3A_1570, %get3A_1571] : memref<64x2048xf32, #tpu.memory_space<vmem>>, vector<64x128xf32>
    %sub3A_1573 = arith.subf %get3A_1572, %max3A_1519 : vector<64x128xf32>
    %exp23A_1574 = math.exp2 %sub3A_1573 : vector<64x128xf32>
    %add3A_1575 = arith.addf %add3A_1563, %exp23A_1574 : vector<64x128xf32>
    %get3A_1576 = arith.constant 0 : index
    %get3A_1577 = arith.constant 1024 : index
    %get3A_1578 = vector.load %arg26[%get3A_1576, %get3A_1577] : memref<64x2048xf32, #tpu.memory_space<vmem>>, vector<64x128xf32>
    %sub3A_1579 = arith.subf %get3A_1578, %max3A_1519 : vector<64x128xf32>
    %exp23A_1580 = math.exp2 %sub3A_1579 : vector<64x128xf32>
    %add3A_1581 = arith.addf %add3A_1569, %exp23A_1580 : vector<64x128xf32>
    %get3A_1582 = arith.constant 0 : index
    %get3A_1583 = arith.constant 1152 : index
    %get3A_1584 = vector.load %arg26[%get3A_1582, %get3A_1583] : memref<64x2048xf32, #tpu.memory_space<vmem>>, vector<64x128xf32>
    %sub3A_1585 = arith.subf %get3A_1584, %max3A_1519 : vector<64x128xf32>
    %exp23A_1586 = math.exp2 %sub3A_1585 : vector<64x128xf32>
    %add3A_1587 = arith.addf %add3A_1575, %exp23A_1586 : vector<64x128xf32>
    %get3A_1588 = arith.constant 0 : index
    %get3A_1589 = arith.constant 1280 : index
    %get3A_1590 = vector.load %arg26[%get3A_1588, %get3A_1589] : memref<64x2048xf32, #tpu.memory_space<vmem>>, vector<64x128xf32>
    %sub3A_1591 = arith.subf %get3A_1590, %max3A_1519 : vector<64x128xf32>
    %exp23A_1592 = math.exp2 %sub3A_1591 : vector<64x128xf32>
    %add3A_1593 = arith.addf %add3A_1581, %exp23A_1592 : vector<64x128xf32>
    %get3A_1594 = arith.constant 0 : index
    %get3A_1595 = arith.constant 1408 : index
    %get3A_1596 = vector.load %arg26[%get3A_1594, %get3A_1595] : memref<64x2048xf32, #tpu.memory_space<vmem>>, vector<64x128xf32>
    %sub3A_1597 = arith.subf %get3A_1596, %max3A_1519 : vector<64x128xf32>
    %exp23A_1598 = math.exp2 %sub3A_1597 : vector<64x128xf32>
    %add3A_1599 = arith.addf %add3A_1587, %exp23A_1598 : vector<64x128xf32>
    %get3A_1600 = arith.constant 0 : index
    %get3A_1601 = arith.constant 1536 : index
    %get3A_1602 = vector.load %arg26[%get3A_1600, %get3A_1601] : memref<64x2048xf32, #tpu.memory_space<vmem>>, vector<64x128xf32>
    %sub3A_1603 = arith.subf %get3A_1602, %max3A_1519 : vector<64x128xf32>
    %exp23A_1604 = math.exp2 %sub3A_1603 : vector<64x128xf32>
    %add3A_1605 = arith.addf %add3A_1593, %exp23A_1604 : vector<64x128xf32>
    %get3A_1606 = arith.constant 0 : index
    %get3A_1607 = arith.constant 1664 : index
    %get3A_1608 = vector.load %arg26[%get3A_1606, %get3A_1607] : memref<64x2048xf32, #tpu.memory_space<vmem>>, vector<64x128xf32>
    %sub3A_1609 = arith.subf %get3A_1608, %max3A_1519 : vector<64x128xf32>
    %exp23A_1610 = math.exp2 %sub3A_1609 : vector<64x128xf32>
    %add3A_1611 = arith.addf %add3A_1599, %exp23A_1610 : vector<64x128xf32>
    %get3A_1612 = arith.constant 0 : index
    %get3A_1613 = arith.constant 1792 : index
    %get3A_1614 = vector.load %arg26[%get3A_1612, %get3A_1613] : memref<64x2048xf32, #tpu.memory_space<vmem>>, vector<64x128xf32>
    %sub3A_1615 = arith.subf %get3A_1614, %max3A_1519 : vector<64x128xf32>
    %exp23A_1616 = math.exp2 %sub3A_1615 : vector<64x128xf32>
    %add3A_1617 = arith.addf %add3A_1605, %exp23A_1616 : vector<64x128xf32>
    %get3A_1618 = arith.constant 0 : index
    %get3A_1619 = arith.constant 1920 : index
    %get3A_1620 = vector.load %arg26[%get3A_1618, %get3A_1619] : memref<64x2048xf32, #tpu.memory_space<vmem>>, vector<64x128xf32>
    %sub3A_1621 = arith.subf %get3A_1620, %max3A_1519 : vector<64x128xf32>
    %exp23A_1622 = math.exp2 %sub3A_1621 : vector<64x128xf32>
    %add3A_1623 = arith.addf %add3A_1611, %exp23A_1622 : vector<64x128xf32>
    %swap3A_1624 = arith.constant 0 : index
    %swap3A_1625 = arith.constant 0 : index
    %swap3A_1626 = vector.load %arg24[%swap3A_1624, %swap3A_1625] : memref<64x128xf32, #tpu.memory_space<vmem>>, vector<64x128xf32>
    tpu.vector_store %arg24[%swap3A_1624, %swap3A_1625], %max3A_1519 {strides = array<i32>} : memref<64x128xf32, #tpu.memory_space<vmem>>, vector<64x128xf32>,
    %add3A_1627 = arith.addf %add3A_1617, %add3A_1623 : vector<64x128xf32>
    %swap3A_1628 = arith.constant 0 : index
    %swap3A_1629 = arith.constant 0 : index
    %swap3A_1630 = vector.load %arg25[%swap3A_1628, %swap3A_1629] : memref<64x128xf32, #tpu.memory_space<vmem>>, vector<64x128xf32>
    tpu.vector_store %arg25[%swap3A_1628, %swap3A_1629], %add3A_1627 {strides = array<i32>} : memref<64x128xf32, #tpu.memory_space<vmem>>, vector<64x128xf32>,
    %get3A_1631 = arith.constant 0 : index
    %get3A_1632 = arith.constant 0 : index
    %get3A_1633 = vector.load %arg24[%get3A_1631, %get3A_1632] : memref<64x128xf32, #tpu.memory_space<vmem>>, vector<64x128xf32>
    %get3A_1634 = arith.constant 0 : index
    %get3A_1635 = arith.constant 0 : index
    %get3A_1636 = vector.load %arg8[%get3A_1634, %get3A_1635] : memref<64x2048xf32, #tpu.memory_space<vmem>>, vector<64x128xf32>
    %get3A_1637 = arith.constant 0 : index
    %get3A_1638 = arith.constant 0 : index
    %get3A_1639 = vector.load %arg17[%get3A_1637, %get3A_1638] : memref<64x2048xf32, #tpu.memory_space<vmem>>, vector<64x128xf32>
    %ne3A_1640 = arith.constant 0.000000e+00 : f32
    %ne3A_1641 = vector.broadcast %ne3A_1640 : f32 to vector<64x128xf32>
    %ne3A_1642 = arith.cmpf one, %get3A_1639, %ne3A_1641 : vector<64x128xf32>
    %jit3A_1643 = arith.constant -1.000000e+04 : f32
    %broadcast_in_dim3A_1644 = vector.broadcast %jit3A_1643 : f32 to vector<64x128xf32>
    %select_n3A_1645 = arith.select %ne3A_1642, %get3A_1636, %broadcast_in_dim3A_1644 : vector<64x128xi1>, vector<64x128xf32>
    %ge3A_1646 = arith.cmpf oge, %select_n3A_1645, %get3A_3 : vector<64x128xf32>
    %mul3A_1647 = arith.constant 23.3601189 : f32
    %mul3A_1648 = vector.broadcast %mul3A_1647 : f32 to vector<64x128xf32>
    %mul3A_1649 = arith.mulf %mul3A_1648, %get3A_1636 : vector<64x128xf32>
    %add3A_1650 = arith.constant 0.276997447 : f32
    %add3A_1651 = vector.broadcast %add3A_1650 : f32 to vector<64x128xf32>
    %add3A_1652 = arith.addf %mul3A_1649, %add3A_1651 : vector<64x128xf32>
    %mul3A_1653 = arith.constant 23.0831203 : f32
    %mul3A_1654 = vector.broadcast %mul3A_1653 : f32 to vector<64x128xf32>
    %mul3A_1655 = arith.mulf %mul3A_1654, %get3A_1636 : vector<64x128xf32>
    %select_n3A_1656 = arith.select %ge3A_1646, %add3A_1652, %mul3A_1655 : vector<64x128xi1>, vector<64x128xf32>
    %swap3A_1657 = arith.constant 0 : index
    %swap3A_1658 = arith.constant 0 : index
    %swap3A_1659 = vector.load %arg26[%swap3A_1657, %swap3A_1658] : memref<64x2048xf32, #tpu.memory_space<vmem>>, vector<64x128xf32>
    tpu.vector_store %arg26[%swap3A_1657, %swap3A_1658], %select_n3A_1656 {strides = array<i32>} : memref<64x2048xf32, #tpu.memory_space<vmem>>, vector<64x128xf32>,
    %max3A_1660 = arith.maximumf %get3A_1633, %select_n3A_1656 : vector<64x128xf32>
    %get3A_1661 = arith.constant 0 : index
    %get3A_1662 = arith.constant 128 : index
    %get3A_1663 = vector.load %arg8[%get3A_1661, %get3A_1662] : memref<64x2048xf32, #tpu.memory_space<vmem>>, vector<64x128xf32>
    %get3A_1664 = arith.constant 0 : index
    %get3A_1665 = arith.constant 128 : index
    %get3A_1666 = vector.load %arg17[%get3A_1664, %get3A_1665] : memref<64x2048xf32, #tpu.memory_space<vmem>>, vector<64x128xf32>
    %ne3A_1667 = arith.constant 0.000000e+00 : f32
    %ne3A_1668 = vector.broadcast %ne3A_1667 : f32 to vector<64x128xf32>
    %ne3A_1669 = arith.cmpf one, %get3A_1666, %ne3A_1668 : vector<64x128xf32>
    %jit3A_1670 = arith.constant -1.000000e+04 : f32
    %broadcast_in_dim3A_1671 = vector.broadcast %jit3A_1670 : f32 to vector<64x128xf32>
    %select_n3A_1672 = arith.select %ne3A_1669, %get3A_1663, %broadcast_in_dim3A_1671 : vector<64x128xi1>, vector<64x128xf32>
    %ge3A_1673 = arith.cmpf oge, %select_n3A_1672, %get3A_3 : vector<64x128xf32>
    %mul3A_1674 = arith.constant 23.3601189 : f32
    %mul3A_1675 = vector.broadcast %mul3A_1674 : f32 to vector<64x128xf32>
    %mul3A_1676 = arith.mulf %mul3A_1675, %get3A_1663 : vector<64x128xf32>
    %add3A_1677 = arith.constant 0.276997447 : f32
    %add3A_1678 = vector.broadcast %add3A_1677 : f32 to vector<64x128xf32>
    %add3A_1679 = arith.addf %mul3A_1676, %add3A_1678 : vector<64x128xf32>
    %mul3A_1680 = arith.constant 23.0831203 : f32
    %mul3A_1681 = vector.broadcast %mul3A_1680 : f32 to vector<64x128xf32>
    %mul3A_1682 = arith.mulf %mul3A_1681, %get3A_1663 : vector<64x128xf32>
    %select_n3A_1683 = arith.select %ge3A_1673, %add3A_1679, %mul3A_1682 : vector<64x128xi1>, vector<64x128xf32>
    %swap3A_1684 = arith.constant 0 : index
    %swap3A_1685 = arith.constant 128 : index
    %swap3A_1686 = vector.load %arg26[%swap3A_1684, %swap3A_1685] : memref<64x2048xf32, #tpu.memory_space<vmem>>, vector<64x128xf32>
    tpu.vector_store %arg26[%swap3A_1684, %swap3A_1685], %select_n3A_1683 {strides = array<i32>} : memref<64x2048xf32, #tpu.memory_space<vmem>>, vector<64x128xf32>,
    %max3A_1687 = arith.maximumf %max3A_1660, %select_n3A_1683 : vector<64x128xf32>
    %get3A_1688 = arith.constant 0 : index
    %get3A_1689 = arith.constant 256 : index
    %get3A_1690 = vector.load %arg8[%get3A_1688, %get3A_1689] : memref<64x2048xf32, #tpu.memory_space<vmem>>, vector<64x128xf32>
    %get3A_1691 = arith.constant 0 : index
    %get3A_1692 = arith.constant 256 : index
    %get3A_1693 = vector.load %arg17[%get3A_1691, %get3A_1692] : memref<64x2048xf32, #tpu.memory_space<vmem>>, vector<64x128xf32>
    %ne3A_1694 = arith.constant 0.000000e+00 : f32
    %ne3A_1695 = vector.broadcast %ne3A_1694 : f32 to vector<64x128xf32>
    %ne3A_1696 = arith.cmpf one, %get3A_1693, %ne3A_1695 : vector<64x128xf32>
    %jit3A_1697 = arith.constant -1.000000e+04 : f32
    %broadcast_in_dim3A_1698 = vector.broadcast %jit3A_1697 : f32 to vector<64x128xf32>
    %select_n3A_1699 = arith.select %ne3A_1696, %get3A_1690, %broadcast_in_dim3A_1698 : vector<64x128xi1>, vector<64x128xf32>
    %ge3A_1700 = arith.cmpf oge, %select_n3A_1699, %get3A_3 : vector<64x128xf32>
    %mul3A_1701 = arith.constant 23.3601189 : f32
    %mul3A_1702 = vector.broadcast %mul3A_1701 : f32 to vector<64x128xf32>
    %mul3A_1703 = arith.mulf %mul3A_1702, %get3A_1690 : vector<64x128xf32>
    %add3A_1704 = arith.constant 0.276997447 : f32
    %add3A_1705 = vector.broadcast %add3A_1704 : f32 to vector<64x128xf32>
    %add3A_1706 = arith.addf %mul3A_1703, %add3A_1705 : vector<64x128xf32>
    %mul3A_1707 = arith.constant 23.0831203 : f32
    %mul3A_1708 = vector.broadcast %mul3A_1707 : f32 to vector<64x128xf32>
    %mul3A_1709 = arith.mulf %mul3A_1708, %get3A_1690 : vector<64x128xf32>
    %select_n3A_1710 = arith.select %ge3A_1700, %add3A_1706, %mul3A_1709 : vector<64x128xi1>, vector<64x128xf32>
    %swap3A_1711 = arith.constant 0 : index
    %swap3A_1712 = arith.constant 256 : index
    %swap3A_1713 = vector.load %arg26[%swap3A_1711, %swap3A_1712] : memref<64x2048xf32, #tpu.memory_space<vmem>>, vector<64x128xf32>
    tpu.vector_store %arg26[%swap3A_1711, %swap3A_1712], %select_n3A_1710 {strides = array<i32>} : memref<64x2048xf32, #tpu.memory_space<vmem>>, vector<64x128xf32>,
    %max3A_1714 = arith.maximumf %max3A_1687, %select_n3A_1710 : vector<64x128xf32>
    %get3A_1715 = arith.constant 0 : index
    %get3A_1716 = arith.constant 384 : index
    %get3A_1717 = vector.load %arg8[%get3A_1715, %get3A_1716] : memref<64x2048xf32, #tpu.memory_space<vmem>>, vector<64x128xf32>
    %get3A_1718 = arith.constant 0 : index
    %get3A_1719 = arith.constant 384 : index
    %get3A_1720 = vector.load %arg17[%get3A_1718, %get3A_1719] : memref<64x2048xf32, #tpu.memory_space<vmem>>, vector<64x128xf32>
    %ne3A_1721 = arith.constant 0.000000e+00 : f32
    %ne3A_1722 = vector.broadcast %ne3A_1721 : f32 to vector<64x128xf32>
    %ne3A_1723 = arith.cmpf one, %get3A_1720, %ne3A_1722 : vector<64x128xf32>
    %jit3A_1724 = arith.constant -1.000000e+04 : f32
    %broadcast_in_dim3A_1725 = vector.broadcast %jit3A_1724 : f32 to vector<64x128xf32>
    %select_n3A_1726 = arith.select %ne3A_1723, %get3A_1717, %broadcast_in_dim3A_1725 : vector<64x128xi1>, vector<64x128xf32>
    %ge3A_1727 = arith.cmpf oge, %select_n3A_1726, %get3A_3 : vector<64x128xf32>
    %mul3A_1728 = arith.constant 23.3601189 : f32
    %mul3A_1729 = vector.broadcast %mul3A_1728 : f32 to vector<64x128xf32>
    %mul3A_1730 = arith.mulf %mul3A_1729, %get3A_1717 : vector<64x128xf32>
    %add3A_1731 = arith.constant 0.276997447 : f32
    %add3A_1732 = vector.broadcast %add3A_1731 : f32 to vector<64x128xf32>
    %add3A_1733 = arith.addf %mul3A_1730, %add3A_1732 : vector<64x128xf32>
    %mul3A_1734 = arith.constant 23.0831203 : f32
    %mul3A_1735 = vector.broadcast %mul3A_1734 : f32 to vector<64x128xf32>
    %mul3A_1736 = arith.mulf %mul3A_1735, %get3A_1717 : vector<64x128xf32>
    %select_n3A_1737 = arith.select %ge3A_1727, %add3A_1733, %mul3A_1736 : vector<64x128xi1>, vector<64x128xf32>
    %swap3A_1738 = arith.constant 0 : index
    %swap3A_1739 = arith.constant 384 : index
    %swap3A_1740 = vector.load %arg26[%swap3A_1738, %swap3A_1739] : memref<64x2048xf32, #tpu.memory_space<vmem>>, vector<64x128xf32>
    tpu.vector_store %arg26[%swap3A_1738, %swap3A_1739], %select_n3A_1737 {strides = array<i32>} : memref<64x2048xf32, #tpu.memory_space<vmem>>, vector<64x128xf32>,
    %max3A_1741 = arith.maximumf %max3A_1714, %select_n3A_1737 : vector<64x128xf32>
    %get3A_1742 = arith.constant 0 : index
    %get3A_1743 = arith.constant 512 : index
    %get3A_1744 = vector.load %arg8[%get3A_1742, %get3A_1743] : memref<64x2048xf32, #tpu.memory_space<vmem>>, vector<64x128xf32>
    %get3A_1745 = arith.constant 0 : index
    %get3A_1746 = arith.constant 512 : index
    %get3A_1747 = vector.load %arg17[%get3A_1745, %get3A_1746] : memref<64x2048xf32, #tpu.memory_space<vmem>>, vector<64x128xf32>
    %ne3A_1748 = arith.constant 0.000000e+00 : f32
    %ne3A_1749 = vector.broadcast %ne3A_1748 : f32 to vector<64x128xf32>
    %ne3A_1750 = arith.cmpf one, %get3A_1747, %ne3A_1749 : vector<64x128xf32>
    %jit3A_1751 = arith.constant -1.000000e+04 : f32
    %broadcast_in_dim3A_1752 = vector.broadcast %jit3A_1751 : f32 to vector<64x128xf32>
    %select_n3A_1753 = arith.select %ne3A_1750, %get3A_1744, %broadcast_in_dim3A_1752 : vector<64x128xi1>, vector<64x128xf32>
    %ge3A_1754 = arith.cmpf oge, %select_n3A_1753, %get3A_3 : vector<64x128xf32>
    %mul3A_1755 = arith.constant 23.3601189 : f32
    %mul3A_1756 = vector.broadcast %mul3A_1755 : f32 to vector<64x128xf32>
    %mul3A_1757 = arith.mulf %mul3A_1756, %get3A_1744 : vector<64x128xf32>
    %add3A_1758 = arith.constant 0.276997447 : f32
    %add3A_1759 = vector.broadcast %add3A_1758 : f32 to vector<64x128xf32>
    %add3A_1760 = arith.addf %mul3A_1757, %add3A_1759 : vector<64x128xf32>
    %mul3A_1761 = arith.constant 23.0831203 : f32
    %mul3A_1762 = vector.broadcast %mul3A_1761 : f32 to vector<64x128xf32>
    %mul3A_1763 = arith.mulf %mul3A_1762, %get3A_1744 : vector<64x128xf32>
    %select_n3A_1764 = arith.select %ge3A_1754, %add3A_1760, %mul3A_1763 : vector<64x128xi1>, vector<64x128xf32>
    %swap3A_1765 = arith.constant 0 : index
    %swap3A_1766 = arith.constant 512 : index
    %swap3A_1767 = vector.load %arg26[%swap3A_1765, %swap3A_1766] : memref<64x2048xf32, #tpu.memory_space<vmem>>, vector<64x128xf32>
    tpu.vector_store %arg26[%swap3A_1765, %swap3A_1766], %select_n3A_1764 {strides = array<i32>} : memref<64x2048xf32, #tpu.memory_space<vmem>>, vector<64x128xf32>,
    %max3A_1768 = arith.maximumf %max3A_1741, %select_n3A_1764 : vector<64x128xf32>
    %get3A_1769 = arith.constant 0 : index
    %get3A_1770 = arith.constant 640 : index
    %get3A_1771 = vector.load %arg8[%get3A_1769, %get3A_1770] : memref<64x2048xf32, #tpu.memory_space<vmem>>, vector<64x128xf32>
    %get3A_1772 = arith.constant 0 : index
    %get3A_1773 = arith.constant 640 : index
    %get3A_1774 = vector.load %arg17[%get3A_1772, %get3A_1773] : memref<64x2048xf32, #tpu.memory_space<vmem>>, vector<64x128xf32>
    %ne3A_1775 = arith.constant 0.000000e+00 : f32
    %ne3A_1776 = vector.broadcast %ne3A_1775 : f32 to vector<64x128xf32>
    %ne3A_1777 = arith.cmpf one, %get3A_1774, %ne3A_1776 : vector<64x128xf32>
    %jit3A_1778 = arith.constant -1.000000e+04 : f32
    %broadcast_in_dim3A_1779 = vector.broadcast %jit3A_1778 : f32 to vector<64x128xf32>
    %select_n3A_1780 = arith.select %ne3A_1777, %get3A_1771, %broadcast_in_dim3A_1779 : vector<64x128xi1>, vector<64x128xf32>
    %ge3A_1781 = arith.cmpf oge, %select_n3A_1780, %get3A_3 : vector<64x128xf32>
    %mul3A_1782 = arith.constant 23.3601189 : f32
    %mul3A_1783 = vector.broadcast %mul3A_1782 : f32 to vector<64x128xf32>
    %mul3A_1784 = arith.mulf %mul3A_1783, %get3A_1771 : vector<64x128xf32>
    %add3A_1785 = arith.constant 0.276997447 : f32
    %add3A_1786 = vector.broadcast %add3A_1785 : f32 to vector<64x128xf32>
    %add3A_1787 = arith.addf %mul3A_1784, %add3A_1786 : vector<64x128xf32>
    %mul3A_1788 = arith.constant 23.0831203 : f32
    %mul3A_1789 = vector.broadcast %mul3A_1788 : f32 to vector<64x128xf32>
    %mul3A_1790 = arith.mulf %mul3A_1789, %get3A_1771 : vector<64x128xf32>
    %select_n3A_1791 = arith.select %ge3A_1781, %add3A_1787, %mul3A_1790 : vector<64x128xi1>, vector<64x128xf32>
    %swap3A_1792 = arith.constant 0 : index
    %swap3A_1793 = arith.constant 640 : index
    %swap3A_1794 = vector.load %arg26[%swap3A_1792, %swap3A_1793] : memref<64x2048xf32, #tpu.memory_space<vmem>>, vector<64x128xf32>
    tpu.vector_store %arg26[%swap3A_1792, %swap3A_1793], %select_n3A_1791 {strides = array<i32>} : memref<64x2048xf32, #tpu.memory_space<vmem>>, vector<64x128xf32>,
    %max3A_1795 = arith.maximumf %max3A_1768, %select_n3A_1791 : vector<64x128xf32>
    %get3A_1796 = arith.constant 0 : index
    %get3A_1797 = arith.constant 768 : index
    %get3A_1798 = vector.load %arg8[%get3A_1796, %get3A_1797] : memref<64x2048xf32, #tpu.memory_space<vmem>>, vector<64x128xf32>
    %get3A_1799 = arith.constant 0 : index
    %get3A_1800 = arith.constant 768 : index
    %get3A_1801 = vector.load %arg17[%get3A_1799, %get3A_1800] : memref<64x2048xf32, #tpu.memory_space<vmem>>, vector<64x128xf32>
    %ne3A_1802 = arith.constant 0.000000e+00 : f32
    %ne3A_1803 = vector.broadcast %ne3A_1802 : f32 to vector<64x128xf32>
    %ne3A_1804 = arith.cmpf one, %get3A_1801, %ne3A_1803 : vector<64x128xf32>
    %jit3A_1805 = arith.constant -1.000000e+04 : f32
    %broadcast_in_dim3A_1806 = vector.broadcast %jit3A_1805 : f32 to vector<64x128xf32>
    %select_n3A_1807 = arith.select %ne3A_1804, %get3A_1798, %broadcast_in_dim3A_1806 : vector<64x128xi1>, vector<64x128xf32>
    %ge3A_1808 = arith.cmpf oge, %select_n3A_1807, %get3A_3 : vector<64x128xf32>
    %mul3A_1809 = arith.constant 23.3601189 : f32
    %mul3A_1810 = vector.broadcast %mul3A_1809 : f32 to vector<64x128xf32>
    %mul3A_1811 = arith.mulf %mul3A_1810, %get3A_1798 : vector<64x128xf32>
    %add3A_1812 = arith.constant 0.276997447 : f32
    %add3A_1813 = vector.broadcast %add3A_1812 : f32 to vector<64x128xf32>
    %add3A_1814 = arith.addf %mul3A_1811, %add3A_1813 : vector<64x128xf32>
    %mul3A_1815 = arith.constant 23.0831203 : f32
    %mul3A_1816 = vector.broadcast %mul3A_1815 : f32 to vector<64x128xf32>
    %mul3A_1817 = arith.mulf %mul3A_1816, %get3A_1798 : vector<64x128xf32>
    %select_n3A_1818 = arith.select %ge3A_1808, %add3A_1814, %mul3A_1817 : vector<64x128xi1>, vector<64x128xf32>
    %swap3A_1819 = arith.constant 0 : index
    %swap3A_1820 = arith.constant 768 : index
    %swap3A_1821 = vector.load %arg26[%swap3A_1819, %swap3A_1820] : memref<64x2048xf32, #tpu.memory_space<vmem>>, vector<64x128xf32>
    tpu.vector_store %arg26[%swap3A_1819, %swap3A_1820], %select_n3A_1818 {strides = array<i32>} : memref<64x2048xf32, #tpu.memory_space<vmem>>, vector<64x128xf32>,
    %max3A_1822 = arith.maximumf %max3A_1795, %select_n3A_1818 : vector<64x128xf32>
    %get3A_1823 = arith.constant 0 : index
    %get3A_1824 = arith.constant 896 : index
    %get3A_1825 = vector.load %arg8[%get3A_1823, %get3A_1824] : memref<64x2048xf32, #tpu.memory_space<vmem>>, vector<64x128xf32>
    %get3A_1826 = arith.constant 0 : index
    %get3A_1827 = arith.constant 896 : index
    %get3A_1828 = vector.load %arg17[%get3A_1826, %get3A_1827] : memref<64x2048xf32, #tpu.memory_space<vmem>>, vector<64x128xf32>
    %ne3A_1829 = arith.constant 0.000000e+00 : f32
    %ne3A_1830 = vector.broadcast %ne3A_1829 : f32 to vector<64x128xf32>
    %ne3A_1831 = arith.cmpf one, %get3A_1828, %ne3A_1830 : vector<64x128xf32>
    %jit3A_1832 = arith.constant -1.000000e+04 : f32
    %broadcast_in_dim3A_1833 = vector.broadcast %jit3A_1832 : f32 to vector<64x128xf32>
    %select_n3A_1834 = arith.select %ne3A_1831, %get3A_1825, %broadcast_in_dim3A_1833 : vector<64x128xi1>, vector<64x128xf32>
    %ge3A_1835 = arith.cmpf oge, %select_n3A_1834, %get3A_3 : vector<64x128xf32>
    %mul3A_1836 = arith.constant 23.3601189 : f32
    %mul3A_1837 = vector.broadcast %mul3A_1836 : f32 to vector<64x128xf32>
    %mul3A_1838 = arith.mulf %mul3A_1837, %get3A_1825 : vector<64x128xf32>
    %add3A_1839 = arith.constant 0.276997447 : f32
    %add3A_1840 = vector.broadcast %add3A_1839 : f32 to vector<64x128xf32>
    %add3A_1841 = arith.addf %mul3A_1838, %add3A_1840 : vector<64x128xf32>
    %mul3A_1842 = arith.constant 23.0831203 : f32
    %mul3A_1843 = vector.broadcast %mul3A_1842 : f32 to vector<64x128xf32>
    %mul3A_1844 = arith.mulf %mul3A_1843, %get3A_1825 : vector<64x128xf32>
    %select_n3A_1845 = arith.select %ge3A_1835, %add3A_1841, %mul3A_1844 : vector<64x128xi1>, vector<64x128xf32>
    %swap3A_1846 = arith.constant 0 : index
    %swap3A_1847 = arith.constant 896 : index
    %swap3A_1848 = vector.load %arg26[%swap3A_1846, %swap3A_1847] : memref<64x2048xf32, #tpu.memory_space<vmem>>, vector<64x128xf32>
    tpu.vector_store %arg26[%swap3A_1846, %swap3A_1847], %select_n3A_1845 {strides = array<i32>} : memref<64x2048xf32, #tpu.memory_space<vmem>>, vector<64x128xf32>,
    %max3A_1849 = arith.maximumf %max3A_1822, %select_n3A_1845 : vector<64x128xf32>
    %get3A_1850 = arith.constant 0 : index
    %get3A_1851 = arith.constant 1024 : index
    %get3A_1852 = vector.load %arg8[%get3A_1850, %get3A_1851] : memref<64x2048xf32, #tpu.memory_space<vmem>>, vector<64x128xf32>
    %get3A_1853 = arith.constant 0 : index
    %get3A_1854 = arith.constant 1024 : index
    %get3A_1855 = vector.load %arg17[%get3A_1853, %get3A_1854] : memref<64x2048xf32, #tpu.memory_space<vmem>>, vector<64x128xf32>
    %ne3A_1856 = arith.constant 0.000000e+00 : f32
    %ne3A_1857 = vector.broadcast %ne3A_1856 : f32 to vector<64x128xf32>
    %ne3A_1858 = arith.cmpf one, %get3A_1855, %ne3A_1857 : vector<64x128xf32>
    %jit3A_1859 = arith.constant -1.000000e+04 : f32
    %broadcast_in_dim3A_1860 = vector.broadcast %jit3A_1859 : f32 to vector<64x128xf32>
    %select_n3A_1861 = arith.select %ne3A_1858, %get3A_1852, %broadcast_in_dim3A_1860 : vector<64x128xi1>, vector<64x128xf32>
    %ge3A_1862 = arith.cmpf oge, %select_n3A_1861, %get3A_3 : vector<64x128xf32>
    %mul3A_1863 = arith.constant 23.3601189 : f32
    %mul3A_1864 = vector.broadcast %mul3A_1863 : f32 to vector<64x128xf32>
    %mul3A_1865 = arith.mulf %mul3A_1864, %get3A_1852 : vector<64x128xf32>
    %add3A_1866 = arith.constant 0.276997447 : f32
    %add3A_1867 = vector.broadcast %add3A_1866 : f32 to vector<64x128xf32>
    %add3A_1868 = arith.addf %mul3A_1865, %add3A_1867 : vector<64x128xf32>
    %mul3A_1869 = arith.constant 23.0831203 : f32
    %mul3A_1870 = vector.broadcast %mul3A_1869 : f32 to vector<64x128xf32>
    %mul3A_1871 = arith.mulf %mul3A_1870, %get3A_1852 : vector<64x128xf32>
    %select_n3A_1872 = arith.select %ge3A_1862, %add3A_1868, %mul3A_1871 : vector<64x128xi1>, vector<64x128xf32>
    %swap3A_1873 = arith.constant 0 : index
    %swap3A_1874 = arith.constant 1024 : index
    %swap3A_1875 = vector.load %arg26[%swap3A_1873, %swap3A_1874] : memref<64x2048xf32, #tpu.memory_space<vmem>>, vector<64x128xf32>
    tpu.vector_store %arg26[%swap3A_1873, %swap3A_1874], %select_n3A_1872 {strides = array<i32>} : memref<64x2048xf32, #tpu.memory_space<vmem>>, vector<64x128xf32>,
    %max3A_1876 = arith.maximumf %max3A_1849, %select_n3A_1872 : vector<64x128xf32>
    %get3A_1877 = arith.constant 0 : index
    %get3A_1878 = arith.constant 1152 : index
    %get3A_1879 = vector.load %arg8[%get3A_1877, %get3A_1878] : memref<64x2048xf32, #tpu.memory_space<vmem>>, vector<64x128xf32>
    %get3A_1880 = arith.constant 0 : index
    %get3A_1881 = arith.constant 1152 : index
    %get3A_1882 = vector.load %arg17[%get3A_1880, %get3A_1881] : memref<64x2048xf32, #tpu.memory_space<vmem>>, vector<64x128xf32>
    %ne3A_1883 = arith.constant 0.000000e+00 : f32
    %ne3A_1884 = vector.broadcast %ne3A_1883 : f32 to vector<64x128xf32>
    %ne3A_1885 = arith.cmpf one, %get3A_1882, %ne3A_1884 : vector<64x128xf32>
    %jit3A_1886 = arith.constant -1.000000e+04 : f32
    %broadcast_in_dim3A_1887 = vector.broadcast %jit3A_1886 : f32 to vector<64x128xf32>
    %select_n3A_1888 = arith.select %ne3A_1885, %get3A_1879, %broadcast_in_dim3A_1887 : vector<64x128xi1>, vector<64x128xf32>
    %ge3A_1889 = arith.cmpf oge, %select_n3A_1888, %get3A_3 : vector<64x128xf32>
    %mul3A_1890 = arith.constant 23.3601189 : f32
    %mul3A_1891 = vector.broadcast %mul3A_1890 : f32 to vector<64x128xf32>
    %mul3A_1892 = arith.mulf %mul3A_1891, %get3A_1879 : vector<64x128xf32>
    %add3A_1893 = arith.constant 0.276997447 : f32
    %add3A_1894 = vector.broadcast %add3A_1893 : f32 to vector<64x128xf32>
    %add3A_1895 = arith.addf %mul3A_1892, %add3A_1894 : vector<64x128xf32>
    %mul3A_1896 = arith.constant 23.0831203 : f32
    %mul3A_1897 = vector.broadcast %mul3A_1896 : f32 to vector<64x128xf32>
    %mul3A_1898 = arith.mulf %mul3A_1897, %get3A_1879 : vector<64x128xf32>
    %select_n3A_1899 = arith.select %ge3A_1889, %add3A_1895, %mul3A_1898 : vector<64x128xi1>, vector<64x128xf32>
    %swap3A_1900 = arith.constant 0 : index
    %swap3A_1901 = arith.constant 1152 : index
    %swap3A_1902 = vector.load %arg26[%swap3A_1900, %swap3A_1901] : memref<64x2048xf32, #tpu.memory_space<vmem>>, vector<64x128xf32>
    tpu.vector_store %arg26[%swap3A_1900, %swap3A_1901], %select_n3A_1899 {strides = array<i32>} : memref<64x2048xf32, #tpu.memory_space<vmem>>, vector<64x128xf32>,
    %max3A_1903 = arith.maximumf %max3A_1876, %select_n3A_1899 : vector<64x128xf32>
    %get3A_1904 = arith.constant 0 : index
    %get3A_1905 = arith.constant 1280 : index
    %get3A_1906 = vector.load %arg8[%get3A_1904, %get3A_1905] : memref<64x2048xf32, #tpu.memory_space<vmem>>, vector<64x128xf32>
    %get3A_1907 = arith.constant 0 : index
    %get3A_1908 = arith.constant 1280 : index
    %get3A_1909 = vector.load %arg17[%get3A_1907, %get3A_1908] : memref<64x2048xf32, #tpu.memory_space<vmem>>, vector<64x128xf32>
    %ne3A_1910 = arith.constant 0.000000e+00 : f32
    %ne3A_1911 = vector.broadcast %ne3A_1910 : f32 to vector<64x128xf32>
    %ne3A_1912 = arith.cmpf one, %get3A_1909, %ne3A_1911 : vector<64x128xf32>
    %jit3A_1913 = arith.constant -1.000000e+04 : f32
    %broadcast_in_dim3A_1914 = vector.broadcast %jit3A_1913 : f32 to vector<64x128xf32>
    %select_n3A_1915 = arith.select %ne3A_1912, %get3A_1906, %broadcast_in_dim3A_1914 : vector<64x128xi1>, vector<64x128xf32>
    %ge3A_1916 = arith.cmpf oge, %select_n3A_1915, %get3A_3 : vector<64x128xf32>
    %mul3A_1917 = arith.constant 23.3601189 : f32
    %mul3A_1918 = vector.broadcast %mul3A_1917 : f32 to vector<64x128xf32>
    %mul3A_1919 = arith.mulf %mul3A_1918, %get3A_1906 : vector<64x128xf32>
    %add3A_1920 = arith.constant 0.276997447 : f32
    %add3A_1921 = vector.broadcast %add3A_1920 : f32 to vector<64x128xf32>
    %add3A_1922 = arith.addf %mul3A_1919, %add3A_1921 : vector<64x128xf32>
    %mul3A_1923 = arith.constant 23.0831203 : f32
    %mul3A_1924 = vector.broadcast %mul3A_1923 : f32 to vector<64x128xf32>
    %mul3A_1925 = arith.mulf %mul3A_1924, %get3A_1906 : vector<64x128xf32>
    %select_n3A_1926 = arith.select %ge3A_1916, %add3A_1922, %mul3A_1925 : vector<64x128xi1>, vector<64x128xf32>
    %swap3A_1927 = arith.constant 0 : index
    %swap3A_1928 = arith.constant 1280 : index
    %swap3A_1929 = vector.load %arg26[%swap3A_1927, %swap3A_1928] : memref<64x2048xf32, #tpu.memory_space<vmem>>, vector<64x128xf32>
    tpu.vector_store %arg26[%swap3A_1927, %swap3A_1928], %select_n3A_1926 {strides = array<i32>} : memref<64x2048xf32, #tpu.memory_space<vmem>>, vector<64x128xf32>,
    %max3A_1930 = arith.maximumf %max3A_1903, %select_n3A_1926 : vector<64x128xf32>
    %get3A_1931 = arith.constant 0 : index
    %get3A_1932 = arith.constant 1408 : index
    %get3A_1933 = vector.load %arg8[%get3A_1931, %get3A_1932] : memref<64x2048xf32, #tpu.memory_space<vmem>>, vector<64x128xf32>
    %get3A_1934 = arith.constant 0 : index
    %get3A_1935 = arith.constant 1408 : index
    %get3A_1936 = vector.load %arg17[%get3A_1934, %get3A_1935] : memref<64x2048xf32, #tpu.memory_space<vmem>>, vector<64x128xf32>
    %ne3A_1937 = arith.constant 0.000000e+00 : f32
    %ne3A_1938 = vector.broadcast %ne3A_1937 : f32 to vector<64x128xf32>
    %ne3A_1939 = arith.cmpf one, %get3A_1936, %ne3A_1938 : vector<64x128xf32>
    %jit3A_1940 = arith.constant -1.000000e+04 : f32
    %broadcast_in_dim3A_1941 = vector.broadcast %jit3A_1940 : f32 to vector<64x128xf32>
    %select_n3A_1942 = arith.select %ne3A_1939, %get3A_1933, %broadcast_in_dim3A_1941 : vector<64x128xi1>, vector<64x128xf32>
    %ge3A_1943 = arith.cmpf oge, %select_n3A_1942, %get3A_3 : vector<64x128xf32>
    %mul3A_1944 = arith.constant 23.3601189 : f32
    %mul3A_1945 = vector.broadcast %mul3A_1944 : f32 to vector<64x128xf32>
    %mul3A_1946 = arith.mulf %mul3A_1945, %get3A_1933 : vector<64x128xf32>
    %add3A_1947 = arith.constant 0.276997447 : f32
    %add3A_1948 = vector.broadcast %add3A_1947 : f32 to vector<64x128xf32>
    %add3A_1949 = arith.addf %mul3A_1946, %add3A_1948 : vector<64x128xf32>
    %mul3A_1950 = arith.constant 23.0831203 : f32
    %mul3A_1951 = vector.broadcast %mul3A_1950 : f32 to vector<64x128xf32>
    %mul3A_1952 = arith.mulf %mul3A_1951, %get3A_1933 : vector<64x128xf32>
    %select_n3A_1953 = arith.select %ge3A_1943, %add3A_1949, %mul3A_1952 : vector<64x128xi1>, vector<64x128xf32>
    %swap3A_1954 = arith.constant 0 : index
    %swap3A_1955 = arith.constant 1408 : index
    %swap3A_1956 = vector.load %arg26[%swap3A_1954, %swap3A_1955] : memref<64x2048xf32, #tpu.memory_space<vmem>>, vector<64x128xf32>
    tpu.vector_store %arg26[%swap3A_1954, %swap3A_1955], %select_n3A_1953 {strides = array<i32>} : memref<64x2048xf32, #tpu.memory_space<vmem>>, vector<64x128xf32>,
    %max3A_1957 = arith.maximumf %max3A_1930, %select_n3A_1953 : vector<64x128xf32>
    %get3A_1958 = arith.constant 0 : index
    %get3A_1959 = arith.constant 1536 : index
    %get3A_1960 = vector.load %arg8[%get3A_1958, %get3A_1959] : memref<64x2048xf32, #tpu.memory_space<vmem>>, vector<64x128xf32>
    %get3A_1961 = arith.constant 0 : index
    %get3A_1962 = arith.constant 1536 : index
    %get3A_1963 = vector.load %arg17[%get3A_1961, %get3A_1962] : memref<64x2048xf32, #tpu.memory_space<vmem>>, vector<64x128xf32>
    %ne3A_1964 = arith.constant 0.000000e+00 : f32
    %ne3A_1965 = vector.broadcast %ne3A_1964 : f32 to vector<64x128xf32>
    %ne3A_1966 = arith.cmpf one, %get3A_1963, %ne3A_1965 : vector<64x128xf32>
    %jit3A_1967 = arith.constant -1.000000e+04 : f32
    %broadcast_in_dim3A_1968 = vector.broadcast %jit3A_1967 : f32 to vector<64x128xf32>
    %select_n3A_1969 = arith.select %ne3A_1966, %get3A_1960, %broadcast_in_dim3A_1968 : vector<64x128xi1>, vector<64x128xf32>
    %ge3A_1970 = arith.cmpf oge, %select_n3A_1969, %get3A_3 : vector<64x128xf32>
    %mul3A_1971 = arith.constant 23.3601189 : f32
    %mul3A_1972 = vector.broadcast %mul3A_1971 : f32 to vector<64x128xf32>
    %mul3A_1973 = arith.mulf %mul3A_1972, %get3A_1960 : vector<64x128xf32>
    %add3A_1974 = arith.constant 0.276997447 : f32
    %add3A_1975 = vector.broadcast %add3A_1974 : f32 to vector<64x128xf32>
    %add3A_1976 = arith.addf %mul3A_1973, %add3A_1975 : vector<64x128xf32>
    %mul3A_1977 = arith.constant 23.0831203 : f32
    %mul3A_1978 = vector.broadcast %mul3A_1977 : f32 to vector<64x128xf32>
    %mul3A_1979 = arith.mulf %mul3A_1978, %get3A_1960 : vector<64x128xf32>
    %select_n3A_1980 = arith.select %ge3A_1970, %add3A_1976, %mul3A_1979 : vector<64x128xi1>, vector<64x128xf32>
    %swap3A_1981 = arith.constant 0 : index
    %swap3A_1982 = arith.constant 1536 : index
    %swap3A_1983 = vector.load %arg26[%swap3A_1981, %swap3A_1982] : memref<64x2048xf32, #tpu.memory_space<vmem>>, vector<64x128xf32>
    tpu.vector_store %arg26[%swap3A_1981, %swap3A_1982], %select_n3A_1980 {strides = array<i32>} : memref<64x2048xf32, #tpu.memory_space<vmem>>, vector<64x128xf32>,
    %max3A_1984 = arith.maximumf %max3A_1957, %select_n3A_1980 : vector<64x128xf32>
    %get3A_1985 = arith.constant 0 : index
    %get3A_1986 = arith.constant 1664 : index
    %get3A_1987 = vector.load %arg8[%get3A_1985, %get3A_1986] : memref<64x2048xf32, #tpu.memory_space<vmem>>, vector<64x128xf32>
    %get3A_1988 = arith.constant 0 : index
    %get3A_1989 = arith.constant 1664 : index
    %get3A_1990 = vector.load %arg17[%get3A_1988, %get3A_1989] : memref<64x2048xf32, #tpu.memory_space<vmem>>, vector<64x128xf32>
    %ne3A_1991 = arith.constant 0.000000e+00 : f32
    %ne3A_1992 = vector.broadcast %ne3A_1991 : f32 to vector<64x128xf32>
    %ne3A_1993 = arith.cmpf one, %get3A_1990, %ne3A_1992 : vector<64x128xf32>
    %jit3A_1994 = arith.constant -1.000000e+04 : f32
    %broadcast_in_dim3A_1995 = vector.broadcast %jit3A_1994 : f32 to vector<64x128xf32>
    %select_n3A_1996 = arith.select %ne3A_1993, %get3A_1987, %broadcast_in_dim3A_1995 : vector<64x128xi1>, vector<64x128xf32>
    %ge3A_1997 = arith.cmpf oge, %select_n3A_1996, %get3A_3 : vector<64x128xf32>
    %mul3A_1998 = arith.constant 23.3601189 : f32
    %mul3A_1999 = vector.broadcast %mul3A_1998 : f32 to vector<64x128xf32>
    %mul3A_2000 = arith.mulf %mul3A_1999, %get3A_1987 : vector<64x128xf32>
    %add3A_2001 = arith.constant 0.276997447 : f32
    %add3A_2002 = vector.broadcast %add3A_2001 : f32 to vector<64x128xf32>
    %add3A_2003 = arith.addf %mul3A_2000, %add3A_2002 : vector<64x128xf32>
    %mul3A_2004 = arith.constant 23.0831203 : f32
    %mul3A_2005 = vector.broadcast %mul3A_2004 : f32 to vector<64x128xf32>
    %mul3A_2006 = arith.mulf %mul3A_2005, %get3A_1987 : vector<64x128xf32>
    %select_n3A_2007 = arith.select %ge3A_1997, %add3A_2003, %mul3A_2006 : vector<64x128xi1>, vector<64x128xf32>
    %swap3A_2008 = arith.constant 0 : index
    %swap3A_2009 = arith.constant 1664 : index
    %swap3A_2010 = vector.load %arg26[%swap3A_2008, %swap3A_2009] : memref<64x2048xf32, #tpu.memory_space<vmem>>, vector<64x128xf32>
    tpu.vector_store %arg26[%swap3A_2008, %swap3A_2009], %select_n3A_2007 {strides = array<i32>} : memref<64x2048xf32, #tpu.memory_space<vmem>>, vector<64x128xf32>,
    %max3A_2011 = arith.maximumf %max3A_1984, %select_n3A_2007 : vector<64x128xf32>
    %get3A_2012 = arith.constant 0 : index
    %get3A_2013 = arith.constant 1792 : index
    %get3A_2014 = vector.load %arg8[%get3A_2012, %get3A_2013] : memref<64x2048xf32, #tpu.memory_space<vmem>>, vector<64x128xf32>
    %get3A_2015 = arith.constant 0 : index
    %get3A_2016 = arith.constant 1792 : index
    %get3A_2017 = vector.load %arg17[%get3A_2015, %get3A_2016] : memref<64x2048xf32, #tpu.memory_space<vmem>>, vector<64x128xf32>
    %ne3A_2018 = arith.constant 0.000000e+00 : f32
    %ne3A_2019 = vector.broadcast %ne3A_2018 : f32 to vector<64x128xf32>
    %ne3A_2020 = arith.cmpf one, %get3A_2017, %ne3A_2019 : vector<64x128xf32>
    %jit3A_2021 = arith.constant -1.000000e+04 : f32
    %broadcast_in_dim3A_2022 = vector.broadcast %jit3A_2021 : f32 to vector<64x128xf32>
    %select_n3A_2023 = arith.select %ne3A_2020, %get3A_2014, %broadcast_in_dim3A_2022 : vector<64x128xi1>, vector<64x128xf32>
    %ge3A_2024 = arith.cmpf oge, %select_n3A_2023, %get3A_3 : vector<64x128xf32>
    %mul3A_2025 = arith.constant 23.3601189 : f32
    %mul3A_2026 = vector.broadcast %mul3A_2025 : f32 to vector<64x128xf32>
    %mul3A_2027 = arith.mulf %mul3A_2026, %get3A_2014 : vector<64x128xf32>
    %add3A_2028 = arith.constant 0.276997447 : f32
    %add3A_2029 = vector.broadcast %add3A_2028 : f32 to vector<64x128xf32>
    %add3A_2030 = arith.addf %mul3A_2027, %add3A_2029 : vector<64x128xf32>
    %mul3A_2031 = arith.constant 23.0831203 : f32
    %mul3A_2032 = vector.broadcast %mul3A_2031 : f32 to vector<64x128xf32>
    %mul3A_2033 = arith.mulf %mul3A_2032, %get3A_2014 : vector<64x128xf32>
    %select_n3A_2034 = arith.select %ge3A_2024, %add3A_2030, %mul3A_2033 : vector<64x128xi1>, vector<64x128xf32>
    %swap3A_2035 = arith.constant 0 : index
    %swap3A_2036 = arith.constant 1792 : index
    %swap3A_2037 = vector.load %arg26[%swap3A_2035, %swap3A_2036] : memref<64x2048xf32, #tpu.memory_space<vmem>>, vector<64x128xf32>
    tpu.vector_store %arg26[%swap3A_2035, %swap3A_2036], %select_n3A_2034 {strides = array<i32>} : memref<64x2048xf32, #tpu.memory_space<vmem>>, vector<64x128xf32>,
    %max3A_2038 = arith.maximumf %max3A_2011, %select_n3A_2034 : vector<64x128xf32>
    %get3A_2039 = arith.constant 0 : index
    %get3A_2040 = arith.constant 1920 : index
    %get3A_2041 = vector.load %arg8[%get3A_2039, %get3A_2040] : memref<64x2048xf32, #tpu.memory_space<vmem>>, vector<64x128xf32>
    %get3A_2042 = arith.constant 0 : index
    %get3A_2043 = arith.constant 1920 : index
    %get3A_2044 = vector.load %arg17[%get3A_2042, %get3A_2043] : memref<64x2048xf32, #tpu.memory_space<vmem>>, vector<64x128xf32>
    %ne3A_2045 = arith.constant 0.000000e+00 : f32
    %ne3A_2046 = vector.broadcast %ne3A_2045 : f32 to vector<64x128xf32>
    %ne3A_2047 = arith.cmpf one, %get3A_2044, %ne3A_2046 : vector<64x128xf32>
    %jit3A_2048 = arith.constant -1.000000e+04 : f32
    %broadcast_in_dim3A_2049 = vector.broadcast %jit3A_2048 : f32 to vector<64x128xf32>
    %select_n3A_2050 = arith.select %ne3A_2047, %get3A_2041, %broadcast_in_dim3A_2049 : vector<64x128xi1>, vector<64x128xf32>
    %ge3A_2051 = arith.cmpf oge, %select_n3A_2050, %get3A_3 : vector<64x128xf32>
    %mul3A_2052 = arith.constant 23.3601189 : f32
    %mul3A_2053 = vector.broadcast %mul3A_2052 : f32 to vector<64x128xf32>
    %mul3A_2054 = arith.mulf %mul3A_2053, %get3A_2041 : vector<64x128xf32>
    %add3A_2055 = arith.constant 0.276997447 : f32
    %add3A_2056 = vector.broadcast %add3A_2055 : f32 to vector<64x128xf32>
    %add3A_2057 = arith.addf %mul3A_2054, %add3A_2056 : vector<64x128xf32>
    %mul3A_2058 = arith.constant 23.0831203 : f32
    %mul3A_2059 = vector.broadcast %mul3A_2058 : f32 to vector<64x128xf32>
    %mul3A_2060 = arith.mulf %mul3A_2059, %get3A_2041 : vector<64x128xf32>
    %select_n3A_2061 = arith.select %ge3A_2051, %add3A_2057, %mul3A_2060 : vector<64x128xi1>, vector<64x128xf32>
    %swap3A_2062 = arith.constant 0 : index
    %swap3A_2063 = arith.constant 1920 : index
    %swap3A_2064 = vector.load %arg26[%swap3A_2062, %swap3A_2063] : memref<64x2048xf32, #tpu.memory_space<vmem>>, vector<64x128xf32>
    tpu.vector_store %arg26[%swap3A_2062, %swap3A_2063], %select_n3A_2061 {strides = array<i32>} : memref<64x2048xf32, #tpu.memory_space<vmem>>, vector<64x128xf32>,
    %max3A_2065 = arith.maximumf %max3A_2038, %select_n3A_2061 : vector<64x128xf32>
    %get3A_2066 = arith.constant 0 : index
    %get3A_2067 = arith.constant 0 : index
    %get3A_2068 = vector.load %arg25[%get3A_2066, %get3A_2067] : memref<64x128xf32, #tpu.memory_space<vmem>>, vector<64x128xf32>
    %sub3A_2069 = arith.subf %get3A_1633, %max3A_2065 : vector<64x128xf32>
    %exp23A_2070 = math.exp2 %sub3A_2069 : vector<64x128xf32>
    %mul3A_2071 = arith.mulf %get3A_2068, %exp23A_2070 : vector<64x128xf32>
    %broadcast_in_dim3A_2072 = arith.constant 0.000000e+00 : f32
    %broadcast_in_dim3A_2073 = vector.broadcast %broadcast_in_dim3A_2072 : f32 to vector<64x128xf32>
    %get3A_2074 = arith.constant 0 : index
    %get3A_2075 = arith.constant 0 : index
    %get3A_2076 = vector.load %arg26[%get3A_2074, %get3A_2075] : memref<64x2048xf32, #tpu.memory_space<vmem>>, vector<64x128xf32>
    %sub3A_2077 = arith.subf %get3A_2076, %max3A_2065 : vector<64x128xf32>
    %exp23A_2078 = math.exp2 %sub3A_2077 : vector<64x128xf32>
    %add3A_2079 = arith.addf %mul3A_2071, %exp23A_2078 : vector<64x128xf32>
    %get3A_2080 = arith.constant 0 : index
    %get3A_2081 = arith.constant 128 : index
    %get3A_2082 = vector.load %arg26[%get3A_2080, %get3A_2081] : memref<64x2048xf32, #tpu.memory_space<vmem>>, vector<64x128xf32>
    %sub3A_2083 = arith.subf %get3A_2082, %max3A_2065 : vector<64x128xf32>
    %exp23A_2084 = math.exp2 %sub3A_2083 : vector<64x128xf32>
    %add3A_2085 = arith.addf %broadcast_in_dim3A_2073, %exp23A_2084 : vector<64x128xf32>
    %get3A_2086 = arith.constant 0 : index
    %get3A_2087 = arith.constant 256 : index
    %get3A_2088 = vector.load %arg26[%get3A_2086, %get3A_2087] : memref<64x2048xf32, #tpu.memory_space<vmem>>, vector<64x128xf32>
    %sub3A_2089 = arith.subf %get3A_2088, %max3A_2065 : vector<64x128xf32>
    %exp23A_2090 = math.exp2 %sub3A_2089 : vector<64x128xf32>
    %add3A_2091 = arith.addf %add3A_2079, %exp23A_2090 : vector<64x128xf32>
    %get3A_2092 = arith.constant 0 : index
    %get3A_2093 = arith.constant 384 : index
    %get3A_2094 = vector.load %arg26[%get3A_2092, %get3A_2093] : memref<64x2048xf32, #tpu.memory_space<vmem>>, vector<64x128xf32>
    %sub3A_2095 = arith.subf %get3A_2094, %max3A_2065 : vector<64x128xf32>
    %exp23A_2096 = math.exp2 %sub3A_2095 : vector<64x128xf32>
    %add3A_2097 = arith.addf %add3A_2085, %exp23A_2096 : vector<64x128xf32>
    %get3A_2098 = arith.constant 0 : index
    %get3A_2099 = arith.constant 512 : index
    %get3A_2100 = vector.load %arg26[%get3A_2098, %get3A_2099] : memref<64x2048xf32, #tpu.memory_space<vmem>>, vector<64x128xf32>
    %sub3A_2101 = arith.subf %get3A_2100, %max3A_2065 : vector<64x128xf32>
    %exp23A_2102 = math.exp2 %sub3A_2101 : vector<64x128xf32>
    %add3A_2103 = arith.addf %add3A_2091, %exp23A_2102 : vector<64x128xf32>
    %get3A_2104 = arith.constant 0 : index
    %get3A_2105 = arith.constant 640 : index
    %get3A_2106 = vector.load %arg26[%get3A_2104, %get3A_2105] : memref<64x2048xf32, #tpu.memory_space<vmem>>, vector<64x128xf32>
    %sub3A_2107 = arith.subf %get3A_2106, %max3A_2065 : vector<64x128xf32>
    %exp23A_2108 = math.exp2 %sub3A_2107 : vector<64x128xf32>
    %add3A_2109 = arith.addf %add3A_2097, %exp23A_2108 : vector<64x128xf32>
    %get3A_2110 = arith.constant 0 : index
    %get3A_2111 = arith.constant 768 : index
    %get3A_2112 = vector.load %arg26[%get3A_2110, %get3A_2111] : memref<64x2048xf32, #tpu.memory_space<vmem>>, vector<64x128xf32>
    %sub3A_2113 = arith.subf %get3A_2112, %max3A_2065 : vector<64x128xf32>
    %exp23A_2114 = math.exp2 %sub3A_2113 : vector<64x128xf32>
    %add3A_2115 = arith.addf %add3A_2103, %exp23A_2114 : vector<64x128xf32>
    %get3A_2116 = arith.constant 0 : index
    %get3A_2117 = arith.constant 896 : index
    %get3A_2118 = vector.load %arg26[%get3A_2116, %get3A_2117] : memref<64x2048xf32, #tpu.memory_space<vmem>>, vector<64x128xf32>
    %sub3A_2119 = arith.subf %get3A_2118, %max3A_2065 : vector<64x128xf32>
    %exp23A_2120 = math.exp2 %sub3A_2119 : vector<64x128xf32>
    %add3A_2121 = arith.addf %add3A_2109, %exp23A_2120 : vector<64x128xf32>
    %get3A_2122 = arith.constant 0 : index
    %get3A_2123 = arith.constant 1024 : index
    %get3A_2124 = vector.load %arg26[%get3A_2122, %get3A_2123] : memref<64x2048xf32, #tpu.memory_space<vmem>>, vector<64x128xf32>
    %sub3A_2125 = arith.subf %get3A_2124, %max3A_2065 : vector<64x128xf32>
    %exp23A_2126 = math.exp2 %sub3A_2125 : vector<64x128xf32>
    %add3A_2127 = arith.addf %add3A_2115, %exp23A_2126 : vector<64x128xf32>
    %get3A_2128 = arith.constant 0 : index
    %get3A_2129 = arith.constant 1152 : index
    %get3A_2130 = vector.load %arg26[%get3A_2128, %get3A_2129] : memref<64x2048xf32, #tpu.memory_space<vmem>>, vector<64x128xf32>
    %sub3A_2131 = arith.subf %get3A_2130, %max3A_2065 : vector<64x128xf32>
    %exp23A_2132 = math.exp2 %sub3A_2131 : vector<64x128xf32>
    %add3A_2133 = arith.addf %add3A_2121, %exp23A_2132 : vector<64x128xf32>
    %get3A_2134 = arith.constant 0 : index
    %get3A_2135 = arith.constant 1280 : index
    %get3A_2136 = vector.load %arg26[%get3A_2134, %get3A_2135] : memref<64x2048xf32, #tpu.memory_space<vmem>>, vector<64x128xf32>
    %sub3A_2137 = arith.subf %get3A_2136, %max3A_2065 : vector<64x128xf32>
    %exp23A_2138 = math.exp2 %sub3A_2137 : vector<64x128xf32>
    %add3A_2139 = arith.addf %add3A_2127, %exp23A_2138 : vector<64x128xf32>
    %get3A_2140 = arith.constant 0 : index
    %get3A_2141 = arith.constant 1408 : index
    %get3A_2142 = vector.load %arg26[%get3A_2140, %get3A_2141] : memref<64x2048xf32, #tpu.memory_space<vmem>>, vector<64x128xf32>
    %sub3A_2143 = arith.subf %get3A_2142, %max3A_2065 : vector<64x128xf32>
    %exp23A_2144 = math.exp2 %sub3A_2143 : vector<64x128xf32>
    %add3A_2145 = arith.addf %add3A_2133, %exp23A_2144 : vector<64x128xf32>
    %get3A_2146 = arith.constant 0 : index
    %get3A_2147 = arith.constant 1536 : index
    %get3A_2148 = vector.load %arg26[%get3A_2146, %get3A_2147] : memref<64x2048xf32, #tpu.memory_space<vmem>>, vector<64x128xf32>
    %sub3A_2149 = arith.subf %get3A_2148, %max3A_2065 : vector<64x128xf32>
    %exp23A_2150 = math.exp2 %sub3A_2149 : vector<64x128xf32>
    %add3A_2151 = arith.addf %add3A_2139, %exp23A_2150 : vector<64x128xf32>
    %get3A_2152 = arith.constant 0 : index
    %get3A_2153 = arith.constant 1664 : index
    %get3A_2154 = vector.load %arg26[%get3A_2152, %get3A_2153] : memref<64x2048xf32, #tpu.memory_space<vmem>>, vector<64x128xf32>
    %sub3A_2155 = arith.subf %get3A_2154, %max3A_2065 : vector<64x128xf32>
    %exp23A_2156 = math.exp2 %sub3A_2155 : vector<64x128xf32>
    %add3A_2157 = arith.addf %add3A_2145, %exp23A_2156 : vector<64x128xf32>
    %get3A_2158 = arith.constant 0 : index
    %get3A_2159 = arith.constant 1792 : index
    %get3A_2160 = vector.load %arg26[%get3A_2158, %get3A_2159] : memref<64x2048xf32, #tpu.memory_space<vmem>>, vector<64x128xf32>
    %sub3A_2161 = arith.subf %get3A_2160, %max3A_2065 : vector<64x128xf32>
    %exp23A_2162 = math.exp2 %sub3A_2161 : vector<64x128xf32>
    %add3A_2163 = arith.addf %add3A_2151, %exp23A_2162 : vector<64x128xf32>
    %get3A_2164 = arith.constant 0 : index
    %get3A_2165 = arith.constant 1920 : index
    %get3A_2166 = vector.load %arg26[%get3A_2164, %get3A_2165] : memref<64x2048xf32, #tpu.memory_space<vmem>>, vector<64x128xf32>
    %sub3A_2167 = arith.subf %get3A_2166, %max3A_2065 : vector<64x128xf32>
    %exp23A_2168 = math.exp2 %sub3A_2167 : vector<64x128xf32>
    %add3A_2169 = arith.addf %add3A_2157, %exp23A_2168 : vector<64x128xf32>
    %swap3A_2170 = arith.constant 0 : index
    %swap3A_2171 = arith.constant 0 : index
    %swap3A_2172 = vector.load %arg24[%swap3A_2170, %swap3A_2171] : memref<64x128xf32, #tpu.memory_space<vmem>>, vector<64x128xf32>
    tpu.vector_store %arg24[%swap3A_2170, %swap3A_2171], %max3A_2065 {strides = array<i32>} : memref<64x128xf32, #tpu.memory_space<vmem>>, vector<64x128xf32>,
    %add3A_2173 = arith.addf %add3A_2163, %add3A_2169 : vector<64x128xf32>
    %swap3A_2174 = arith.constant 0 : index
    %swap3A_2175 = arith.constant 0 : index
    %swap3A_2176 = vector.load %arg25[%swap3A_2174, %swap3A_2175] : memref<64x128xf32, #tpu.memory_space<vmem>>, vector<64x128xf32>
    tpu.vector_store %arg25[%swap3A_2174, %swap3A_2175], %add3A_2173 {strides = array<i32>} : memref<64x128xf32, #tpu.memory_space<vmem>>, vector<64x128xf32>,
    %get3A_2177 = arith.constant 0 : index
    %get3A_2178 = arith.constant 0 : index
    %get3A_2179 = vector.load %arg24[%get3A_2177, %get3A_2178] : memref<64x128xf32, #tpu.memory_space<vmem>>, vector<64x128xf32>
    %get3A_2180 = arith.constant 0 : index
    %get3A_2181 = arith.constant 0 : index
    %get3A_2182 = vector.load %arg9[%get3A_2180, %get3A_2181] : memref<64x2048xf32, #tpu.memory_space<vmem>>, vector<64x128xf32>
    %get3A_2183 = arith.constant 0 : index
    %get3A_2184 = arith.constant 0 : index
    %get3A_2185 = vector.load %arg18[%get3A_2183, %get3A_2184] : memref<64x2048xf32, #tpu.memory_space<vmem>>, vector<64x128xf32>
    %ne3A_2186 = arith.constant 0.000000e+00 : f32
    %ne3A_2187 = vector.broadcast %ne3A_2186 : f32 to vector<64x128xf32>
    %ne3A_2188 = arith.cmpf one, %get3A_2185, %ne3A_2187 : vector<64x128xf32>
    %jit3A_2189 = arith.constant -1.000000e+04 : f32
    %broadcast_in_dim3A_2190 = vector.broadcast %jit3A_2189 : f32 to vector<64x128xf32>
    %select_n3A_2191 = arith.select %ne3A_2188, %get3A_2182, %broadcast_in_dim3A_2190 : vector<64x128xi1>, vector<64x128xf32>
    %ge3A_2192 = arith.cmpf oge, %select_n3A_2191, %get3A_3 : vector<64x128xf32>
    %mul3A_2193 = arith.constant 23.3601189 : f32
    %mul3A_2194 = vector.broadcast %mul3A_2193 : f32 to vector<64x128xf32>
    %mul3A_2195 = arith.mulf %mul3A_2194, %get3A_2182 : vector<64x128xf32>
    %add3A_2196 = arith.constant 0.276997447 : f32
    %add3A_2197 = vector.broadcast %add3A_2196 : f32 to vector<64x128xf32>
    %add3A_2198 = arith.addf %mul3A_2195, %add3A_2197 : vector<64x128xf32>
    %mul3A_2199 = arith.constant 23.0831203 : f32
    %mul3A_2200 = vector.broadcast %mul3A_2199 : f32 to vector<64x128xf32>
    %mul3A_2201 = arith.mulf %mul3A_2200, %get3A_2182 : vector<64x128xf32>
    %select_n3A_2202 = arith.select %ge3A_2192, %add3A_2198, %mul3A_2201 : vector<64x128xi1>, vector<64x128xf32>
    %swap3A_2203 = arith.constant 0 : index
    %swap3A_2204 = arith.constant 0 : index
    %swap3A_2205 = vector.load %arg26[%swap3A_2203, %swap3A_2204] : memref<64x2048xf32, #tpu.memory_space<vmem>>, vector<64x128xf32>
    tpu.vector_store %arg26[%swap3A_2203, %swap3A_2204], %select_n3A_2202 {strides = array<i32>} : memref<64x2048xf32, #tpu.memory_space<vmem>>, vector<64x128xf32>,
    %max3A_2206 = arith.maximumf %get3A_2179, %select_n3A_2202 : vector<64x128xf32>
    %get3A_2207 = arith.constant 0 : index
    %get3A_2208 = arith.constant 128 : index
    %get3A_2209 = vector.load %arg9[%get3A_2207, %get3A_2208] : memref<64x2048xf32, #tpu.memory_space<vmem>>, vector<64x128xf32>
    %get3A_2210 = arith.constant 0 : index
    %get3A_2211 = arith.constant 128 : index
    %get3A_2212 = vector.load %arg18[%get3A_2210, %get3A_2211] : memref<64x2048xf32, #tpu.memory_space<vmem>>, vector<64x128xf32>
    %ne3A_2213 = arith.constant 0.000000e+00 : f32
    %ne3A_2214 = vector.broadcast %ne3A_2213 : f32 to vector<64x128xf32>
    %ne3A_2215 = arith.cmpf one, %get3A_2212, %ne3A_2214 : vector<64x128xf32>
    %jit3A_2216 = arith.constant -1.000000e+04 : f32
    %broadcast_in_dim3A_2217 = vector.broadcast %jit3A_2216 : f32 to vector<64x128xf32>
    %select_n3A_2218 = arith.select %ne3A_2215, %get3A_2209, %broadcast_in_dim3A_2217 : vector<64x128xi1>, vector<64x128xf32>
    %ge3A_2219 = arith.cmpf oge, %select_n3A_2218, %get3A_3 : vector<64x128xf32>
    %mul3A_2220 = arith.constant 23.3601189 : f32
    %mul3A_2221 = vector.broadcast %mul3A_2220 : f32 to vector<64x128xf32>
    %mul3A_2222 = arith.mulf %mul3A_2221, %get3A_2209 : vector<64x128xf32>
    %add3A_2223 = arith.constant 0.276997447 : f32
    %add3A_2224 = vector.broadcast %add3A_2223 : f32 to vector<64x128xf32>
    %add3A_2225 = arith.addf %mul3A_2222, %add3A_2224 : vector<64x128xf32>
    %mul3A_2226 = arith.constant 23.0831203 : f32
    %mul3A_2227 = vector.broadcast %mul3A_2226 : f32 to vector<64x128xf32>
    %mul3A_2228 = arith.mulf %mul3A_2227, %get3A_2209 : vector<64x128xf32>
    %select_n3A_2229 = arith.select %ge3A_2219, %add3A_2225, %mul3A_2228 : vector<64x128xi1>, vector<64x128xf32>
    %swap3A_2230 = arith.constant 0 : index
    %swap3A_2231 = arith.constant 128 : index
    %swap3A_2232 = vector.load %arg26[%swap3A_2230, %swap3A_2231] : memref<64x2048xf32, #tpu.memory_space<vmem>>, vector<64x128xf32>
    tpu.vector_store %arg26[%swap3A_2230, %swap3A_2231], %select_n3A_2229 {strides = array<i32>} : memref<64x2048xf32, #tpu.memory_space<vmem>>, vector<64x128xf32>,
    %max3A_2233 = arith.maximumf %max3A_2206, %select_n3A_2229 : vector<64x128xf32>
    %get3A_2234 = arith.constant 0 : index
    %get3A_2235 = arith.constant 256 : index
    %get3A_2236 = vector.load %arg9[%get3A_2234, %get3A_2235] : memref<64x2048xf32, #tpu.memory_space<vmem>>, vector<64x128xf32>
    %get3A_2237 = arith.constant 0 : index
    %get3A_2238 = arith.constant 256 : index
    %get3A_2239 = vector.load %arg18[%get3A_2237, %get3A_2238] : memref<64x2048xf32, #tpu.memory_space<vmem>>, vector<64x128xf32>
    %ne3A_2240 = arith.constant 0.000000e+00 : f32
    %ne3A_2241 = vector.broadcast %ne3A_2240 : f32 to vector<64x128xf32>
    %ne3A_2242 = arith.cmpf one, %get3A_2239, %ne3A_2241 : vector<64x128xf32>
    %jit3A_2243 = arith.constant -1.000000e+04 : f32
    %broadcast_in_dim3A_2244 = vector.broadcast %jit3A_2243 : f32 to vector<64x128xf32>
    %select_n3A_2245 = arith.select %ne3A_2242, %get3A_2236, %broadcast_in_dim3A_2244 : vector<64x128xi1>, vector<64x128xf32>
    %ge3A_2246 = arith.cmpf oge, %select_n3A_2245, %get3A_3 : vector<64x128xf32>
    %mul3A_2247 = arith.constant 23.3601189 : f32
    %mul3A_2248 = vector.broadcast %mul3A_2247 : f32 to vector<64x128xf32>
    %mul3A_2249 = arith.mulf %mul3A_2248, %get3A_2236 : vector<64x128xf32>
    %add3A_2250 = arith.constant 0.276997447 : f32
    %add3A_2251 = vector.broadcast %add3A_2250 : f32 to vector<64x128xf32>
    %add3A_2252 = arith.addf %mul3A_2249, %add3A_2251 : vector<64x128xf32>
    %mul3A_2253 = arith.constant 23.0831203 : f32
    %mul3A_2254 = vector.broadcast %mul3A_2253 : f32 to vector<64x128xf32>
    %mul3A_2255 = arith.mulf %mul3A_2254, %get3A_2236 : vector<64x128xf32>
    %select_n3A_2256 = arith.select %ge3A_2246, %add3A_2252, %mul3A_2255 : vector<64x128xi1>, vector<64x128xf32>
    %swap3A_2257 = arith.constant 0 : index
    %swap3A_2258 = arith.constant 256 : index
    %swap3A_2259 = vector.load %arg26[%swap3A_2257, %swap3A_2258] : memref<64x2048xf32, #tpu.memory_space<vmem>>, vector<64x128xf32>
    tpu.vector_store %arg26[%swap3A_2257, %swap3A_2258], %select_n3A_2256 {strides = array<i32>} : memref<64x2048xf32, #tpu.memory_space<vmem>>, vector<64x128xf32>,
    %max3A_2260 = arith.maximumf %max3A_2233, %select_n3A_2256 : vector<64x128xf32>
    %get3A_2261 = arith.constant 0 : index
    %get3A_2262 = arith.constant 384 : index
    %get3A_2263 = vector.load %arg9[%get3A_2261, %get3A_2262] : memref<64x2048xf32, #tpu.memory_space<vmem>>, vector<64x128xf32>
    %get3A_2264 = arith.constant 0 : index
    %get3A_2265 = arith.constant 384 : index
    %get3A_2266 = vector.load %arg18[%get3A_2264, %get3A_2265] : memref<64x2048xf32, #tpu.memory_space<vmem>>, vector<64x128xf32>
    %ne3A_2267 = arith.constant 0.000000e+00 : f32
    %ne3A_2268 = vector.broadcast %ne3A_2267 : f32 to vector<64x128xf32>
    %ne3A_2269 = arith.cmpf one, %get3A_2266, %ne3A_2268 : vector<64x128xf32>
    %jit3A_2270 = arith.constant -1.000000e+04 : f32
    %broadcast_in_dim3A_2271 = vector.broadcast %jit3A_2270 : f32 to vector<64x128xf32>
    %select_n3A_2272 = arith.select %ne3A_2269, %get3A_2263, %broadcast_in_dim3A_2271 : vector<64x128xi1>, vector<64x128xf32>
    %ge3A_2273 = arith.cmpf oge, %select_n3A_2272, %get3A_3 : vector<64x128xf32>
    %mul3A_2274 = arith.constant 23.3601189 : f32
    %mul3A_2275 = vector.broadcast %mul3A_2274 : f32 to vector<64x128xf32>
    %mul3A_2276 = arith.mulf %mul3A_2275, %get3A_2263 : vector<64x128xf32>
    %add3A_2277 = arith.constant 0.276997447 : f32
    %add3A_2278 = vector.broadcast %add3A_2277 : f32 to vector<64x128xf32>
    %add3A_2279 = arith.addf %mul3A_2276, %add3A_2278 : vector<64x128xf32>
    %mul3A_2280 = arith.constant 23.0831203 : f32
    %mul3A_2281 = vector.broadcast %mul3A_2280 : f32 to vector<64x128xf32>
    %mul3A_2282 = arith.mulf %mul3A_2281, %get3A_2263 : vector<64x128xf32>
    %select_n3A_2283 = arith.select %ge3A_2273, %add3A_2279, %mul3A_2282 : vector<64x128xi1>, vector<64x128xf32>
    %swap3A_2284 = arith.constant 0 : index
    %swap3A_2285 = arith.constant 384 : index
    %swap3A_2286 = vector.load %arg26[%swap3A_2284, %swap3A_2285] : memref<64x2048xf32, #tpu.memory_space<vmem>>, vector<64x128xf32>
    tpu.vector_store %arg26[%swap3A_2284, %swap3A_2285], %select_n3A_2283 {strides = array<i32>} : memref<64x2048xf32, #tpu.memory_space<vmem>>, vector<64x128xf32>,
    %max3A_2287 = arith.maximumf %max3A_2260, %select_n3A_2283 : vector<64x128xf32>
    %get3A_2288 = arith.constant 0 : index
    %get3A_2289 = arith.constant 512 : index
    %get3A_2290 = vector.load %arg9[%get3A_2288, %get3A_2289] : memref<64x2048xf32, #tpu.memory_space<vmem>>, vector<64x128xf32>
    %get3A_2291 = arith.constant 0 : index
    %get3A_2292 = arith.constant 512 : index
    %get3A_2293 = vector.load %arg18[%get3A_2291, %get3A_2292] : memref<64x2048xf32, #tpu.memory_space<vmem>>, vector<64x128xf32>
    %ne3A_2294 = arith.constant 0.000000e+00 : f32
    %ne3A_2295 = vector.broadcast %ne3A_2294 : f32 to vector<64x128xf32>
    %ne3A_2296 = arith.cmpf one, %get3A_2293, %ne3A_2295 : vector<64x128xf32>
    %jit3A_2297 = arith.constant -1.000000e+04 : f32
    %broadcast_in_dim3A_2298 = vector.broadcast %jit3A_2297 : f32 to vector<64x128xf32>
    %select_n3A_2299 = arith.select %ne3A_2296, %get3A_2290, %broadcast_in_dim3A_2298 : vector<64x128xi1>, vector<64x128xf32>
    %ge3A_2300 = arith.cmpf oge, %select_n3A_2299, %get3A_3 : vector<64x128xf32>
    %mul3A_2301 = arith.constant 23.3601189 : f32
    %mul3A_2302 = vector.broadcast %mul3A_2301 : f32 to vector<64x128xf32>
    %mul3A_2303 = arith.mulf %mul3A_2302, %get3A_2290 : vector<64x128xf32>
    %add3A_2304 = arith.constant 0.276997447 : f32
    %add3A_2305 = vector.broadcast %add3A_2304 : f32 to vector<64x128xf32>
    %add3A_2306 = arith.addf %mul3A_2303, %add3A_2305 : vector<64x128xf32>
    %mul3A_2307 = arith.constant 23.0831203 : f32
    %mul3A_2308 = vector.broadcast %mul3A_2307 : f32 to vector<64x128xf32>
    %mul3A_2309 = arith.mulf %mul3A_2308, %get3A_2290 : vector<64x128xf32>
    %select_n3A_2310 = arith.select %ge3A_2300, %add3A_2306, %mul3A_2309 : vector<64x128xi1>, vector<64x128xf32>
    %swap3A_2311 = arith.constant 0 : index
    %swap3A_2312 = arith.constant 512 : index
    %swap3A_2313 = vector.load %arg26[%swap3A_2311, %swap3A_2312] : memref<64x2048xf32, #tpu.memory_space<vmem>>, vector<64x128xf32>
    tpu.vector_store %arg26[%swap3A_2311, %swap3A_2312], %select_n3A_2310 {strides = array<i32>} : memref<64x2048xf32, #tpu.memory_space<vmem>>, vector<64x128xf32>,
    %max3A_2314 = arith.maximumf %max3A_2287, %select_n3A_2310 : vector<64x128xf32>
    %get3A_2315 = arith.constant 0 : index
    %get3A_2316 = arith.constant 640 : index
    %get3A_2317 = vector.load %arg9[%get3A_2315, %get3A_2316] : memref<64x2048xf32, #tpu.memory_space<vmem>>, vector<64x128xf32>
    %get3A_2318 = arith.constant 0 : index
    %get3A_2319 = arith.constant 640 : index
    %get3A_2320 = vector.load %arg18[%get3A_2318, %get3A_2319] : memref<64x2048xf32, #tpu.memory_space<vmem>>, vector<64x128xf32>
    %ne3A_2321 = arith.constant 0.000000e+00 : f32
    %ne3A_2322 = vector.broadcast %ne3A_2321 : f32 to vector<64x128xf32>
    %ne3A_2323 = arith.cmpf one, %get3A_2320, %ne3A_2322 : vector<64x128xf32>
    %jit3A_2324 = arith.constant -1.000000e+04 : f32
    %broadcast_in_dim3A_2325 = vector.broadcast %jit3A_2324 : f32 to vector<64x128xf32>
    %select_n3A_2326 = arith.select %ne3A_2323, %get3A_2317, %broadcast_in_dim3A_2325 : vector<64x128xi1>, vector<64x128xf32>
    %ge3A_2327 = arith.cmpf oge, %select_n3A_2326, %get3A_3 : vector<64x128xf32>
    %mul3A_2328 = arith.constant 23.3601189 : f32
    %mul3A_2329 = vector.broadcast %mul3A_2328 : f32 to vector<64x128xf32>
    %mul3A_2330 = arith.mulf %mul3A_2329, %get3A_2317 : vector<64x128xf32>
    %add3A_2331 = arith.constant 0.276997447 : f32
    %add3A_2332 = vector.broadcast %add3A_2331 : f32 to vector<64x128xf32>
    %add3A_2333 = arith.addf %mul3A_2330, %add3A_2332 : vector<64x128xf32>
    %mul3A_2334 = arith.constant 23.0831203 : f32
    %mul3A_2335 = vector.broadcast %mul3A_2334 : f32 to vector<64x128xf32>
    %mul3A_2336 = arith.mulf %mul3A_2335, %get3A_2317 : vector<64x128xf32>
    %select_n3A_2337 = arith.select %ge3A_2327, %add3A_2333, %mul3A_2336 : vector<64x128xi1>, vector<64x128xf32>
    %swap3A_2338 = arith.constant 0 : index
    %swap3A_2339 = arith.constant 640 : index
    %swap3A_2340 = vector.load %arg26[%swap3A_2338, %swap3A_2339] : memref<64x2048xf32, #tpu.memory_space<vmem>>, vector<64x128xf32>
    tpu.vector_store %arg26[%swap3A_2338, %swap3A_2339], %select_n3A_2337 {strides = array<i32>} : memref<64x2048xf32, #tpu.memory_space<vmem>>, vector<64x128xf32>,
    %max3A_2341 = arith.maximumf %max3A_2314, %select_n3A_2337 : vector<64x128xf32>
    %get3A_2342 = arith.constant 0 : index
    %get3A_2343 = arith.constant 768 : index
    %get3A_2344 = vector.load %arg9[%get3A_2342, %get3A_2343] : memref<64x2048xf32, #tpu.memory_space<vmem>>, vector<64x128xf32>
    %get3A_2345 = arith.constant 0 : index
    %get3A_2346 = arith.constant 768 : index
    %get3A_2347 = vector.load %arg18[%get3A_2345, %get3A_2346] : memref<64x2048xf32, #tpu.memory_space<vmem>>, vector<64x128xf32>
    %ne3A_2348 = arith.constant 0.000000e+00 : f32
    %ne3A_2349 = vector.broadcast %ne3A_2348 : f32 to vector<64x128xf32>
    %ne3A_2350 = arith.cmpf one, %get3A_2347, %ne3A_2349 : vector<64x128xf32>
    %jit3A_2351 = arith.constant -1.000000e+04 : f32
    %broadcast_in_dim3A_2352 = vector.broadcast %jit3A_2351 : f32 to vector<64x128xf32>
    %select_n3A_2353 = arith.select %ne3A_2350, %get3A_2344, %broadcast_in_dim3A_2352 : vector<64x128xi1>, vector<64x128xf32>
    %ge3A_2354 = arith.cmpf oge, %select_n3A_2353, %get3A_3 : vector<64x128xf32>
    %mul3A_2355 = arith.constant 23.3601189 : f32
    %mul3A_2356 = vector.broadcast %mul3A_2355 : f32 to vector<64x128xf32>
    %mul3A_2357 = arith.mulf %mul3A_2356, %get3A_2344 : vector<64x128xf32>
    %add3A_2358 = arith.constant 0.276997447 : f32
    %add3A_2359 = vector.broadcast %add3A_2358 : f32 to vector<64x128xf32>
    %add3A_2360 = arith.addf %mul3A_2357, %add3A_2359 : vector<64x128xf32>
    %mul3A_2361 = arith.constant 23.0831203 : f32
    %mul3A_2362 = vector.broadcast %mul3A_2361 : f32 to vector<64x128xf32>
    %mul3A_2363 = arith.mulf %mul3A_2362, %get3A_2344 : vector<64x128xf32>
    %select_n3A_2364 = arith.select %ge3A_2354, %add3A_2360, %mul3A_2363 : vector<64x128xi1>, vector<64x128xf32>
    %swap3A_2365 = arith.constant 0 : index
    %swap3A_2366 = arith.constant 768 : index
    %swap3A_2367 = vector.load %arg26[%swap3A_2365, %swap3A_2366] : memref<64x2048xf32, #tpu.memory_space<vmem>>, vector<64x128xf32>
    tpu.vector_store %arg26[%swap3A_2365, %swap3A_2366], %select_n3A_2364 {strides = array<i32>} : memref<64x2048xf32, #tpu.memory_space<vmem>>, vector<64x128xf32>,
    %max3A_2368 = arith.maximumf %max3A_2341, %select_n3A_2364 : vector<64x128xf32>
    %get3A_2369 = arith.constant 0 : index
    %get3A_2370 = arith.constant 896 : index
    %get3A_2371 = vector.load %arg9[%get3A_2369, %get3A_2370] : memref<64x2048xf32, #tpu.memory_space<vmem>>, vector<64x128xf32>
    %get3A_2372 = arith.constant 0 : index
    %get3A_2373 = arith.constant 896 : index
    %get3A_2374 = vector.load %arg18[%get3A_2372, %get3A_2373] : memref<64x2048xf32, #tpu.memory_space<vmem>>, vector<64x128xf32>
    %ne3A_2375 = arith.constant 0.000000e+00 : f32
    %ne3A_2376 = vector.broadcast %ne3A_2375 : f32 to vector<64x128xf32>
    %ne3A_2377 = arith.cmpf one, %get3A_2374, %ne3A_2376 : vector<64x128xf32>
    %jit3A_2378 = arith.constant -1.000000e+04 : f32
    %broadcast_in_dim3A_2379 = vector.broadcast %jit3A_2378 : f32 to vector<64x128xf32>
    %select_n3A_2380 = arith.select %ne3A_2377, %get3A_2371, %broadcast_in_dim3A_2379 : vector<64x128xi1>, vector<64x128xf32>
    %ge3A_2381 = arith.cmpf oge, %select_n3A_2380, %get3A_3 : vector<64x128xf32>
    %mul3A_2382 = arith.constant 23.3601189 : f32
    %mul3A_2383 = vector.broadcast %mul3A_2382 : f32 to vector<64x128xf32>
    %mul3A_2384 = arith.mulf %mul3A_2383, %get3A_2371 : vector<64x128xf32>
    %add3A_2385 = arith.constant 0.276997447 : f32
    %add3A_2386 = vector.broadcast %add3A_2385 : f32 to vector<64x128xf32>
    %add3A_2387 = arith.addf %mul3A_2384, %add3A_2386 : vector<64x128xf32>
    %mul3A_2388 = arith.constant 23.0831203 : f32
    %mul3A_2389 = vector.broadcast %mul3A_2388 : f32 to vector<64x128xf32>
    %mul3A_2390 = arith.mulf %mul3A_2389, %get3A_2371 : vector<64x128xf32>
    %select_n3A_2391 = arith.select %ge3A_2381, %add3A_2387, %mul3A_2390 : vector<64x128xi1>, vector<64x128xf32>
    %swap3A_2392 = arith.constant 0 : index
    %swap3A_2393 = arith.constant 896 : index
    %swap3A_2394 = vector.load %arg26[%swap3A_2392, %swap3A_2393] : memref<64x2048xf32, #tpu.memory_space<vmem>>, vector<64x128xf32>
    tpu.vector_store %arg26[%swap3A_2392, %swap3A_2393], %select_n3A_2391 {strides = array<i32>} : memref<64x2048xf32, #tpu.memory_space<vmem>>, vector<64x128xf32>,
    %max3A_2395 = arith.maximumf %max3A_2368, %select_n3A_2391 : vector<64x128xf32>
    %get3A_2396 = arith.constant 0 : index
    %get3A_2397 = arith.constant 1024 : index
    %get3A_2398 = vector.load %arg9[%get3A_2396, %get3A_2397] : memref<64x2048xf32, #tpu.memory_space<vmem>>, vector<64x128xf32>
    %get3A_2399 = arith.constant 0 : index
    %get3A_2400 = arith.constant 1024 : index
    %get3A_2401 = vector.load %arg18[%get3A_2399, %get3A_2400] : memref<64x2048xf32, #tpu.memory_space<vmem>>, vector<64x128xf32>
    %ne3A_2402 = arith.constant 0.000000e+00 : f32
    %ne3A_2403 = vector.broadcast %ne3A_2402 : f32 to vector<64x128xf32>
    %ne3A_2404 = arith.cmpf one, %get3A_2401, %ne3A_2403 : vector<64x128xf32>
    %jit3A_2405 = arith.constant -1.000000e+04 : f32
    %broadcast_in_dim3A_2406 = vector.broadcast %jit3A_2405 : f32 to vector<64x128xf32>
    %select_n3A_2407 = arith.select %ne3A_2404, %get3A_2398, %broadcast_in_dim3A_2406 : vector<64x128xi1>, vector<64x128xf32>
    %ge3A_2408 = arith.cmpf oge, %select_n3A_2407, %get3A_3 : vector<64x128xf32>
    %mul3A_2409 = arith.constant 23.3601189 : f32
    %mul3A_2410 = vector.broadcast %mul3A_2409 : f32 to vector<64x128xf32>
    %mul3A_2411 = arith.mulf %mul3A_2410, %get3A_2398 : vector<64x128xf32>
    %add3A_2412 = arith.constant 0.276997447 : f32
    %add3A_2413 = vector.broadcast %add3A_2412 : f32 to vector<64x128xf32>
    %add3A_2414 = arith.addf %mul3A_2411, %add3A_2413 : vector<64x128xf32>
    %mul3A_2415 = arith.constant 23.0831203 : f32
    %mul3A_2416 = vector.broadcast %mul3A_2415 : f32 to vector<64x128xf32>
    %mul3A_2417 = arith.mulf %mul3A_2416, %get3A_2398 : vector<64x128xf32>
    %select_n3A_2418 = arith.select %ge3A_2408, %add3A_2414, %mul3A_2417 : vector<64x128xi1>, vector<64x128xf32>
    %swap3A_2419 = arith.constant 0 : index
    %swap3A_2420 = arith.constant 1024 : index
    %swap3A_2421 = vector.load %arg26[%swap3A_2419, %swap3A_2420] : memref<64x2048xf32, #tpu.memory_space<vmem>>, vector<64x128xf32>
    tpu.vector_store %arg26[%swap3A_2419, %swap3A_2420], %select_n3A_2418 {strides = array<i32>} : memref<64x2048xf32, #tpu.memory_space<vmem>>, vector<64x128xf32>,
    %max3A_2422 = arith.maximumf %max3A_2395, %select_n3A_2418 : vector<64x128xf32>
    %get3A_2423 = arith.constant 0 : index
    %get3A_2424 = arith.constant 1152 : index
    %get3A_2425 = vector.load %arg9[%get3A_2423, %get3A_2424] : memref<64x2048xf32, #tpu.memory_space<vmem>>, vector<64x128xf32>
    %get3A_2426 = arith.constant 0 : index
    %get3A_2427 = arith.constant 1152 : index
    %get3A_2428 = vector.load %arg18[%get3A_2426, %get3A_2427] : memref<64x2048xf32, #tpu.memory_space<vmem>>, vector<64x128xf32>
    %ne3A_2429 = arith.constant 0.000000e+00 : f32
    %ne3A_2430 = vector.broadcast %ne3A_2429 : f32 to vector<64x128xf32>
    %ne3A_2431 = arith.cmpf one, %get3A_2428, %ne3A_2430 : vector<64x128xf32>
    %jit3A_2432 = arith.constant -1.000000e+04 : f32
    %broadcast_in_dim3A_2433 = vector.broadcast %jit3A_2432 : f32 to vector<64x128xf32>
    %select_n3A_2434 = arith.select %ne3A_2431, %get3A_2425, %broadcast_in_dim3A_2433 : vector<64x128xi1>, vector<64x128xf32>
    %ge3A_2435 = arith.cmpf oge, %select_n3A_2434, %get3A_3 : vector<64x128xf32>
    %mul3A_2436 = arith.constant 23.3601189 : f32
    %mul3A_2437 = vector.broadcast %mul3A_2436 : f32 to vector<64x128xf32>
    %mul3A_2438 = arith.mulf %mul3A_2437, %get3A_2425 : vector<64x128xf32>
    %add3A_2439 = arith.constant 0.276997447 : f32
    %add3A_2440 = vector.broadcast %add3A_2439 : f32 to vector<64x128xf32>
    %add3A_2441 = arith.addf %mul3A_2438, %add3A_2440 : vector<64x128xf32>
    %mul3A_2442 = arith.constant 23.0831203 : f32
    %mul3A_2443 = vector.broadcast %mul3A_2442 : f32 to vector<64x128xf32>
    %mul3A_2444 = arith.mulf %mul3A_2443, %get3A_2425 : vector<64x128xf32>
    %select_n3A_2445 = arith.select %ge3A_2435, %add3A_2441, %mul3A_2444 : vector<64x128xi1>, vector<64x128xf32>
    %swap3A_2446 = arith.constant 0 : index
    %swap3A_2447 = arith.constant 1152 : index
    %swap3A_2448 = vector.load %arg26[%swap3A_2446, %swap3A_2447] : memref<64x2048xf32, #tpu.memory_space<vmem>>, vector<64x128xf32>
    tpu.vector_store %arg26[%swap3A_2446, %swap3A_2447], %select_n3A_2445 {strides = array<i32>} : memref<64x2048xf32, #tpu.memory_space<vmem>>, vector<64x128xf32>,
    %max3A_2449 = arith.maximumf %max3A_2422, %select_n3A_2445 : vector<64x128xf32>
    %get3A_2450 = arith.constant 0 : index
    %get3A_2451 = arith.constant 1280 : index
    %get3A_2452 = vector.load %arg9[%get3A_2450, %get3A_2451] : memref<64x2048xf32, #tpu.memory_space<vmem>>, vector<64x128xf32>
    %get3A_2453 = arith.constant 0 : index
    %get3A_2454 = arith.constant 1280 : index
    %get3A_2455 = vector.load %arg18[%get3A_2453, %get3A_2454] : memref<64x2048xf32, #tpu.memory_space<vmem>>, vector<64x128xf32>
    %ne3A_2456 = arith.constant 0.000000e+00 : f32
    %ne3A_2457 = vector.broadcast %ne3A_2456 : f32 to vector<64x128xf32>
    %ne3A_2458 = arith.cmpf one, %get3A_2455, %ne3A_2457 : vector<64x128xf32>
    %jit3A_2459 = arith.constant -1.000000e+04 : f32
    %broadcast_in_dim3A_2460 = vector.broadcast %jit3A_2459 : f32 to vector<64x128xf32>
    %select_n3A_2461 = arith.select %ne3A_2458, %get3A_2452, %broadcast_in_dim3A_2460 : vector<64x128xi1>, vector<64x128xf32>
    %ge3A_2462 = arith.cmpf oge, %select_n3A_2461, %get3A_3 : vector<64x128xf32>
    %mul3A_2463 = arith.constant 23.3601189 : f32
    %mul3A_2464 = vector.broadcast %mul3A_2463 : f32 to vector<64x128xf32>
    %mul3A_2465 = arith.mulf %mul3A_2464, %get3A_2452 : vector<64x128xf32>
    %add3A_2466 = arith.constant 0.276997447 : f32
    %add3A_2467 = vector.broadcast %add3A_2466 : f32 to vector<64x128xf32>
    %add3A_2468 = arith.addf %mul3A_2465, %add3A_2467 : vector<64x128xf32>
    %mul3A_2469 = arith.constant 23.0831203 : f32
    %mul3A_2470 = vector.broadcast %mul3A_2469 : f32 to vector<64x128xf32>
    %mul3A_2471 = arith.mulf %mul3A_2470, %get3A_2452 : vector<64x128xf32>
    %select_n3A_2472 = arith.select %ge3A_2462, %add3A_2468, %mul3A_2471 : vector<64x128xi1>, vector<64x128xf32>
    %swap3A_2473 = arith.constant 0 : index
    %swap3A_2474 = arith.constant 1280 : index
    %swap3A_2475 = vector.load %arg26[%swap3A_2473, %swap3A_2474] : memref<64x2048xf32, #tpu.memory_space<vmem>>, vector<64x128xf32>
    tpu.vector_store %arg26[%swap3A_2473, %swap3A_2474], %select_n3A_2472 {strides = array<i32>} : memref<64x2048xf32, #tpu.memory_space<vmem>>, vector<64x128xf32>,
    %max3A_2476 = arith.maximumf %max3A_2449, %select_n3A_2472 : vector<64x128xf32>
    %get3A_2477 = arith.constant 0 : index
    %get3A_2478 = arith.constant 1408 : index
    %get3A_2479 = vector.load %arg9[%get3A_2477, %get3A_2478] : memref<64x2048xf32, #tpu.memory_space<vmem>>, vector<64x128xf32>
    %get3A_2480 = arith.constant 0 : index
    %get3A_2481 = arith.constant 1408 : index
    %get3A_2482 = vector.load %arg18[%get3A_2480, %get3A_2481] : memref<64x2048xf32, #tpu.memory_space<vmem>>, vector<64x128xf32>
    %ne3A_2483 = arith.constant 0.000000e+00 : f32
    %ne3A_2484 = vector.broadcast %ne3A_2483 : f32 to vector<64x128xf32>
    %ne3A_2485 = arith.cmpf one, %get3A_2482, %ne3A_2484 : vector<64x128xf32>
    %jit3A_2486 = arith.constant -1.000000e+04 : f32
    %broadcast_in_dim3A_2487 = vector.broadcast %jit3A_2486 : f32 to vector<64x128xf32>
    %select_n3A_2488 = arith.select %ne3A_2485, %get3A_2479, %broadcast_in_dim3A_2487 : vector<64x128xi1>, vector<64x128xf32>
    %ge3A_2489 = arith.cmpf oge, %select_n3A_2488, %get3A_3 : vector<64x128xf32>
    %mul3A_2490 = arith.constant 23.3601189 : f32
    %mul3A_2491 = vector.broadcast %mul3A_2490 : f32 to vector<64x128xf32>
    %mul3A_2492 = arith.mulf %mul3A_2491, %get3A_2479 : vector<64x128xf32>
    %add3A_2493 = arith.constant 0.276997447 : f32
    %add3A_2494 = vector.broadcast %add3A_2493 : f32 to vector<64x128xf32>
    %add3A_2495 = arith.addf %mul3A_2492, %add3A_2494 : vector<64x128xf32>
    %mul3A_2496 = arith.constant 23.0831203 : f32
    %mul3A_2497 = vector.broadcast %mul3A_2496 : f32 to vector<64x128xf32>
    %mul3A_2498 = arith.mulf %mul3A_2497, %get3A_2479 : vector<64x128xf32>
    %select_n3A_2499 = arith.select %ge3A_2489, %add3A_2495, %mul3A_2498 : vector<64x128xi1>, vector<64x128xf32>
    %swap3A_2500 = arith.constant 0 : index
    %swap3A_2501 = arith.constant 1408 : index
    %swap3A_2502 = vector.load %arg26[%swap3A_2500, %swap3A_2501] : memref<64x2048xf32, #tpu.memory_space<vmem>>, vector<64x128xf32>
    tpu.vector_store %arg26[%swap3A_2500, %swap3A_2501], %select_n3A_2499 {strides = array<i32>} : memref<64x2048xf32, #tpu.memory_space<vmem>>, vector<64x128xf32>,
    %max3A_2503 = arith.maximumf %max3A_2476, %select_n3A_2499 : vector<64x128xf32>
    %get3A_2504 = arith.constant 0 : index
    %get3A_2505 = arith.constant 1536 : index
    %get3A_2506 = vector.load %arg9[%get3A_2504, %get3A_2505] : memref<64x2048xf32, #tpu.memory_space<vmem>>, vector<64x128xf32>
    %get3A_2507 = arith.constant 0 : index
    %get3A_2508 = arith.constant 1536 : index
    %get3A_2509 = vector.load %arg18[%get3A_2507, %get3A_2508] : memref<64x2048xf32, #tpu.memory_space<vmem>>, vector<64x128xf32>
    %ne3A_2510 = arith.constant 0.000000e+00 : f32
    %ne3A_2511 = vector.broadcast %ne3A_2510 : f32 to vector<64x128xf32>
    %ne3A_2512 = arith.cmpf one, %get3A_2509, %ne3A_2511 : vector<64x128xf32>
    %jit3A_2513 = arith.constant -1.000000e+04 : f32
    %broadcast_in_dim3A_2514 = vector.broadcast %jit3A_2513 : f32 to vector<64x128xf32>
    %select_n3A_2515 = arith.select %ne3A_2512, %get3A_2506, %broadcast_in_dim3A_2514 : vector<64x128xi1>, vector<64x128xf32>
    %ge3A_2516 = arith.cmpf oge, %select_n3A_2515, %get3A_3 : vector<64x128xf32>
    %mul3A_2517 = arith.constant 23.3601189 : f32
    %mul3A_2518 = vector.broadcast %mul3A_2517 : f32 to vector<64x128xf32>
    %mul3A_2519 = arith.mulf %mul3A_2518, %get3A_2506 : vector<64x128xf32>
    %add3A_2520 = arith.constant 0.276997447 : f32
    %add3A_2521 = vector.broadcast %add3A_2520 : f32 to vector<64x128xf32>
    %add3A_2522 = arith.addf %mul3A_2519, %add3A_2521 : vector<64x128xf32>
    %mul3A_2523 = arith.constant 23.0831203 : f32
    %mul3A_2524 = vector.broadcast %mul3A_2523 : f32 to vector<64x128xf32>
    %mul3A_2525 = arith.mulf %mul3A_2524, %get3A_2506 : vector<64x128xf32>
    %select_n3A_2526 = arith.select %ge3A_2516, %add3A_2522, %mul3A_2525 : vector<64x128xi1>, vector<64x128xf32>
    %swap3A_2527 = arith.constant 0 : index
    %swap3A_2528 = arith.constant 1536 : index
    %swap3A_2529 = vector.load %arg26[%swap3A_2527, %swap3A_2528] : memref<64x2048xf32, #tpu.memory_space<vmem>>, vector<64x128xf32>
    tpu.vector_store %arg26[%swap3A_2527, %swap3A_2528], %select_n3A_2526 {strides = array<i32>} : memref<64x2048xf32, #tpu.memory_space<vmem>>, vector<64x128xf32>,
    %max3A_2530 = arith.maximumf %max3A_2503, %select_n3A_2526 : vector<64x128xf32>
    %get3A_2531 = arith.constant 0 : index
    %get3A_2532 = arith.constant 1664 : index
    %get3A_2533 = vector.load %arg9[%get3A_2531, %get3A_2532] : memref<64x2048xf32, #tpu.memory_space<vmem>>, vector<64x128xf32>
    %get3A_2534 = arith.constant 0 : index
    %get3A_2535 = arith.constant 1664 : index
    %get3A_2536 = vector.load %arg18[%get3A_2534, %get3A_2535] : memref<64x2048xf32, #tpu.memory_space<vmem>>, vector<64x128xf32>
    %ne3A_2537 = arith.constant 0.000000e+00 : f32
    %ne3A_2538 = vector.broadcast %ne3A_2537 : f32 to vector<64x128xf32>
    %ne3A_2539 = arith.cmpf one, %get3A_2536, %ne3A_2538 : vector<64x128xf32>
    %jit3A_2540 = arith.constant -1.000000e+04 : f32
    %broadcast_in_dim3A_2541 = vector.broadcast %jit3A_2540 : f32 to vector<64x128xf32>
    %select_n3A_2542 = arith.select %ne3A_2539, %get3A_2533, %broadcast_in_dim3A_2541 : vector<64x128xi1>, vector<64x128xf32>
    %ge3A_2543 = arith.cmpf oge, %select_n3A_2542, %get3A_3 : vector<64x128xf32>
    %mul3A_2544 = arith.constant 23.3601189 : f32
    %mul3A_2545 = vector.broadcast %mul3A_2544 : f32 to vector<64x128xf32>
    %mul3A_2546 = arith.mulf %mul3A_2545, %get3A_2533 : vector<64x128xf32>
    %add3A_2547 = arith.constant 0.276997447 : f32
    %add3A_2548 = vector.broadcast %add3A_2547 : f32 to vector<64x128xf32>
    %add3A_2549 = arith.addf %mul3A_2546, %add3A_2548 : vector<64x128xf32>
    %mul3A_2550 = arith.constant 23.0831203 : f32
    %mul3A_2551 = vector.broadcast %mul3A_2550 : f32 to vector<64x128xf32>
    %mul3A_2552 = arith.mulf %mul3A_2551, %get3A_2533 : vector<64x128xf32>
    %select_n3A_2553 = arith.select %ge3A_2543, %add3A_2549, %mul3A_2552 : vector<64x128xi1>, vector<64x128xf32>
    %swap3A_2554 = arith.constant 0 : index
    %swap3A_2555 = arith.constant 1664 : index
    %swap3A_2556 = vector.load %arg26[%swap3A_2554, %swap3A_2555] : memref<64x2048xf32, #tpu.memory_space<vmem>>, vector<64x128xf32>
    tpu.vector_store %arg26[%swap3A_2554, %swap3A_2555], %select_n3A_2553 {strides = array<i32>} : memref<64x2048xf32, #tpu.memory_space<vmem>>, vector<64x128xf32>,
    %max3A_2557 = arith.maximumf %max3A_2530, %select_n3A_2553 : vector<64x128xf32>
    %get3A_2558 = arith.constant 0 : index
    %get3A_2559 = arith.constant 1792 : index
    %get3A_2560 = vector.load %arg9[%get3A_2558, %get3A_2559] : memref<64x2048xf32, #tpu.memory_space<vmem>>, vector<64x128xf32>
    %get3A_2561 = arith.constant 0 : index
    %get3A_2562 = arith.constant 1792 : index
    %get3A_2563 = vector.load %arg18[%get3A_2561, %get3A_2562] : memref<64x2048xf32, #tpu.memory_space<vmem>>, vector<64x128xf32>
    %ne3A_2564 = arith.constant 0.000000e+00 : f32
    %ne3A_2565 = vector.broadcast %ne3A_2564 : f32 to vector<64x128xf32>
    %ne3A_2566 = arith.cmpf one, %get3A_2563, %ne3A_2565 : vector<64x128xf32>
    %jit3A_2567 = arith.constant -1.000000e+04 : f32
    %broadcast_in_dim3A_2568 = vector.broadcast %jit3A_2567 : f32 to vector<64x128xf32>
    %select_n3A_2569 = arith.select %ne3A_2566, %get3A_2560, %broadcast_in_dim3A_2568 : vector<64x128xi1>, vector<64x128xf32>
    %ge3A_2570 = arith.cmpf oge, %select_n3A_2569, %get3A_3 : vector<64x128xf32>
    %mul3A_2571 = arith.constant 23.3601189 : f32
    %mul3A_2572 = vector.broadcast %mul3A_2571 : f32 to vector<64x128xf32>
    %mul3A_2573 = arith.mulf %mul3A_2572, %get3A_2560 : vector<64x128xf32>
    %add3A_2574 = arith.constant 0.276997447 : f32
    %add3A_2575 = vector.broadcast %add3A_2574 : f32 to vector<64x128xf32>
    %add3A_2576 = arith.addf %mul3A_2573, %add3A_2575 : vector<64x128xf32>
    %mul3A_2577 = arith.constant 23.0831203 : f32
    %mul3A_2578 = vector.broadcast %mul3A_2577 : f32 to vector<64x128xf32>
    %mul3A_2579 = arith.mulf %mul3A_2578, %get3A_2560 : vector<64x128xf32>
    %select_n3A_2580 = arith.select %ge3A_2570, %add3A_2576, %mul3A_2579 : vector<64x128xi1>, vector<64x128xf32>
    %swap3A_2581 = arith.constant 0 : index
    %swap3A_2582 = arith.constant 1792 : index
    %swap3A_2583 = vector.load %arg26[%swap3A_2581, %swap3A_2582] : memref<64x2048xf32, #tpu.memory_space<vmem>>, vector<64x128xf32>
    tpu.vector_store %arg26[%swap3A_2581, %swap3A_2582], %select_n3A_2580 {strides = array<i32>} : memref<64x2048xf32, #tpu.memory_space<vmem>>, vector<64x128xf32>,
    %max3A_2584 = arith.maximumf %max3A_2557, %select_n3A_2580 : vector<64x128xf32>
    %get3A_2585 = arith.constant 0 : index
    %get3A_2586 = arith.constant 1920 : index
    %get3A_2587 = vector.load %arg9[%get3A_2585, %get3A_2586] : memref<64x2048xf32, #tpu.memory_space<vmem>>, vector<64x128xf32>
    %get3A_2588 = arith.constant 0 : index
    %get3A_2589 = arith.constant 1920 : index
    %get3A_2590 = vector.load %arg18[%get3A_2588, %get3A_2589] : memref<64x2048xf32, #tpu.memory_space<vmem>>, vector<64x128xf32>
    %ne3A_2591 = arith.constant 0.000000e+00 : f32
    %ne3A_2592 = vector.broadcast %ne3A_2591 : f32 to vector<64x128xf32>
    %ne3A_2593 = arith.cmpf one, %get3A_2590, %ne3A_2592 : vector<64x128xf32>
    %jit3A_2594 = arith.constant -1.000000e+04 : f32
    %broadcast_in_dim3A_2595 = vector.broadcast %jit3A_2594 : f32 to vector<64x128xf32>
    %select_n3A_2596 = arith.select %ne3A_2593, %get3A_2587, %broadcast_in_dim3A_2595 : vector<64x128xi1>, vector<64x128xf32>
    %ge3A_2597 = arith.cmpf oge, %select_n3A_2596, %get3A_3 : vector<64x128xf32>
    %mul3A_2598 = arith.constant 23.3601189 : f32
    %mul3A_2599 = vector.broadcast %mul3A_2598 : f32 to vector<64x128xf32>
    %mul3A_2600 = arith.mulf %mul3A_2599, %get3A_2587 : vector<64x128xf32>
    %add3A_2601 = arith.constant 0.276997447 : f32
    %add3A_2602 = vector.broadcast %add3A_2601 : f32 to vector<64x128xf32>
    %add3A_2603 = arith.addf %mul3A_2600, %add3A_2602 : vector<64x128xf32>
    %mul3A_2604 = arith.constant 23.0831203 : f32
    %mul3A_2605 = vector.broadcast %mul3A_2604 : f32 to vector<64x128xf32>
    %mul3A_2606 = arith.mulf %mul3A_2605, %get3A_2587 : vector<64x128xf32>
    %select_n3A_2607 = arith.select %ge3A_2597, %add3A_2603, %mul3A_2606 : vector<64x128xi1>, vector<64x128xf32>
    %swap3A_2608 = arith.constant 0 : index
    %swap3A_2609 = arith.constant 1920 : index
    %swap3A_2610 = vector.load %arg26[%swap3A_2608, %swap3A_2609] : memref<64x2048xf32, #tpu.memory_space<vmem>>, vector<64x128xf32>
    tpu.vector_store %arg26[%swap3A_2608, %swap3A_2609], %select_n3A_2607 {strides = array<i32>} : memref<64x2048xf32, #tpu.memory_space<vmem>>, vector<64x128xf32>,
    %max3A_2611 = arith.maximumf %max3A_2584, %select_n3A_2607 : vector<64x128xf32>
    %get3A_2612 = arith.constant 0 : index
    %get3A_2613 = arith.constant 0 : index
    %get3A_2614 = vector.load %arg25[%get3A_2612, %get3A_2613] : memref<64x128xf32, #tpu.memory_space<vmem>>, vector<64x128xf32>
    %sub3A_2615 = arith.subf %get3A_2179, %max3A_2611 : vector<64x128xf32>
    %exp23A_2616 = math.exp2 %sub3A_2615 : vector<64x128xf32>
    %mul3A_2617 = arith.mulf %get3A_2614, %exp23A_2616 : vector<64x128xf32>
    %broadcast_in_dim3A_2618 = arith.constant 0.000000e+00 : f32
    %broadcast_in_dim3A_2619 = vector.broadcast %broadcast_in_dim3A_2618 : f32 to vector<64x128xf32>
    %get3A_2620 = arith.constant 0 : index
    %get3A_2621 = arith.constant 0 : index
    %get3A_2622 = vector.load %arg26[%get3A_2620, %get3A_2621] : memref<64x2048xf32, #tpu.memory_space<vmem>>, vector<64x128xf32>
    %sub3A_2623 = arith.subf %get3A_2622, %max3A_2611 : vector<64x128xf32>
    %exp23A_2624 = math.exp2 %sub3A_2623 : vector<64x128xf32>
    %add3A_2625 = arith.addf %mul3A_2617, %exp23A_2624 : vector<64x128xf32>
    %get3A_2626 = arith.constant 0 : index
    %get3A_2627 = arith.constant 128 : index
    %get3A_2628 = vector.load %arg26[%get3A_2626, %get3A_2627] : memref<64x2048xf32, #tpu.memory_space<vmem>>, vector<64x128xf32>
    %sub3A_2629 = arith.subf %get3A_2628, %max3A_2611 : vector<64x128xf32>
    %exp23A_2630 = math.exp2 %sub3A_2629 : vector<64x128xf32>
    %add3A_2631 = arith.addf %broadcast_in_dim3A_2619, %exp23A_2630 : vector<64x128xf32>
    %get3A_2632 = arith.constant 0 : index
    %get3A_2633 = arith.constant 256 : index
    %get3A_2634 = vector.load %arg26[%get3A_2632, %get3A_2633] : memref<64x2048xf32, #tpu.memory_space<vmem>>, vector<64x128xf32>
    %sub3A_2635 = arith.subf %get3A_2634, %max3A_2611 : vector<64x128xf32>
    %exp23A_2636 = math.exp2 %sub3A_2635 : vector<64x128xf32>
    %add3A_2637 = arith.addf %add3A_2625, %exp23A_2636 : vector<64x128xf32>
    %get3A_2638 = arith.constant 0 : index
    %get3A_2639 = arith.constant 384 : index
    %get3A_2640 = vector.load %arg26[%get3A_2638, %get3A_2639] : memref<64x2048xf32, #tpu.memory_space<vmem>>, vector<64x128xf32>
    %sub3A_2641 = arith.subf %get3A_2640, %max3A_2611 : vector<64x128xf32>
    %exp23A_2642 = math.exp2 %sub3A_2641 : vector<64x128xf32>
    %add3A_2643 = arith.addf %add3A_2631, %exp23A_2642 : vector<64x128xf32>
    %get3A_2644 = arith.constant 0 : index
    %get3A_2645 = arith.constant 512 : index
    %get3A_2646 = vector.load %arg26[%get3A_2644, %get3A_2645] : memref<64x2048xf32, #tpu.memory_space<vmem>>, vector<64x128xf32>
    %sub3A_2647 = arith.subf %get3A_2646, %max3A_2611 : vector<64x128xf32>
    %exp23A_2648 = math.exp2 %sub3A_2647 : vector<64x128xf32>
    %add3A_2649 = arith.addf %add3A_2637, %exp23A_2648 : vector<64x128xf32>
    %get3A_2650 = arith.constant 0 : index
    %get3A_2651 = arith.constant 640 : index
    %get3A_2652 = vector.load %arg26[%get3A_2650, %get3A_2651] : memref<64x2048xf32, #tpu.memory_space<vmem>>, vector<64x128xf32>
    %sub3A_2653 = arith.subf %get3A_2652, %max3A_2611 : vector<64x128xf32>
    %exp23A_2654 = math.exp2 %sub3A_2653 : vector<64x128xf32>
    %add3A_2655 = arith.addf %add3A_2643, %exp23A_2654 : vector<64x128xf32>
    %get3A_2656 = arith.constant 0 : index
    %get3A_2657 = arith.constant 768 : index
    %get3A_2658 = vector.load %arg26[%get3A_2656, %get3A_2657] : memref<64x2048xf32, #tpu.memory_space<vmem>>, vector<64x128xf32>
    %sub3A_2659 = arith.subf %get3A_2658, %max3A_2611 : vector<64x128xf32>
    %exp23A_2660 = math.exp2 %sub3A_2659 : vector<64x128xf32>
    %add3A_2661 = arith.addf %add3A_2649, %exp23A_2660 : vector<64x128xf32>
    %get3A_2662 = arith.constant 0 : index
    %get3A_2663 = arith.constant 896 : index
    %get3A_2664 = vector.load %arg26[%get3A_2662, %get3A_2663] : memref<64x2048xf32, #tpu.memory_space<vmem>>, vector<64x128xf32>
    %sub3A_2665 = arith.subf %get3A_2664, %max3A_2611 : vector<64x128xf32>
    %exp23A_2666 = math.exp2 %sub3A_2665 : vector<64x128xf32>
    %add3A_2667 = arith.addf %add3A_2655, %exp23A_2666 : vector<64x128xf32>
    %get3A_2668 = arith.constant 0 : index
    %get3A_2669 = arith.constant 1024 : index
    %get3A_2670 = vector.load %arg26[%get3A_2668, %get3A_2669] : memref<64x2048xf32, #tpu.memory_space<vmem>>, vector<64x128xf32>
    %sub3A_2671 = arith.subf %get3A_2670, %max3A_2611 : vector<64x128xf32>
    %exp23A_2672 = math.exp2 %sub3A_2671 : vector<64x128xf32>
    %add3A_2673 = arith.addf %add3A_2661, %exp23A_2672 : vector<64x128xf32>
    %get3A_2674 = arith.constant 0 : index
    %get3A_2675 = arith.constant 1152 : index
    %get3A_2676 = vector.load %arg26[%get3A_2674, %get3A_2675] : memref<64x2048xf32, #tpu.memory_space<vmem>>, vector<64x128xf32>
    %sub3A_2677 = arith.subf %get3A_2676, %max3A_2611 : vector<64x128xf32>
    %exp23A_2678 = math.exp2 %sub3A_2677 : vector<64x128xf32>
    %add3A_2679 = arith.addf %add3A_2667, %exp23A_2678 : vector<64x128xf32>
    %get3A_2680 = arith.constant 0 : index
    %get3A_2681 = arith.constant 1280 : index
    %get3A_2682 = vector.load %arg26[%get3A_2680, %get3A_2681] : memref<64x2048xf32, #tpu.memory_space<vmem>>, vector<64x128xf32>
    %sub3A_2683 = arith.subf %get3A_2682, %max3A_2611 : vector<64x128xf32>
    %exp23A_2684 = math.exp2 %sub3A_2683 : vector<64x128xf32>
    %add3A_2685 = arith.addf %add3A_2673, %exp23A_2684 : vector<64x128xf32>
    %get3A_2686 = arith.constant 0 : index
    %get3A_2687 = arith.constant 1408 : index
    %get3A_2688 = vector.load %arg26[%get3A_2686, %get3A_2687] : memref<64x2048xf32, #tpu.memory_space<vmem>>, vector<64x128xf32>
    %sub3A_2689 = arith.subf %get3A_2688, %max3A_2611 : vector<64x128xf32>
    %exp23A_2690 = math.exp2 %sub3A_2689 : vector<64x128xf32>
    %add3A_2691 = arith.addf %add3A_2679, %exp23A_2690 : vector<64x128xf32>
    %get3A_2692 = arith.constant 0 : index
    %get3A_2693 = arith.constant 1536 : index
    %get3A_2694 = vector.load %arg26[%get3A_2692, %get3A_2693] : memref<64x2048xf32, #tpu.memory_space<vmem>>, vector<64x128xf32>
    %sub3A_2695 = arith.subf %get3A_2694, %max3A_2611 : vector<64x128xf32>
    %exp23A_2696 = math.exp2 %sub3A_2695 : vector<64x128xf32>
    %add3A_2697 = arith.addf %add3A_2685, %exp23A_2696 : vector<64x128xf32>
    %get3A_2698 = arith.constant 0 : index
    %get3A_2699 = arith.constant 1664 : index
    %get3A_2700 = vector.load %arg26[%get3A_2698, %get3A_2699] : memref<64x2048xf32, #tpu.memory_space<vmem>>, vector<64x128xf32>
    %sub3A_2701 = arith.subf %get3A_2700, %max3A_2611 : vector<64x128xf32>
    %exp23A_2702 = math.exp2 %sub3A_2701 : vector<64x128xf32>
    %add3A_2703 = arith.addf %add3A_2691, %exp23A_2702 : vector<64x128xf32>
    %get3A_2704 = arith.constant 0 : index
    %get3A_2705 = arith.constant 1792 : index
    %get3A_2706 = vector.load %arg26[%get3A_2704, %get3A_2705] : memref<64x2048xf32, #tpu.memory_space<vmem>>, vector<64x128xf32>
    %sub3A_2707 = arith.subf %get3A_2706, %max3A_2611 : vector<64x128xf32>
    %exp23A_2708 = math.exp2 %sub3A_2707 : vector<64x128xf32>
    %add3A_2709 = arith.addf %add3A_2697, %exp23A_2708 : vector<64x128xf32>
    %get3A_2710 = arith.constant 0 : index
    %get3A_2711 = arith.constant 1920 : index
    %get3A_2712 = vector.load %arg26[%get3A_2710, %get3A_2711] : memref<64x2048xf32, #tpu.memory_space<vmem>>, vector<64x128xf32>
    %sub3A_2713 = arith.subf %get3A_2712, %max3A_2611 : vector<64x128xf32>
    %exp23A_2714 = math.exp2 %sub3A_2713 : vector<64x128xf32>
    %add3A_2715 = arith.addf %add3A_2703, %exp23A_2714 : vector<64x128xf32>
    %swap3A_2716 = arith.constant 0 : index
    %swap3A_2717 = arith.constant 0 : index
    %swap3A_2718 = vector.load %arg24[%swap3A_2716, %swap3A_2717] : memref<64x128xf32, #tpu.memory_space<vmem>>, vector<64x128xf32>
    tpu.vector_store %arg24[%swap3A_2716, %swap3A_2717], %max3A_2611 {strides = array<i32>} : memref<64x128xf32, #tpu.memory_space<vmem>>, vector<64x128xf32>,
    %add3A_2719 = arith.addf %add3A_2709, %add3A_2715 : vector<64x128xf32>
    %swap3A_2720 = arith.constant 0 : index
    %swap3A_2721 = arith.constant 0 : index
    %swap3A_2722 = vector.load %arg25[%swap3A_2720, %swap3A_2721] : memref<64x128xf32, #tpu.memory_space<vmem>>, vector<64x128xf32>
    tpu.vector_store %arg25[%swap3A_2720, %swap3A_2721], %add3A_2719 {strides = array<i32>} : memref<64x128xf32, #tpu.memory_space<vmem>>, vector<64x128xf32>,
    %get3A_2723 = arith.constant 0 : index
    %get3A_2724 = arith.constant 0 : index
    %get3A_2725 = vector.load %arg24[%get3A_2723, %get3A_2724] : memref<64x128xf32, #tpu.memory_space<vmem>>, vector<64x128xf32>
    %get3A_2726 = arith.constant 0 : index
    %get3A_2727 = arith.constant 0 : index
    %get3A_2728 = vector.load %arg10[%get3A_2726, %get3A_2727] : memref<64x2048xf32, #tpu.memory_space<vmem>>, vector<64x128xf32>
    %get3A_2729 = arith.constant 0 : index
    %get3A_2730 = arith.constant 0 : index
    %get3A_2731 = vector.load %arg19[%get3A_2729, %get3A_2730] : memref<64x2048xf32, #tpu.memory_space<vmem>>, vector<64x128xf32>
    %ne3A_2732 = arith.constant 0.000000e+00 : f32
    %ne3A_2733 = vector.broadcast %ne3A_2732 : f32 to vector<64x128xf32>
    %ne3A_2734 = arith.cmpf one, %get3A_2731, %ne3A_2733 : vector<64x128xf32>
    %jit3A_2735 = arith.constant -1.000000e+04 : f32
    %broadcast_in_dim3A_2736 = vector.broadcast %jit3A_2735 : f32 to vector<64x128xf32>
    %select_n3A_2737 = arith.select %ne3A_2734, %get3A_2728, %broadcast_in_dim3A_2736 : vector<64x128xi1>, vector<64x128xf32>
    %ge3A_2738 = arith.cmpf oge, %select_n3A_2737, %get3A_3 : vector<64x128xf32>
    %mul3A_2739 = arith.constant 23.3601189 : f32
    %mul3A_2740 = vector.broadcast %mul3A_2739 : f32 to vector<64x128xf32>
    %mul3A_2741 = arith.mulf %mul3A_2740, %get3A_2728 : vector<64x128xf32>
    %add3A_2742 = arith.constant 0.276997447 : f32
    %add3A_2743 = vector.broadcast %add3A_2742 : f32 to vector<64x128xf32>
    %add3A_2744 = arith.addf %mul3A_2741, %add3A_2743 : vector<64x128xf32>
    %mul3A_2745 = arith.constant 23.0831203 : f32
    %mul3A_2746 = vector.broadcast %mul3A_2745 : f32 to vector<64x128xf32>
    %mul3A_2747 = arith.mulf %mul3A_2746, %get3A_2728 : vector<64x128xf32>
    %select_n3A_2748 = arith.select %ge3A_2738, %add3A_2744, %mul3A_2747 : vector<64x128xi1>, vector<64x128xf32>
    %swap3A_2749 = arith.constant 0 : index
    %swap3A_2750 = arith.constant 0 : index
    %swap3A_2751 = vector.load %arg26[%swap3A_2749, %swap3A_2750] : memref<64x2048xf32, #tpu.memory_space<vmem>>, vector<64x128xf32>
    tpu.vector_store %arg26[%swap3A_2749, %swap3A_2750], %select_n3A_2748 {strides = array<i32>} : memref<64x2048xf32, #tpu.memory_space<vmem>>, vector<64x128xf32>,
    %max3A_2752 = arith.maximumf %get3A_2725, %select_n3A_2748 : vector<64x128xf32>
    %get3A_2753 = arith.constant 0 : index
    %get3A_2754 = arith.constant 128 : index
    %get3A_2755 = vector.load %arg10[%get3A_2753, %get3A_2754] : memref<64x2048xf32, #tpu.memory_space<vmem>>, vector<64x128xf32>
    %get3A_2756 = arith.constant 0 : index
    %get3A_2757 = arith.constant 128 : index
    %get3A_2758 = vector.load %arg19[%get3A_2756, %get3A_2757] : memref<64x2048xf32, #tpu.memory_space<vmem>>, vector<64x128xf32>
    %ne3A_2759 = arith.constant 0.000000e+00 : f32
    %ne3A_2760 = vector.broadcast %ne3A_2759 : f32 to vector<64x128xf32>
    %ne3A_2761 = arith.cmpf one, %get3A_2758, %ne3A_2760 : vector<64x128xf32>
    %jit3A_2762 = arith.constant -1.000000e+04 : f32
    %broadcast_in_dim3A_2763 = vector.broadcast %jit3A_2762 : f32 to vector<64x128xf32>
    %select_n3A_2764 = arith.select %ne3A_2761, %get3A_2755, %broadcast_in_dim3A_2763 : vector<64x128xi1>, vector<64x128xf32>
    %ge3A_2765 = arith.cmpf oge, %select_n3A_2764, %get3A_3 : vector<64x128xf32>
    %mul3A_2766 = arith.constant 23.3601189 : f32
    %mul3A_2767 = vector.broadcast %mul3A_2766 : f32 to vector<64x128xf32>
    %mul3A_2768 = arith.mulf %mul3A_2767, %get3A_2755 : vector<64x128xf32>
    %add3A_2769 = arith.constant 0.276997447 : f32
    %add3A_2770 = vector.broadcast %add3A_2769 : f32 to vector<64x128xf32>
    %add3A_2771 = arith.addf %mul3A_2768, %add3A_2770 : vector<64x128xf32>
    %mul3A_2772 = arith.constant 23.0831203 : f32
    %mul3A_2773 = vector.broadcast %mul3A_2772 : f32 to vector<64x128xf32>
    %mul3A_2774 = arith.mulf %mul3A_2773, %get3A_2755 : vector<64x128xf32>
    %select_n3A_2775 = arith.select %ge3A_2765, %add3A_2771, %mul3A_2774 : vector<64x128xi1>, vector<64x128xf32>
    %swap3A_2776 = arith.constant 0 : index
    %swap3A_2777 = arith.constant 128 : index
    %swap3A_2778 = vector.load %arg26[%swap3A_2776, %swap3A_2777] : memref<64x2048xf32, #tpu.memory_space<vmem>>, vector<64x128xf32>
    tpu.vector_store %arg26[%swap3A_2776, %swap3A_2777], %select_n3A_2775 {strides = array<i32>} : memref<64x2048xf32, #tpu.memory_space<vmem>>, vector<64x128xf32>,
    %max3A_2779 = arith.maximumf %max3A_2752, %select_n3A_2775 : vector<64x128xf32>
    %get3A_2780 = arith.constant 0 : index
    %get3A_2781 = arith.constant 256 : index
    %get3A_2782 = vector.load %arg10[%get3A_2780, %get3A_2781] : memref<64x2048xf32, #tpu.memory_space<vmem>>, vector<64x128xf32>
    %get3A_2783 = arith.constant 0 : index
    %get3A_2784 = arith.constant 256 : index
    %get3A_2785 = vector.load %arg19[%get3A_2783, %get3A_2784] : memref<64x2048xf32, #tpu.memory_space<vmem>>, vector<64x128xf32>
    %ne3A_2786 = arith.constant 0.000000e+00 : f32
    %ne3A_2787 = vector.broadcast %ne3A_2786 : f32 to vector<64x128xf32>
    %ne3A_2788 = arith.cmpf one, %get3A_2785, %ne3A_2787 : vector<64x128xf32>
    %jit3A_2789 = arith.constant -1.000000e+04 : f32
    %broadcast_in_dim3A_2790 = vector.broadcast %jit3A_2789 : f32 to vector<64x128xf32>
    %select_n3A_2791 = arith.select %ne3A_2788, %get3A_2782, %broadcast_in_dim3A_2790 : vector<64x128xi1>, vector<64x128xf32>
    %ge3A_2792 = arith.cmpf oge, %select_n3A_2791, %get3A_3 : vector<64x128xf32>
    %mul3A_2793 = arith.constant 23.3601189 : f32
    %mul3A_2794 = vector.broadcast %mul3A_2793 : f32 to vector<64x128xf32>
    %mul3A_2795 = arith.mulf %mul3A_2794, %get3A_2782 : vector<64x128xf32>
    %add3A_2796 = arith.constant 0.276997447 : f32
    %add3A_2797 = vector.broadcast %add3A_2796 : f32 to vector<64x128xf32>
    %add3A_2798 = arith.addf %mul3A_2795, %add3A_2797 : vector<64x128xf32>
    %mul3A_2799 = arith.constant 23.0831203 : f32
    %mul3A_2800 = vector.broadcast %mul3A_2799 : f32 to vector<64x128xf32>
    %mul3A_2801 = arith.mulf %mul3A_2800, %get3A_2782 : vector<64x128xf32>
    %select_n3A_2802 = arith.select %ge3A_2792, %add3A_2798, %mul3A_2801 : vector<64x128xi1>, vector<64x128xf32>
    %swap3A_2803 = arith.constant 0 : index
    %swap3A_2804 = arith.constant 256 : index
    %swap3A_2805 = vector.load %arg26[%swap3A_2803, %swap3A_2804] : memref<64x2048xf32, #tpu.memory_space<vmem>>, vector<64x128xf32>
    tpu.vector_store %arg26[%swap3A_2803, %swap3A_2804], %select_n3A_2802 {strides = array<i32>} : memref<64x2048xf32, #tpu.memory_space<vmem>>, vector<64x128xf32>,
    %max3A_2806 = arith.maximumf %max3A_2779, %select_n3A_2802 : vector<64x128xf32>
    %get3A_2807 = arith.constant 0 : index
    %get3A_2808 = arith.constant 384 : index
    %get3A_2809 = vector.load %arg10[%get3A_2807, %get3A_2808] : memref<64x2048xf32, #tpu.memory_space<vmem>>, vector<64x128xf32>
    %get3A_2810 = arith.constant 0 : index
    %get3A_2811 = arith.constant 384 : index
    %get3A_2812 = vector.load %arg19[%get3A_2810, %get3A_2811] : memref<64x2048xf32, #tpu.memory_space<vmem>>, vector<64x128xf32>
    %ne3A_2813 = arith.constant 0.000000e+00 : f32
    %ne3A_2814 = vector.broadcast %ne3A_2813 : f32 to vector<64x128xf32>
    %ne3A_2815 = arith.cmpf one, %get3A_2812, %ne3A_2814 : vector<64x128xf32>
    %jit3A_2816 = arith.constant -1.000000e+04 : f32
    %broadcast_in_dim3A_2817 = vector.broadcast %jit3A_2816 : f32 to vector<64x128xf32>
    %select_n3A_2818 = arith.select %ne3A_2815, %get3A_2809, %broadcast_in_dim3A_2817 : vector<64x128xi1>, vector<64x128xf32>
    %ge3A_2819 = arith.cmpf oge, %select_n3A_2818, %get3A_3 : vector<64x128xf32>
    %mul3A_2820 = arith.constant 23.3601189 : f32
    %mul3A_2821 = vector.broadcast %mul3A_2820 : f32 to vector<64x128xf32>
    %mul3A_2822 = arith.mulf %mul3A_2821, %get3A_2809 : vector<64x128xf32>
    %add3A_2823 = arith.constant 0.276997447 : f32
    %add3A_2824 = vector.broadcast %add3A_2823 : f32 to vector<64x128xf32>
    %add3A_2825 = arith.addf %mul3A_2822, %add3A_2824 : vector<64x128xf32>
    %mul3A_2826 = arith.constant 23.0831203 : f32
    %mul3A_2827 = vector.broadcast %mul3A_2826 : f32 to vector<64x128xf32>
    %mul3A_2828 = arith.mulf %mul3A_2827, %get3A_2809 : vector<64x128xf32>
    %select_n3A_2829 = arith.select %ge3A_2819, %add3A_2825, %mul3A_2828 : vector<64x128xi1>, vector<64x128xf32>
    %swap3A_2830 = arith.constant 0 : index
    %swap3A_2831 = arith.constant 384 : index
    %swap3A_2832 = vector.load %arg26[%swap3A_2830, %swap3A_2831] : memref<64x2048xf32, #tpu.memory_space<vmem>>, vector<64x128xf32>
    tpu.vector_store %arg26[%swap3A_2830, %swap3A_2831], %select_n3A_2829 {strides = array<i32>} : memref<64x2048xf32, #tpu.memory_space<vmem>>, vector<64x128xf32>,
    %max3A_2833 = arith.maximumf %max3A_2806, %select_n3A_2829 : vector<64x128xf32>
    %get3A_2834 = arith.constant 0 : index
    %get3A_2835 = arith.constant 512 : index
    %get3A_2836 = vector.load %arg10[%get3A_2834, %get3A_2835] : memref<64x2048xf32, #tpu.memory_space<vmem>>, vector<64x128xf32>
    %get3A_2837 = arith.constant 0 : index
    %get3A_2838 = arith.constant 512 : index
    %get3A_2839 = vector.load %arg19[%get3A_2837, %get3A_2838] : memref<64x2048xf32, #tpu.memory_space<vmem>>, vector<64x128xf32>
    %ne3A_2840 = arith.constant 0.000000e+00 : f32
    %ne3A_2841 = vector.broadcast %ne3A_2840 : f32 to vector<64x128xf32>
    %ne3A_2842 = arith.cmpf one, %get3A_2839, %ne3A_2841 : vector<64x128xf32>
    %jit3A_2843 = arith.constant -1.000000e+04 : f32
    %broadcast_in_dim3A_2844 = vector.broadcast %jit3A_2843 : f32 to vector<64x128xf32>
    %select_n3A_2845 = arith.select %ne3A_2842, %get3A_2836, %broadcast_in_dim3A_2844 : vector<64x128xi1>, vector<64x128xf32>
    %ge3A_2846 = arith.cmpf oge, %select_n3A_2845, %get3A_3 : vector<64x128xf32>
    %mul3A_2847 = arith.constant 23.3601189 : f32
    %mul3A_2848 = vector.broadcast %mul3A_2847 : f32 to vector<64x128xf32>
    %mul3A_2849 = arith.mulf %mul3A_2848, %get3A_2836 : vector<64x128xf32>
    %add3A_2850 = arith.constant 0.276997447 : f32
    %add3A_2851 = vector.broadcast %add3A_2850 : f32 to vector<64x128xf32>
    %add3A_2852 = arith.addf %mul3A_2849, %add3A_2851 : vector<64x128xf32>
    %mul3A_2853 = arith.constant 23.0831203 : f32
    %mul3A_2854 = vector.broadcast %mul3A_2853 : f32 to vector<64x128xf32>
    %mul3A_2855 = arith.mulf %mul3A_2854, %get3A_2836 : vector<64x128xf32>
    %select_n3A_2856 = arith.select %ge3A_2846, %add3A_2852, %mul3A_2855 : vector<64x128xi1>, vector<64x128xf32>
    %swap3A_2857 = arith.constant 0 : index
    %swap3A_2858 = arith.constant 512 : index
    %swap3A_2859 = vector.load %arg26[%swap3A_2857, %swap3A_2858] : memref<64x2048xf32, #tpu.memory_space<vmem>>, vector<64x128xf32>
    tpu.vector_store %arg26[%swap3A_2857, %swap3A_2858], %select_n3A_2856 {strides = array<i32>} : memref<64x2048xf32, #tpu.memory_space<vmem>>, vector<64x128xf32>,
    %max3A_2860 = arith.maximumf %max3A_2833, %select_n3A_2856 : vector<64x128xf32>
    %get3A_2861 = arith.constant 0 : index
    %get3A_2862 = arith.constant 640 : index
    %get3A_2863 = vector.load %arg10[%get3A_2861, %get3A_2862] : memref<64x2048xf32, #tpu.memory_space<vmem>>, vector<64x128xf32>
    %get3A_2864 = arith.constant 0 : index
    %get3A_2865 = arith.constant 640 : index
    %get3A_2866 = vector.load %arg19[%get3A_2864, %get3A_2865] : memref<64x2048xf32, #tpu.memory_space<vmem>>, vector<64x128xf32>
    %ne3A_2867 = arith.constant 0.000000e+00 : f32
    %ne3A_2868 = vector.broadcast %ne3A_2867 : f32 to vector<64x128xf32>
    %ne3A_2869 = arith.cmpf one, %get3A_2866, %ne3A_2868 : vector<64x128xf32>
    %jit3A_2870 = arith.constant -1.000000e+04 : f32
    %broadcast_in_dim3A_2871 = vector.broadcast %jit3A_2870 : f32 to vector<64x128xf32>
    %select_n3A_2872 = arith.select %ne3A_2869, %get3A_2863, %broadcast_in_dim3A_2871 : vector<64x128xi1>, vector<64x128xf32>
    %ge3A_2873 = arith.cmpf oge, %select_n3A_2872, %get3A_3 : vector<64x128xf32>
    %mul3A_2874 = arith.constant 23.3601189 : f32
    %mul3A_2875 = vector.broadcast %mul3A_2874 : f32 to vector<64x128xf32>
    %mul3A_2876 = arith.mulf %mul3A_2875, %get3A_2863 : vector<64x128xf32>
    %add3A_2877 = arith.constant 0.276997447 : f32
    %add3A_2878 = vector.broadcast %add3A_2877 : f32 to vector<64x128xf32>
    %add3A_2879 = arith.addf %mul3A_2876, %add3A_2878 : vector<64x128xf32>
    %mul3A_2880 = arith.constant 23.0831203 : f32
    %mul3A_2881 = vector.broadcast %mul3A_2880 : f32 to vector<64x128xf32>
    %mul3A_2882 = arith.mulf %mul3A_2881, %get3A_2863 : vector<64x128xf32>
    %select_n3A_2883 = arith.select %ge3A_2873, %add3A_2879, %mul3A_2882 : vector<64x128xi1>, vector<64x128xf32>
    %swap3A_2884 = arith.constant 0 : index
    %swap3A_2885 = arith.constant 640 : index
    %swap3A_2886 = vector.load %arg26[%swap3A_2884, %swap3A_2885] : memref<64x2048xf32, #tpu.memory_space<vmem>>, vector<64x128xf32>
    tpu.vector_store %arg26[%swap3A_2884, %swap3A_2885], %select_n3A_2883 {strides = array<i32>} : memref<64x2048xf32, #tpu.memory_space<vmem>>, vector<64x128xf32>,
    %max3A_2887 = arith.maximumf %max3A_2860, %select_n3A_2883 : vector<64x128xf32>
    %get3A_2888 = arith.constant 0 : index
    %get3A_2889 = arith.constant 768 : index
    %get3A_2890 = vector.load %arg10[%get3A_2888, %get3A_2889] : memref<64x2048xf32, #tpu.memory_space<vmem>>, vector<64x128xf32>
    %get3A_2891 = arith.constant 0 : index
    %get3A_2892 = arith.constant 768 : index
    %get3A_2893 = vector.load %arg19[%get3A_2891, %get3A_2892] : memref<64x2048xf32, #tpu.memory_space<vmem>>, vector<64x128xf32>
    %ne3A_2894 = arith.constant 0.000000e+00 : f32
    %ne3A_2895 = vector.broadcast %ne3A_2894 : f32 to vector<64x128xf32>
    %ne3A_2896 = arith.cmpf one, %get3A_2893, %ne3A_2895 : vector<64x128xf32>
    %jit3A_2897 = arith.constant -1.000000e+04 : f32
    %broadcast_in_dim3A_2898 = vector.broadcast %jit3A_2897 : f32 to vector<64x128xf32>
    %select_n3A_2899 = arith.select %ne3A_2896, %get3A_2890, %broadcast_in_dim3A_2898 : vector<64x128xi1>, vector<64x128xf32>
    %ge3A_2900 = arith.cmpf oge, %select_n3A_2899, %get3A_3 : vector<64x128xf32>
    %mul3A_2901 = arith.constant 23.3601189 : f32
    %mul3A_2902 = vector.broadcast %mul3A_2901 : f32 to vector<64x128xf32>
    %mul3A_2903 = arith.mulf %mul3A_2902, %get3A_2890 : vector<64x128xf32>
    %add3A_2904 = arith.constant 0.276997447 : f32
    %add3A_2905 = vector.broadcast %add3A_2904 : f32 to vector<64x128xf32>
    %add3A_2906 = arith.addf %mul3A_2903, %add3A_2905 : vector<64x128xf32>
    %mul3A_2907 = arith.constant 23.0831203 : f32
    %mul3A_2908 = vector.broadcast %mul3A_2907 : f32 to vector<64x128xf32>
    %mul3A_2909 = arith.mulf %mul3A_2908, %get3A_2890 : vector<64x128xf32>
    %select_n3A_2910 = arith.select %ge3A_2900, %add3A_2906, %mul3A_2909 : vector<64x128xi1>, vector<64x128xf32>
    %swap3A_2911 = arith.constant 0 : index
    %swap3A_2912 = arith.constant 768 : index
    %swap3A_2913 = vector.load %arg26[%swap3A_2911, %swap3A_2912] : memref<64x2048xf32, #tpu.memory_space<vmem>>, vector<64x128xf32>
    tpu.vector_store %arg26[%swap3A_2911, %swap3A_2912], %select_n3A_2910 {strides = array<i32>} : memref<64x2048xf32, #tpu.memory_space<vmem>>, vector<64x128xf32>,
    %max3A_2914 = arith.maximumf %max3A_2887, %select_n3A_2910 : vector<64x128xf32>
    %get3A_2915 = arith.constant 0 : index
    %get3A_2916 = arith.constant 896 : index
    %get3A_2917 = vector.load %arg10[%get3A_2915, %get3A_2916] : memref<64x2048xf32, #tpu.memory_space<vmem>>, vector<64x128xf32>
    %get3A_2918 = arith.constant 0 : index
    %get3A_2919 = arith.constant 896 : index
    %get3A_2920 = vector.load %arg19[%get3A_2918, %get3A_2919] : memref<64x2048xf32, #tpu.memory_space<vmem>>, vector<64x128xf32>
    %ne3A_2921 = arith.constant 0.000000e+00 : f32
    %ne3A_2922 = vector.broadcast %ne3A_2921 : f32 to vector<64x128xf32>
    %ne3A_2923 = arith.cmpf one, %get3A_2920, %ne3A_2922 : vector<64x128xf32>
    %jit3A_2924 = arith.constant -1.000000e+04 : f32
    %broadcast_in_dim3A_2925 = vector.broadcast %jit3A_2924 : f32 to vector<64x128xf32>
    %select_n3A_2926 = arith.select %ne3A_2923, %get3A_2917, %broadcast_in_dim3A_2925 : vector<64x128xi1>, vector<64x128xf32>
    %ge3A_2927 = arith.cmpf oge, %select_n3A_2926, %get3A_3 : vector<64x128xf32>
    %mul3A_2928 = arith.constant 23.3601189 : f32
    %mul3A_2929 = vector.broadcast %mul3A_2928 : f32 to vector<64x128xf32>
    %mul3A_2930 = arith.mulf %mul3A_2929, %get3A_2917 : vector<64x128xf32>
    %add3A_2931 = arith.constant 0.276997447 : f32
    %add3A_2932 = vector.broadcast %add3A_2931 : f32 to vector<64x128xf32>
    %add3A_2933 = arith.addf %mul3A_2930, %add3A_2932 : vector<64x128xf32>
    %mul3A_2934 = arith.constant 23.0831203 : f32
    %mul3A_2935 = vector.broadcast %mul3A_2934 : f32 to vector<64x128xf32>
    %mul3A_2936 = arith.mulf %mul3A_2935, %get3A_2917 : vector<64x128xf32>
    %select_n3A_2937 = arith.select %ge3A_2927, %add3A_2933, %mul3A_2936 : vector<64x128xi1>, vector<64x128xf32>
    %swap3A_2938 = arith.constant 0 : index
    %swap3A_2939 = arith.constant 896 : index
    %swap3A_2940 = vector.load %arg26[%swap3A_2938, %swap3A_2939] : memref<64x2048xf32, #tpu.memory_space<vmem>>, vector<64x128xf32>
    tpu.vector_store %arg26[%swap3A_2938, %swap3A_2939], %select_n3A_2937 {strides = array<i32>} : memref<64x2048xf32, #tpu.memory_space<vmem>>, vector<64x128xf32>,
    %max3A_2941 = arith.maximumf %max3A_2914, %select_n3A_2937 : vector<64x128xf32>
    %get3A_2942 = arith.constant 0 : index
    %get3A_2943 = arith.constant 1024 : index
    %get3A_2944 = vector.load %arg10[%get3A_2942, %get3A_2943] : memref<64x2048xf32, #tpu.memory_space<vmem>>, vector<64x128xf32>
    %get3A_2945 = arith.constant 0 : index
    %get3A_2946 = arith.constant 1024 : index
    %get3A_2947 = vector.load %arg19[%get3A_2945, %get3A_2946] : memref<64x2048xf32, #tpu.memory_space<vmem>>, vector<64x128xf32>
    %ne3A_2948 = arith.constant 0.000000e+00 : f32
    %ne3A_2949 = vector.broadcast %ne3A_2948 : f32 to vector<64x128xf32>
    %ne3A_2950 = arith.cmpf one, %get3A_2947, %ne3A_2949 : vector<64x128xf32>
    %jit3A_2951 = arith.constant -1.000000e+04 : f32
    %broadcast_in_dim3A_2952 = vector.broadcast %jit3A_2951 : f32 to vector<64x128xf32>
    %select_n3A_2953 = arith.select %ne3A_2950, %get3A_2944, %broadcast_in_dim3A_2952 : vector<64x128xi1>, vector<64x128xf32>
    %ge3A_2954 = arith.cmpf oge, %select_n3A_2953, %get3A_3 : vector<64x128xf32>
    %mul3A_2955 = arith.constant 23.3601189 : f32
    %mul3A_2956 = vector.broadcast %mul3A_2955 : f32 to vector<64x128xf32>
    %mul3A_2957 = arith.mulf %mul3A_2956, %get3A_2944 : vector<64x128xf32>
    %add3A_2958 = arith.constant 0.276997447 : f32
    %add3A_2959 = vector.broadcast %add3A_2958 : f32 to vector<64x128xf32>
    %add3A_2960 = arith.addf %mul3A_2957, %add3A_2959 : vector<64x128xf32>
    %mul3A_2961 = arith.constant 23.0831203 : f32
    %mul3A_2962 = vector.broadcast %mul3A_2961 : f32 to vector<64x128xf32>
    %mul3A_2963 = arith.mulf %mul3A_2962, %get3A_2944 : vector<64x128xf32>
    %select_n3A_2964 = arith.select %ge3A_2954, %add3A_2960, %mul3A_2963 : vector<64x128xi1>, vector<64x128xf32>
    %swap3A_2965 = arith.constant 0 : index
    %swap3A_2966 = arith.constant 1024 : index
    %swap3A_2967 = vector.load %arg26[%swap3A_2965, %swap3A_2966] : memref<64x2048xf32, #tpu.memory_space<vmem>>, vector<64x128xf32>
    tpu.vector_store %arg26[%swap3A_2965, %swap3A_2966], %select_n3A_2964 {strides = array<i32>} : memref<64x2048xf32, #tpu.memory_space<vmem>>, vector<64x128xf32>,
    %max3A_2968 = arith.maximumf %max3A_2941, %select_n3A_2964 : vector<64x128xf32>
    %get3A_2969 = arith.constant 0 : index
    %get3A_2970 = arith.constant 1152 : index
    %get3A_2971 = vector.load %arg10[%get3A_2969, %get3A_2970] : memref<64x2048xf32, #tpu.memory_space<vmem>>, vector<64x128xf32>
    %get3A_2972 = arith.constant 0 : index
    %get3A_2973 = arith.constant 1152 : index
    %get3A_2974 = vector.load %arg19[%get3A_2972, %get3A_2973] : memref<64x2048xf32, #tpu.memory_space<vmem>>, vector<64x128xf32>
    %ne3A_2975 = arith.constant 0.000000e+00 : f32
    %ne3A_2976 = vector.broadcast %ne3A_2975 : f32 to vector<64x128xf32>
    %ne3A_2977 = arith.cmpf one, %get3A_2974, %ne3A_2976 : vector<64x128xf32>
    %jit3A_2978 = arith.constant -1.000000e+04 : f32
    %broadcast_in_dim3A_2979 = vector.broadcast %jit3A_2978 : f32 to vector<64x128xf32>
    %select_n3A_2980 = arith.select %ne3A_2977, %get3A_2971, %broadcast_in_dim3A_2979 : vector<64x128xi1>, vector<64x128xf32>
    %ge3A_2981 = arith.cmpf oge, %select_n3A_2980, %get3A_3 : vector<64x128xf32>
    %mul3A_2982 = arith.constant 23.3601189 : f32
    %mul3A_2983 = vector.broadcast %mul3A_2982 : f32 to vector<64x128xf32>
    %mul3A_2984 = arith.mulf %mul3A_2983, %get3A_2971 : vector<64x128xf32>
    %add3A_2985 = arith.constant 0.276997447 : f32
    %add3A_2986 = vector.broadcast %add3A_2985 : f32 to vector<64x128xf32>
    %add3A_2987 = arith.addf %mul3A_2984, %add3A_2986 : vector<64x128xf32>
    %mul3A_2988 = arith.constant 23.0831203 : f32
    %mul3A_2989 = vector.broadcast %mul3A_2988 : f32 to vector<64x128xf32>
    %mul3A_2990 = arith.mulf %mul3A_2989, %get3A_2971 : vector<64x128xf32>
    %select_n3A_2991 = arith.select %ge3A_2981, %add3A_2987, %mul3A_2990 : vector<64x128xi1>, vector<64x128xf32>
    %swap3A_2992 = arith.constant 0 : index
    %swap3A_2993 = arith.constant 1152 : index
    %swap3A_2994 = vector.load %arg26[%swap3A_2992, %swap3A_2993] : memref<64x2048xf32, #tpu.memory_space<vmem>>, vector<64x128xf32>
    tpu.vector_store %arg26[%swap3A_2992, %swap3A_2993], %select_n3A_2991 {strides = array<i32>} : memref<64x2048xf32, #tpu.memory_space<vmem>>, vector<64x128xf32>,
    %max3A_2995 = arith.maximumf %max3A_2968, %select_n3A_2991 : vector<64x128xf32>
    %get3A_2996 = arith.constant 0 : index
    %get3A_2997 = arith.constant 1280 : index
    %get3A_2998 = vector.load %arg10[%get3A_2996, %get3A_2997] : memref<64x2048xf32, #tpu.memory_space<vmem>>, vector<64x128xf32>
    %get3A_2999 = arith.constant 0 : index
    %get3A_3000 = arith.constant 1280 : index
    %get3A_3001 = vector.load %arg19[%get3A_2999, %get3A_3000] : memref<64x2048xf32, #tpu.memory_space<vmem>>, vector<64x128xf32>
    %ne3A_3002 = arith.constant 0.000000e+00 : f32
    %ne3A_3003 = vector.broadcast %ne3A_3002 : f32 to vector<64x128xf32>
    %ne3A_3004 = arith.cmpf one, %get3A_3001, %ne3A_3003 : vector<64x128xf32>
    %jit3A_3005 = arith.constant -1.000000e+04 : f32
    %broadcast_in_dim3A_3006 = vector.broadcast %jit3A_3005 : f32 to vector<64x128xf32>
    %select_n3A_3007 = arith.select %ne3A_3004, %get3A_2998, %broadcast_in_dim3A_3006 : vector<64x128xi1>, vector<64x128xf32>
    %ge3A_3008 = arith.cmpf oge, %select_n3A_3007, %get3A_3 : vector<64x128xf32>
    %mul3A_3009 = arith.constant 23.3601189 : f32
    %mul3A_3010 = vector.broadcast %mul3A_3009 : f32 to vector<64x128xf32>
    %mul3A_3011 = arith.mulf %mul3A_3010, %get3A_2998 : vector<64x128xf32>
    %add3A_3012 = arith.constant 0.276997447 : f32
    %add3A_3013 = vector.broadcast %add3A_3012 : f32 to vector<64x128xf32>
    %add3A_3014 = arith.addf %mul3A_3011, %add3A_3013 : vector<64x128xf32>
    %mul3A_3015 = arith.constant 23.0831203 : f32
    %mul3A_3016 = vector.broadcast %mul3A_3015 : f32 to vector<64x128xf32>
    %mul3A_3017 = arith.mulf %mul3A_3016, %get3A_2998 : vector<64x128xf32>
    %select_n3A_3018 = arith.select %ge3A_3008, %add3A_3014, %mul3A_3017 : vector<64x128xi1>, vector<64x128xf32>
    %swap3A_3019 = arith.constant 0 : index
    %swap3A_3020 = arith.constant 1280 : index
    %swap3A_3021 = vector.load %arg26[%swap3A_3019, %swap3A_3020] : memref<64x2048xf32, #tpu.memory_space<vmem>>, vector<64x128xf32>
    tpu.vector_store %arg26[%swap3A_3019, %swap3A_3020], %select_n3A_3018 {strides = array<i32>} : memref<64x2048xf32, #tpu.memory_space<vmem>>, vector<64x128xf32>,
    %max3A_3022 = arith.maximumf %max3A_2995, %select_n3A_3018 : vector<64x128xf32>
    %get3A_3023 = arith.constant 0 : index
    %get3A_3024 = arith.constant 1408 : index
    %get3A_3025 = vector.load %arg10[%get3A_3023, %get3A_3024] : memref<64x2048xf32, #tpu.memory_space<vmem>>, vector<64x128xf32>
    %get3A_3026 = arith.constant 0 : index
    %get3A_3027 = arith.constant 1408 : index
    %get3A_3028 = vector.load %arg19[%get3A_3026, %get3A_3027] : memref<64x2048xf32, #tpu.memory_space<vmem>>, vector<64x128xf32>
    %ne3A_3029 = arith.constant 0.000000e+00 : f32
    %ne3A_3030 = vector.broadcast %ne3A_3029 : f32 to vector<64x128xf32>
    %ne3A_3031 = arith.cmpf one, %get3A_3028, %ne3A_3030 : vector<64x128xf32>
    %jit3A_3032 = arith.constant -1.000000e+04 : f32
    %broadcast_in_dim3A_3033 = vector.broadcast %jit3A_3032 : f32 to vector<64x128xf32>
    %select_n3A_3034 = arith.select %ne3A_3031, %get3A_3025, %broadcast_in_dim3A_3033 : vector<64x128xi1>, vector<64x128xf32>
    %ge3A_3035 = arith.cmpf oge, %select_n3A_3034, %get3A_3 : vector<64x128xf32>
    %mul3A_3036 = arith.constant 23.3601189 : f32
    %mul3A_3037 = vector.broadcast %mul3A_3036 : f32 to vector<64x128xf32>
    %mul3A_3038 = arith.mulf %mul3A_3037, %get3A_3025 : vector<64x128xf32>
    %add3A_3039 = arith.constant 0.276997447 : f32
    %add3A_3040 = vector.broadcast %add3A_3039 : f32 to vector<64x128xf32>
    %add3A_3041 = arith.addf %mul3A_3038, %add3A_3040 : vector<64x128xf32>
    %mul3A_3042 = arith.constant 23.0831203 : f32
    %mul3A_3043 = vector.broadcast %mul3A_3042 : f32 to vector<64x128xf32>
    %mul3A_3044 = arith.mulf %mul3A_3043, %get3A_3025 : vector<64x128xf32>
    %select_n3A_3045 = arith.select %ge3A_3035, %add3A_3041, %mul3A_3044 : vector<64x128xi1>, vector<64x128xf32>
    %swap3A_3046 = arith.constant 0 : index
    %swap3A_3047 = arith.constant 1408 : index
    %swap3A_3048 = vector.load %arg26[%swap3A_3046, %swap3A_3047] : memref<64x2048xf32, #tpu.memory_space<vmem>>, vector<64x128xf32>
    tpu.vector_store %arg26[%swap3A_3046, %swap3A_3047], %select_n3A_3045 {strides = array<i32>} : memref<64x2048xf32, #tpu.memory_space<vmem>>, vector<64x128xf32>,
    %max3A_3049 = arith.maximumf %max3A_3022, %select_n3A_3045 : vector<64x128xf32>
    %get3A_3050 = arith.constant 0 : index
    %get3A_3051 = arith.constant 1536 : index
    %get3A_3052 = vector.load %arg10[%get3A_3050, %get3A_3051] : memref<64x2048xf32, #tpu.memory_space<vmem>>, vector<64x128xf32>
    %get3A_3053 = arith.constant 0 : index
    %get3A_3054 = arith.constant 1536 : index
    %get3A_3055 = vector.load %arg19[%get3A_3053, %get3A_3054] : memref<64x2048xf32, #tpu.memory_space<vmem>>, vector<64x128xf32>
    %ne3A_3056 = arith.constant 0.000000e+00 : f32
    %ne3A_3057 = vector.broadcast %ne3A_3056 : f32 to vector<64x128xf32>
    %ne3A_3058 = arith.cmpf one, %get3A_3055, %ne3A_3057 : vector<64x128xf32>
    %jit3A_3059 = arith.constant -1.000000e+04 : f32
    %broadcast_in_dim3A_3060 = vector.broadcast %jit3A_3059 : f32 to vector<64x128xf32>
    %select_n3A_3061 = arith.select %ne3A_3058, %get3A_3052, %broadcast_in_dim3A_3060 : vector<64x128xi1>, vector<64x128xf32>
    %ge3A_3062 = arith.cmpf oge, %select_n3A_3061, %get3A_3 : vector<64x128xf32>
    %mul3A_3063 = arith.constant 23.3601189 : f32
    %mul3A_3064 = vector.broadcast %mul3A_3063 : f32 to vector<64x128xf32>
    %mul3A_3065 = arith.mulf %mul3A_3064, %get3A_3052 : vector<64x128xf32>
    %add3A_3066 = arith.constant 0.276997447 : f32
    %add3A_3067 = vector.broadcast %add3A_3066 : f32 to vector<64x128xf32>
    %add3A_3068 = arith.addf %mul3A_3065, %add3A_3067 : vector<64x128xf32>
    %mul3A_3069 = arith.constant 23.0831203 : f32
    %mul3A_3070 = vector.broadcast %mul3A_3069 : f32 to vector<64x128xf32>
    %mul3A_3071 = arith.mulf %mul3A_3070, %get3A_3052 : vector<64x128xf32>
    %select_n3A_3072 = arith.select %ge3A_3062, %add3A_3068, %mul3A_3071 : vector<64x128xi1>, vector<64x128xf32>
    %swap3A_3073 = arith.constant 0 : index
    %swap3A_3074 = arith.constant 1536 : index
    %swap3A_3075 = vector.load %arg26[%swap3A_3073, %swap3A_3074] : memref<64x2048xf32, #tpu.memory_space<vmem>>, vector<64x128xf32>
    tpu.vector_store %arg26[%swap3A_3073, %swap3A_3074], %select_n3A_3072 {strides = array<i32>} : memref<64x2048xf32, #tpu.memory_space<vmem>>, vector<64x128xf32>,
    %max3A_3076 = arith.maximumf %max3A_3049, %select_n3A_3072 : vector<64x128xf32>
    %get3A_3077 = arith.constant 0 : index
    %get3A_3078 = arith.constant 1664 : index
    %get3A_3079 = vector.load %arg10[%get3A_3077, %get3A_3078] : memref<64x2048xf32, #tpu.memory_space<vmem>>, vector<64x128xf32>
    %get3A_3080 = arith.constant 0 : index
    %get3A_3081 = arith.constant 1664 : index
    %get3A_3082 = vector.load %arg19[%get3A_3080, %get3A_3081] : memref<64x2048xf32, #tpu.memory_space<vmem>>, vector<64x128xf32>
    %ne3A_3083 = arith.constant 0.000000e+00 : f32
    %ne3A_3084 = vector.broadcast %ne3A_3083 : f32 to vector<64x128xf32>
    %ne3A_3085 = arith.cmpf one, %get3A_3082, %ne3A_3084 : vector<64x128xf32>
    %jit3A_3086 = arith.constant -1.000000e+04 : f32
    %broadcast_in_dim3A_3087 = vector.broadcast %jit3A_3086 : f32 to vector<64x128xf32>
    %select_n3A_3088 = arith.select %ne3A_3085, %get3A_3079, %broadcast_in_dim3A_3087 : vector<64x128xi1>, vector<64x128xf32>
    %ge3A_3089 = arith.cmpf oge, %select_n3A_3088, %get3A_3 : vector<64x128xf32>
    %mul3A_3090 = arith.constant 23.3601189 : f32
    %mul3A_3091 = vector.broadcast %mul3A_3090 : f32 to vector<64x128xf32>
    %mul3A_3092 = arith.mulf %mul3A_3091, %get3A_3079 : vector<64x128xf32>
    %add3A_3093 = arith.constant 0.276997447 : f32
    %add3A_3094 = vector.broadcast %add3A_3093 : f32 to vector<64x128xf32>
    %add3A_3095 = arith.addf %mul3A_3092, %add3A_3094 : vector<64x128xf32>
    %mul3A_3096 = arith.constant 23.0831203 : f32
    %mul3A_3097 = vector.broadcast %mul3A_3096 : f32 to vector<64x128xf32>
    %mul3A_3098 = arith.mulf %mul3A_3097, %get3A_3079 : vector<64x128xf32>
    %select_n3A_3099 = arith.select %ge3A_3089, %add3A_3095, %mul3A_3098 : vector<64x128xi1>, vector<64x128xf32>
    %swap3A_3100 = arith.constant 0 : index
    %swap3A_3101 = arith.constant 1664 : index
    %swap3A_3102 = vector.load %arg26[%swap3A_3100, %swap3A_3101] : memref<64x2048xf32, #tpu.memory_space<vmem>>, vector<64x128xf32>
    tpu.vector_store %arg26[%swap3A_3100, %swap3A_3101], %select_n3A_3099 {strides = array<i32>} : memref<64x2048xf32, #tpu.memory_space<vmem>>, vector<64x128xf32>,
    %max3A_3103 = arith.maximumf %max3A_3076, %select_n3A_3099 : vector<64x128xf32>
    %get3A_3104 = arith.constant 0 : index
    %get3A_3105 = arith.constant 1792 : index
    %get3A_3106 = vector.load %arg10[%get3A_3104, %get3A_3105] : memref<64x2048xf32, #tpu.memory_space<vmem>>, vector<64x128xf32>
    %get3A_3107 = arith.constant 0 : index
    %get3A_3108 = arith.constant 1792 : index
    %get3A_3109 = vector.load %arg19[%get3A_3107, %get3A_3108] : memref<64x2048xf32, #tpu.memory_space<vmem>>, vector<64x128xf32>
    %ne3A_3110 = arith.constant 0.000000e+00 : f32
    %ne3A_3111 = vector.broadcast %ne3A_3110 : f32 to vector<64x128xf32>
    %ne3A_3112 = arith.cmpf one, %get3A_3109, %ne3A_3111 : vector<64x128xf32>
    %jit3A_3113 = arith.constant -1.000000e+04 : f32
    %broadcast_in_dim3A_3114 = vector.broadcast %jit3A_3113 : f32 to vector<64x128xf32>
    %select_n3A_3115 = arith.select %ne3A_3112, %get3A_3106, %broadcast_in_dim3A_3114 : vector<64x128xi1>, vector<64x128xf32>
    %ge3A_3116 = arith.cmpf oge, %select_n3A_3115, %get3A_3 : vector<64x128xf32>
    %mul3A_3117 = arith.constant 23.3601189 : f32
    %mul3A_3118 = vector.broadcast %mul3A_3117 : f32 to vector<64x128xf32>
    %mul3A_3119 = arith.mulf %mul3A_3118, %get3A_3106 : vector<64x128xf32>
    %add3A_3120 = arith.constant 0.276997447 : f32
    %add3A_3121 = vector.broadcast %add3A_3120 : f32 to vector<64x128xf32>
    %add3A_3122 = arith.addf %mul3A_3119, %add3A_3121 : vector<64x128xf32>
    %mul3A_3123 = arith.constant 23.0831203 : f32
    %mul3A_3124 = vector.broadcast %mul3A_3123 : f32 to vector<64x128xf32>
    %mul3A_3125 = arith.mulf %mul3A_3124, %get3A_3106 : vector<64x128xf32>
    %select_n3A_3126 = arith.select %ge3A_3116, %add3A_3122, %mul3A_3125 : vector<64x128xi1>, vector<64x128xf32>
    %swap3A_3127 = arith.constant 0 : index
    %swap3A_3128 = arith.constant 1792 : index
    %swap3A_3129 = vector.load %arg26[%swap3A_3127, %swap3A_3128] : memref<64x2048xf32, #tpu.memory_space<vmem>>, vector<64x128xf32>
    tpu.vector_store %arg26[%swap3A_3127, %swap3A_3128], %select_n3A_3126 {strides = array<i32>} : memref<64x2048xf32, #tpu.memory_space<vmem>>, vector<64x128xf32>,
    %max3A_3130 = arith.maximumf %max3A_3103, %select_n3A_3126 : vector<64x128xf32>
    %get3A_3131 = arith.constant 0 : index
    %get3A_3132 = arith.constant 1920 : index
    %get3A_3133 = vector.load %arg10[%get3A_3131, %get3A_3132] : memref<64x2048xf32, #tpu.memory_space<vmem>>, vector<64x128xf32>
    %get3A_3134 = arith.constant 0 : index
    %get3A_3135 = arith.constant 1920 : index
    %get3A_3136 = vector.load %arg19[%get3A_3134, %get3A_3135] : memref<64x2048xf32, #tpu.memory_space<vmem>>, vector<64x128xf32>
    %ne3A_3137 = arith.constant 0.000000e+00 : f32
    %ne3A_3138 = vector.broadcast %ne3A_3137 : f32 to vector<64x128xf32>
    %ne3A_3139 = arith.cmpf one, %get3A_3136, %ne3A_3138 : vector<64x128xf32>
    %jit3A_3140 = arith.constant -1.000000e+04 : f32
    %broadcast_in_dim3A_3141 = vector.broadcast %jit3A_3140 : f32 to vector<64x128xf32>
    %select_n3A_3142 = arith.select %ne3A_3139, %get3A_3133, %broadcast_in_dim3A_3141 : vector<64x128xi1>, vector<64x128xf32>
    %ge3A_3143 = arith.cmpf oge, %select_n3A_3142, %get3A_3 : vector<64x128xf32>
    %mul3A_3144 = arith.constant 23.3601189 : f32
    %mul3A_3145 = vector.broadcast %mul3A_3144 : f32 to vector<64x128xf32>
    %mul3A_3146 = arith.mulf %mul3A_3145, %get3A_3133 : vector<64x128xf32>
    %add3A_3147 = arith.constant 0.276997447 : f32
    %add3A_3148 = vector.broadcast %add3A_3147 : f32 to vector<64x128xf32>
    %add3A_3149 = arith.addf %mul3A_3146, %add3A_3148 : vector<64x128xf32>
    %mul3A_3150 = arith.constant 23.0831203 : f32
    %mul3A_3151 = vector.broadcast %mul3A_3150 : f32 to vector<64x128xf32>
    %mul3A_3152 = arith.mulf %mul3A_3151, %get3A_3133 : vector<64x128xf32>
    %select_n3A_3153 = arith.select %ge3A_3143, %add3A_3149, %mul3A_3152 : vector<64x128xi1>, vector<64x128xf32>
    %swap3A_3154 = arith.constant 0 : index
    %swap3A_3155 = arith.constant 1920 : index
    %swap3A_3156 = vector.load %arg26[%swap3A_3154, %swap3A_3155] : memref<64x2048xf32, #tpu.memory_space<vmem>>, vector<64x128xf32>
    tpu.vector_store %arg26[%swap3A_3154, %swap3A_3155], %select_n3A_3153 {strides = array<i32>} : memref<64x2048xf32, #tpu.memory_space<vmem>>, vector<64x128xf32>,
    %max3A_3157 = arith.maximumf %max3A_3130, %select_n3A_3153 : vector<64x128xf32>
    %get3A_3158 = arith.constant 0 : index
    %get3A_3159 = arith.constant 0 : index
    %get3A_3160 = vector.load %arg25[%get3A_3158, %get3A_3159] : memref<64x128xf32, #tpu.memory_space<vmem>>, vector<64x128xf32>
    %sub3A_3161 = arith.subf %get3A_2725, %max3A_3157 : vector<64x128xf32>
    %exp23A_3162 = math.exp2 %sub3A_3161 : vector<64x128xf32>
    %mul3A_3163 = arith.mulf %get3A_3160, %exp23A_3162 : vector<64x128xf32>
    %broadcast_in_dim3A_3164 = arith.constant 0.000000e+00 : f32
    %broadcast_in_dim3A_3165 = vector.broadcast %broadcast_in_dim3A_3164 : f32 to vector<64x128xf32>
    %get3A_3166 = arith.constant 0 : index
    %get3A_3167 = arith.constant 0 : index
    %get3A_3168 = vector.load %arg26[%get3A_3166, %get3A_3167] : memref<64x2048xf32, #tpu.memory_space<vmem>>, vector<64x128xf32>
    %sub3A_3169 = arith.subf %get3A_3168, %max3A_3157 : vector<64x128xf32>
    %exp23A_3170 = math.exp2 %sub3A_3169 : vector<64x128xf32>
    %add3A_3171 = arith.addf %mul3A_3163, %exp23A_3170 : vector<64x128xf32>
    %get3A_3172 = arith.constant 0 : index
    %get3A_3173 = arith.constant 128 : index
    %get3A_3174 = vector.load %arg26[%get3A_3172, %get3A_3173] : memref<64x2048xf32, #tpu.memory_space<vmem>>, vector<64x128xf32>
    %sub3A_3175 = arith.subf %get3A_3174, %max3A_3157 : vector<64x128xf32>
    %exp23A_3176 = math.exp2 %sub3A_3175 : vector<64x128xf32>
    %add3A_3177 = arith.addf %broadcast_in_dim3A_3165, %exp23A_3176 : vector<64x128xf32>
    %get3A_3178 = arith.constant 0 : index
    %get3A_3179 = arith.constant 256 : index
    %get3A_3180 = vector.load %arg26[%get3A_3178, %get3A_3179] : memref<64x2048xf32, #tpu.memory_space<vmem>>, vector<64x128xf32>
    %sub3A_3181 = arith.subf %get3A_3180, %max3A_3157 : vector<64x128xf32>
    %exp23A_3182 = math.exp2 %sub3A_3181 : vector<64x128xf32>
    %add3A_3183 = arith.addf %add3A_3171, %exp23A_3182 : vector<64x128xf32>
    %get3A_3184 = arith.constant 0 : index
    %get3A_3185 = arith.constant 384 : index
    %get3A_3186 = vector.load %arg26[%get3A_3184, %get3A_3185] : memref<64x2048xf32, #tpu.memory_space<vmem>>, vector<64x128xf32>
    %sub3A_3187 = arith.subf %get3A_3186, %max3A_3157 : vector<64x128xf32>
    %exp23A_3188 = math.exp2 %sub3A_3187 : vector<64x128xf32>
    %add3A_3189 = arith.addf %add3A_3177, %exp23A_3188 : vector<64x128xf32>
    %get3A_3190 = arith.constant 0 : index
    %get3A_3191 = arith.constant 512 : index
    %get3A_3192 = vector.load %arg26[%get3A_3190, %get3A_3191] : memref<64x2048xf32, #tpu.memory_space<vmem>>, vector<64x128xf32>
    %sub3A_3193 = arith.subf %get3A_3192, %max3A_3157 : vector<64x128xf32>
    %exp23A_3194 = math.exp2 %sub3A_3193 : vector<64x128xf32>
    %add3A_3195 = arith.addf %add3A_3183, %exp23A_3194 : vector<64x128xf32>
    %get3A_3196 = arith.constant 0 : index
    %get3A_3197 = arith.constant 640 : index
    %get3A_3198 = vector.load %arg26[%get3A_3196, %get3A_3197] : memref<64x2048xf32, #tpu.memory_space<vmem>>, vector<64x128xf32>
    %sub3A_3199 = arith.subf %get3A_3198, %max3A_3157 : vector<64x128xf32>
    %exp23A_3200 = math.exp2 %sub3A_3199 : vector<64x128xf32>
    %add3A_3201 = arith.addf %add3A_3189, %exp23A_3200 : vector<64x128xf32>
    %get3A_3202 = arith.constant 0 : index
    %get3A_3203 = arith.constant 768 : index
    %get3A_3204 = vector.load %arg26[%get3A_3202, %get3A_3203] : memref<64x2048xf32, #tpu.memory_space<vmem>>, vector<64x128xf32>
    %sub3A_3205 = arith.subf %get3A_3204, %max3A_3157 : vector<64x128xf32>
    %exp23A_3206 = math.exp2 %sub3A_3205 : vector<64x128xf32>
    %add3A_3207 = arith.addf %add3A_3195, %exp23A_3206 : vector<64x128xf32>
    %get3A_3208 = arith.constant 0 : index
    %get3A_3209 = arith.constant 896 : index
    %get3A_3210 = vector.load %arg26[%get3A_3208, %get3A_3209] : memref<64x2048xf32, #tpu.memory_space<vmem>>, vector<64x128xf32>
    %sub3A_3211 = arith.subf %get3A_3210, %max3A_3157 : vector<64x128xf32>
    %exp23A_3212 = math.exp2 %sub3A_3211 : vector<64x128xf32>
    %add3A_3213 = arith.addf %add3A_3201, %exp23A_3212 : vector<64x128xf32>
    %get3A_3214 = arith.constant 0 : index
    %get3A_3215 = arith.constant 1024 : index
    %get3A_3216 = vector.load %arg26[%get3A_3214, %get3A_3215] : memref<64x2048xf32, #tpu.memory_space<vmem>>, vector<64x128xf32>
    %sub3A_3217 = arith.subf %get3A_3216, %max3A_3157 : vector<64x128xf32>
    %exp23A_3218 = math.exp2 %sub3A_3217 : vector<64x128xf32>
    %add3A_3219 = arith.addf %add3A_3207, %exp23A_3218 : vector<64x128xf32>
    %get3A_3220 = arith.constant 0 : index
    %get3A_3221 = arith.constant 1152 : index
    %get3A_3222 = vector.load %arg26[%get3A_3220, %get3A_3221] : memref<64x2048xf32, #tpu.memory_space<vmem>>, vector<64x128xf32>
    %sub3A_3223 = arith.subf %get3A_3222, %max3A_3157 : vector<64x128xf32>
    %exp23A_3224 = math.exp2 %sub3A_3223 : vector<64x128xf32>
    %add3A_3225 = arith.addf %add3A_3213, %exp23A_3224 : vector<64x128xf32>
    %get3A_3226 = arith.constant 0 : index
    %get3A_3227 = arith.constant 1280 : index
    %get3A_3228 = vector.load %arg26[%get3A_3226, %get3A_3227] : memref<64x2048xf32, #tpu.memory_space<vmem>>, vector<64x128xf32>
    %sub3A_3229 = arith.subf %get3A_3228, %max3A_3157 : vector<64x128xf32>
    %exp23A_3230 = math.exp2 %sub3A_3229 : vector<64x128xf32>
    %add3A_3231 = arith.addf %add3A_3219, %exp23A_3230 : vector<64x128xf32>
    %get3A_3232 = arith.constant 0 : index
    %get3A_3233 = arith.constant 1408 : index
    %get3A_3234 = vector.load %arg26[%get3A_3232, %get3A_3233] : memref<64x2048xf32, #tpu.memory_space<vmem>>, vector<64x128xf32>
    %sub3A_3235 = arith.subf %get3A_3234, %max3A_3157 : vector<64x128xf32>
    %exp23A_3236 = math.exp2 %sub3A_3235 : vector<64x128xf32>
    %add3A_3237 = arith.addf %add3A_3225, %exp23A_3236 : vector<64x128xf32>
    %get3A_3238 = arith.constant 0 : index
    %get3A_3239 = arith.constant 1536 : index
    %get3A_3240 = vector.load %arg26[%get3A_3238, %get3A_3239] : memref<64x2048xf32, #tpu.memory_space<vmem>>, vector<64x128xf32>
    %sub3A_3241 = arith.subf %get3A_3240, %max3A_3157 : vector<64x128xf32>
    %exp23A_3242 = math.exp2 %sub3A_3241 : vector<64x128xf32>
    %add3A_3243 = arith.addf %add3A_3231, %exp23A_3242 : vector<64x128xf32>
    %get3A_3244 = arith.constant 0 : index
    %get3A_3245 = arith.constant 1664 : index
    %get3A_3246 = vector.load %arg26[%get3A_3244, %get3A_3245] : memref<64x2048xf32, #tpu.memory_space<vmem>>, vector<64x128xf32>
    %sub3A_3247 = arith.subf %get3A_3246, %max3A_3157 : vector<64x128xf32>
    %exp23A_3248 = math.exp2 %sub3A_3247 : vector<64x128xf32>
    %add3A_3249 = arith.addf %add3A_3237, %exp23A_3248 : vector<64x128xf32>
    %get3A_3250 = arith.constant 0 : index
    %get3A_3251 = arith.constant 1792 : index
    %get3A_3252 = vector.load %arg26[%get3A_3250, %get3A_3251] : memref<64x2048xf32, #tpu.memory_space<vmem>>, vector<64x128xf32>
    %sub3A_3253 = arith.subf %get3A_3252, %max3A_3157 : vector<64x128xf32>
    %exp23A_3254 = math.exp2 %sub3A_3253 : vector<64x128xf32>
    %add3A_3255 = arith.addf %add3A_3243, %exp23A_3254 : vector<64x128xf32>
    %get3A_3256 = arith.constant 0 : index
    %get3A_3257 = arith.constant 1920 : index
    %get3A_3258 = vector.load %arg26[%get3A_3256, %get3A_3257] : memref<64x2048xf32, #tpu.memory_space<vmem>>, vector<64x128xf32>
    %sub3A_3259 = arith.subf %get3A_3258, %max3A_3157 : vector<64x128xf32>
    %exp23A_3260 = math.exp2 %sub3A_3259 : vector<64x128xf32>
    %add3A_3261 = arith.addf %add3A_3249, %exp23A_3260 : vector<64x128xf32>
    %swap3A_3262 = arith.constant 0 : index
    %swap3A_3263 = arith.constant 0 : index
    %swap3A_3264 = vector.load %arg24[%swap3A_3262, %swap3A_3263] : memref<64x128xf32, #tpu.memory_space<vmem>>, vector<64x128xf32>
    tpu.vector_store %arg24[%swap3A_3262, %swap3A_3263], %max3A_3157 {strides = array<i32>} : memref<64x128xf32, #tpu.memory_space<vmem>>, vector<64x128xf32>,
    %add3A_3265 = arith.addf %add3A_3255, %add3A_3261 : vector<64x128xf32>
    %swap3A_3266 = arith.constant 0 : index
    %swap3A_3267 = arith.constant 0 : index
    %swap3A_3268 = vector.load %arg25[%swap3A_3266, %swap3A_3267] : memref<64x128xf32, #tpu.memory_space<vmem>>, vector<64x128xf32>
    tpu.vector_store %arg25[%swap3A_3266, %swap3A_3267], %add3A_3265 {strides = array<i32>} : memref<64x128xf32, #tpu.memory_space<vmem>>, vector<64x128xf32>,
    %get3A_3269 = arith.constant 0 : index
    %get3A_3270 = arith.constant 0 : index
    %get3A_3271 = vector.load %arg24[%get3A_3269, %get3A_3270] : memref<64x128xf32, #tpu.memory_space<vmem>>, vector<64x128xf32>
    %get3A_3272 = arith.constant 0 : index
    %get3A_3273 = arith.constant 0 : index
    %get3A_3274 = vector.load %arg11[%get3A_3272, %get3A_3273] : memref<64x2048xf32, #tpu.memory_space<vmem>>, vector<64x128xf32>
    %get3A_3275 = arith.constant 0 : index
    %get3A_3276 = arith.constant 0 : index
    %get3A_3277 = vector.load %arg20[%get3A_3275, %get3A_3276] : memref<64x2048xf32, #tpu.memory_space<vmem>>, vector<64x128xf32>
    %ne3A_3278 = arith.constant 0.000000e+00 : f32
    %ne3A_3279 = vector.broadcast %ne3A_3278 : f32 to vector<64x128xf32>
    %ne3A_3280 = arith.cmpf one, %get3A_3277, %ne3A_3279 : vector<64x128xf32>
    %jit3A_3281 = arith.constant -1.000000e+04 : f32
    %broadcast_in_dim3A_3282 = vector.broadcast %jit3A_3281 : f32 to vector<64x128xf32>
    %select_n3A_3283 = arith.select %ne3A_3280, %get3A_3274, %broadcast_in_dim3A_3282 : vector<64x128xi1>, vector<64x128xf32>
    %ge3A_3284 = arith.cmpf oge, %select_n3A_3283, %get3A_3 : vector<64x128xf32>
    %mul3A_3285 = arith.constant 23.3601189 : f32
    %mul3A_3286 = vector.broadcast %mul3A_3285 : f32 to vector<64x128xf32>
    %mul3A_3287 = arith.mulf %mul3A_3286, %get3A_3274 : vector<64x128xf32>
    %add3A_3288 = arith.constant 0.276997447 : f32
    %add3A_3289 = vector.broadcast %add3A_3288 : f32 to vector<64x128xf32>
    %add3A_3290 = arith.addf %mul3A_3287, %add3A_3289 : vector<64x128xf32>
    %mul3A_3291 = arith.constant 23.0831203 : f32
    %mul3A_3292 = vector.broadcast %mul3A_3291 : f32 to vector<64x128xf32>
    %mul3A_3293 = arith.mulf %mul3A_3292, %get3A_3274 : vector<64x128xf32>
    %select_n3A_3294 = arith.select %ge3A_3284, %add3A_3290, %mul3A_3293 : vector<64x128xi1>, vector<64x128xf32>
    %swap3A_3295 = arith.constant 0 : index
    %swap3A_3296 = arith.constant 0 : index
    %swap3A_3297 = vector.load %arg26[%swap3A_3295, %swap3A_3296] : memref<64x2048xf32, #tpu.memory_space<vmem>>, vector<64x128xf32>
    tpu.vector_store %arg26[%swap3A_3295, %swap3A_3296], %select_n3A_3294 {strides = array<i32>} : memref<64x2048xf32, #tpu.memory_space<vmem>>, vector<64x128xf32>,
    %max3A_3298 = arith.maximumf %get3A_3271, %select_n3A_3294 : vector<64x128xf32>
    %get3A_3299 = arith.constant 0 : index
    %get3A_3300 = arith.constant 128 : index
    %get3A_3301 = vector.load %arg11[%get3A_3299, %get3A_3300] : memref<64x2048xf32, #tpu.memory_space<vmem>>, vector<64x128xf32>
    %get3A_3302 = arith.constant 0 : index
    %get3A_3303 = arith.constant 128 : index
    %get3A_3304 = vector.load %arg20[%get3A_3302, %get3A_3303] : memref<64x2048xf32, #tpu.memory_space<vmem>>, vector<64x128xf32>
    %ne3A_3305 = arith.constant 0.000000e+00 : f32
    %ne3A_3306 = vector.broadcast %ne3A_3305 : f32 to vector<64x128xf32>
    %ne3A_3307 = arith.cmpf one, %get3A_3304, %ne3A_3306 : vector<64x128xf32>
    %jit3A_3308 = arith.constant -1.000000e+04 : f32
    %broadcast_in_dim3A_3309 = vector.broadcast %jit3A_3308 : f32 to vector<64x128xf32>
    %select_n3A_3310 = arith.select %ne3A_3307, %get3A_3301, %broadcast_in_dim3A_3309 : vector<64x128xi1>, vector<64x128xf32>
    %ge3A_3311 = arith.cmpf oge, %select_n3A_3310, %get3A_3 : vector<64x128xf32>
    %mul3A_3312 = arith.constant 23.3601189 : f32
    %mul3A_3313 = vector.broadcast %mul3A_3312 : f32 to vector<64x128xf32>
    %mul3A_3314 = arith.mulf %mul3A_3313, %get3A_3301 : vector<64x128xf32>
    %add3A_3315 = arith.constant 0.276997447 : f32
    %add3A_3316 = vector.broadcast %add3A_3315 : f32 to vector<64x128xf32>
    %add3A_3317 = arith.addf %mul3A_3314, %add3A_3316 : vector<64x128xf32>
    %mul3A_3318 = arith.constant 23.0831203 : f32
    %mul3A_3319 = vector.broadcast %mul3A_3318 : f32 to vector<64x128xf32>
    %mul3A_3320 = arith.mulf %mul3A_3319, %get3A_3301 : vector<64x128xf32>
    %select_n3A_3321 = arith.select %ge3A_3311, %add3A_3317, %mul3A_3320 : vector<64x128xi1>, vector<64x128xf32>
    %swap3A_3322 = arith.constant 0 : index
    %swap3A_3323 = arith.constant 128 : index
    %swap3A_3324 = vector.load %arg26[%swap3A_3322, %swap3A_3323] : memref<64x2048xf32, #tpu.memory_space<vmem>>, vector<64x128xf32>
    tpu.vector_store %arg26[%swap3A_3322, %swap3A_3323], %select_n3A_3321 {strides = array<i32>} : memref<64x2048xf32, #tpu.memory_space<vmem>>, vector<64x128xf32>,
    %max3A_3325 = arith.maximumf %max3A_3298, %select_n3A_3321 : vector<64x128xf32>
    %get3A_3326 = arith.constant 0 : index
    %get3A_3327 = arith.constant 256 : index
    %get3A_3328 = vector.load %arg11[%get3A_3326, %get3A_3327] : memref<64x2048xf32, #tpu.memory_space<vmem>>, vector<64x128xf32>
    %get3A_3329 = arith.constant 0 : index
    %get3A_3330 = arith.constant 256 : index
    %get3A_3331 = vector.load %arg20[%get3A_3329, %get3A_3330] : memref<64x2048xf32, #tpu.memory_space<vmem>>, vector<64x128xf32>
    %ne3A_3332 = arith.constant 0.000000e+00 : f32
    %ne3A_3333 = vector.broadcast %ne3A_3332 : f32 to vector<64x128xf32>
    %ne3A_3334 = arith.cmpf one, %get3A_3331, %ne3A_3333 : vector<64x128xf32>
    %jit3A_3335 = arith.constant -1.000000e+04 : f32
    %broadcast_in_dim3A_3336 = vector.broadcast %jit3A_3335 : f32 to vector<64x128xf32>
    %select_n3A_3337 = arith.select %ne3A_3334, %get3A_3328, %broadcast_in_dim3A_3336 : vector<64x128xi1>, vector<64x128xf32>
    %ge3A_3338 = arith.cmpf oge, %select_n3A_3337, %get3A_3 : vector<64x128xf32>
    %mul3A_3339 = arith.constant 23.3601189 : f32
    %mul3A_3340 = vector.broadcast %mul3A_3339 : f32 to vector<64x128xf32>
    %mul3A_3341 = arith.mulf %mul3A_3340, %get3A_3328 : vector<64x128xf32>
    %add3A_3342 = arith.constant 0.276997447 : f32
    %add3A_3343 = vector.broadcast %add3A_3342 : f32 to vector<64x128xf32>
    %add3A_3344 = arith.addf %mul3A_3341, %add3A_3343 : vector<64x128xf32>
    %mul3A_3345 = arith.constant 23.0831203 : f32
    %mul3A_3346 = vector.broadcast %mul3A_3345 : f32 to vector<64x128xf32>
    %mul3A_3347 = arith.mulf %mul3A_3346, %get3A_3328 : vector<64x128xf32>
    %select_n3A_3348 = arith.select %ge3A_3338, %add3A_3344, %mul3A_3347 : vector<64x128xi1>, vector<64x128xf32>
    %swap3A_3349 = arith.constant 0 : index
    %swap3A_3350 = arith.constant 256 : index
    %swap3A_3351 = vector.load %arg26[%swap3A_3349, %swap3A_3350] : memref<64x2048xf32, #tpu.memory_space<vmem>>, vector<64x128xf32>
    tpu.vector_store %arg26[%swap3A_3349, %swap3A_3350], %select_n3A_3348 {strides = array<i32>} : memref<64x2048xf32, #tpu.memory_space<vmem>>, vector<64x128xf32>,
    %max3A_3352 = arith.maximumf %max3A_3325, %select_n3A_3348 : vector<64x128xf32>
    %get3A_3353 = arith.constant 0 : index
    %get3A_3354 = arith.constant 384 : index
    %get3A_3355 = vector.load %arg11[%get3A_3353, %get3A_3354] : memref<64x2048xf32, #tpu.memory_space<vmem>>, vector<64x128xf32>
    %get3A_3356 = arith.constant 0 : index
    %get3A_3357 = arith.constant 384 : index
    %get3A_3358 = vector.load %arg20[%get3A_3356, %get3A_3357] : memref<64x2048xf32, #tpu.memory_space<vmem>>, vector<64x128xf32>
    %ne3A_3359 = arith.constant 0.000000e+00 : f32
    %ne3A_3360 = vector.broadcast %ne3A_3359 : f32 to vector<64x128xf32>
    %ne3A_3361 = arith.cmpf one, %get3A_3358, %ne3A_3360 : vector<64x128xf32>
    %jit3A_3362 = arith.constant -1.000000e+04 : f32
    %broadcast_in_dim3A_3363 = vector.broadcast %jit3A_3362 : f32 to vector<64x128xf32>
    %select_n3A_3364 = arith.select %ne3A_3361, %get3A_3355, %broadcast_in_dim3A_3363 : vector<64x128xi1>, vector<64x128xf32>
    %ge3A_3365 = arith.cmpf oge, %select_n3A_3364, %get3A_3 : vector<64x128xf32>
    %mul3A_3366 = arith.constant 23.3601189 : f32
    %mul3A_3367 = vector.broadcast %mul3A_3366 : f32 to vector<64x128xf32>
    %mul3A_3368 = arith.mulf %mul3A_3367, %get3A_3355 : vector<64x128xf32>
    %add3A_3369 = arith.constant 0.276997447 : f32
    %add3A_3370 = vector.broadcast %add3A_3369 : f32 to vector<64x128xf32>
    %add3A_3371 = arith.addf %mul3A_3368, %add3A_3370 : vector<64x128xf32>
    %mul3A_3372 = arith.constant 23.0831203 : f32
    %mul3A_3373 = vector.broadcast %mul3A_3372 : f32 to vector<64x128xf32>
    %mul3A_3374 = arith.mulf %mul3A_3373, %get3A_3355 : vector<64x128xf32>
    %select_n3A_3375 = arith.select %ge3A_3365, %add3A_3371, %mul3A_3374 : vector<64x128xi1>, vector<64x128xf32>
    %swap3A_3376 = arith.constant 0 : index
    %swap3A_3377 = arith.constant 384 : index
    %swap3A_3378 = vector.load %arg26[%swap3A_3376, %swap3A_3377] : memref<64x2048xf32, #tpu.memory_space<vmem>>, vector<64x128xf32>
    tpu.vector_store %arg26[%swap3A_3376, %swap3A_3377], %select_n3A_3375 {strides = array<i32>} : memref<64x2048xf32, #tpu.memory_space<vmem>>, vector<64x128xf32>,
    %max3A_3379 = arith.maximumf %max3A_3352, %select_n3A_3375 : vector<64x128xf32>
    %get3A_3380 = arith.constant 0 : index
    %get3A_3381 = arith.constant 512 : index
    %get3A_3382 = vector.load %arg11[%get3A_3380, %get3A_3381] : memref<64x2048xf32, #tpu.memory_space<vmem>>, vector<64x128xf32>
    %get3A_3383 = arith.constant 0 : index
    %get3A_3384 = arith.constant 512 : index
    %get3A_3385 = vector.load %arg20[%get3A_3383, %get3A_3384] : memref<64x2048xf32, #tpu.memory_space<vmem>>, vector<64x128xf32>
    %ne3A_3386 = arith.constant 0.000000e+00 : f32
    %ne3A_3387 = vector.broadcast %ne3A_3386 : f32 to vector<64x128xf32>
    %ne3A_3388 = arith.cmpf one, %get3A_3385, %ne3A_3387 : vector<64x128xf32>
    %jit3A_3389 = arith.constant -1.000000e+04 : f32
    %broadcast_in_dim3A_3390 = vector.broadcast %jit3A_3389 : f32 to vector<64x128xf32>
    %select_n3A_3391 = arith.select %ne3A_3388, %get3A_3382, %broadcast_in_dim3A_3390 : vector<64x128xi1>, vector<64x128xf32>
    %ge3A_3392 = arith.cmpf oge, %select_n3A_3391, %get3A_3 : vector<64x128xf32>
    %mul3A_3393 = arith.constant 23.3601189 : f32
    %mul3A_3394 = vector.broadcast %mul3A_3393 : f32 to vector<64x128xf32>
    %mul3A_3395 = arith.mulf %mul3A_3394, %get3A_3382 : vector<64x128xf32>
    %add3A_3396 = arith.constant 0.276997447 : f32
    %add3A_3397 = vector.broadcast %add3A_3396 : f32 to vector<64x128xf32>
    %add3A_3398 = arith.addf %mul3A_3395, %add3A_3397 : vector<64x128xf32>
    %mul3A_3399 = arith.constant 23.0831203 : f32
    %mul3A_3400 = vector.broadcast %mul3A_3399 : f32 to vector<64x128xf32>
    %mul3A_3401 = arith.mulf %mul3A_3400, %get3A_3382 : vector<64x128xf32>
    %select_n3A_3402 = arith.select %ge3A_3392, %add3A_3398, %mul3A_3401 : vector<64x128xi1>, vector<64x128xf32>
    %swap3A_3403 = arith.constant 0 : index
    %swap3A_3404 = arith.constant 512 : index
    %swap3A_3405 = vector.load %arg26[%swap3A_3403, %swap3A_3404] : memref<64x2048xf32, #tpu.memory_space<vmem>>, vector<64x128xf32>
    tpu.vector_store %arg26[%swap3A_3403, %swap3A_3404], %select_n3A_3402 {strides = array<i32>} : memref<64x2048xf32, #tpu.memory_space<vmem>>, vector<64x128xf32>,
    %max3A_3406 = arith.maximumf %max3A_3379, %select_n3A_3402 : vector<64x128xf32>
    %get3A_3407 = arith.constant 0 : index
    %get3A_3408 = arith.constant 640 : index
    %get3A_3409 = vector.load %arg11[%get3A_3407, %get3A_3408] : memref<64x2048xf32, #tpu.memory_space<vmem>>, vector<64x128xf32>
    %get3A_3410 = arith.constant 0 : index
    %get3A_3411 = arith.constant 640 : index
    %get3A_3412 = vector.load %arg20[%get3A_3410, %get3A_3411] : memref<64x2048xf32, #tpu.memory_space<vmem>>, vector<64x128xf32>
    %ne3A_3413 = arith.constant 0.000000e+00 : f32
    %ne3A_3414 = vector.broadcast %ne3A_3413 : f32 to vector<64x128xf32>
    %ne3A_3415 = arith.cmpf one, %get3A_3412, %ne3A_3414 : vector<64x128xf32>
    %jit3A_3416 = arith.constant -1.000000e+04 : f32
    %broadcast_in_dim3A_3417 = vector.broadcast %jit3A_3416 : f32 to vector<64x128xf32>
    %select_n3A_3418 = arith.select %ne3A_3415, %get3A_3409, %broadcast_in_dim3A_3417 : vector<64x128xi1>, vector<64x128xf32>
    %ge3A_3419 = arith.cmpf oge, %select_n3A_3418, %get3A_3 : vector<64x128xf32>
    %mul3A_3420 = arith.constant 23.3601189 : f32
    %mul3A_3421 = vector.broadcast %mul3A_3420 : f32 to vector<64x128xf32>
    %mul3A_3422 = arith.mulf %mul3A_3421, %get3A_3409 : vector<64x128xf32>
    %add3A_3423 = arith.constant 0.276997447 : f32
    %add3A_3424 = vector.broadcast %add3A_3423 : f32 to vector<64x128xf32>
    %add3A_3425 = arith.addf %mul3A_3422, %add3A_3424 : vector<64x128xf32>
    %mul3A_3426 = arith.constant 23.0831203 : f32
    %mul3A_3427 = vector.broadcast %mul3A_3426 : f32 to vector<64x128xf32>
    %mul3A_3428 = arith.mulf %mul3A_3427, %get3A_3409 : vector<64x128xf32>
    %select_n3A_3429 = arith.select %ge3A_3419, %add3A_3425, %mul3A_3428 : vector<64x128xi1>, vector<64x128xf32>
    %swap3A_3430 = arith.constant 0 : index
    %swap3A_3431 = arith.constant 640 : index
    %swap3A_3432 = vector.load %arg26[%swap3A_3430, %swap3A_3431] : memref<64x2048xf32, #tpu.memory_space<vmem>>, vector<64x128xf32>
    tpu.vector_store %arg26[%swap3A_3430, %swap3A_3431], %select_n3A_3429 {strides = array<i32>} : memref<64x2048xf32, #tpu.memory_space<vmem>>, vector<64x128xf32>,
    %max3A_3433 = arith.maximumf %max3A_3406, %select_n3A_3429 : vector<64x128xf32>
    %get3A_3434 = arith.constant 0 : index
    %get3A_3435 = arith.constant 768 : index
    %get3A_3436 = vector.load %arg11[%get3A_3434, %get3A_3435] : memref<64x2048xf32, #tpu.memory_space<vmem>>, vector<64x128xf32>
    %get3A_3437 = arith.constant 0 : index
    %get3A_3438 = arith.constant 768 : index
    %get3A_3439 = vector.load %arg20[%get3A_3437, %get3A_3438] : memref<64x2048xf32, #tpu.memory_space<vmem>>, vector<64x128xf32>
    %ne3A_3440 = arith.constant 0.000000e+00 : f32
    %ne3A_3441 = vector.broadcast %ne3A_3440 : f32 to vector<64x128xf32>
    %ne3A_3442 = arith.cmpf one, %get3A_3439, %ne3A_3441 : vector<64x128xf32>
    %jit3A_3443 = arith.constant -1.000000e+04 : f32
    %broadcast_in_dim3A_3444 = vector.broadcast %jit3A_3443 : f32 to vector<64x128xf32>
    %select_n3A_3445 = arith.select %ne3A_3442, %get3A_3436, %broadcast_in_dim3A_3444 : vector<64x128xi1>, vector<64x128xf32>
    %ge3A_3446 = arith.cmpf oge, %select_n3A_3445, %get3A_3 : vector<64x128xf32>
    %mul3A_3447 = arith.constant 23.3601189 : f32
    %mul3A_3448 = vector.broadcast %mul3A_3447 : f32 to vector<64x128xf32>
    %mul3A_3449 = arith.mulf %mul3A_3448, %get3A_3436 : vector<64x128xf32>
    %add3A_3450 = arith.constant 0.276997447 : f32
    %add3A_3451 = vector.broadcast %add3A_3450 : f32 to vector<64x128xf32>
    %add3A_3452 = arith.addf %mul3A_3449, %add3A_3451 : vector<64x128xf32>
    %mul3A_3453 = arith.constant 23.0831203 : f32
    %mul3A_3454 = vector.broadcast %mul3A_3453 : f32 to vector<64x128xf32>
    %mul3A_3455 = arith.mulf %mul3A_3454, %get3A_3436 : vector<64x128xf32>
    %select_n3A_3456 = arith.select %ge3A_3446, %add3A_3452, %mul3A_3455 : vector<64x128xi1>, vector<64x128xf32>
    %swap3A_3457 = arith.constant 0 : index
    %swap3A_3458 = arith.constant 768 : index
    %swap3A_3459 = vector.load %arg26[%swap3A_3457, %swap3A_3458] : memref<64x2048xf32, #tpu.memory_space<vmem>>, vector<64x128xf32>
    tpu.vector_store %arg26[%swap3A_3457, %swap3A_3458], %select_n3A_3456 {strides = array<i32>} : memref<64x2048xf32, #tpu.memory_space<vmem>>, vector<64x128xf32>,
    %max3A_3460 = arith.maximumf %max3A_3433, %select_n3A_3456 : vector<64x128xf32>
    %get3A_3461 = arith.constant 0 : index
    %get3A_3462 = arith.constant 896 : index
    %get3A_3463 = vector.load %arg11[%get3A_3461, %get3A_3462] : memref<64x2048xf32, #tpu.memory_space<vmem>>, vector<64x128xf32>
    %get3A_3464 = arith.constant 0 : index
    %get3A_3465 = arith.constant 896 : index
    %get3A_3466 = vector.load %arg20[%get3A_3464, %get3A_3465] : memref<64x2048xf32, #tpu.memory_space<vmem>>, vector<64x128xf32>
    %ne3A_3467 = arith.constant 0.000000e+00 : f32
    %ne3A_3468 = vector.broadcast %ne3A_3467 : f32 to vector<64x128xf32>
    %ne3A_3469 = arith.cmpf one, %get3A_3466, %ne3A_3468 : vector<64x128xf32>
    %jit3A_3470 = arith.constant -1.000000e+04 : f32
    %broadcast_in_dim3A_3471 = vector.broadcast %jit3A_3470 : f32 to vector<64x128xf32>
    %select_n3A_3472 = arith.select %ne3A_3469, %get3A_3463, %broadcast_in_dim3A_3471 : vector<64x128xi1>, vector<64x128xf32>
    %ge3A_3473 = arith.cmpf oge, %select_n3A_3472, %get3A_3 : vector<64x128xf32>
    %mul3A_3474 = arith.constant 23.3601189 : f32
    %mul3A_3475 = vector.broadcast %mul3A_3474 : f32 to vector<64x128xf32>
    %mul3A_3476 = arith.mulf %mul3A_3475, %get3A_3463 : vector<64x128xf32>
    %add3A_3477 = arith.constant 0.276997447 : f32
    %add3A_3478 = vector.broadcast %add3A_3477 : f32 to vector<64x128xf32>
    %add3A_3479 = arith.addf %mul3A_3476, %add3A_3478 : vector<64x128xf32>
    %mul3A_3480 = arith.constant 23.0831203 : f32
    %mul3A_3481 = vector.broadcast %mul3A_3480 : f32 to vector<64x128xf32>
    %mul3A_3482 = arith.mulf %mul3A_3481, %get3A_3463 : vector<64x128xf32>
    %select_n3A_3483 = arith.select %ge3A_3473, %add3A_3479, %mul3A_3482 : vector<64x128xi1>, vector<64x128xf32>
    %swap3A_3484 = arith.constant 0 : index
    %swap3A_3485 = arith.constant 896 : index
    %swap3A_3486 = vector.load %arg26[%swap3A_3484, %swap3A_3485] : memref<64x2048xf32, #tpu.memory_space<vmem>>, vector<64x128xf32>
    tpu.vector_store %arg26[%swap3A_3484, %swap3A_3485], %select_n3A_3483 {strides = array<i32>} : memref<64x2048xf32, #tpu.memory_space<vmem>>, vector<64x128xf32>,
    %max3A_3487 = arith.maximumf %max3A_3460, %select_n3A_3483 : vector<64x128xf32>
    %get3A_3488 = arith.constant 0 : index
    %get3A_3489 = arith.constant 1024 : index
    %get3A_3490 = vector.load %arg11[%get3A_3488, %get3A_3489] : memref<64x2048xf32, #tpu.memory_space<vmem>>, vector<64x128xf32>
    %get3A_3491 = arith.constant 0 : index
    %get3A_3492 = arith.constant 1024 : index
    %get3A_3493 = vector.load %arg20[%get3A_3491, %get3A_3492] : memref<64x2048xf32, #tpu.memory_space<vmem>>, vector<64x128xf32>
    %ne3A_3494 = arith.constant 0.000000e+00 : f32
    %ne3A_3495 = vector.broadcast %ne3A_3494 : f32 to vector<64x128xf32>
    %ne3A_3496 = arith.cmpf one, %get3A_3493, %ne3A_3495 : vector<64x128xf32>
    %jit3A_3497 = arith.constant -1.000000e+04 : f32
    %broadcast_in_dim3A_3498 = vector.broadcast %jit3A_3497 : f32 to vector<64x128xf32>
    %select_n3A_3499 = arith.select %ne3A_3496, %get3A_3490, %broadcast_in_dim3A_3498 : vector<64x128xi1>, vector<64x128xf32>
    %ge3A_3500 = arith.cmpf oge, %select_n3A_3499, %get3A_3 : vector<64x128xf32>
    %mul3A_3501 = arith.constant 23.3601189 : f32
    %mul3A_3502 = vector.broadcast %mul3A_3501 : f32 to vector<64x128xf32>
    %mul3A_3503 = arith.mulf %mul3A_3502, %get3A_3490 : vector<64x128xf32>
    %add3A_3504 = arith.constant 0.276997447 : f32
    %add3A_3505 = vector.broadcast %add3A_3504 : f32 to vector<64x128xf32>
    %add3A_3506 = arith.addf %mul3A_3503, %add3A_3505 : vector<64x128xf32>
    %mul3A_3507 = arith.constant 23.0831203 : f32
    %mul3A_3508 = vector.broadcast %mul3A_3507 : f32 to vector<64x128xf32>
    %mul3A_3509 = arith.mulf %mul3A_3508, %get3A_3490 : vector<64x128xf32>
    %select_n3A_3510 = arith.select %ge3A_3500, %add3A_3506, %mul3A_3509 : vector<64x128xi1>, vector<64x128xf32>
    %swap3A_3511 = arith.constant 0 : index
    %swap3A_3512 = arith.constant 1024 : index
    %swap3A_3513 = vector.load %arg26[%swap3A_3511, %swap3A_3512] : memref<64x2048xf32, #tpu.memory_space<vmem>>, vector<64x128xf32>
    tpu.vector_store %arg26[%swap3A_3511, %swap3A_3512], %select_n3A_3510 {strides = array<i32>} : memref<64x2048xf32, #tpu.memory_space<vmem>>, vector<64x128xf32>,
    %max3A_3514 = arith.maximumf %max3A_3487, %select_n3A_3510 : vector<64x128xf32>
    %get3A_3515 = arith.constant 0 : index
    %get3A_3516 = arith.constant 1152 : index
    %get3A_3517 = vector.load %arg11[%get3A_3515, %get3A_3516] : memref<64x2048xf32, #tpu.memory_space<vmem>>, vector<64x128xf32>
    %get3A_3518 = arith.constant 0 : index
    %get3A_3519 = arith.constant 1152 : index
    %get3A_3520 = vector.load %arg20[%get3A_3518, %get3A_3519] : memref<64x2048xf32, #tpu.memory_space<vmem>>, vector<64x128xf32>
    %ne3A_3521 = arith.constant 0.000000e+00 : f32
    %ne3A_3522 = vector.broadcast %ne3A_3521 : f32 to vector<64x128xf32>
    %ne3A_3523 = arith.cmpf one, %get3A_3520, %ne3A_3522 : vector<64x128xf32>
    %jit3A_3524 = arith.constant -1.000000e+04 : f32
    %broadcast_in_dim3A_3525 = vector.broadcast %jit3A_3524 : f32 to vector<64x128xf32>
    %select_n3A_3526 = arith.select %ne3A_3523, %get3A_3517, %broadcast_in_dim3A_3525 : vector<64x128xi1>, vector<64x128xf32>
    %ge3A_3527 = arith.cmpf oge, %select_n3A_3526, %get3A_3 : vector<64x128xf32>
    %mul3A_3528 = arith.constant 23.3601189 : f32
    %mul3A_3529 = vector.broadcast %mul3A_3528 : f32 to vector<64x128xf32>
    %mul3A_3530 = arith.mulf %mul3A_3529, %get3A_3517 : vector<64x128xf32>
    %add3A_3531 = arith.constant 0.276997447 : f32
    %add3A_3532 = vector.broadcast %add3A_3531 : f32 to vector<64x128xf32>
    %add3A_3533 = arith.addf %mul3A_3530, %add3A_3532 : vector<64x128xf32>
    %mul3A_3534 = arith.constant 23.0831203 : f32
    %mul3A_3535 = vector.broadcast %mul3A_3534 : f32 to vector<64x128xf32>
    %mul3A_3536 = arith.mulf %mul3A_3535, %get3A_3517 : vector<64x128xf32>
    %select_n3A_3537 = arith.select %ge3A_3527, %add3A_3533, %mul3A_3536 : vector<64x128xi1>, vector<64x128xf32>
    %swap3A_3538 = arith.constant 0 : index
    %swap3A_3539 = arith.constant 1152 : index
    %swap3A_3540 = vector.load %arg26[%swap3A_3538, %swap3A_3539] : memref<64x2048xf32, #tpu.memory_space<vmem>>, vector<64x128xf32>
    tpu.vector_store %arg26[%swap3A_3538, %swap3A_3539], %select_n3A_3537 {strides = array<i32>} : memref<64x2048xf32, #tpu.memory_space<vmem>>, vector<64x128xf32>,
    %max3A_3541 = arith.maximumf %max3A_3514, %select_n3A_3537 : vector<64x128xf32>
    %get3A_3542 = arith.constant 0 : index
    %get3A_3543 = arith.constant 1280 : index
    %get3A_3544 = vector.load %arg11[%get3A_3542, %get3A_3543] : memref<64x2048xf32, #tpu.memory_space<vmem>>, vector<64x128xf32>
    %get3A_3545 = arith.constant 0 : index
    %get3A_3546 = arith.constant 1280 : index
    %get3A_3547 = vector.load %arg20[%get3A_3545, %get3A_3546] : memref<64x2048xf32, #tpu.memory_space<vmem>>, vector<64x128xf32>
    %ne3A_3548 = arith.constant 0.000000e+00 : f32
    %ne3A_3549 = vector.broadcast %ne3A_3548 : f32 to vector<64x128xf32>
    %ne3A_3550 = arith.cmpf one, %get3A_3547, %ne3A_3549 : vector<64x128xf32>
    %jit3A_3551 = arith.constant -1.000000e+04 : f32
    %broadcast_in_dim3A_3552 = vector.broadcast %jit3A_3551 : f32 to vector<64x128xf32>
    %select_n3A_3553 = arith.select %ne3A_3550, %get3A_3544, %broadcast_in_dim3A_3552 : vector<64x128xi1>, vector<64x128xf32>
    %ge3A_3554 = arith.cmpf oge, %select_n3A_3553, %get3A_3 : vector<64x128xf32>
    %mul3A_3555 = arith.constant 23.3601189 : f32
    %mul3A_3556 = vector.broadcast %mul3A_3555 : f32 to vector<64x128xf32>
    %mul3A_3557 = arith.mulf %mul3A_3556, %get3A_3544 : vector<64x128xf32>
    %add3A_3558 = arith.constant 0.276997447 : f32
    %add3A_3559 = vector.broadcast %add3A_3558 : f32 to vector<64x128xf32>
    %add3A_3560 = arith.addf %mul3A_3557, %add3A_3559 : vector<64x128xf32>
    %mul3A_3561 = arith.constant 23.0831203 : f32
    %mul3A_3562 = vector.broadcast %mul3A_3561 : f32 to vector<64x128xf32>
    %mul3A_3563 = arith.mulf %mul3A_3562, %get3A_3544 : vector<64x128xf32>
    %select_n3A_3564 = arith.select %ge3A_3554, %add3A_3560, %mul3A_3563 : vector<64x128xi1>, vector<64x128xf32>
    %swap3A_3565 = arith.constant 0 : index
    %swap3A_3566 = arith.constant 1280 : index
    %swap3A_3567 = vector.load %arg26[%swap3A_3565, %swap3A_3566] : memref<64x2048xf32, #tpu.memory_space<vmem>>, vector<64x128xf32>
    tpu.vector_store %arg26[%swap3A_3565, %swap3A_3566], %select_n3A_3564 {strides = array<i32>} : memref<64x2048xf32, #tpu.memory_space<vmem>>, vector<64x128xf32>,
    %max3A_3568 = arith.maximumf %max3A_3541, %select_n3A_3564 : vector<64x128xf32>
    %get3A_3569 = arith.constant 0 : index
    %get3A_3570 = arith.constant 1408 : index
    %get3A_3571 = vector.load %arg11[%get3A_3569, %get3A_3570] : memref<64x2048xf32, #tpu.memory_space<vmem>>, vector<64x128xf32>
    %get3A_3572 = arith.constant 0 : index
    %get3A_3573 = arith.constant 1408 : index
    %get3A_3574 = vector.load %arg20[%get3A_3572, %get3A_3573] : memref<64x2048xf32, #tpu.memory_space<vmem>>, vector<64x128xf32>
    %ne3A_3575 = arith.constant 0.000000e+00 : f32
    %ne3A_3576 = vector.broadcast %ne3A_3575 : f32 to vector<64x128xf32>
    %ne3A_3577 = arith.cmpf one, %get3A_3574, %ne3A_3576 : vector<64x128xf32>
    %jit3A_3578 = arith.constant -1.000000e+04 : f32
    %broadcast_in_dim3A_3579 = vector.broadcast %jit3A_3578 : f32 to vector<64x128xf32>
    %select_n3A_3580 = arith.select %ne3A_3577, %get3A_3571, %broadcast_in_dim3A_3579 : vector<64x128xi1>, vector<64x128xf32>
    %ge3A_3581 = arith.cmpf oge, %select_n3A_3580, %get3A_3 : vector<64x128xf32>
    %mul3A_3582 = arith.constant 23.3601189 : f32
    %mul3A_3583 = vector.broadcast %mul3A_3582 : f32 to vector<64x128xf32>
    %mul3A_3584 = arith.mulf %mul3A_3583, %get3A_3571 : vector<64x128xf32>
    %add3A_3585 = arith.constant 0.276997447 : f32
    %add3A_3586 = vector.broadcast %add3A_3585 : f32 to vector<64x128xf32>
    %add3A_3587 = arith.addf %mul3A_3584, %add3A_3586 : vector<64x128xf32>
    %mul3A_3588 = arith.constant 23.0831203 : f32
    %mul3A_3589 = vector.broadcast %mul3A_3588 : f32 to vector<64x128xf32>
    %mul3A_3590 = arith.mulf %mul3A_3589, %get3A_3571 : vector<64x128xf32>
    %select_n3A_3591 = arith.select %ge3A_3581, %add3A_3587, %mul3A_3590 : vector<64x128xi1>, vector<64x128xf32>
    %swap3A_3592 = arith.constant 0 : index
    %swap3A_3593 = arith.constant 1408 : index
    %swap3A_3594 = vector.load %arg26[%swap3A_3592, %swap3A_3593] : memref<64x2048xf32, #tpu.memory_space<vmem>>, vector<64x128xf32>
    tpu.vector_store %arg26[%swap3A_3592, %swap3A_3593], %select_n3A_3591 {strides = array<i32>} : memref<64x2048xf32, #tpu.memory_space<vmem>>, vector<64x128xf32>,
    %max3A_3595 = arith.maximumf %max3A_3568, %select_n3A_3591 : vector<64x128xf32>
    %get3A_3596 = arith.constant 0 : index
    %get3A_3597 = arith.constant 1536 : index
    %get3A_3598 = vector.load %arg11[%get3A_3596, %get3A_3597] : memref<64x2048xf32, #tpu.memory_space<vmem>>, vector<64x128xf32>
    %get3A_3599 = arith.constant 0 : index
    %get3A_3600 = arith.constant 1536 : index
    %get3A_3601 = vector.load %arg20[%get3A_3599, %get3A_3600] : memref<64x2048xf32, #tpu.memory_space<vmem>>, vector<64x128xf32>
    %ne3A_3602 = arith.constant 0.000000e+00 : f32
    %ne3A_3603 = vector.broadcast %ne3A_3602 : f32 to vector<64x128xf32>
    %ne3A_3604 = arith.cmpf one, %get3A_3601, %ne3A_3603 : vector<64x128xf32>
    %jit3A_3605 = arith.constant -1.000000e+04 : f32
    %broadcast_in_dim3A_3606 = vector.broadcast %jit3A_3605 : f32 to vector<64x128xf32>
    %select_n3A_3607 = arith.select %ne3A_3604, %get3A_3598, %broadcast_in_dim3A_3606 : vector<64x128xi1>, vector<64x128xf32>
    %ge3A_3608 = arith.cmpf oge, %select_n3A_3607, %get3A_3 : vector<64x128xf32>
    %mul3A_3609 = arith.constant 23.3601189 : f32
    %mul3A_3610 = vector.broadcast %mul3A_3609 : f32 to vector<64x128xf32>
    %mul3A_3611 = arith.mulf %mul3A_3610, %get3A_3598 : vector<64x128xf32>
    %add3A_3612 = arith.constant 0.276997447 : f32
    %add3A_3613 = vector.broadcast %add3A_3612 : f32 to vector<64x128xf32>
    %add3A_3614 = arith.addf %mul3A_3611, %add3A_3613 : vector<64x128xf32>
    %mul3A_3615 = arith.constant 23.0831203 : f32
    %mul3A_3616 = vector.broadcast %mul3A_3615 : f32 to vector<64x128xf32>
    %mul3A_3617 = arith.mulf %mul3A_3616, %get3A_3598 : vector<64x128xf32>
    %select_n3A_3618 = arith.select %ge3A_3608, %add3A_3614, %mul3A_3617 : vector<64x128xi1>, vector<64x128xf32>
    %swap3A_3619 = arith.constant 0 : index
    %swap3A_3620 = arith.constant 1536 : index
    %swap3A_3621 = vector.load %arg26[%swap3A_3619, %swap3A_3620] : memref<64x2048xf32, #tpu.memory_space<vmem>>, vector<64x128xf32>
    tpu.vector_store %arg26[%swap3A_3619, %swap3A_3620], %select_n3A_3618 {strides = array<i32>} : memref<64x2048xf32, #tpu.memory_space<vmem>>, vector<64x128xf32>,
    %max3A_3622 = arith.maximumf %max3A_3595, %select_n3A_3618 : vector<64x128xf32>
    %get3A_3623 = arith.constant 0 : index
    %get3A_3624 = arith.constant 1664 : index
    %get3A_3625 = vector.load %arg11[%get3A_3623, %get3A_3624] : memref<64x2048xf32, #tpu.memory_space<vmem>>, vector<64x128xf32>
    %get3A_3626 = arith.constant 0 : index
    %get3A_3627 = arith.constant 1664 : index
    %get3A_3628 = vector.load %arg20[%get3A_3626, %get3A_3627] : memref<64x2048xf32, #tpu.memory_space<vmem>>, vector<64x128xf32>
    %ne3A_3629 = arith.constant 0.000000e+00 : f32
    %ne3A_3630 = vector.broadcast %ne3A_3629 : f32 to vector<64x128xf32>
    %ne3A_3631 = arith.cmpf one, %get3A_3628, %ne3A_3630 : vector<64x128xf32>
    %jit3A_3632 = arith.constant -1.000000e+04 : f32
    %broadcast_in_dim3A_3633 = vector.broadcast %jit3A_3632 : f32 to vector<64x128xf32>
    %select_n3A_3634 = arith.select %ne3A_3631, %get3A_3625, %broadcast_in_dim3A_3633 : vector<64x128xi1>, vector<64x128xf32>
    %ge3A_3635 = arith.cmpf oge, %select_n3A_3634, %get3A_3 : vector<64x128xf32>
    %mul3A_3636 = arith.constant 23.3601189 : f32
    %mul3A_3637 = vector.broadcast %mul3A_3636 : f32 to vector<64x128xf32>
    %mul3A_3638 = arith.mulf %mul3A_3637, %get3A_3625 : vector<64x128xf32>
    %add3A_3639 = arith.constant 0.276997447 : f32
    %add3A_3640 = vector.broadcast %add3A_3639 : f32 to vector<64x128xf32>
    %add3A_3641 = arith.addf %mul3A_3638, %add3A_3640 : vector<64x128xf32>
    %mul3A_3642 = arith.constant 23.0831203 : f32
    %mul3A_3643 = vector.broadcast %mul3A_3642 : f32 to vector<64x128xf32>
    %mul3A_3644 = arith.mulf %mul3A_3643, %get3A_3625 : vector<64x128xf32>
    %select_n3A_3645 = arith.select %ge3A_3635, %add3A_3641, %mul3A_3644 : vector<64x128xi1>, vector<64x128xf32>
    %swap3A_3646 = arith.constant 0 : index
    %swap3A_3647 = arith.constant 1664 : index
    %swap3A_3648 = vector.load %arg26[%swap3A_3646, %swap3A_3647] : memref<64x2048xf32, #tpu.memory_space<vmem>>, vector<64x128xf32>
    tpu.vector_store %arg26[%swap3A_3646, %swap3A_3647], %select_n3A_3645 {strides = array<i32>} : memref<64x2048xf32, #tpu.memory_space<vmem>>, vector<64x128xf32>,
    %max3A_3649 = arith.maximumf %max3A_3622, %select_n3A_3645 : vector<64x128xf32>
    %get3A_3650 = arith.constant 0 : index
    %get3A_3651 = arith.constant 1792 : index
    %get3A_3652 = vector.load %arg11[%get3A_3650, %get3A_3651] : memref<64x2048xf32, #tpu.memory_space<vmem>>, vector<64x128xf32>
    %get3A_3653 = arith.constant 0 : index
    %get3A_3654 = arith.constant 1792 : index
    %get3A_3655 = vector.load %arg20[%get3A_3653, %get3A_3654] : memref<64x2048xf32, #tpu.memory_space<vmem>>, vector<64x128xf32>
    %ne3A_3656 = arith.constant 0.000000e+00 : f32
    %ne3A_3657 = vector.broadcast %ne3A_3656 : f32 to vector<64x128xf32>
    %ne3A_3658 = arith.cmpf one, %get3A_3655, %ne3A_3657 : vector<64x128xf32>
    %jit3A_3659 = arith.constant -1.000000e+04 : f32
    %broadcast_in_dim3A_3660 = vector.broadcast %jit3A_3659 : f32 to vector<64x128xf32>
    %select_n3A_3661 = arith.select %ne3A_3658, %get3A_3652, %broadcast_in_dim3A_3660 : vector<64x128xi1>, vector<64x128xf32>
    %ge3A_3662 = arith.cmpf oge, %select_n3A_3661, %get3A_3 : vector<64x128xf32>
    %mul3A_3663 = arith.constant 23.3601189 : f32
    %mul3A_3664 = vector.broadcast %mul3A_3663 : f32 to vector<64x128xf32>
    %mul3A_3665 = arith.mulf %mul3A_3664, %get3A_3652 : vector<64x128xf32>
    %add3A_3666 = arith.constant 0.276997447 : f32
    %add3A_3667 = vector.broadcast %add3A_3666 : f32 to vector<64x128xf32>
    %add3A_3668 = arith.addf %mul3A_3665, %add3A_3667 : vector<64x128xf32>
    %mul3A_3669 = arith.constant 23.0831203 : f32
    %mul3A_3670 = vector.broadcast %mul3A_3669 : f32 to vector<64x128xf32>
    %mul3A_3671 = arith.mulf %mul3A_3670, %get3A_3652 : vector<64x128xf32>
    %select_n3A_3672 = arith.select %ge3A_3662, %add3A_3668, %mul3A_3671 : vector<64x128xi1>, vector<64x128xf32>
    %swap3A_3673 = arith.constant 0 : index
    %swap3A_3674 = arith.constant 1792 : index
    %swap3A_3675 = vector.load %arg26[%swap3A_3673, %swap3A_3674] : memref<64x2048xf32, #tpu.memory_space<vmem>>, vector<64x128xf32>
    tpu.vector_store %arg26[%swap3A_3673, %swap3A_3674], %select_n3A_3672 {strides = array<i32>} : memref<64x2048xf32, #tpu.memory_space<vmem>>, vector<64x128xf32>,
    %max3A_3676 = arith.maximumf %max3A_3649, %select_n3A_3672 : vector<64x128xf32>
    %get3A_3677 = arith.constant 0 : index
    %get3A_3678 = arith.constant 1920 : index
    %get3A_3679 = vector.load %arg11[%get3A_3677, %get3A_3678] : memref<64x2048xf32, #tpu.memory_space<vmem>>, vector<64x128xf32>
    %get3A_3680 = arith.constant 0 : index
    %get3A_3681 = arith.constant 1920 : index
    %get3A_3682 = vector.load %arg20[%get3A_3680, %get3A_3681] : memref<64x2048xf32, #tpu.memory_space<vmem>>, vector<64x128xf32>
    %ne3A_3683 = arith.constant 0.000000e+00 : f32
    %ne3A_3684 = vector.broadcast %ne3A_3683 : f32 to vector<64x128xf32>
    %ne3A_3685 = arith.cmpf one, %get3A_3682, %ne3A_3684 : vector<64x128xf32>
    %jit3A_3686 = arith.constant -1.000000e+04 : f32
    %broadcast_in_dim3A_3687 = vector.broadcast %jit3A_3686 : f32 to vector<64x128xf32>
    %select_n3A_3688 = arith.select %ne3A_3685, %get3A_3679, %broadcast_in_dim3A_3687 : vector<64x128xi1>, vector<64x128xf32>
    %ge3A_3689 = arith.cmpf oge, %select_n3A_3688, %get3A_3 : vector<64x128xf32>
    %mul3A_3690 = arith.constant 23.3601189 : f32
    %mul3A_3691 = vector.broadcast %mul3A_3690 : f32 to vector<64x128xf32>
    %mul3A_3692 = arith.mulf %mul3A_3691, %get3A_3679 : vector<64x128xf32>
    %add3A_3693 = arith.constant 0.276997447 : f32
    %add3A_3694 = vector.broadcast %add3A_3693 : f32 to vector<64x128xf32>
    %add3A_3695 = arith.addf %mul3A_3692, %add3A_3694 : vector<64x128xf32>
    %mul3A_3696 = arith.constant 23.0831203 : f32
    %mul3A_3697 = vector.broadcast %mul3A_3696 : f32 to vector<64x128xf32>
    %mul3A_3698 = arith.mulf %mul3A_3697, %get3A_3679 : vector<64x128xf32>
    %select_n3A_3699 = arith.select %ge3A_3689, %add3A_3695, %mul3A_3698 : vector<64x128xi1>, vector<64x128xf32>
    %swap3A_3700 = arith.constant 0 : index
    %swap3A_3701 = arith.constant 1920 : index
    %swap3A_3702 = vector.load %arg26[%swap3A_3700, %swap3A_3701] : memref<64x2048xf32, #tpu.memory_space<vmem>>, vector<64x128xf32>
    tpu.vector_store %arg26[%swap3A_3700, %swap3A_3701], %select_n3A_3699 {strides = array<i32>} : memref<64x2048xf32, #tpu.memory_space<vmem>>, vector<64x128xf32>,
    %max3A_3703 = arith.maximumf %max3A_3676, %select_n3A_3699 : vector<64x128xf32>
    %get3A_3704 = arith.constant 0 : index
    %get3A_3705 = arith.constant 0 : index
    %get3A_3706 = vector.load %arg25[%get3A_3704, %get3A_3705] : memref<64x128xf32, #tpu.memory_space<vmem>>, vector<64x128xf32>
    %sub3A_3707 = arith.subf %get3A_3271, %max3A_3703 : vector<64x128xf32>
    %exp23A_3708 = math.exp2 %sub3A_3707 : vector<64x128xf32>
    %mul3A_3709 = arith.mulf %get3A_3706, %exp23A_3708 : vector<64x128xf32>
    %broadcast_in_dim3A_3710 = arith.constant 0.000000e+00 : f32
    %broadcast_in_dim3A_3711 = vector.broadcast %broadcast_in_dim3A_3710 : f32 to vector<64x128xf32>
    %get3A_3712 = arith.constant 0 : index
    %get3A_3713 = arith.constant 0 : index
    %get3A_3714 = vector.load %arg26[%get3A_3712, %get3A_3713] : memref<64x2048xf32, #tpu.memory_space<vmem>>, vector<64x128xf32>
    %sub3A_3715 = arith.subf %get3A_3714, %max3A_3703 : vector<64x128xf32>
    %exp23A_3716 = math.exp2 %sub3A_3715 : vector<64x128xf32>
    %add3A_3717 = arith.addf %mul3A_3709, %exp23A_3716 : vector<64x128xf32>
    %get3A_3718 = arith.constant 0 : index
    %get3A_3719 = arith.constant 128 : index
    %get3A_3720 = vector.load %arg26[%get3A_3718, %get3A_3719] : memref<64x2048xf32, #tpu.memory_space<vmem>>, vector<64x128xf32>
    %sub3A_3721 = arith.subf %get3A_3720, %max3A_3703 : vector<64x128xf32>
    %exp23A_3722 = math.exp2 %sub3A_3721 : vector<64x128xf32>
    %add3A_3723 = arith.addf %broadcast_in_dim3A_3711, %exp23A_3722 : vector<64x128xf32>
    %get3A_3724 = arith.constant 0 : index
    %get3A_3725 = arith.constant 256 : index
    %get3A_3726 = vector.load %arg26[%get3A_3724, %get3A_3725] : memref<64x2048xf32, #tpu.memory_space<vmem>>, vector<64x128xf32>
    %sub3A_3727 = arith.subf %get3A_3726, %max3A_3703 : vector<64x128xf32>
    %exp23A_3728 = math.exp2 %sub3A_3727 : vector<64x128xf32>
    %add3A_3729 = arith.addf %add3A_3717, %exp23A_3728 : vector<64x128xf32>
    %get3A_3730 = arith.constant 0 : index
    %get3A_3731 = arith.constant 384 : index
    %get3A_3732 = vector.load %arg26[%get3A_3730, %get3A_3731] : memref<64x2048xf32, #tpu.memory_space<vmem>>, vector<64x128xf32>
    %sub3A_3733 = arith.subf %get3A_3732, %max3A_3703 : vector<64x128xf32>
    %exp23A_3734 = math.exp2 %sub3A_3733 : vector<64x128xf32>
    %add3A_3735 = arith.addf %add3A_3723, %exp23A_3734 : vector<64x128xf32>
    %get3A_3736 = arith.constant 0 : index
    %get3A_3737 = arith.constant 512 : index
    %get3A_3738 = vector.load %arg26[%get3A_3736, %get3A_3737] : memref<64x2048xf32, #tpu.memory_space<vmem>>, vector<64x128xf32>
    %sub3A_3739 = arith.subf %get3A_3738, %max3A_3703 : vector<64x128xf32>
    %exp23A_3740 = math.exp2 %sub3A_3739 : vector<64x128xf32>
    %add3A_3741 = arith.addf %add3A_3729, %exp23A_3740 : vector<64x128xf32>
    %get3A_3742 = arith.constant 0 : index
    %get3A_3743 = arith.constant 640 : index
    %get3A_3744 = vector.load %arg26[%get3A_3742, %get3A_3743] : memref<64x2048xf32, #tpu.memory_space<vmem>>, vector<64x128xf32>
    %sub3A_3745 = arith.subf %get3A_3744, %max3A_3703 : vector<64x128xf32>
    %exp23A_3746 = math.exp2 %sub3A_3745 : vector<64x128xf32>
    %add3A_3747 = arith.addf %add3A_3735, %exp23A_3746 : vector<64x128xf32>
    %get3A_3748 = arith.constant 0 : index
    %get3A_3749 = arith.constant 768 : index
    %get3A_3750 = vector.load %arg26[%get3A_3748, %get3A_3749] : memref<64x2048xf32, #tpu.memory_space<vmem>>, vector<64x128xf32>
    %sub3A_3751 = arith.subf %get3A_3750, %max3A_3703 : vector<64x128xf32>
    %exp23A_3752 = math.exp2 %sub3A_3751 : vector<64x128xf32>
    %add3A_3753 = arith.addf %add3A_3741, %exp23A_3752 : vector<64x128xf32>
    %get3A_3754 = arith.constant 0 : index
    %get3A_3755 = arith.constant 896 : index
    %get3A_3756 = vector.load %arg26[%get3A_3754, %get3A_3755] : memref<64x2048xf32, #tpu.memory_space<vmem>>, vector<64x128xf32>
    %sub3A_3757 = arith.subf %get3A_3756, %max3A_3703 : vector<64x128xf32>
    %exp23A_3758 = math.exp2 %sub3A_3757 : vector<64x128xf32>
    %add3A_3759 = arith.addf %add3A_3747, %exp23A_3758 : vector<64x128xf32>
    %get3A_3760 = arith.constant 0 : index
    %get3A_3761 = arith.constant 1024 : index
    %get3A_3762 = vector.load %arg26[%get3A_3760, %get3A_3761] : memref<64x2048xf32, #tpu.memory_space<vmem>>, vector<64x128xf32>
    %sub3A_3763 = arith.subf %get3A_3762, %max3A_3703 : vector<64x128xf32>
    %exp23A_3764 = math.exp2 %sub3A_3763 : vector<64x128xf32>
    %add3A_3765 = arith.addf %add3A_3753, %exp23A_3764 : vector<64x128xf32>
    %get3A_3766 = arith.constant 0 : index
    %get3A_3767 = arith.constant 1152 : index
    %get3A_3768 = vector.load %arg26[%get3A_3766, %get3A_3767] : memref<64x2048xf32, #tpu.memory_space<vmem>>, vector<64x128xf32>
    %sub3A_3769 = arith.subf %get3A_3768, %max3A_3703 : vector<64x128xf32>
    %exp23A_3770 = math.exp2 %sub3A_3769 : vector<64x128xf32>
    %add3A_3771 = arith.addf %add3A_3759, %exp23A_3770 : vector<64x128xf32>
    %get3A_3772 = arith.constant 0 : index
    %get3A_3773 = arith.constant 1280 : index
    %get3A_3774 = vector.load %arg26[%get3A_3772, %get3A_3773] : memref<64x2048xf32, #tpu.memory_space<vmem>>, vector<64x128xf32>
    %sub3A_3775 = arith.subf %get3A_3774, %max3A_3703 : vector<64x128xf32>
    %exp23A_3776 = math.exp2 %sub3A_3775 : vector<64x128xf32>
    %add3A_3777 = arith.addf %add3A_3765, %exp23A_3776 : vector<64x128xf32>
    %get3A_3778 = arith.constant 0 : index
    %get3A_3779 = arith.constant 1408 : index
    %get3A_3780 = vector.load %arg26[%get3A_3778, %get3A_3779] : memref<64x2048xf32, #tpu.memory_space<vmem>>, vector<64x128xf32>
    %sub3A_3781 = arith.subf %get3A_3780, %max3A_3703 : vector<64x128xf32>
    %exp23A_3782 = math.exp2 %sub3A_3781 : vector<64x128xf32>
    %add3A_3783 = arith.addf %add3A_3771, %exp23A_3782 : vector<64x128xf32>
    %get3A_3784 = arith.constant 0 : index
    %get3A_3785 = arith.constant 1536 : index
    %get3A_3786 = vector.load %arg26[%get3A_3784, %get3A_3785] : memref<64x2048xf32, #tpu.memory_space<vmem>>, vector<64x128xf32>
    %sub3A_3787 = arith.subf %get3A_3786, %max3A_3703 : vector<64x128xf32>
    %exp23A_3788 = math.exp2 %sub3A_3787 : vector<64x128xf32>
    %add3A_3789 = arith.addf %add3A_3777, %exp23A_3788 : vector<64x128xf32>
    %get3A_3790 = arith.constant 0 : index
    %get3A_3791 = arith.constant 1664 : index
    %get3A_3792 = vector.load %arg26[%get3A_3790, %get3A_3791] : memref<64x2048xf32, #tpu.memory_space<vmem>>, vector<64x128xf32>
    %sub3A_3793 = arith.subf %get3A_3792, %max3A_3703 : vector<64x128xf32>
    %exp23A_3794 = math.exp2 %sub3A_3793 : vector<64x128xf32>
    %add3A_3795 = arith.addf %add3A_3783, %exp23A_3794 : vector<64x128xf32>
    %get3A_3796 = arith.constant 0 : index
    %get3A_3797 = arith.constant 1792 : index
    %get3A_3798 = vector.load %arg26[%get3A_3796, %get3A_3797] : memref<64x2048xf32, #tpu.memory_space<vmem>>, vector<64x128xf32>
    %sub3A_3799 = arith.subf %get3A_3798, %max3A_3703 : vector<64x128xf32>
    %exp23A_3800 = math.exp2 %sub3A_3799 : vector<64x128xf32>
    %add3A_3801 = arith.addf %add3A_3789, %exp23A_3800 : vector<64x128xf32>
    %get3A_3802 = arith.constant 0 : index
    %get3A_3803 = arith.constant 1920 : index
    %get3A_3804 = vector.load %arg26[%get3A_3802, %get3A_3803] : memref<64x2048xf32, #tpu.memory_space<vmem>>, vector<64x128xf32>
    %sub3A_3805 = arith.subf %get3A_3804, %max3A_3703 : vector<64x128xf32>
    %exp23A_3806 = math.exp2 %sub3A_3805 : vector<64x128xf32>
    %add3A_3807 = arith.addf %add3A_3795, %exp23A_3806 : vector<64x128xf32>
    %swap3A_3808 = arith.constant 0 : index
    %swap3A_3809 = arith.constant 0 : index
    %swap3A_3810 = vector.load %arg24[%swap3A_3808, %swap3A_3809] : memref<64x128xf32, #tpu.memory_space<vmem>>, vector<64x128xf32>
    tpu.vector_store %arg24[%swap3A_3808, %swap3A_3809], %max3A_3703 {strides = array<i32>} : memref<64x128xf32, #tpu.memory_space<vmem>>, vector<64x128xf32>,
    %add3A_3811 = arith.addf %add3A_3801, %add3A_3807 : vector<64x128xf32>
    %swap3A_3812 = arith.constant 0 : index
    %swap3A_3813 = arith.constant 0 : index
    %swap3A_3814 = vector.load %arg25[%swap3A_3812, %swap3A_3813] : memref<64x128xf32, #tpu.memory_space<vmem>>, vector<64x128xf32>
    tpu.vector_store %arg25[%swap3A_3812, %swap3A_3813], %add3A_3811 {strides = array<i32>} : memref<64x128xf32, #tpu.memory_space<vmem>>, vector<64x128xf32>,
    %get3A_3815 = arith.constant 0 : index
    %get3A_3816 = arith.constant 0 : index
    %get3A_3817 = vector.load %arg24[%get3A_3815, %get3A_3816] : memref<64x128xf32, #tpu.memory_space<vmem>>, vector<64x128xf32>
    %get3A_3818 = arith.constant 0 : index
    %get3A_3819 = arith.constant 0 : index
    %get3A_3820 = vector.load %arg12[%get3A_3818, %get3A_3819] : memref<64x2048xf32, #tpu.memory_space<vmem>>, vector<64x128xf32>
    %get3A_3821 = arith.constant 0 : index
    %get3A_3822 = arith.constant 0 : index
    %get3A_3823 = vector.load %arg21[%get3A_3821, %get3A_3822] : memref<64x2048xf32, #tpu.memory_space<vmem>>, vector<64x128xf32>
    %ne3A_3824 = arith.constant 0.000000e+00 : f32
    %ne3A_3825 = vector.broadcast %ne3A_3824 : f32 to vector<64x128xf32>
    %ne3A_3826 = arith.cmpf one, %get3A_3823, %ne3A_3825 : vector<64x128xf32>
    %jit3A_3827 = arith.constant -1.000000e+04 : f32
    %broadcast_in_dim3A_3828 = vector.broadcast %jit3A_3827 : f32 to vector<64x128xf32>
    %select_n3A_3829 = arith.select %ne3A_3826, %get3A_3820, %broadcast_in_dim3A_3828 : vector<64x128xi1>, vector<64x128xf32>
    %ge3A_3830 = arith.cmpf oge, %select_n3A_3829, %get3A_3 : vector<64x128xf32>
    %mul3A_3831 = arith.constant 23.3601189 : f32
    %mul3A_3832 = vector.broadcast %mul3A_3831 : f32 to vector<64x128xf32>
    %mul3A_3833 = arith.mulf %mul3A_3832, %get3A_3820 : vector<64x128xf32>
    %add3A_3834 = arith.constant 0.276997447 : f32
    %add3A_3835 = vector.broadcast %add3A_3834 : f32 to vector<64x128xf32>
    %add3A_3836 = arith.addf %mul3A_3833, %add3A_3835 : vector<64x128xf32>
    %mul3A_3837 = arith.constant 23.0831203 : f32
    %mul3A_3838 = vector.broadcast %mul3A_3837 : f32 to vector<64x128xf32>
    %mul3A_3839 = arith.mulf %mul3A_3838, %get3A_3820 : vector<64x128xf32>
    %select_n3A_3840 = arith.select %ge3A_3830, %add3A_3836, %mul3A_3839 : vector<64x128xi1>, vector<64x128xf32>
    %swap3A_3841 = arith.constant 0 : index
    %swap3A_3842 = arith.constant 0 : index
    %swap3A_3843 = vector.load %arg26[%swap3A_3841, %swap3A_3842] : memref<64x2048xf32, #tpu.memory_space<vmem>>, vector<64x128xf32>
    tpu.vector_store %arg26[%swap3A_3841, %swap3A_3842], %select_n3A_3840 {strides = array<i32>} : memref<64x2048xf32, #tpu.memory_space<vmem>>, vector<64x128xf32>,
    %max3A_3844 = arith.maximumf %get3A_3817, %select_n3A_3840 : vector<64x128xf32>
    %get3A_3845 = arith.constant 0 : index
    %get3A_3846 = arith.constant 128 : index
    %get3A_3847 = vector.load %arg12[%get3A_3845, %get3A_3846] : memref<64x2048xf32, #tpu.memory_space<vmem>>, vector<64x128xf32>
    %get3A_3848 = arith.constant 0 : index
    %get3A_3849 = arith.constant 128 : index
    %get3A_3850 = vector.load %arg21[%get3A_3848, %get3A_3849] : memref<64x2048xf32, #tpu.memory_space<vmem>>, vector<64x128xf32>
    %ne3A_3851 = arith.constant 0.000000e+00 : f32
    %ne3A_3852 = vector.broadcast %ne3A_3851 : f32 to vector<64x128xf32>
    %ne3A_3853 = arith.cmpf one, %get3A_3850, %ne3A_3852 : vector<64x128xf32>
    %jit3A_3854 = arith.constant -1.000000e+04 : f32
    %broadcast_in_dim3A_3855 = vector.broadcast %jit3A_3854 : f32 to vector<64x128xf32>
    %select_n3A_3856 = arith.select %ne3A_3853, %get3A_3847, %broadcast_in_dim3A_3855 : vector<64x128xi1>, vector<64x128xf32>
    %ge3A_3857 = arith.cmpf oge, %select_n3A_3856, %get3A_3 : vector<64x128xf32>
    %mul3A_3858 = arith.constant 23.3601189 : f32
    %mul3A_3859 = vector.broadcast %mul3A_3858 : f32 to vector<64x128xf32>
    %mul3A_3860 = arith.mulf %mul3A_3859, %get3A_3847 : vector<64x128xf32>
    %add3A_3861 = arith.constant 0.276997447 : f32
    %add3A_3862 = vector.broadcast %add3A_3861 : f32 to vector<64x128xf32>
    %add3A_3863 = arith.addf %mul3A_3860, %add3A_3862 : vector<64x128xf32>
    %mul3A_3864 = arith.constant 23.0831203 : f32
    %mul3A_3865 = vector.broadcast %mul3A_3864 : f32 to vector<64x128xf32>
    %mul3A_3866 = arith.mulf %mul3A_3865, %get3A_3847 : vector<64x128xf32>
    %select_n3A_3867 = arith.select %ge3A_3857, %add3A_3863, %mul3A_3866 : vector<64x128xi1>, vector<64x128xf32>
    %swap3A_3868 = arith.constant 0 : index
    %swap3A_3869 = arith.constant 128 : index
    %swap3A_3870 = vector.load %arg26[%swap3A_3868, %swap3A_3869] : memref<64x2048xf32, #tpu.memory_space<vmem>>, vector<64x128xf32>
    tpu.vector_store %arg26[%swap3A_3868, %swap3A_3869], %select_n3A_3867 {strides = array<i32>} : memref<64x2048xf32, #tpu.memory_space<vmem>>, vector<64x128xf32>,
    %max3A_3871 = arith.maximumf %max3A_3844, %select_n3A_3867 : vector<64x128xf32>
    %get3A_3872 = arith.constant 0 : index
    %get3A_3873 = arith.constant 256 : index
    %get3A_3874 = vector.load %arg12[%get3A_3872, %get3A_3873] : memref<64x2048xf32, #tpu.memory_space<vmem>>, vector<64x128xf32>
    %get3A_3875 = arith.constant 0 : index
    %get3A_3876 = arith.constant 256 : index
    %get3A_3877 = vector.load %arg21[%get3A_3875, %get3A_3876] : memref<64x2048xf32, #tpu.memory_space<vmem>>, vector<64x128xf32>
    %ne3A_3878 = arith.constant 0.000000e+00 : f32
    %ne3A_3879 = vector.broadcast %ne3A_3878 : f32 to vector<64x128xf32>
    %ne3A_3880 = arith.cmpf one, %get3A_3877, %ne3A_3879 : vector<64x128xf32>
    %jit3A_3881 = arith.constant -1.000000e+04 : f32
    %broadcast_in_dim3A_3882 = vector.broadcast %jit3A_3881 : f32 to vector<64x128xf32>
    %select_n3A_3883 = arith.select %ne3A_3880, %get3A_3874, %broadcast_in_dim3A_3882 : vector<64x128xi1>, vector<64x128xf32>
    %ge3A_3884 = arith.cmpf oge, %select_n3A_3883, %get3A_3 : vector<64x128xf32>
    %mul3A_3885 = arith.constant 23.3601189 : f32
    %mul3A_3886 = vector.broadcast %mul3A_3885 : f32 to vector<64x128xf32>
    %mul3A_3887 = arith.mulf %mul3A_3886, %get3A_3874 : vector<64x128xf32>
    %add3A_3888 = arith.constant 0.276997447 : f32
    %add3A_3889 = vector.broadcast %add3A_3888 : f32 to vector<64x128xf32>
    %add3A_3890 = arith.addf %mul3A_3887, %add3A_3889 : vector<64x128xf32>
    %mul3A_3891 = arith.constant 23.0831203 : f32
    %mul3A_3892 = vector.broadcast %mul3A_3891 : f32 to vector<64x128xf32>
    %mul3A_3893 = arith.mulf %mul3A_3892, %get3A_3874 : vector<64x128xf32>
    %select_n3A_3894 = arith.select %ge3A_3884, %add3A_3890, %mul3A_3893 : vector<64x128xi1>, vector<64x128xf32>
    %swap3A_3895 = arith.constant 0 : index
    %swap3A_3896 = arith.constant 256 : index
    %swap3A_3897 = vector.load %arg26[%swap3A_3895, %swap3A_3896] : memref<64x2048xf32, #tpu.memory_space<vmem>>, vector<64x128xf32>
    tpu.vector_store %arg26[%swap3A_3895, %swap3A_3896], %select_n3A_3894 {strides = array<i32>} : memref<64x2048xf32, #tpu.memory_space<vmem>>, vector<64x128xf32>,
    %max3A_3898 = arith.maximumf %max3A_3871, %select_n3A_3894 : vector<64x128xf32>
    %get3A_3899 = arith.constant 0 : index
    %get3A_3900 = arith.constant 384 : index
    %get3A_3901 = vector.load %arg12[%get3A_3899, %get3A_3900] : memref<64x2048xf32, #tpu.memory_space<vmem>>, vector<64x128xf32>
    %get3A_3902 = arith.constant 0 : index
    %get3A_3903 = arith.constant 384 : index
    %get3A_3904 = vector.load %arg21[%get3A_3902, %get3A_3903] : memref<64x2048xf32, #tpu.memory_space<vmem>>, vector<64x128xf32>
    %ne3A_3905 = arith.constant 0.000000e+00 : f32
    %ne3A_3906 = vector.broadcast %ne3A_3905 : f32 to vector<64x128xf32>
    %ne3A_3907 = arith.cmpf one, %get3A_3904, %ne3A_3906 : vector<64x128xf32>
    %jit3A_3908 = arith.constant -1.000000e+04 : f32
    %broadcast_in_dim3A_3909 = vector.broadcast %jit3A_3908 : f32 to vector<64x128xf32>
    %select_n3A_3910 = arith.select %ne3A_3907, %get3A_3901, %broadcast_in_dim3A_3909 : vector<64x128xi1>, vector<64x128xf32>
    %ge3A_3911 = arith.cmpf oge, %select_n3A_3910, %get3A_3 : vector<64x128xf32>
    %mul3A_3912 = arith.constant 23.3601189 : f32
    %mul3A_3913 = vector.broadcast %mul3A_3912 : f32 to vector<64x128xf32>
    %mul3A_3914 = arith.mulf %mul3A_3913, %get3A_3901 : vector<64x128xf32>
    %add3A_3915 = arith.constant 0.276997447 : f32
    %add3A_3916 = vector.broadcast %add3A_3915 : f32 to vector<64x128xf32>
    %add3A_3917 = arith.addf %mul3A_3914, %add3A_3916 : vector<64x128xf32>
    %mul3A_3918 = arith.constant 23.0831203 : f32
    %mul3A_3919 = vector.broadcast %mul3A_3918 : f32 to vector<64x128xf32>
    %mul3A_3920 = arith.mulf %mul3A_3919, %get3A_3901 : vector<64x128xf32>
    %select_n3A_3921 = arith.select %ge3A_3911, %add3A_3917, %mul3A_3920 : vector<64x128xi1>, vector<64x128xf32>
    %swap3A_3922 = arith.constant 0 : index
    %swap3A_3923 = arith.constant 384 : index
    %swap3A_3924 = vector.load %arg26[%swap3A_3922, %swap3A_3923] : memref<64x2048xf32, #tpu.memory_space<vmem>>, vector<64x128xf32>
    tpu.vector_store %arg26[%swap3A_3922, %swap3A_3923], %select_n3A_3921 {strides = array<i32>} : memref<64x2048xf32, #tpu.memory_space<vmem>>, vector<64x128xf32>,
    %max3A_3925 = arith.maximumf %max3A_3898, %select_n3A_3921 : vector<64x128xf32>
    %get3A_3926 = arith.constant 0 : index
    %get3A_3927 = arith.constant 512 : index
    %get3A_3928 = vector.load %arg12[%get3A_3926, %get3A_3927] : memref<64x2048xf32, #tpu.memory_space<vmem>>, vector<64x128xf32>
    %get3A_3929 = arith.constant 0 : index
    %get3A_3930 = arith.constant 512 : index
    %get3A_3931 = vector.load %arg21[%get3A_3929, %get3A_3930] : memref<64x2048xf32, #tpu.memory_space<vmem>>, vector<64x128xf32>
    %ne3A_3932 = arith.constant 0.000000e+00 : f32
    %ne3A_3933 = vector.broadcast %ne3A_3932 : f32 to vector<64x128xf32>
    %ne3A_3934 = arith.cmpf one, %get3A_3931, %ne3A_3933 : vector<64x128xf32>
    %jit3A_3935 = arith.constant -1.000000e+04 : f32
    %broadcast_in_dim3A_3936 = vector.broadcast %jit3A_3935 : f32 to vector<64x128xf32>
    %select_n3A_3937 = arith.select %ne3A_3934, %get3A_3928, %broadcast_in_dim3A_3936 : vector<64x128xi1>, vector<64x128xf32>
    %ge3A_3938 = arith.cmpf oge, %select_n3A_3937, %get3A_3 : vector<64x128xf32>
    %mul3A_3939 = arith.constant 23.3601189 : f32
    %mul3A_3940 = vector.broadcast %mul3A_3939 : f32 to vector<64x128xf32>
    %mul3A_3941 = arith.mulf %mul3A_3940, %get3A_3928 : vector<64x128xf32>
    %add3A_3942 = arith.constant 0.276997447 : f32
    %add3A_3943 = vector.broadcast %add3A_3942 : f32 to vector<64x128xf32>
    %add3A_3944 = arith.addf %mul3A_3941, %add3A_3943 : vector<64x128xf32>
    %mul3A_3945 = arith.constant 23.0831203 : f32
    %mul3A_3946 = vector.broadcast %mul3A_3945 : f32 to vector<64x128xf32>
    %mul3A_3947 = arith.mulf %mul3A_3946, %get3A_3928 : vector<64x128xf32>
    %select_n3A_3948 = arith.select %ge3A_3938, %add3A_3944, %mul3A_3947 : vector<64x128xi1>, vector<64x128xf32>
    %swap3A_3949 = arith.constant 0 : index
    %swap3A_3950 = arith.constant 512 : index
    %swap3A_3951 = vector.load %arg26[%swap3A_3949, %swap3A_3950] : memref<64x2048xf32, #tpu.memory_space<vmem>>, vector<64x128xf32>
    tpu.vector_store %arg26[%swap3A_3949, %swap3A_3950], %select_n3A_3948 {strides = array<i32>} : memref<64x2048xf32, #tpu.memory_space<vmem>>, vector<64x128xf32>,
    %max3A_3952 = arith.maximumf %max3A_3925, %select_n3A_3948 : vector<64x128xf32>
    %get3A_3953 = arith.constant 0 : index
    %get3A_3954 = arith.constant 640 : index
    %get3A_3955 = vector.load %arg12[%get3A_3953, %get3A_3954] : memref<64x2048xf32, #tpu.memory_space<vmem>>, vector<64x128xf32>
    %get3A_3956 = arith.constant 0 : index
    %get3A_3957 = arith.constant 640 : index
    %get3A_3958 = vector.load %arg21[%get3A_3956, %get3A_3957] : memref<64x2048xf32, #tpu.memory_space<vmem>>, vector<64x128xf32>
    %ne3A_3959 = arith.constant 0.000000e+00 : f32
    %ne3A_3960 = vector.broadcast %ne3A_3959 : f32 to vector<64x128xf32>
    %ne3A_3961 = arith.cmpf one, %get3A_3958, %ne3A_3960 : vector<64x128xf32>
    %jit3A_3962 = arith.constant -1.000000e+04 : f32
    %broadcast_in_dim3A_3963 = vector.broadcast %jit3A_3962 : f32 to vector<64x128xf32>
    %select_n3A_3964 = arith.select %ne3A_3961, %get3A_3955, %broadcast_in_dim3A_3963 : vector<64x128xi1>, vector<64x128xf32>
    %ge3A_3965 = arith.cmpf oge, %select_n3A_3964, %get3A_3 : vector<64x128xf32>
    %mul3A_3966 = arith.constant 23.3601189 : f32
    %mul3A_3967 = vector.broadcast %mul3A_3966 : f32 to vector<64x128xf32>
    %mul3A_3968 = arith.mulf %mul3A_3967, %get3A_3955 : vector<64x128xf32>
    %add3A_3969 = arith.constant 0.276997447 : f32
    %add3A_3970 = vector.broadcast %add3A_3969 : f32 to vector<64x128xf32>
    %add3A_3971 = arith.addf %mul3A_3968, %add3A_3970 : vector<64x128xf32>
    %mul3A_3972 = arith.constant 23.0831203 : f32
    %mul3A_3973 = vector.broadcast %mul3A_3972 : f32 to vector<64x128xf32>
    %mul3A_3974 = arith.mulf %mul3A_3973, %get3A_3955 : vector<64x128xf32>
    %select_n3A_3975 = arith.select %ge3A_3965, %add3A_3971, %mul3A_3974 : vector<64x128xi1>, vector<64x128xf32>
    %swap3A_3976 = arith.constant 0 : index
    %swap3A_3977 = arith.constant 640 : index
    %swap3A_3978 = vector.load %arg26[%swap3A_3976, %swap3A_3977] : memref<64x2048xf32, #tpu.memory_space<vmem>>, vector<64x128xf32>
    tpu.vector_store %arg26[%swap3A_3976, %swap3A_3977], %select_n3A_3975 {strides = array<i32>} : memref<64x2048xf32, #tpu.memory_space<vmem>>, vector<64x128xf32>,
    %max3A_3979 = arith.maximumf %max3A_3952, %select_n3A_3975 : vector<64x128xf32>
    %get3A_3980 = arith.constant 0 : index
    %get3A_3981 = arith.constant 768 : index
    %get3A_3982 = vector.load %arg12[%get3A_3980, %get3A_3981] : memref<64x2048xf32, #tpu.memory_space<vmem>>, vector<64x128xf32>
    %get3A_3983 = arith.constant 0 : index
    %get3A_3984 = arith.constant 768 : index
    %get3A_3985 = vector.load %arg21[%get3A_3983, %get3A_3984] : memref<64x2048xf32, #tpu.memory_space<vmem>>, vector<64x128xf32>
    %ne3A_3986 = arith.constant 0.000000e+00 : f32
    %ne3A_3987 = vector.broadcast %ne3A_3986 : f32 to vector<64x128xf32>
    %ne3A_3988 = arith.cmpf one, %get3A_3985, %ne3A_3987 : vector<64x128xf32>
    %jit3A_3989 = arith.constant -1.000000e+04 : f32
    %broadcast_in_dim3A_3990 = vector.broadcast %jit3A_3989 : f32 to vector<64x128xf32>
    %select_n3A_3991 = arith.select %ne3A_3988, %get3A_3982, %broadcast_in_dim3A_3990 : vector<64x128xi1>, vector<64x128xf32>
    %ge3A_3992 = arith.cmpf oge, %select_n3A_3991, %get3A_3 : vector<64x128xf32>
    %mul3A_3993 = arith.constant 23.3601189 : f32
    %mul3A_3994 = vector.broadcast %mul3A_3993 : f32 to vector<64x128xf32>
    %mul3A_3995 = arith.mulf %mul3A_3994, %get3A_3982 : vector<64x128xf32>
    %add3A_3996 = arith.constant 0.276997447 : f32
    %add3A_3997 = vector.broadcast %add3A_3996 : f32 to vector<64x128xf32>
    %add3A_3998 = arith.addf %mul3A_3995, %add3A_3997 : vector<64x128xf32>
    %mul3A_3999 = arith.constant 23.0831203 : f32
    %mul3A_4000 = vector.broadcast %mul3A_3999 : f32 to vector<64x128xf32>
    %mul3A_4001 = arith.mulf %mul3A_4000, %get3A_3982 : vector<64x128xf32>
    %select_n3A_4002 = arith.select %ge3A_3992, %add3A_3998, %mul3A_4001 : vector<64x128xi1>, vector<64x128xf32>
    %swap3A_4003 = arith.constant 0 : index
    %swap3A_4004 = arith.constant 768 : index
    %swap3A_4005 = vector.load %arg26[%swap3A_4003, %swap3A_4004] : memref<64x2048xf32, #tpu.memory_space<vmem>>, vector<64x128xf32>
    tpu.vector_store %arg26[%swap3A_4003, %swap3A_4004], %select_n3A_4002 {strides = array<i32>} : memref<64x2048xf32, #tpu.memory_space<vmem>>, vector<64x128xf32>,
    %max3A_4006 = arith.maximumf %max3A_3979, %select_n3A_4002 : vector<64x128xf32>
    %get3A_4007 = arith.constant 0 : index
    %get3A_4008 = arith.constant 896 : index
    %get3A_4009 = vector.load %arg12[%get3A_4007, %get3A_4008] : memref<64x2048xf32, #tpu.memory_space<vmem>>, vector<64x128xf32>
    %get3A_4010 = arith.constant 0 : index
    %get3A_4011 = arith.constant 896 : index
    %get3A_4012 = vector.load %arg21[%get3A_4010, %get3A_4011] : memref<64x2048xf32, #tpu.memory_space<vmem>>, vector<64x128xf32>
    %ne3A_4013 = arith.constant 0.000000e+00 : f32
    %ne3A_4014 = vector.broadcast %ne3A_4013 : f32 to vector<64x128xf32>
    %ne3A_4015 = arith.cmpf one, %get3A_4012, %ne3A_4014 : vector<64x128xf32>
    %jit3A_4016 = arith.constant -1.000000e+04 : f32
    %broadcast_in_dim3A_4017 = vector.broadcast %jit3A_4016 : f32 to vector<64x128xf32>
    %select_n3A_4018 = arith.select %ne3A_4015, %get3A_4009, %broadcast_in_dim3A_4017 : vector<64x128xi1>, vector<64x128xf32>
    %ge3A_4019 = arith.cmpf oge, %select_n3A_4018, %get3A_3 : vector<64x128xf32>
    %mul3A_4020 = arith.constant 23.3601189 : f32
    %mul3A_4021 = vector.broadcast %mul3A_4020 : f32 to vector<64x128xf32>
    %mul3A_4022 = arith.mulf %mul3A_4021, %get3A_4009 : vector<64x128xf32>
    %add3A_4023 = arith.constant 0.276997447 : f32
    %add3A_4024 = vector.broadcast %add3A_4023 : f32 to vector<64x128xf32>
    %add3A_4025 = arith.addf %mul3A_4022, %add3A_4024 : vector<64x128xf32>
    %mul3A_4026 = arith.constant 23.0831203 : f32
    %mul3A_4027 = vector.broadcast %mul3A_4026 : f32 to vector<64x128xf32>
    %mul3A_4028 = arith.mulf %mul3A_4027, %get3A_4009 : vector<64x128xf32>
    %select_n3A_4029 = arith.select %ge3A_4019, %add3A_4025, %mul3A_4028 : vector<64x128xi1>, vector<64x128xf32>
    %swap3A_4030 = arith.constant 0 : index
    %swap3A_4031 = arith.constant 896 : index
    %swap3A_4032 = vector.load %arg26[%swap3A_4030, %swap3A_4031] : memref<64x2048xf32, #tpu.memory_space<vmem>>, vector<64x128xf32>
    tpu.vector_store %arg26[%swap3A_4030, %swap3A_4031], %select_n3A_4029 {strides = array<i32>} : memref<64x2048xf32, #tpu.memory_space<vmem>>, vector<64x128xf32>,
    %max3A_4033 = arith.maximumf %max3A_4006, %select_n3A_4029 : vector<64x128xf32>
    %get3A_4034 = arith.constant 0 : index
    %get3A_4035 = arith.constant 1024 : index
    %get3A_4036 = vector.load %arg12[%get3A_4034, %get3A_4035] : memref<64x2048xf32, #tpu.memory_space<vmem>>, vector<64x128xf32>
    %get3A_4037 = arith.constant 0 : index
    %get3A_4038 = arith.constant 1024 : index
    %get3A_4039 = vector.load %arg21[%get3A_4037, %get3A_4038] : memref<64x2048xf32, #tpu.memory_space<vmem>>, vector<64x128xf32>
    %ne3A_4040 = arith.constant 0.000000e+00 : f32
    %ne3A_4041 = vector.broadcast %ne3A_4040 : f32 to vector<64x128xf32>
    %ne3A_4042 = arith.cmpf one, %get3A_4039, %ne3A_4041 : vector<64x128xf32>
    %jit3A_4043 = arith.constant -1.000000e+04 : f32
    %broadcast_in_dim3A_4044 = vector.broadcast %jit3A_4043 : f32 to vector<64x128xf32>
    %select_n3A_4045 = arith.select %ne3A_4042, %get3A_4036, %broadcast_in_dim3A_4044 : vector<64x128xi1>, vector<64x128xf32>
    %ge3A_4046 = arith.cmpf oge, %select_n3A_4045, %get3A_3 : vector<64x128xf32>
    %mul3A_4047 = arith.constant 23.3601189 : f32
    %mul3A_4048 = vector.broadcast %mul3A_4047 : f32 to vector<64x128xf32>
    %mul3A_4049 = arith.mulf %mul3A_4048, %get3A_4036 : vector<64x128xf32>
    %add3A_4050 = arith.constant 0.276997447 : f32
    %add3A_4051 = vector.broadcast %add3A_4050 : f32 to vector<64x128xf32>
    %add3A_4052 = arith.addf %mul3A_4049, %add3A_4051 : vector<64x128xf32>
    %mul3A_4053 = arith.constant 23.0831203 : f32
    %mul3A_4054 = vector.broadcast %mul3A_4053 : f32 to vector<64x128xf32>
    %mul3A_4055 = arith.mulf %mul3A_4054, %get3A_4036 : vector<64x128xf32>
    %select_n3A_4056 = arith.select %ge3A_4046, %add3A_4052, %mul3A_4055 : vector<64x128xi1>, vector<64x128xf32>
    %swap3A_4057 = arith.constant 0 : index
    %swap3A_4058 = arith.constant 1024 : index
    %swap3A_4059 = vector.load %arg26[%swap3A_4057, %swap3A_4058] : memref<64x2048xf32, #tpu.memory_space<vmem>>, vector<64x128xf32>
    tpu.vector_store %arg26[%swap3A_4057, %swap3A_4058], %select_n3A_4056 {strides = array<i32>} : memref<64x2048xf32, #tpu.memory_space<vmem>>, vector<64x128xf32>,
    %max3A_4060 = arith.maximumf %max3A_4033, %select_n3A_4056 : vector<64x128xf32>
    %get3A_4061 = arith.constant 0 : index
    %get3A_4062 = arith.constant 1152 : index
    %get3A_4063 = vector.load %arg12[%get3A_4061, %get3A_4062] : memref<64x2048xf32, #tpu.memory_space<vmem>>, vector<64x128xf32>
    %get3A_4064 = arith.constant 0 : index
    %get3A_4065 = arith.constant 1152 : index
    %get3A_4066 = vector.load %arg21[%get3A_4064, %get3A_4065] : memref<64x2048xf32, #tpu.memory_space<vmem>>, vector<64x128xf32>
    %ne3A_4067 = arith.constant 0.000000e+00 : f32
    %ne3A_4068 = vector.broadcast %ne3A_4067 : f32 to vector<64x128xf32>
    %ne3A_4069 = arith.cmpf one, %get3A_4066, %ne3A_4068 : vector<64x128xf32>
    %jit3A_4070 = arith.constant -1.000000e+04 : f32
    %broadcast_in_dim3A_4071 = vector.broadcast %jit3A_4070 : f32 to vector<64x128xf32>
    %select_n3A_4072 = arith.select %ne3A_4069, %get3A_4063, %broadcast_in_dim3A_4071 : vector<64x128xi1>, vector<64x128xf32>
    %ge3A_4073 = arith.cmpf oge, %select_n3A_4072, %get3A_3 : vector<64x128xf32>
    %mul3A_4074 = arith.constant 23.3601189 : f32
    %mul3A_4075 = vector.broadcast %mul3A_4074 : f32 to vector<64x128xf32>
    %mul3A_4076 = arith.mulf %mul3A_4075, %get3A_4063 : vector<64x128xf32>
    %add3A_4077 = arith.constant 0.276997447 : f32
    %add3A_4078 = vector.broadcast %add3A_4077 : f32 to vector<64x128xf32>
    %add3A_4079 = arith.addf %mul3A_4076, %add3A_4078 : vector<64x128xf32>
    %mul3A_4080 = arith.constant 23.0831203 : f32
    %mul3A_4081 = vector.broadcast %mul3A_4080 : f32 to vector<64x128xf32>
    %mul3A_4082 = arith.mulf %mul3A_4081, %get3A_4063 : vector<64x128xf32>
    %select_n3A_4083 = arith.select %ge3A_4073, %add3A_4079, %mul3A_4082 : vector<64x128xi1>, vector<64x128xf32>
    %swap3A_4084 = arith.constant 0 : index
    %swap3A_4085 = arith.constant 1152 : index
    %swap3A_4086 = vector.load %arg26[%swap3A_4084, %swap3A_4085] : memref<64x2048xf32, #tpu.memory_space<vmem>>, vector<64x128xf32>
    tpu.vector_store %arg26[%swap3A_4084, %swap3A_4085], %select_n3A_4083 {strides = array<i32>} : memref<64x2048xf32, #tpu.memory_space<vmem>>, vector<64x128xf32>,
    %max3A_4087 = arith.maximumf %max3A_4060, %select_n3A_4083 : vector<64x128xf32>
    %get3A_4088 = arith.constant 0 : index
    %get3A_4089 = arith.constant 1280 : index
    %get3A_4090 = vector.load %arg12[%get3A_4088, %get3A_4089] : memref<64x2048xf32, #tpu.memory_space<vmem>>, vector<64x128xf32>
    %get3A_4091 = arith.constant 0 : index
    %get3A_4092 = arith.constant 1280 : index
    %get3A_4093 = vector.load %arg21[%get3A_4091, %get3A_4092] : memref<64x2048xf32, #tpu.memory_space<vmem>>, vector<64x128xf32>
    %ne3A_4094 = arith.constant 0.000000e+00 : f32
    %ne3A_4095 = vector.broadcast %ne3A_4094 : f32 to vector<64x128xf32>
    %ne3A_4096 = arith.cmpf one, %get3A_4093, %ne3A_4095 : vector<64x128xf32>
    %jit3A_4097 = arith.constant -1.000000e+04 : f32
    %broadcast_in_dim3A_4098 = vector.broadcast %jit3A_4097 : f32 to vector<64x128xf32>
    %select_n3A_4099 = arith.select %ne3A_4096, %get3A_4090, %broadcast_in_dim3A_4098 : vector<64x128xi1>, vector<64x128xf32>
    %ge3A_4100 = arith.cmpf oge, %select_n3A_4099, %get3A_3 : vector<64x128xf32>
    %mul3A_4101 = arith.constant 23.3601189 : f32
    %mul3A_4102 = vector.broadcast %mul3A_4101 : f32 to vector<64x128xf32>
    %mul3A_4103 = arith.mulf %mul3A_4102, %get3A_4090 : vector<64x128xf32>
    %add3A_4104 = arith.constant 0.276997447 : f32
    %add3A_4105 = vector.broadcast %add3A_4104 : f32 to vector<64x128xf32>
    %add3A_4106 = arith.addf %mul3A_4103, %add3A_4105 : vector<64x128xf32>
    %mul3A_4107 = arith.constant 23.0831203 : f32
    %mul3A_4108 = vector.broadcast %mul3A_4107 : f32 to vector<64x128xf32>
    %mul3A_4109 = arith.mulf %mul3A_4108, %get3A_4090 : vector<64x128xf32>
    %select_n3A_4110 = arith.select %ge3A_4100, %add3A_4106, %mul3A_4109 : vector<64x128xi1>, vector<64x128xf32>
    %swap3A_4111 = arith.constant 0 : index
    %swap3A_4112 = arith.constant 1280 : index
    %swap3A_4113 = vector.load %arg26[%swap3A_4111, %swap3A_4112] : memref<64x2048xf32, #tpu.memory_space<vmem>>, vector<64x128xf32>
    tpu.vector_store %arg26[%swap3A_4111, %swap3A_4112], %select_n3A_4110 {strides = array<i32>} : memref<64x2048xf32, #tpu.memory_space<vmem>>, vector<64x128xf32>,
    %max3A_4114 = arith.maximumf %max3A_4087, %select_n3A_4110 : vector<64x128xf32>
    %get3A_4115 = arith.constant 0 : index
    %get3A_4116 = arith.constant 1408 : index
    %get3A_4117 = vector.load %arg12[%get3A_4115, %get3A_4116] : memref<64x2048xf32, #tpu.memory_space<vmem>>, vector<64x128xf32>
    %get3A_4118 = arith.constant 0 : index
    %get3A_4119 = arith.constant 1408 : index
    %get3A_4120 = vector.load %arg21[%get3A_4118, %get3A_4119] : memref<64x2048xf32, #tpu.memory_space<vmem>>, vector<64x128xf32>
    %ne3A_4121 = arith.constant 0.000000e+00 : f32
    %ne3A_4122 = vector.broadcast %ne3A_4121 : f32 to vector<64x128xf32>
    %ne3A_4123 = arith.cmpf one, %get3A_4120, %ne3A_4122 : vector<64x128xf32>
    %jit3A_4124 = arith.constant -1.000000e+04 : f32
    %broadcast_in_dim3A_4125 = vector.broadcast %jit3A_4124 : f32 to vector<64x128xf32>
    %select_n3A_4126 = arith.select %ne3A_4123, %get3A_4117, %broadcast_in_dim3A_4125 : vector<64x128xi1>, vector<64x128xf32>
    %ge3A_4127 = arith.cmpf oge, %select_n3A_4126, %get3A_3 : vector<64x128xf32>
    %mul3A_4128 = arith.constant 23.3601189 : f32
    %mul3A_4129 = vector.broadcast %mul3A_4128 : f32 to vector<64x128xf32>
    %mul3A_4130 = arith.mulf %mul3A_4129, %get3A_4117 : vector<64x128xf32>
    %add3A_4131 = arith.constant 0.276997447 : f32
    %add3A_4132 = vector.broadcast %add3A_4131 : f32 to vector<64x128xf32>
    %add3A_4133 = arith.addf %mul3A_4130, %add3A_4132 : vector<64x128xf32>
    %mul3A_4134 = arith.constant 23.0831203 : f32
    %mul3A_4135 = vector.broadcast %mul3A_4134 : f32 to vector<64x128xf32>
    %mul3A_4136 = arith.mulf %mul3A_4135, %get3A_4117 : vector<64x128xf32>
    %select_n3A_4137 = arith.select %ge3A_4127, %add3A_4133, %mul3A_4136 : vector<64x128xi1>, vector<64x128xf32>
    %swap3A_4138 = arith.constant 0 : index
    %swap3A_4139 = arith.constant 1408 : index
    %swap3A_4140 = vector.load %arg26[%swap3A_4138, %swap3A_4139] : memref<64x2048xf32, #tpu.memory_space<vmem>>, vector<64x128xf32>
    tpu.vector_store %arg26[%swap3A_4138, %swap3A_4139], %select_n3A_4137 {strides = array<i32>} : memref<64x2048xf32, #tpu.memory_space<vmem>>, vector<64x128xf32>,
    %max3A_4141 = arith.maximumf %max3A_4114, %select_n3A_4137 : vector<64x128xf32>
    %get3A_4142 = arith.constant 0 : index
    %get3A_4143 = arith.constant 1536 : index
    %get3A_4144 = vector.load %arg12[%get3A_4142, %get3A_4143] : memref<64x2048xf32, #tpu.memory_space<vmem>>, vector<64x128xf32>
    %get3A_4145 = arith.constant 0 : index
    %get3A_4146 = arith.constant 1536 : index
    %get3A_4147 = vector.load %arg21[%get3A_4145, %get3A_4146] : memref<64x2048xf32, #tpu.memory_space<vmem>>, vector<64x128xf32>
    %ne3A_4148 = arith.constant 0.000000e+00 : f32
    %ne3A_4149 = vector.broadcast %ne3A_4148 : f32 to vector<64x128xf32>
    %ne3A_4150 = arith.cmpf one, %get3A_4147, %ne3A_4149 : vector<64x128xf32>
    %jit3A_4151 = arith.constant -1.000000e+04 : f32
    %broadcast_in_dim3A_4152 = vector.broadcast %jit3A_4151 : f32 to vector<64x128xf32>
    %select_n3A_4153 = arith.select %ne3A_4150, %get3A_4144, %broadcast_in_dim3A_4152 : vector<64x128xi1>, vector<64x128xf32>
    %ge3A_4154 = arith.cmpf oge, %select_n3A_4153, %get3A_3 : vector<64x128xf32>
    %mul3A_4155 = arith.constant 23.3601189 : f32
    %mul3A_4156 = vector.broadcast %mul3A_4155 : f32 to vector<64x128xf32>
    %mul3A_4157 = arith.mulf %mul3A_4156, %get3A_4144 : vector<64x128xf32>
    %add3A_4158 = arith.constant 0.276997447 : f32
    %add3A_4159 = vector.broadcast %add3A_4158 : f32 to vector<64x128xf32>
    %add3A_4160 = arith.addf %mul3A_4157, %add3A_4159 : vector<64x128xf32>
    %mul3A_4161 = arith.constant 23.0831203 : f32
    %mul3A_4162 = vector.broadcast %mul3A_4161 : f32 to vector<64x128xf32>
    %mul3A_4163 = arith.mulf %mul3A_4162, %get3A_4144 : vector<64x128xf32>
    %select_n3A_4164 = arith.select %ge3A_4154, %add3A_4160, %mul3A_4163 : vector<64x128xi1>, vector<64x128xf32>
    %swap3A_4165 = arith.constant 0 : index
    %swap3A_4166 = arith.constant 1536 : index
    %swap3A_4167 = vector.load %arg26[%swap3A_4165, %swap3A_4166] : memref<64x2048xf32, #tpu.memory_space<vmem>>, vector<64x128xf32>
    tpu.vector_store %arg26[%swap3A_4165, %swap3A_4166], %select_n3A_4164 {strides = array<i32>} : memref<64x2048xf32, #tpu.memory_space<vmem>>, vector<64x128xf32>,
    %max3A_4168 = arith.maximumf %max3A_4141, %select_n3A_4164 : vector<64x128xf32>
    %get3A_4169 = arith.constant 0 : index
    %get3A_4170 = arith.constant 1664 : index
    %get3A_4171 = vector.load %arg12[%get3A_4169, %get3A_4170] : memref<64x2048xf32, #tpu.memory_space<vmem>>, vector<64x128xf32>
    %get3A_4172 = arith.constant 0 : index
    %get3A_4173 = arith.constant 1664 : index
    %get3A_4174 = vector.load %arg21[%get3A_4172, %get3A_4173] : memref<64x2048xf32, #tpu.memory_space<vmem>>, vector<64x128xf32>
    %ne3A_4175 = arith.constant 0.000000e+00 : f32
    %ne3A_4176 = vector.broadcast %ne3A_4175 : f32 to vector<64x128xf32>
    %ne3A_4177 = arith.cmpf one, %get3A_4174, %ne3A_4176 : vector<64x128xf32>
    %jit3A_4178 = arith.constant -1.000000e+04 : f32
    %broadcast_in_dim3A_4179 = vector.broadcast %jit3A_4178 : f32 to vector<64x128xf32>
    %select_n3A_4180 = arith.select %ne3A_4177, %get3A_4171, %broadcast_in_dim3A_4179 : vector<64x128xi1>, vector<64x128xf32>
    %ge3A_4181 = arith.cmpf oge, %select_n3A_4180, %get3A_3 : vector<64x128xf32>
    %mul3A_4182 = arith.constant 23.3601189 : f32
    %mul3A_4183 = vector.broadcast %mul3A_4182 : f32 to vector<64x128xf32>
    %mul3A_4184 = arith.mulf %mul3A_4183, %get3A_4171 : vector<64x128xf32>
    %add3A_4185 = arith.constant 0.276997447 : f32
    %add3A_4186 = vector.broadcast %add3A_4185 : f32 to vector<64x128xf32>
    %add3A_4187 = arith.addf %mul3A_4184, %add3A_4186 : vector<64x128xf32>
    %mul3A_4188 = arith.constant 23.0831203 : f32
    %mul3A_4189 = vector.broadcast %mul3A_4188 : f32 to vector<64x128xf32>
    %mul3A_4190 = arith.mulf %mul3A_4189, %get3A_4171 : vector<64x128xf32>
    %select_n3A_4191 = arith.select %ge3A_4181, %add3A_4187, %mul3A_4190 : vector<64x128xi1>, vector<64x128xf32>
    %swap3A_4192 = arith.constant 0 : index
    %swap3A_4193 = arith.constant 1664 : index
    %swap3A_4194 = vector.load %arg26[%swap3A_4192, %swap3A_4193] : memref<64x2048xf32, #tpu.memory_space<vmem>>, vector<64x128xf32>
    tpu.vector_store %arg26[%swap3A_4192, %swap3A_4193], %select_n3A_4191 {strides = array<i32>} : memref<64x2048xf32, #tpu.memory_space<vmem>>, vector<64x128xf32>,
    %max3A_4195 = arith.maximumf %max3A_4168, %select_n3A_4191 : vector<64x128xf32>
    %get3A_4196 = arith.constant 0 : index
    %get3A_4197 = arith.constant 1792 : index
    %get3A_4198 = vector.load %arg12[%get3A_4196, %get3A_4197] : memref<64x2048xf32, #tpu.memory_space<vmem>>, vector<64x128xf32>
    %get3A_4199 = arith.constant 0 : index
    %get3A_4200 = arith.constant 1792 : index
    %get3A_4201 = vector.load %arg21[%get3A_4199, %get3A_4200] : memref<64x2048xf32, #tpu.memory_space<vmem>>, vector<64x128xf32>
    %ne3A_4202 = arith.constant 0.000000e+00 : f32
    %ne3A_4203 = vector.broadcast %ne3A_4202 : f32 to vector<64x128xf32>
    %ne3A_4204 = arith.cmpf one, %get3A_4201, %ne3A_4203 : vector<64x128xf32>
    %jit3A_4205 = arith.constant -1.000000e+04 : f32
    %broadcast_in_dim3A_4206 = vector.broadcast %jit3A_4205 : f32 to vector<64x128xf32>
    %select_n3A_4207 = arith.select %ne3A_4204, %get3A_4198, %broadcast_in_dim3A_4206 : vector<64x128xi1>, vector<64x128xf32>
    %ge3A_4208 = arith.cmpf oge, %select_n3A_4207, %get3A_3 : vector<64x128xf32>
    %mul3A_4209 = arith.constant 23.3601189 : f32
    %mul3A_4210 = vector.broadcast %mul3A_4209 : f32 to vector<64x128xf32>
    %mul3A_4211 = arith.mulf %mul3A_4210, %get3A_4198 : vector<64x128xf32>
    %add3A_4212 = arith.constant 0.276997447 : f32
    %add3A_4213 = vector.broadcast %add3A_4212 : f32 to vector<64x128xf32>
    %add3A_4214 = arith.addf %mul3A_4211, %add3A_4213 : vector<64x128xf32>
    %mul3A_4215 = arith.constant 23.0831203 : f32
    %mul3A_4216 = vector.broadcast %mul3A_4215 : f32 to vector<64x128xf32>
    %mul3A_4217 = arith.mulf %mul3A_4216, %get3A_4198 : vector<64x128xf32>
    %select_n3A_4218 = arith.select %ge3A_4208, %add3A_4214, %mul3A_4217 : vector<64x128xi1>, vector<64x128xf32>
    %swap3A_4219 = arith.constant 0 : index
    %swap3A_4220 = arith.constant 1792 : index
    %swap3A_4221 = vector.load %arg26[%swap3A_4219, %swap3A_4220] : memref<64x2048xf32, #tpu.memory_space<vmem>>, vector<64x128xf32>
    tpu.vector_store %arg26[%swap3A_4219, %swap3A_4220], %select_n3A_4218 {strides = array<i32>} : memref<64x2048xf32, #tpu.memory_space<vmem>>, vector<64x128xf32>,
    %max3A_4222 = arith.maximumf %max3A_4195, %select_n3A_4218 : vector<64x128xf32>
    %get3A_4223 = arith.constant 0 : index
    %get3A_4224 = arith.constant 1920 : index
    %get3A_4225 = vector.load %arg12[%get3A_4223, %get3A_4224] : memref<64x2048xf32, #tpu.memory_space<vmem>>, vector<64x128xf32>
    %get3A_4226 = arith.constant 0 : index
    %get3A_4227 = arith.constant 1920 : index
    %get3A_4228 = vector.load %arg21[%get3A_4226, %get3A_4227] : memref<64x2048xf32, #tpu.memory_space<vmem>>, vector<64x128xf32>
    %ne3A_4229 = arith.constant 0.000000e+00 : f32
    %ne3A_4230 = vector.broadcast %ne3A_4229 : f32 to vector<64x128xf32>
    %ne3A_4231 = arith.cmpf one, %get3A_4228, %ne3A_4230 : vector<64x128xf32>
    %jit3A_4232 = arith.constant -1.000000e+04 : f32
    %broadcast_in_dim3A_4233 = vector.broadcast %jit3A_4232 : f32 to vector<64x128xf32>
    %select_n3A_4234 = arith.select %ne3A_4231, %get3A_4225, %broadcast_in_dim3A_4233 : vector<64x128xi1>, vector<64x128xf32>
    %ge3A_4235 = arith.cmpf oge, %select_n3A_4234, %get3A_3 : vector<64x128xf32>
    %mul3A_4236 = arith.constant 23.3601189 : f32
    %mul3A_4237 = vector.broadcast %mul3A_4236 : f32 to vector<64x128xf32>
    %mul3A_4238 = arith.mulf %mul3A_4237, %get3A_4225 : vector<64x128xf32>
    %add3A_4239 = arith.constant 0.276997447 : f32
    %add3A_4240 = vector.broadcast %add3A_4239 : f32 to vector<64x128xf32>
    %add3A_4241 = arith.addf %mul3A_4238, %add3A_4240 : vector<64x128xf32>
    %mul3A_4242 = arith.constant 23.0831203 : f32
    %mul3A_4243 = vector.broadcast %mul3A_4242 : f32 to vector<64x128xf32>
    %mul3A_4244 = arith.mulf %mul3A_4243, %get3A_4225 : vector<64x128xf32>
    %select_n3A_4245 = arith.select %ge3A_4235, %add3A_4241, %mul3A_4244 : vector<64x128xi1>, vector<64x128xf32>
    %swap3A_4246 = arith.constant 0 : index
    %swap3A_4247 = arith.constant 1920 : index
    %swap3A_4248 = vector.load %arg26[%swap3A_4246, %swap3A_4247] : memref<64x2048xf32, #tpu.memory_space<vmem>>, vector<64x128xf32>
    tpu.vector_store %arg26[%swap3A_4246, %swap3A_4247], %select_n3A_4245 {strides = array<i32>} : memref<64x2048xf32, #tpu.memory_space<vmem>>, vector<64x128xf32>,
    %max3A_4249 = arith.maximumf %max3A_4222, %select_n3A_4245 : vector<64x128xf32>
    %get3A_4250 = arith.constant 0 : index
    %get3A_4251 = arith.constant 0 : index
    %get3A_4252 = vector.load %arg25[%get3A_4250, %get3A_4251] : memref<64x128xf32, #tpu.memory_space<vmem>>, vector<64x128xf32>
    %sub3A_4253 = arith.subf %get3A_3817, %max3A_4249 : vector<64x128xf32>
    %exp23A_4254 = math.exp2 %sub3A_4253 : vector<64x128xf32>
    %mul3A_4255 = arith.mulf %get3A_4252, %exp23A_4254 : vector<64x128xf32>
    %broadcast_in_dim3A_4256 = arith.constant 0.000000e+00 : f32
    %broadcast_in_dim3A_4257 = vector.broadcast %broadcast_in_dim3A_4256 : f32 to vector<64x128xf32>
    %get3A_4258 = arith.constant 0 : index
    %get3A_4259 = arith.constant 0 : index
    %get3A_4260 = vector.load %arg26[%get3A_4258, %get3A_4259] : memref<64x2048xf32, #tpu.memory_space<vmem>>, vector<64x128xf32>
    %sub3A_4261 = arith.subf %get3A_4260, %max3A_4249 : vector<64x128xf32>
    %exp23A_4262 = math.exp2 %sub3A_4261 : vector<64x128xf32>
    %add3A_4263 = arith.addf %mul3A_4255, %exp23A_4262 : vector<64x128xf32>
    %get3A_4264 = arith.constant 0 : index
    %get3A_4265 = arith.constant 128 : index
    %get3A_4266 = vector.load %arg26[%get3A_4264, %get3A_4265] : memref<64x2048xf32, #tpu.memory_space<vmem>>, vector<64x128xf32>
    %sub3A_4267 = arith.subf %get3A_4266, %max3A_4249 : vector<64x128xf32>
    %exp23A_4268 = math.exp2 %sub3A_4267 : vector<64x128xf32>
    %add3A_4269 = arith.addf %broadcast_in_dim3A_4257, %exp23A_4268 : vector<64x128xf32>
    %get3A_4270 = arith.constant 0 : index
    %get3A_4271 = arith.constant 256 : index
    %get3A_4272 = vector.load %arg26[%get3A_4270, %get3A_4271] : memref<64x2048xf32, #tpu.memory_space<vmem>>, vector<64x128xf32>
    %sub3A_4273 = arith.subf %get3A_4272, %max3A_4249 : vector<64x128xf32>
    %exp23A_4274 = math.exp2 %sub3A_4273 : vector<64x128xf32>
    %add3A_4275 = arith.addf %add3A_4263, %exp23A_4274 : vector<64x128xf32>
    %get3A_4276 = arith.constant 0 : index
    %get3A_4277 = arith.constant 384 : index
    %get3A_4278 = vector.load %arg26[%get3A_4276, %get3A_4277] : memref<64x2048xf32, #tpu.memory_space<vmem>>, vector<64x128xf32>
    %sub3A_4279 = arith.subf %get3A_4278, %max3A_4249 : vector<64x128xf32>
    %exp23A_4280 = math.exp2 %sub3A_4279 : vector<64x128xf32>
    %add3A_4281 = arith.addf %add3A_4269, %exp23A_4280 : vector<64x128xf32>
    %get3A_4282 = arith.constant 0 : index
    %get3A_4283 = arith.constant 512 : index
    %get3A_4284 = vector.load %arg26[%get3A_4282, %get3A_4283] : memref<64x2048xf32, #tpu.memory_space<vmem>>, vector<64x128xf32>
    %sub3A_4285 = arith.subf %get3A_4284, %max3A_4249 : vector<64x128xf32>
    %exp23A_4286 = math.exp2 %sub3A_4285 : vector<64x128xf32>
    %add3A_4287 = arith.addf %add3A_4275, %exp23A_4286 : vector<64x128xf32>
    %get3A_4288 = arith.constant 0 : index
    %get3A_4289 = arith.constant 640 : index
    %get3A_4290 = vector.load %arg26[%get3A_4288, %get3A_4289] : memref<64x2048xf32, #tpu.memory_space<vmem>>, vector<64x128xf32>
    %sub3A_4291 = arith.subf %get3A_4290, %max3A_4249 : vector<64x128xf32>
    %exp23A_4292 = math.exp2 %sub3A_4291 : vector<64x128xf32>
    %add3A_4293 = arith.addf %add3A_4281, %exp23A_4292 : vector<64x128xf32>
    %get3A_4294 = arith.constant 0 : index
    %get3A_4295 = arith.constant 768 : index
    %get3A_4296 = vector.load %arg26[%get3A_4294, %get3A_4295] : memref<64x2048xf32, #tpu.memory_space<vmem>>, vector<64x128xf32>
    %sub3A_4297 = arith.subf %get3A_4296, %max3A_4249 : vector<64x128xf32>
    %exp23A_4298 = math.exp2 %sub3A_4297 : vector<64x128xf32>
    %add3A_4299 = arith.addf %add3A_4287, %exp23A_4298 : vector<64x128xf32>
    %get3A_4300 = arith.constant 0 : index
    %get3A_4301 = arith.constant 896 : index
    %get3A_4302 = vector.load %arg26[%get3A_4300, %get3A_4301] : memref<64x2048xf32, #tpu.memory_space<vmem>>, vector<64x128xf32>
    %sub3A_4303 = arith.subf %get3A_4302, %max3A_4249 : vector<64x128xf32>
    %exp23A_4304 = math.exp2 %sub3A_4303 : vector<64x128xf32>
    %add3A_4305 = arith.addf %add3A_4293, %exp23A_4304 : vector<64x128xf32>
    %get3A_4306 = arith.constant 0 : index
    %get3A_4307 = arith.constant 1024 : index
    %get3A_4308 = vector.load %arg26[%get3A_4306, %get3A_4307] : memref<64x2048xf32, #tpu.memory_space<vmem>>, vector<64x128xf32>
    %sub3A_4309 = arith.subf %get3A_4308, %max3A_4249 : vector<64x128xf32>
    %exp23A_4310 = math.exp2 %sub3A_4309 : vector<64x128xf32>
    %add3A_4311 = arith.addf %add3A_4299, %exp23A_4310 : vector<64x128xf32>
    %get3A_4312 = arith.constant 0 : index
    %get3A_4313 = arith.constant 1152 : index
    %get3A_4314 = vector.load %arg26[%get3A_4312, %get3A_4313] : memref<64x2048xf32, #tpu.memory_space<vmem>>, vector<64x128xf32>
    %sub3A_4315 = arith.subf %get3A_4314, %max3A_4249 : vector<64x128xf32>
    %exp23A_4316 = math.exp2 %sub3A_4315 : vector<64x128xf32>
    %add3A_4317 = arith.addf %add3A_4305, %exp23A_4316 : vector<64x128xf32>
    %get3A_4318 = arith.constant 0 : index
    %get3A_4319 = arith.constant 1280 : index
    %get3A_4320 = vector.load %arg26[%get3A_4318, %get3A_4319] : memref<64x2048xf32, #tpu.memory_space<vmem>>, vector<64x128xf32>
    %sub3A_4321 = arith.subf %get3A_4320, %max3A_4249 : vector<64x128xf32>
    %exp23A_4322 = math.exp2 %sub3A_4321 : vector<64x128xf32>
    %add3A_4323 = arith.addf %add3A_4311, %exp23A_4322 : vector<64x128xf32>
    %get3A_4324 = arith.constant 0 : index
    %get3A_4325 = arith.constant 1408 : index
    %get3A_4326 = vector.load %arg26[%get3A_4324, %get3A_4325] : memref<64x2048xf32, #tpu.memory_space<vmem>>, vector<64x128xf32>
    %sub3A_4327 = arith.subf %get3A_4326, %max3A_4249 : vector<64x128xf32>
    %exp23A_4328 = math.exp2 %sub3A_4327 : vector<64x128xf32>
    %add3A_4329 = arith.addf %add3A_4317, %exp23A_4328 : vector<64x128xf32>
    %get3A_4330 = arith.constant 0 : index
    %get3A_4331 = arith.constant 1536 : index
    %get3A_4332 = vector.load %arg26[%get3A_4330, %get3A_4331] : memref<64x2048xf32, #tpu.memory_space<vmem>>, vector<64x128xf32>
    %sub3A_4333 = arith.subf %get3A_4332, %max3A_4249 : vector<64x128xf32>
    %exp23A_4334 = math.exp2 %sub3A_4333 : vector<64x128xf32>
    %add3A_4335 = arith.addf %add3A_4323, %exp23A_4334 : vector<64x128xf32>
    %get3A_4336 = arith.constant 0 : index
    %get3A_4337 = arith.constant 1664 : index
    %get3A_4338 = vector.load %arg26[%get3A_4336, %get3A_4337] : memref<64x2048xf32, #tpu.memory_space<vmem>>, vector<64x128xf32>
    %sub3A_4339 = arith.subf %get3A_4338, %max3A_4249 : vector<64x128xf32>
    %exp23A_4340 = math.exp2 %sub3A_4339 : vector<64x128xf32>
    %add3A_4341 = arith.addf %add3A_4329, %exp23A_4340 : vector<64x128xf32>
    %get3A_4342 = arith.constant 0 : index
    %get3A_4343 = arith.constant 1792 : index
    %get3A_4344 = vector.load %arg26[%get3A_4342, %get3A_4343] : memref<64x2048xf32, #tpu.memory_space<vmem>>, vector<64x128xf32>
    %sub3A_4345 = arith.subf %get3A_4344, %max3A_4249 : vector<64x128xf32>
    %exp23A_4346 = math.exp2 %sub3A_4345 : vector<64x128xf32>
    %add3A_4347 = arith.addf %add3A_4335, %exp23A_4346 : vector<64x128xf32>
    %get3A_4348 = arith.constant 0 : index
    %get3A_4349 = arith.constant 1920 : index
    %get3A_4350 = vector.load %arg26[%get3A_4348, %get3A_4349] : memref<64x2048xf32, #tpu.memory_space<vmem>>, vector<64x128xf32>
    %sub3A_4351 = arith.subf %get3A_4350, %max3A_4249 : vector<64x128xf32>
    %exp23A_4352 = math.exp2 %sub3A_4351 : vector<64x128xf32>
    %add3A_4353 = arith.addf %add3A_4341, %exp23A_4352 : vector<64x128xf32>
    %swap3A_4354 = arith.constant 0 : index
    %swap3A_4355 = arith.constant 0 : index
    %swap3A_4356 = vector.load %arg24[%swap3A_4354, %swap3A_4355] : memref<64x128xf32, #tpu.memory_space<vmem>>, vector<64x128xf32>
    tpu.vector_store %arg24[%swap3A_4354, %swap3A_4355], %max3A_4249 {strides = array<i32>} : memref<64x128xf32, #tpu.memory_space<vmem>>, vector<64x128xf32>,
    %add3A_4357 = arith.addf %add3A_4347, %add3A_4353 : vector<64x128xf32>
    %swap3A_4358 = arith.constant 0 : index
    %swap3A_4359 = arith.constant 0 : index
    %swap3A_4360 = vector.load %arg25[%swap3A_4358, %swap3A_4359] : memref<64x128xf32, #tpu.memory_space<vmem>>, vector<64x128xf32>
    tpu.vector_store %arg25[%swap3A_4358, %swap3A_4359], %add3A_4357 {strides = array<i32>} : memref<64x128xf32, #tpu.memory_space<vmem>>, vector<64x128xf32>,
    %eq3A_4361 = arith.constant 0 : i32
    %eq3A_4362 = arith.cmpi eq, %arg1, %eq3A_4361 : i32
    %convert_element_type3A_4363 = arith.extui %eq3A_4362 : i1 to i32
    %cond3A_4364 = arith.constant 0 : i32
    %cond3A_4365 = arith.cmpi ne, %convert_element_type3A_4363, %cond3A_4364 : i32
    scf.if %cond3A_4365 {
      %get3A_4371 = arith.constant 0 : index
      %get3A_4372 = arith.constant 0 : index
      %get3A_4373 = vector.load %arg24[%get3A_4371, %get3A_4372] : memref<64x128xf32, #tpu.memory_space<vmem>>, vector<64x128xf32>
      %get3A_4374 = arith.constant 0 : index
      %get3A_4375 = arith.constant 0 : index
      %get3A_4376 = vector.load %arg13[%get3A_4374, %get3A_4375] : memref<64x2048xf32, #tpu.memory_space<vmem>>, vector<64x128xf32>
      %get3A_4377 = arith.constant 0 : index
      %get3A_4378 = arith.constant 0 : index
      %get3A_4379 = vector.load %arg22[%get3A_4377, %get3A_4378] : memref<64x2048xf32, #tpu.memory_space<vmem>>, vector<64x128xf32>
      %ne3A_4380 = arith.constant 0.000000e+00 : f32
      %ne3A_4381 = vector.broadcast %ne3A_4380 : f32 to vector<64x128xf32>
      %ne3A_4382 = arith.cmpf one, %get3A_4379, %ne3A_4381 : vector<64x128xf32>
      %jit3A_4383 = arith.constant -1.000000e+04 : f32
      %broadcast_in_dim3A_4384 = vector.broadcast %jit3A_4383 : f32 to vector<64x128xf32>
      %select_n3A_4385 = arith.select %ne3A_4382, %get3A_4376, %broadcast_in_dim3A_4384 : vector<64x128xi1>, vector<64x128xf32>
      %ge3A_4386 = arith.cmpf oge, %select_n3A_4385, %get3A_3 : vector<64x128xf32>
      %mul3A_4387 = arith.constant 23.3601189 : f32
      %mul3A_4388 = vector.broadcast %mul3A_4387 : f32 to vector<64x128xf32>
      %mul3A_4389 = arith.mulf %mul3A_4388, %get3A_4376 : vector<64x128xf32>
      %add3A_4390 = arith.constant 0.276997447 : f32
      %add3A_4391 = vector.broadcast %add3A_4390 : f32 to vector<64x128xf32>
      %add3A_4392 = arith.addf %mul3A_4389, %add3A_4391 : vector<64x128xf32>
      %mul3A_4393 = arith.constant 23.0831203 : f32
      %mul3A_4394 = vector.broadcast %mul3A_4393 : f32 to vector<64x128xf32>
      %mul3A_4395 = arith.mulf %mul3A_4394, %get3A_4376 : vector<64x128xf32>
      %select_n3A_4396 = arith.select %ge3A_4386, %add3A_4392, %mul3A_4395 : vector<64x128xi1>, vector<64x128xf32>
      %swap3A_4397 = arith.constant 0 : index
      %swap3A_4398 = arith.constant 0 : index
      %swap3A_4399 = vector.load %arg26[%swap3A_4397, %swap3A_4398] : memref<64x2048xf32, #tpu.memory_space<vmem>>, vector<64x128xf32>
      tpu.vector_store %arg26[%swap3A_4397, %swap3A_4398], %select_n3A_4396 {strides = array<i32>} : memref<64x2048xf32, #tpu.memory_space<vmem>>, vector<64x128xf32>,
      %max3A_4400 = arith.maximumf %get3A_4373, %select_n3A_4396 : vector<64x128xf32>
      %get3A_4401 = arith.constant 0 : index
      %get3A_4402 = arith.constant 128 : index
      %get3A_4403 = vector.load %arg13[%get3A_4401, %get3A_4402] : memref<64x2048xf32, #tpu.memory_space<vmem>>, vector<64x128xf32>
      %get3A_4404 = arith.constant 0 : index
      %get3A_4405 = arith.constant 128 : index
      %get3A_4406 = vector.load %arg22[%get3A_4404, %get3A_4405] : memref<64x2048xf32, #tpu.memory_space<vmem>>, vector<64x128xf32>
      %ne3A_4407 = arith.constant 0.000000e+00 : f32
      %ne3A_4408 = vector.broadcast %ne3A_4407 : f32 to vector<64x128xf32>
      %ne3A_4409 = arith.cmpf one, %get3A_4406, %ne3A_4408 : vector<64x128xf32>
      %jit3A_4410 = arith.constant -1.000000e+04 : f32
      %broadcast_in_dim3A_4411 = vector.broadcast %jit3A_4410 : f32 to vector<64x128xf32>
      %select_n3A_4412 = arith.select %ne3A_4409, %get3A_4403, %broadcast_in_dim3A_4411 : vector<64x128xi1>, vector<64x128xf32>
      %ge3A_4413 = arith.cmpf oge, %select_n3A_4412, %get3A_3 : vector<64x128xf32>
      %mul3A_4414 = arith.constant 23.3601189 : f32
      %mul3A_4415 = vector.broadcast %mul3A_4414 : f32 to vector<64x128xf32>
      %mul3A_4416 = arith.mulf %mul3A_4415, %get3A_4403 : vector<64x128xf32>
      %add3A_4417 = arith.constant 0.276997447 : f32
      %add3A_4418 = vector.broadcast %add3A_4417 : f32 to vector<64x128xf32>
      %add3A_4419 = arith.addf %mul3A_4416, %add3A_4418 : vector<64x128xf32>
      %mul3A_4420 = arith.constant 23.0831203 : f32
      %mul3A_4421 = vector.broadcast %mul3A_4420 : f32 to vector<64x128xf32>
      %mul3A_4422 = arith.mulf %mul3A_4421, %get3A_4403 : vector<64x128xf32>
      %select_n3A_4423 = arith.select %ge3A_4413, %add3A_4419, %mul3A_4422 : vector<64x128xi1>, vector<64x128xf32>
      %swap3A_4424 = arith.constant 0 : index
      %swap3A_4425 = arith.constant 128 : index
      %swap3A_4426 = vector.load %arg26[%swap3A_4424, %swap3A_4425] : memref<64x2048xf32, #tpu.memory_space<vmem>>, vector<64x128xf32>
      tpu.vector_store %arg26[%swap3A_4424, %swap3A_4425], %select_n3A_4423 {strides = array<i32>} : memref<64x2048xf32, #tpu.memory_space<vmem>>, vector<64x128xf32>,
      %max3A_4427 = arith.maximumf %max3A_4400, %select_n3A_4423 : vector<64x128xf32>
      %get3A_4428 = arith.constant 0 : index
      %get3A_4429 = arith.constant 256 : index
      %get3A_4430 = vector.load %arg13[%get3A_4428, %get3A_4429] : memref<64x2048xf32, #tpu.memory_space<vmem>>, vector<64x128xf32>
      %get3A_4431 = arith.constant 0 : index
      %get3A_4432 = arith.constant 256 : index
      %get3A_4433 = vector.load %arg22[%get3A_4431, %get3A_4432] : memref<64x2048xf32, #tpu.memory_space<vmem>>, vector<64x128xf32>
      %ne3A_4434 = arith.constant 0.000000e+00 : f32
      %ne3A_4435 = vector.broadcast %ne3A_4434 : f32 to vector<64x128xf32>
      %ne3A_4436 = arith.cmpf one, %get3A_4433, %ne3A_4435 : vector<64x128xf32>
      %jit3A_4437 = arith.constant -1.000000e+04 : f32
      %broadcast_in_dim3A_4438 = vector.broadcast %jit3A_4437 : f32 to vector<64x128xf32>
      %select_n3A_4439 = arith.select %ne3A_4436, %get3A_4430, %broadcast_in_dim3A_4438 : vector<64x128xi1>, vector<64x128xf32>
      %ge3A_4440 = arith.cmpf oge, %select_n3A_4439, %get3A_3 : vector<64x128xf32>
      %mul3A_4441 = arith.constant 23.3601189 : f32
      %mul3A_4442 = vector.broadcast %mul3A_4441 : f32 to vector<64x128xf32>
      %mul3A_4443 = arith.mulf %mul3A_4442, %get3A_4430 : vector<64x128xf32>
      %add3A_4444 = arith.constant 0.276997447 : f32
      %add3A_4445 = vector.broadcast %add3A_4444 : f32 to vector<64x128xf32>
      %add3A_4446 = arith.addf %mul3A_4443, %add3A_4445 : vector<64x128xf32>
      %mul3A_4447 = arith.constant 23.0831203 : f32
      %mul3A_4448 = vector.broadcast %mul3A_4447 : f32 to vector<64x128xf32>
      %mul3A_4449 = arith.mulf %mul3A_4448, %get3A_4430 : vector<64x128xf32>
      %select_n3A_4450 = arith.select %ge3A_4440, %add3A_4446, %mul3A_4449 : vector<64x128xi1>, vector<64x128xf32>
      %swap3A_4451 = arith.constant 0 : index
      %swap3A_4452 = arith.constant 256 : index
      %swap3A_4453 = vector.load %arg26[%swap3A_4451, %swap3A_4452] : memref<64x2048xf32, #tpu.memory_space<vmem>>, vector<64x128xf32>
      tpu.vector_store %arg26[%swap3A_4451, %swap3A_4452], %select_n3A_4450 {strides = array<i32>} : memref<64x2048xf32, #tpu.memory_space<vmem>>, vector<64x128xf32>,
      %max3A_4454 = arith.maximumf %max3A_4427, %select_n3A_4450 : vector<64x128xf32>
      %get3A_4455 = arith.constant 0 : index
      %get3A_4456 = arith.constant 384 : index
      %get3A_4457 = vector.load %arg13[%get3A_4455, %get3A_4456] : memref<64x2048xf32, #tpu.memory_space<vmem>>, vector<64x128xf32>
      %get3A_4458 = arith.constant 0 : index
      %get3A_4459 = arith.constant 384 : index
      %get3A_4460 = vector.load %arg22[%get3A_4458, %get3A_4459] : memref<64x2048xf32, #tpu.memory_space<vmem>>, vector<64x128xf32>
      %ne3A_4461 = arith.constant 0.000000e+00 : f32
      %ne3A_4462 = vector.broadcast %ne3A_4461 : f32 to vector<64x128xf32>
      %ne3A_4463 = arith.cmpf one, %get3A_4460, %ne3A_4462 : vector<64x128xf32>
      %jit3A_4464 = arith.constant -1.000000e+04 : f32
      %broadcast_in_dim3A_4465 = vector.broadcast %jit3A_4464 : f32 to vector<64x128xf32>
      %select_n3A_4466 = arith.select %ne3A_4463, %get3A_4457, %broadcast_in_dim3A_4465 : vector<64x128xi1>, vector<64x128xf32>
      %ge3A_4467 = arith.cmpf oge, %select_n3A_4466, %get3A_3 : vector<64x128xf32>
      %mul3A_4468 = arith.constant 23.3601189 : f32
      %mul3A_4469 = vector.broadcast %mul3A_4468 : f32 to vector<64x128xf32>
      %mul3A_4470 = arith.mulf %mul3A_4469, %get3A_4457 : vector<64x128xf32>
      %add3A_4471 = arith.constant 0.276997447 : f32
      %add3A_4472 = vector.broadcast %add3A_4471 : f32 to vector<64x128xf32>
      %add3A_4473 = arith.addf %mul3A_4470, %add3A_4472 : vector<64x128xf32>
      %mul3A_4474 = arith.constant 23.0831203 : f32
      %mul3A_4475 = vector.broadcast %mul3A_4474 : f32 to vector<64x128xf32>
      %mul3A_4476 = arith.mulf %mul3A_4475, %get3A_4457 : vector<64x128xf32>
      %select_n3A_4477 = arith.select %ge3A_4467, %add3A_4473, %mul3A_4476 : vector<64x128xi1>, vector<64x128xf32>
      %swap3A_4478 = arith.constant 0 : index
      %swap3A_4479 = arith.constant 384 : index
      %swap3A_4480 = vector.load %arg26[%swap3A_4478, %swap3A_4479] : memref<64x2048xf32, #tpu.memory_space<vmem>>, vector<64x128xf32>
      tpu.vector_store %arg26[%swap3A_4478, %swap3A_4479], %select_n3A_4477 {strides = array<i32>} : memref<64x2048xf32, #tpu.memory_space<vmem>>, vector<64x128xf32>,
      %max3A_4481 = arith.maximumf %max3A_4454, %select_n3A_4477 : vector<64x128xf32>
      %get3A_4482 = arith.constant 0 : index
      %get3A_4483 = arith.constant 512 : index
      %get3A_4484 = vector.load %arg13[%get3A_4482, %get3A_4483] : memref<64x2048xf32, #tpu.memory_space<vmem>>, vector<64x128xf32>
      %get3A_4485 = arith.constant 0 : index
      %get3A_4486 = arith.constant 512 : index
      %get3A_4487 = vector.load %arg22[%get3A_4485, %get3A_4486] : memref<64x2048xf32, #tpu.memory_space<vmem>>, vector<64x128xf32>
      %ne3A_4488 = arith.constant 0.000000e+00 : f32
      %ne3A_4489 = vector.broadcast %ne3A_4488 : f32 to vector<64x128xf32>
      %ne3A_4490 = arith.cmpf one, %get3A_4487, %ne3A_4489 : vector<64x128xf32>
      %jit3A_4491 = arith.constant -1.000000e+04 : f32
      %broadcast_in_dim3A_4492 = vector.broadcast %jit3A_4491 : f32 to vector<64x128xf32>
      %select_n3A_4493 = arith.select %ne3A_4490, %get3A_4484, %broadcast_in_dim3A_4492 : vector<64x128xi1>, vector<64x128xf32>
      %ge3A_4494 = arith.cmpf oge, %select_n3A_4493, %get3A_3 : vector<64x128xf32>
      %mul3A_4495 = arith.constant 23.3601189 : f32
      %mul3A_4496 = vector.broadcast %mul3A_4495 : f32 to vector<64x128xf32>
      %mul3A_4497 = arith.mulf %mul3A_4496, %get3A_4484 : vector<64x128xf32>
      %add3A_4498 = arith.constant 0.276997447 : f32
      %add3A_4499 = vector.broadcast %add3A_4498 : f32 to vector<64x128xf32>
      %add3A_4500 = arith.addf %mul3A_4497, %add3A_4499 : vector<64x128xf32>
      %mul3A_4501 = arith.constant 23.0831203 : f32
      %mul3A_4502 = vector.broadcast %mul3A_4501 : f32 to vector<64x128xf32>
      %mul3A_4503 = arith.mulf %mul3A_4502, %get3A_4484 : vector<64x128xf32>
      %select_n3A_4504 = arith.select %ge3A_4494, %add3A_4500, %mul3A_4503 : vector<64x128xi1>, vector<64x128xf32>
      %swap3A_4505 = arith.constant 0 : index
      %swap3A_4506 = arith.constant 512 : index
      %swap3A_4507 = vector.load %arg26[%swap3A_4505, %swap3A_4506] : memref<64x2048xf32, #tpu.memory_space<vmem>>, vector<64x128xf32>
      tpu.vector_store %arg26[%swap3A_4505, %swap3A_4506], %select_n3A_4504 {strides = array<i32>} : memref<64x2048xf32, #tpu.memory_space<vmem>>, vector<64x128xf32>,
      %max3A_4508 = arith.maximumf %max3A_4481, %select_n3A_4504 : vector<64x128xf32>
      %get3A_4509 = arith.constant 0 : index
      %get3A_4510 = arith.constant 640 : index
      %get3A_4511 = vector.load %arg13[%get3A_4509, %get3A_4510] : memref<64x2048xf32, #tpu.memory_space<vmem>>, vector<64x128xf32>
      %get3A_4512 = arith.constant 0 : index
      %get3A_4513 = arith.constant 640 : index
      %get3A_4514 = vector.load %arg22[%get3A_4512, %get3A_4513] : memref<64x2048xf32, #tpu.memory_space<vmem>>, vector<64x128xf32>
      %ne3A_4515 = arith.constant 0.000000e+00 : f32
      %ne3A_4516 = vector.broadcast %ne3A_4515 : f32 to vector<64x128xf32>
      %ne3A_4517 = arith.cmpf one, %get3A_4514, %ne3A_4516 : vector<64x128xf32>
      %jit3A_4518 = arith.constant -1.000000e+04 : f32
      %broadcast_in_dim3A_4519 = vector.broadcast %jit3A_4518 : f32 to vector<64x128xf32>
      %select_n3A_4520 = arith.select %ne3A_4517, %get3A_4511, %broadcast_in_dim3A_4519 : vector<64x128xi1>, vector<64x128xf32>
      %ge3A_4521 = arith.cmpf oge, %select_n3A_4520, %get3A_3 : vector<64x128xf32>
      %mul3A_4522 = arith.constant 23.3601189 : f32
      %mul3A_4523 = vector.broadcast %mul3A_4522 : f32 to vector<64x128xf32>
      %mul3A_4524 = arith.mulf %mul3A_4523, %get3A_4511 : vector<64x128xf32>
      %add3A_4525 = arith.constant 0.276997447 : f32
      %add3A_4526 = vector.broadcast %add3A_4525 : f32 to vector<64x128xf32>
      %add3A_4527 = arith.addf %mul3A_4524, %add3A_4526 : vector<64x128xf32>
      %mul3A_4528 = arith.constant 23.0831203 : f32
      %mul3A_4529 = vector.broadcast %mul3A_4528 : f32 to vector<64x128xf32>
      %mul3A_4530 = arith.mulf %mul3A_4529, %get3A_4511 : vector<64x128xf32>
      %select_n3A_4531 = arith.select %ge3A_4521, %add3A_4527, %mul3A_4530 : vector<64x128xi1>, vector<64x128xf32>
      %swap3A_4532 = arith.constant 0 : index
      %swap3A_4533 = arith.constant 640 : index
      %swap3A_4534 = vector.load %arg26[%swap3A_4532, %swap3A_4533] : memref<64x2048xf32, #tpu.memory_space<vmem>>, vector<64x128xf32>
      tpu.vector_store %arg26[%swap3A_4532, %swap3A_4533], %select_n3A_4531 {strides = array<i32>} : memref<64x2048xf32, #tpu.memory_space<vmem>>, vector<64x128xf32>,
      %max3A_4535 = arith.maximumf %max3A_4508, %select_n3A_4531 : vector<64x128xf32>
      %get3A_4536 = arith.constant 0 : index
      %get3A_4537 = arith.constant 768 : index
      %get3A_4538 = vector.load %arg13[%get3A_4536, %get3A_4537] : memref<64x2048xf32, #tpu.memory_space<vmem>>, vector<64x128xf32>
      %get3A_4539 = arith.constant 0 : index
      %get3A_4540 = arith.constant 768 : index
      %get3A_4541 = vector.load %arg22[%get3A_4539, %get3A_4540] : memref<64x2048xf32, #tpu.memory_space<vmem>>, vector<64x128xf32>
      %ne3A_4542 = arith.constant 0.000000e+00 : f32
      %ne3A_4543 = vector.broadcast %ne3A_4542 : f32 to vector<64x128xf32>
      %ne3A_4544 = arith.cmpf one, %get3A_4541, %ne3A_4543 : vector<64x128xf32>
      %jit3A_4545 = arith.constant -1.000000e+04 : f32
      %broadcast_in_dim3A_4546 = vector.broadcast %jit3A_4545 : f32 to vector<64x128xf32>
      %select_n3A_4547 = arith.select %ne3A_4544, %get3A_4538, %broadcast_in_dim3A_4546 : vector<64x128xi1>, vector<64x128xf32>
      %ge3A_4548 = arith.cmpf oge, %select_n3A_4547, %get3A_3 : vector<64x128xf32>
      %mul3A_4549 = arith.constant 23.3601189 : f32
      %mul3A_4550 = vector.broadcast %mul3A_4549 : f32 to vector<64x128xf32>
      %mul3A_4551 = arith.mulf %mul3A_4550, %get3A_4538 : vector<64x128xf32>
      %add3A_4552 = arith.constant 0.276997447 : f32
      %add3A_4553 = vector.broadcast %add3A_4552 : f32 to vector<64x128xf32>
      %add3A_4554 = arith.addf %mul3A_4551, %add3A_4553 : vector<64x128xf32>
      %mul3A_4555 = arith.constant 23.0831203 : f32
      %mul3A_4556 = vector.broadcast %mul3A_4555 : f32 to vector<64x128xf32>
      %mul3A_4557 = arith.mulf %mul3A_4556, %get3A_4538 : vector<64x128xf32>
      %select_n3A_4558 = arith.select %ge3A_4548, %add3A_4554, %mul3A_4557 : vector<64x128xi1>, vector<64x128xf32>
      %swap3A_4559 = arith.constant 0 : index
      %swap3A_4560 = arith.constant 768 : index
      %swap3A_4561 = vector.load %arg26[%swap3A_4559, %swap3A_4560] : memref<64x2048xf32, #tpu.memory_space<vmem>>, vector<64x128xf32>
      tpu.vector_store %arg26[%swap3A_4559, %swap3A_4560], %select_n3A_4558 {strides = array<i32>} : memref<64x2048xf32, #tpu.memory_space<vmem>>, vector<64x128xf32>,
      %max3A_4562 = arith.maximumf %max3A_4535, %select_n3A_4558 : vector<64x128xf32>
      %get3A_4563 = arith.constant 0 : index
      %get3A_4564 = arith.constant 896 : index
      %get3A_4565 = vector.load %arg13[%get3A_4563, %get3A_4564] : memref<64x2048xf32, #tpu.memory_space<vmem>>, vector<64x128xf32>
      %get3A_4566 = arith.constant 0 : index
      %get3A_4567 = arith.constant 896 : index
      %get3A_4568 = vector.load %arg22[%get3A_4566, %get3A_4567] : memref<64x2048xf32, #tpu.memory_space<vmem>>, vector<64x128xf32>
      %ne3A_4569 = arith.constant 0.000000e+00 : f32
      %ne3A_4570 = vector.broadcast %ne3A_4569 : f32 to vector<64x128xf32>
      %ne3A_4571 = arith.cmpf one, %get3A_4568, %ne3A_4570 : vector<64x128xf32>
      %jit3A_4572 = arith.constant -1.000000e+04 : f32
      %broadcast_in_dim3A_4573 = vector.broadcast %jit3A_4572 : f32 to vector<64x128xf32>
      %select_n3A_4574 = arith.select %ne3A_4571, %get3A_4565, %broadcast_in_dim3A_4573 : vector<64x128xi1>, vector<64x128xf32>
      %ge3A_4575 = arith.cmpf oge, %select_n3A_4574, %get3A_3 : vector<64x128xf32>
      %mul3A_4576 = arith.constant 23.3601189 : f32
      %mul3A_4577 = vector.broadcast %mul3A_4576 : f32 to vector<64x128xf32>
      %mul3A_4578 = arith.mulf %mul3A_4577, %get3A_4565 : vector<64x128xf32>
      %add3A_4579 = arith.constant 0.276997447 : f32
      %add3A_4580 = vector.broadcast %add3A_4579 : f32 to vector<64x128xf32>
      %add3A_4581 = arith.addf %mul3A_4578, %add3A_4580 : vector<64x128xf32>
      %mul3A_4582 = arith.constant 23.0831203 : f32
      %mul3A_4583 = vector.broadcast %mul3A_4582 : f32 to vector<64x128xf32>
      %mul3A_4584 = arith.mulf %mul3A_4583, %get3A_4565 : vector<64x128xf32>
      %select_n3A_4585 = arith.select %ge3A_4575, %add3A_4581, %mul3A_4584 : vector<64x128xi1>, vector<64x128xf32>
      %swap3A_4586 = arith.constant 0 : index
      %swap3A_4587 = arith.constant 896 : index
      %swap3A_4588 = vector.load %arg26[%swap3A_4586, %swap3A_4587] : memref<64x2048xf32, #tpu.memory_space<vmem>>, vector<64x128xf32>
      tpu.vector_store %arg26[%swap3A_4586, %swap3A_4587], %select_n3A_4585 {strides = array<i32>} : memref<64x2048xf32, #tpu.memory_space<vmem>>, vector<64x128xf32>,
      %max3A_4589 = arith.maximumf %max3A_4562, %select_n3A_4585 : vector<64x128xf32>
      %get3A_4590 = arith.constant 0 : index
      %get3A_4591 = arith.constant 1024 : index
      %get3A_4592 = vector.load %arg13[%get3A_4590, %get3A_4591] : memref<64x2048xf32, #tpu.memory_space<vmem>>, vector<64x128xf32>
      %get3A_4593 = arith.constant 0 : index
      %get3A_4594 = arith.constant 1024 : index
      %get3A_4595 = vector.load %arg22[%get3A_4593, %get3A_4594] : memref<64x2048xf32, #tpu.memory_space<vmem>>, vector<64x128xf32>
      %ne3A_4596 = arith.constant 0.000000e+00 : f32
      %ne3A_4597 = vector.broadcast %ne3A_4596 : f32 to vector<64x128xf32>
      %ne3A_4598 = arith.cmpf one, %get3A_4595, %ne3A_4597 : vector<64x128xf32>
      %jit3A_4599 = arith.constant -1.000000e+04 : f32
      %broadcast_in_dim3A_4600 = vector.broadcast %jit3A_4599 : f32 to vector<64x128xf32>
      %select_n3A_4601 = arith.select %ne3A_4598, %get3A_4592, %broadcast_in_dim3A_4600 : vector<64x128xi1>, vector<64x128xf32>
      %ge3A_4602 = arith.cmpf oge, %select_n3A_4601, %get3A_3 : vector<64x128xf32>
      %mul3A_4603 = arith.constant 23.3601189 : f32
      %mul3A_4604 = vector.broadcast %mul3A_4603 : f32 to vector<64x128xf32>
      %mul3A_4605 = arith.mulf %mul3A_4604, %get3A_4592 : vector<64x128xf32>
      %add3A_4606 = arith.constant 0.276997447 : f32
      %add3A_4607 = vector.broadcast %add3A_4606 : f32 to vector<64x128xf32>
      %add3A_4608 = arith.addf %mul3A_4605, %add3A_4607 : vector<64x128xf32>
      %mul3A_4609 = arith.constant 23.0831203 : f32
      %mul3A_4610 = vector.broadcast %mul3A_4609 : f32 to vector<64x128xf32>
      %mul3A_4611 = arith.mulf %mul3A_4610, %get3A_4592 : vector<64x128xf32>
      %select_n3A_4612 = arith.select %ge3A_4602, %add3A_4608, %mul3A_4611 : vector<64x128xi1>, vector<64x128xf32>
      %swap3A_4613 = arith.constant 0 : index
      %swap3A_4614 = arith.constant 1024 : index
      %swap3A_4615 = vector.load %arg26[%swap3A_4613, %swap3A_4614] : memref<64x2048xf32, #tpu.memory_space<vmem>>, vector<64x128xf32>
      tpu.vector_store %arg26[%swap3A_4613, %swap3A_4614], %select_n3A_4612 {strides = array<i32>} : memref<64x2048xf32, #tpu.memory_space<vmem>>, vector<64x128xf32>,
      %max3A_4616 = arith.maximumf %max3A_4589, %select_n3A_4612 : vector<64x128xf32>
      %get3A_4617 = arith.constant 0 : index
      %get3A_4618 = arith.constant 1152 : index
      %get3A_4619 = vector.load %arg13[%get3A_4617, %get3A_4618] : memref<64x2048xf32, #tpu.memory_space<vmem>>, vector<64x128xf32>
      %get3A_4620 = arith.constant 0 : index
      %get3A_4621 = arith.constant 1152 : index
      %get3A_4622 = vector.load %arg22[%get3A_4620, %get3A_4621] : memref<64x2048xf32, #tpu.memory_space<vmem>>, vector<64x128xf32>
      %ne3A_4623 = arith.constant 0.000000e+00 : f32
      %ne3A_4624 = vector.broadcast %ne3A_4623 : f32 to vector<64x128xf32>
      %ne3A_4625 = arith.cmpf one, %get3A_4622, %ne3A_4624 : vector<64x128xf32>
      %jit3A_4626 = arith.constant -1.000000e+04 : f32
      %broadcast_in_dim3A_4627 = vector.broadcast %jit3A_4626 : f32 to vector<64x128xf32>
      %select_n3A_4628 = arith.select %ne3A_4625, %get3A_4619, %broadcast_in_dim3A_4627 : vector<64x128xi1>, vector<64x128xf32>
      %ge3A_4629 = arith.cmpf oge, %select_n3A_4628, %get3A_3 : vector<64x128xf32>
      %mul3A_4630 = arith.constant 23.3601189 : f32
      %mul3A_4631 = vector.broadcast %mul3A_4630 : f32 to vector<64x128xf32>
      %mul3A_4632 = arith.mulf %mul3A_4631, %get3A_4619 : vector<64x128xf32>
      %add3A_4633 = arith.constant 0.276997447 : f32
      %add3A_4634 = vector.broadcast %add3A_4633 : f32 to vector<64x128xf32>
      %add3A_4635 = arith.addf %mul3A_4632, %add3A_4634 : vector<64x128xf32>
      %mul3A_4636 = arith.constant 23.0831203 : f32
      %mul3A_4637 = vector.broadcast %mul3A_4636 : f32 to vector<64x128xf32>
      %mul3A_4638 = arith.mulf %mul3A_4637, %get3A_4619 : vector<64x128xf32>
      %select_n3A_4639 = arith.select %ge3A_4629, %add3A_4635, %mul3A_4638 : vector<64x128xi1>, vector<64x128xf32>
      %swap3A_4640 = arith.constant 0 : index
      %swap3A_4641 = arith.constant 1152 : index
      %swap3A_4642 = vector.load %arg26[%swap3A_4640, %swap3A_4641] : memref<64x2048xf32, #tpu.memory_space<vmem>>, vector<64x128xf32>
      tpu.vector_store %arg26[%swap3A_4640, %swap3A_4641], %select_n3A_4639 {strides = array<i32>} : memref<64x2048xf32, #tpu.memory_space<vmem>>, vector<64x128xf32>,
      %max3A_4643 = arith.maximumf %max3A_4616, %select_n3A_4639 : vector<64x128xf32>
      %get3A_4644 = arith.constant 0 : index
      %get3A_4645 = arith.constant 1280 : index
      %get3A_4646 = vector.load %arg13[%get3A_4644, %get3A_4645] : memref<64x2048xf32, #tpu.memory_space<vmem>>, vector<64x128xf32>
      %get3A_4647 = arith.constant 0 : index
      %get3A_4648 = arith.constant 1280 : index
      %get3A_4649 = vector.load %arg22[%get3A_4647, %get3A_4648] : memref<64x2048xf32, #tpu.memory_space<vmem>>, vector<64x128xf32>
      %ne3A_4650 = arith.constant 0.000000e+00 : f32
      %ne3A_4651 = vector.broadcast %ne3A_4650 : f32 to vector<64x128xf32>
      %ne3A_4652 = arith.cmpf one, %get3A_4649, %ne3A_4651 : vector<64x128xf32>
      %jit3A_4653 = arith.constant -1.000000e+04 : f32
      %broadcast_in_dim3A_4654 = vector.broadcast %jit3A_4653 : f32 to vector<64x128xf32>
      %select_n3A_4655 = arith.select %ne3A_4652, %get3A_4646, %broadcast_in_dim3A_4654 : vector<64x128xi1>, vector<64x128xf32>
      %ge3A_4656 = arith.cmpf oge, %select_n3A_4655, %get3A_3 : vector<64x128xf32>
      %mul3A_4657 = arith.constant 23.3601189 : f32
      %mul3A_4658 = vector.broadcast %mul3A_4657 : f32 to vector<64x128xf32>
      %mul3A_4659 = arith.mulf %mul3A_4658, %get3A_4646 : vector<64x128xf32>
      %add3A_4660 = arith.constant 0.276997447 : f32
      %add3A_4661 = vector.broadcast %add3A_4660 : f32 to vector<64x128xf32>
      %add3A_4662 = arith.addf %mul3A_4659, %add3A_4661 : vector<64x128xf32>
      %mul3A_4663 = arith.constant 23.0831203 : f32
      %mul3A_4664 = vector.broadcast %mul3A_4663 : f32 to vector<64x128xf32>
      %mul3A_4665 = arith.mulf %mul3A_4664, %get3A_4646 : vector<64x128xf32>
      %select_n3A_4666 = arith.select %ge3A_4656, %add3A_4662, %mul3A_4665 : vector<64x128xi1>, vector<64x128xf32>
      %swap3A_4667 = arith.constant 0 : index
      %swap3A_4668 = arith.constant 1280 : index
      %swap3A_4669 = vector.load %arg26[%swap3A_4667, %swap3A_4668] : memref<64x2048xf32, #tpu.memory_space<vmem>>, vector<64x128xf32>
      tpu.vector_store %arg26[%swap3A_4667, %swap3A_4668], %select_n3A_4666 {strides = array<i32>} : memref<64x2048xf32, #tpu.memory_space<vmem>>, vector<64x128xf32>,
      %max3A_4670 = arith.maximumf %max3A_4643, %select_n3A_4666 : vector<64x128xf32>
      %get3A_4671 = arith.constant 0 : index
      %get3A_4672 = arith.constant 1408 : index
      %get3A_4673 = vector.load %arg13[%get3A_4671, %get3A_4672] : memref<64x2048xf32, #tpu.memory_space<vmem>>, vector<64x128xf32>
      %get3A_4674 = arith.constant 0 : index
      %get3A_4675 = arith.constant 1408 : index
      %get3A_4676 = vector.load %arg22[%get3A_4674, %get3A_4675] : memref<64x2048xf32, #tpu.memory_space<vmem>>, vector<64x128xf32>
      %ne3A_4677 = arith.constant 0.000000e+00 : f32
      %ne3A_4678 = vector.broadcast %ne3A_4677 : f32 to vector<64x128xf32>
      %ne3A_4679 = arith.cmpf one, %get3A_4676, %ne3A_4678 : vector<64x128xf32>
      %jit3A_4680 = arith.constant -1.000000e+04 : f32
      %broadcast_in_dim3A_4681 = vector.broadcast %jit3A_4680 : f32 to vector<64x128xf32>
      %select_n3A_4682 = arith.select %ne3A_4679, %get3A_4673, %broadcast_in_dim3A_4681 : vector<64x128xi1>, vector<64x128xf32>
      %ge3A_4683 = arith.cmpf oge, %select_n3A_4682, %get3A_3 : vector<64x128xf32>
      %mul3A_4684 = arith.constant 23.3601189 : f32
      %mul3A_4685 = vector.broadcast %mul3A_4684 : f32 to vector<64x128xf32>
      %mul3A_4686 = arith.mulf %mul3A_4685, %get3A_4673 : vector<64x128xf32>
      %add3A_4687 = arith.constant 0.276997447 : f32
      %add3A_4688 = vector.broadcast %add3A_4687 : f32 to vector<64x128xf32>
      %add3A_4689 = arith.addf %mul3A_4686, %add3A_4688 : vector<64x128xf32>
      %mul3A_4690 = arith.constant 23.0831203 : f32
      %mul3A_4691 = vector.broadcast %mul3A_4690 : f32 to vector<64x128xf32>
      %mul3A_4692 = arith.mulf %mul3A_4691, %get3A_4673 : vector<64x128xf32>
      %select_n3A_4693 = arith.select %ge3A_4683, %add3A_4689, %mul3A_4692 : vector<64x128xi1>, vector<64x128xf32>
      %swap3A_4694 = arith.constant 0 : index
      %swap3A_4695 = arith.constant 1408 : index
      %swap3A_4696 = vector.load %arg26[%swap3A_4694, %swap3A_4695] : memref<64x2048xf32, #tpu.memory_space<vmem>>, vector<64x128xf32>
      tpu.vector_store %arg26[%swap3A_4694, %swap3A_4695], %select_n3A_4693 {strides = array<i32>} : memref<64x2048xf32, #tpu.memory_space<vmem>>, vector<64x128xf32>,
      %max3A_4697 = arith.maximumf %max3A_4670, %select_n3A_4693 : vector<64x128xf32>
      %get3A_4698 = arith.constant 0 : index
      %get3A_4699 = arith.constant 1536 : index
      %get3A_4700 = vector.load %arg13[%get3A_4698, %get3A_4699] : memref<64x2048xf32, #tpu.memory_space<vmem>>, vector<64x128xf32>
      %get3A_4701 = arith.constant 0 : index
      %get3A_4702 = arith.constant 1536 : index
      %get3A_4703 = vector.load %arg22[%get3A_4701, %get3A_4702] : memref<64x2048xf32, #tpu.memory_space<vmem>>, vector<64x128xf32>
      %ne3A_4704 = arith.constant 0.000000e+00 : f32
      %ne3A_4705 = vector.broadcast %ne3A_4704 : f32 to vector<64x128xf32>
      %ne3A_4706 = arith.cmpf one, %get3A_4703, %ne3A_4705 : vector<64x128xf32>
      %jit3A_4707 = arith.constant -1.000000e+04 : f32
      %broadcast_in_dim3A_4708 = vector.broadcast %jit3A_4707 : f32 to vector<64x128xf32>
      %select_n3A_4709 = arith.select %ne3A_4706, %get3A_4700, %broadcast_in_dim3A_4708 : vector<64x128xi1>, vector<64x128xf32>
      %ge3A_4710 = arith.cmpf oge, %select_n3A_4709, %get3A_3 : vector<64x128xf32>
      %mul3A_4711 = arith.constant 23.3601189 : f32
      %mul3A_4712 = vector.broadcast %mul3A_4711 : f32 to vector<64x128xf32>
      %mul3A_4713 = arith.mulf %mul3A_4712, %get3A_4700 : vector<64x128xf32>
      %add3A_4714 = arith.constant 0.276997447 : f32
      %add3A_4715 = vector.broadcast %add3A_4714 : f32 to vector<64x128xf32>
      %add3A_4716 = arith.addf %mul3A_4713, %add3A_4715 : vector<64x128xf32>
      %mul3A_4717 = arith.constant 23.0831203 : f32
      %mul3A_4718 = vector.broadcast %mul3A_4717 : f32 to vector<64x128xf32>
      %mul3A_4719 = arith.mulf %mul3A_4718, %get3A_4700 : vector<64x128xf32>
      %select_n3A_4720 = arith.select %ge3A_4710, %add3A_4716, %mul3A_4719 : vector<64x128xi1>, vector<64x128xf32>
      %swap3A_4721 = arith.constant 0 : index
      %swap3A_4722 = arith.constant 1536 : index
      %swap3A_4723 = vector.load %arg26[%swap3A_4721, %swap3A_4722] : memref<64x2048xf32, #tpu.memory_space<vmem>>, vector<64x128xf32>
      tpu.vector_store %arg26[%swap3A_4721, %swap3A_4722], %select_n3A_4720 {strides = array<i32>} : memref<64x2048xf32, #tpu.memory_space<vmem>>, vector<64x128xf32>,
      %max3A_4724 = arith.maximumf %max3A_4697, %select_n3A_4720 : vector<64x128xf32>
      %get3A_4725 = arith.constant 0 : index
      %get3A_4726 = arith.constant 1664 : index
      %get3A_4727 = vector.load %arg13[%get3A_4725, %get3A_4726] : memref<64x2048xf32, #tpu.memory_space<vmem>>, vector<64x128xf32>
      %get3A_4728 = arith.constant 0 : index
      %get3A_4729 = arith.constant 1664 : index
      %get3A_4730 = vector.load %arg22[%get3A_4728, %get3A_4729] : memref<64x2048xf32, #tpu.memory_space<vmem>>, vector<64x128xf32>
      %ne3A_4731 = arith.constant 0.000000e+00 : f32
      %ne3A_4732 = vector.broadcast %ne3A_4731 : f32 to vector<64x128xf32>
      %ne3A_4733 = arith.cmpf one, %get3A_4730, %ne3A_4732 : vector<64x128xf32>
      %jit3A_4734 = arith.constant -1.000000e+04 : f32
      %broadcast_in_dim3A_4735 = vector.broadcast %jit3A_4734 : f32 to vector<64x128xf32>
      %select_n3A_4736 = arith.select %ne3A_4733, %get3A_4727, %broadcast_in_dim3A_4735 : vector<64x128xi1>, vector<64x128xf32>
      %ge3A_4737 = arith.cmpf oge, %select_n3A_4736, %get3A_3 : vector<64x128xf32>
      %mul3A_4738 = arith.constant 23.3601189 : f32
      %mul3A_4739 = vector.broadcast %mul3A_4738 : f32 to vector<64x128xf32>
      %mul3A_4740 = arith.mulf %mul3A_4739, %get3A_4727 : vector<64x128xf32>
      %add3A_4741 = arith.constant 0.276997447 : f32
      %add3A_4742 = vector.broadcast %add3A_4741 : f32 to vector<64x128xf32>
      %add3A_4743 = arith.addf %mul3A_4740, %add3A_4742 : vector<64x128xf32>
      %mul3A_4744 = arith.constant 23.0831203 : f32
      %mul3A_4745 = vector.broadcast %mul3A_4744 : f32 to vector<64x128xf32>
      %mul3A_4746 = arith.mulf %mul3A_4745, %get3A_4727 : vector<64x128xf32>
      %select_n3A_4747 = arith.select %ge3A_4737, %add3A_4743, %mul3A_4746 : vector<64x128xi1>, vector<64x128xf32>
      %iota3A = tpu.iota {dimensions = array<i32: 1>} : vector<64x128xi32>
      %lt3A = arith.constant 32 : i32
      %lt3A_4748 = vector.broadcast %lt3A : i32 to vector<64x128xi32>
      %lt3A_4749 = arith.cmpi slt, %iota3A, %lt3A_4748 : vector<64x128xi32>
      %jit3A_4750 = arith.constant -3.000000e+38 : f32
      %broadcast_in_dim3A_4751 = vector.broadcast %jit3A_4750 : f32 to vector<64x128xf32>
      %select_n3A_4752 = arith.select %lt3A_4749, %select_n3A_4747, %broadcast_in_dim3A_4751 : vector<64x128xi1>, vector<64x128xf32>
      %swap3A_4753 = arith.constant 0 : index
      %swap3A_4754 = arith.constant 1664 : index
      %swap3A_4755 = vector.load %arg26[%swap3A_4753, %swap3A_4754] : memref<64x2048xf32, #tpu.memory_space<vmem>>, vector<64x128xf32>
      tpu.vector_store %arg26[%swap3A_4753, %swap3A_4754], %select_n3A_4752 {strides = array<i32>} : memref<64x2048xf32, #tpu.memory_space<vmem>>, vector<64x128xf32>,
      %max3A_4756 = arith.maximumf %max3A_4724, %select_n3A_4752 : vector<64x128xf32>
      %get3A_4757 = arith.constant 0 : index
      %get3A_4758 = arith.constant 0 : index
      %get3A_4759 = vector.load %arg25[%get3A_4757, %get3A_4758] : memref<64x128xf32, #tpu.memory_space<vmem>>, vector<64x128xf32>
      %sub3A_4760 = arith.subf %get3A_4373, %max3A_4756 : vector<64x128xf32>
      %exp23A_4761 = math.exp2 %sub3A_4760 : vector<64x128xf32>
      %mul3A_4762 = arith.mulf %get3A_4759, %exp23A_4761 : vector<64x128xf32>
      %broadcast_in_dim3A_4763 = arith.constant 0.000000e+00 : f32
      %broadcast_in_dim3A_4764 = vector.broadcast %broadcast_in_dim3A_4763 : f32 to vector<64x128xf32>
      %get3A_4765 = arith.constant 0 : index
      %get3A_4766 = arith.constant 0 : index
      %get3A_4767 = vector.load %arg26[%get3A_4765, %get3A_4766] : memref<64x2048xf32, #tpu.memory_space<vmem>>, vector<64x128xf32>
      %sub3A_4768 = arith.subf %get3A_4767, %max3A_4756 : vector<64x128xf32>
      %exp23A_4769 = math.exp2 %sub3A_4768 : vector<64x128xf32>
      %add3A_4770 = arith.addf %mul3A_4762, %exp23A_4769 : vector<64x128xf32>
      %get3A_4771 = arith.constant 0 : index
      %get3A_4772 = arith.constant 128 : index
      %get3A_4773 = vector.load %arg26[%get3A_4771, %get3A_4772] : memref<64x2048xf32, #tpu.memory_space<vmem>>, vector<64x128xf32>
      %sub3A_4774 = arith.subf %get3A_4773, %max3A_4756 : vector<64x128xf32>
      %exp23A_4775 = math.exp2 %sub3A_4774 : vector<64x128xf32>
      %add3A_4776 = arith.addf %broadcast_in_dim3A_4764, %exp23A_4775 : vector<64x128xf32>
      %get3A_4777 = arith.constant 0 : index
      %get3A_4778 = arith.constant 256 : index
      %get3A_4779 = vector.load %arg26[%get3A_4777, %get3A_4778] : memref<64x2048xf32, #tpu.memory_space<vmem>>, vector<64x128xf32>
      %sub3A_4780 = arith.subf %get3A_4779, %max3A_4756 : vector<64x128xf32>
      %exp23A_4781 = math.exp2 %sub3A_4780 : vector<64x128xf32>
      %add3A_4782 = arith.addf %add3A_4770, %exp23A_4781 : vector<64x128xf32>
      %get3A_4783 = arith.constant 0 : index
      %get3A_4784 = arith.constant 384 : index
      %get3A_4785 = vector.load %arg26[%get3A_4783, %get3A_4784] : memref<64x2048xf32, #tpu.memory_space<vmem>>, vector<64x128xf32>
      %sub3A_4786 = arith.subf %get3A_4785, %max3A_4756 : vector<64x128xf32>
      %exp23A_4787 = math.exp2 %sub3A_4786 : vector<64x128xf32>
      %add3A_4788 = arith.addf %add3A_4776, %exp23A_4787 : vector<64x128xf32>
      %get3A_4789 = arith.constant 0 : index
      %get3A_4790 = arith.constant 512 : index
      %get3A_4791 = vector.load %arg26[%get3A_4789, %get3A_4790] : memref<64x2048xf32, #tpu.memory_space<vmem>>, vector<64x128xf32>
      %sub3A_4792 = arith.subf %get3A_4791, %max3A_4756 : vector<64x128xf32>
      %exp23A_4793 = math.exp2 %sub3A_4792 : vector<64x128xf32>
      %add3A_4794 = arith.addf %add3A_4782, %exp23A_4793 : vector<64x128xf32>
      %get3A_4795 = arith.constant 0 : index
      %get3A_4796 = arith.constant 640 : index
      %get3A_4797 = vector.load %arg26[%get3A_4795, %get3A_4796] : memref<64x2048xf32, #tpu.memory_space<vmem>>, vector<64x128xf32>
      %sub3A_4798 = arith.subf %get3A_4797, %max3A_4756 : vector<64x128xf32>
      %exp23A_4799 = math.exp2 %sub3A_4798 : vector<64x128xf32>
      %add3A_4800 = arith.addf %add3A_4788, %exp23A_4799 : vector<64x128xf32>
      %get3A_4801 = arith.constant 0 : index
      %get3A_4802 = arith.constant 768 : index
      %get3A_4803 = vector.load %arg26[%get3A_4801, %get3A_4802] : memref<64x2048xf32, #tpu.memory_space<vmem>>, vector<64x128xf32>
      %sub3A_4804 = arith.subf %get3A_4803, %max3A_4756 : vector<64x128xf32>
      %exp23A_4805 = math.exp2 %sub3A_4804 : vector<64x128xf32>
      %add3A_4806 = arith.addf %add3A_4794, %exp23A_4805 : vector<64x128xf32>
      %get3A_4807 = arith.constant 0 : index
      %get3A_4808 = arith.constant 896 : index
      %get3A_4809 = vector.load %arg26[%get3A_4807, %get3A_4808] : memref<64x2048xf32, #tpu.memory_space<vmem>>, vector<64x128xf32>
      %sub3A_4810 = arith.subf %get3A_4809, %max3A_4756 : vector<64x128xf32>
      %exp23A_4811 = math.exp2 %sub3A_4810 : vector<64x128xf32>
      %add3A_4812 = arith.addf %add3A_4800, %exp23A_4811 : vector<64x128xf32>
      %get3A_4813 = arith.constant 0 : index
      %get3A_4814 = arith.constant 1024 : index
      %get3A_4815 = vector.load %arg26[%get3A_4813, %get3A_4814] : memref<64x2048xf32, #tpu.memory_space<vmem>>, vector<64x128xf32>
      %sub3A_4816 = arith.subf %get3A_4815, %max3A_4756 : vector<64x128xf32>
      %exp23A_4817 = math.exp2 %sub3A_4816 : vector<64x128xf32>
      %add3A_4818 = arith.addf %add3A_4806, %exp23A_4817 : vector<64x128xf32>
      %get3A_4819 = arith.constant 0 : index
      %get3A_4820 = arith.constant 1152 : index
      %get3A_4821 = vector.load %arg26[%get3A_4819, %get3A_4820] : memref<64x2048xf32, #tpu.memory_space<vmem>>, vector<64x128xf32>
      %sub3A_4822 = arith.subf %get3A_4821, %max3A_4756 : vector<64x128xf32>
      %exp23A_4823 = math.exp2 %sub3A_4822 : vector<64x128xf32>
      %add3A_4824 = arith.addf %add3A_4812, %exp23A_4823 : vector<64x128xf32>
      %get3A_4825 = arith.constant 0 : index
      %get3A_4826 = arith.constant 1280 : index
      %get3A_4827 = vector.load %arg26[%get3A_4825, %get3A_4826] : memref<64x2048xf32, #tpu.memory_space<vmem>>, vector<64x128xf32>
      %sub3A_4828 = arith.subf %get3A_4827, %max3A_4756 : vector<64x128xf32>
      %exp23A_4829 = math.exp2 %sub3A_4828 : vector<64x128xf32>
      %add3A_4830 = arith.addf %add3A_4818, %exp23A_4829 : vector<64x128xf32>
      %get3A_4831 = arith.constant 0 : index
      %get3A_4832 = arith.constant 1408 : index
      %get3A_4833 = vector.load %arg26[%get3A_4831, %get3A_4832] : memref<64x2048xf32, #tpu.memory_space<vmem>>, vector<64x128xf32>
      %sub3A_4834 = arith.subf %get3A_4833, %max3A_4756 : vector<64x128xf32>
      %exp23A_4835 = math.exp2 %sub3A_4834 : vector<64x128xf32>
      %add3A_4836 = arith.addf %add3A_4824, %exp23A_4835 : vector<64x128xf32>
      %get3A_4837 = arith.constant 0 : index
      %get3A_4838 = arith.constant 1536 : index
      %get3A_4839 = vector.load %arg26[%get3A_4837, %get3A_4838] : memref<64x2048xf32, #tpu.memory_space<vmem>>, vector<64x128xf32>
      %sub3A_4840 = arith.subf %get3A_4839, %max3A_4756 : vector<64x128xf32>
      %exp23A_4841 = math.exp2 %sub3A_4840 : vector<64x128xf32>
      %add3A_4842 = arith.addf %add3A_4830, %exp23A_4841 : vector<64x128xf32>
      %get3A_4843 = arith.constant 0 : index
      %get3A_4844 = arith.constant 1664 : index
      %get3A_4845 = vector.load %arg26[%get3A_4843, %get3A_4844] : memref<64x2048xf32, #tpu.memory_space<vmem>>, vector<64x128xf32>
      %sub3A_4846 = arith.subf %get3A_4845, %max3A_4756 : vector<64x128xf32>
      %exp23A_4847 = math.exp2 %sub3A_4846 : vector<64x128xf32>
      %add3A_4848 = arith.addf %add3A_4836, %exp23A_4847 : vector<64x128xf32>
      %swap3A_4849 = arith.constant 0 : index
      %swap3A_4850 = arith.constant 0 : index
      %swap3A_4851 = vector.load %arg24[%swap3A_4849, %swap3A_4850] : memref<64x128xf32, #tpu.memory_space<vmem>>, vector<64x128xf32>
      tpu.vector_store %arg24[%swap3A_4849, %swap3A_4850], %max3A_4756 {strides = array<i32>} : memref<64x128xf32, #tpu.memory_space<vmem>>, vector<64x128xf32>,
      %add3A_4852 = arith.addf %add3A_4842, %add3A_4848 : vector<64x128xf32>
      %swap3A_4853 = arith.constant 0 : index
      %swap3A_4854 = arith.constant 0 : index
      %swap3A_4855 = vector.load %arg25[%swap3A_4853, %swap3A_4854] : memref<64x128xf32, #tpu.memory_space<vmem>>, vector<64x128xf32>
      tpu.vector_store %arg25[%swap3A_4853, %swap3A_4854], %add3A_4852 {strides = array<i32>} : memref<64x128xf32, #tpu.memory_space<vmem>>, vector<64x128xf32>,
    } else {
    }
    %eq3A_4366 = arith.constant 5 : i32
    %eq3A_4367 = arith.cmpi eq, %arg1, %eq3A_4366 : i32
    %convert_element_type3A_4368 = arith.extui %eq3A_4367 : i1 to i32
    %cond3A_4369 = arith.constant 0 : i32
    %cond3A_4370 = arith.cmpi ne, %convert_element_type3A_4368, %cond3A_4369 : i32
    scf.if %cond3A_4370 {
      %get3A_4371 = arith.constant 0 : index
      %get3A_4372 = arith.constant 0 : index
      %get3A_4373 = vector.load %arg3[%get3A_4371, %get3A_4372] : memref<64x128xf32, #tpu.memory_space<vmem>>, vector<64x128xf32>
      %get3A_4374 = arith.constant 0 : index
      %get3A_4375 = arith.constant 0 : index
      %get3A_4376 = vector.load %arg4[%get3A_4374, %get3A_4375] : memref<64x1xi32, #tpu.memory_space<vmem>>, vector<64x1xi32>
      %iota3A = tpu.iota {dimensions = array<i32: 1>} : vector<64x128xi32>
      %eq3A_4377 = vector.broadcast %get3A_4376 : vector<64x1xi32> to vector<64x128xi32>
      %eq3A_4378 = arith.cmpi eq, %iota3A, %eq3A_4377 : vector<64x128xi32>
      %jit3A_4379 = arith.constant 0.000000e+00 : f32
      %broadcast_in_dim3A_4380 = vector.broadcast %jit3A_4379 : f32 to vector<64x128xf32>
      %select_n3A_4381 = arith.select %eq3A_4378, %get3A_4373, %broadcast_in_dim3A_4380 : vector<64x128xi1>, vector<64x128xf32>
      %reduce_sum3A = arith.constant dense<0.000000e+00> : vector<64xf32>
      %reduce_sum3A_4382 = vector.multi_reduction <add>, %select_n3A_4381, %reduce_sum3A [1] : vector<64x128xf32> to vector<64xf32>
      %broadcast_in_dim3A_4383 = vector.shape_cast %reduce_sum3A_4382 : vector<64xf32> to vector<64x1xf32>
      %slice3A = vector.extract_strided_slice %get3A_3 {offsets = [0, 0], sizes = [64, 1], strides = [1, 1]} : vector<64x128xf32> to vector<64x1xf32>
      %get3A_4384 = arith.constant 0 : index
      %get3A_4385 = arith.constant 0 : index
      %get3A_4386 = vector.load %arg24[%get3A_4384, %get3A_4385] : memref<64x128xf32, #tpu.memory_space<vmem>>, vector<64x128xf32>
      %get3A_4387 = arith.constant 0 : index
      %get3A_4388 = arith.constant 0 : index
      %get3A_4389 = vector.load %arg25[%get3A_4387, %get3A_4388] : memref<64x128xf32, #tpu.memory_space<vmem>>, vector<64x128xf32>
      %reduce_max3A = arith.constant dense<0xFF800000> : vector<64xf32>
      %reduce_max3A_4390 = vector.multi_reduction <maximumf>, %get3A_4386, %reduce_max3A [1] : vector<64x128xf32> to vector<64xf32>
      %broadcast_in_dim3A_4391 = vector.shape_cast %reduce_max3A_4390 : vector<64xf32> to vector<64x1xf32>
      %sub3A_4392 = vector.broadcast %broadcast_in_dim3A_4391 : vector<64x1xf32> to vector<64x128xf32>
      %sub3A_4393 = arith.subf %get3A_4386, %sub3A_4392 : vector<64x128xf32>
      %exp23A_4394 = math.exp2 %sub3A_4393 : vector<64x128xf32>
      %mul3A_4395 = arith.mulf %get3A_4389, %exp23A_4394 : vector<64x128xf32>
      %reduce_sum3A_4396 = arith.constant dense<0.000000e+00> : vector<64xf32>
      %reduce_sum3A_4397 = vector.multi_reduction <add>, %mul3A_4395, %reduce_sum3A_4396 [1] : vector<64x128xf32> to vector<64xf32>
      %broadcast_in_dim3A_4398 = vector.shape_cast %reduce_sum3A_4397 : vector<64xf32> to vector<64x1xf32>
      %sub3A_4399 = arith.constant 1.000000e-01 : f32
      %sub3A_4400 = vector.broadcast %sub3A_4399 : f32 to vector<64x1xf32>
      %sub3A_4401 = arith.subf %slice3A, %sub3A_4400 : vector<64x1xf32>
      %mul3A_4402 = arith.constant 23.0831203 : f32
      %mul3A_4403 = vector.broadcast %mul3A_4402 : f32 to vector<64x1xf32>
      %mul3A_4404 = arith.mulf %mul3A_4403, %sub3A_4401 : vector<64x1xf32>
      %ne3A_4405 = arith.constant 0.000000e+00 : f32
      %ne3A_4406 = vector.broadcast %ne3A_4405 : f32 to vector<64x1xf32>
      %ne3A_4407 = arith.cmpf one, %broadcast_in_dim3A_4383, %ne3A_4406 : vector<64x1xf32>
      %jit3A_4408 = arith.constant -1.000000e+04 : f32
      %broadcast_in_dim3A_4409 = vector.broadcast %jit3A_4408 : f32 to vector<64x1xf32>
      %select_n3A_4410 = arith.select %ne3A_4407, %slice3A, %broadcast_in_dim3A_4409 : vector<64x1xi1>, vector<64x1xf32>
      %ge3A_4411 = arith.cmpf oge, %select_n3A_4410, %slice3A : vector<64x1xf32>
      %mul3A_4412 = arith.constant 23.3601189 : f32
      %mul3A_4413 = vector.broadcast %mul3A_4412 : f32 to vector<64x1xf32>
      %mul3A_4414 = arith.mulf %mul3A_4413, %slice3A : vector<64x1xf32>
      %add3A_4415 = arith.constant 0.276997447 : f32
      %add3A_4416 = vector.broadcast %add3A_4415 : f32 to vector<64x1xf32>
      %add3A_4417 = arith.addf %mul3A_4414, %add3A_4416 : vector<64x1xf32>
      %mul3A_4418 = arith.constant 23.0831203 : f32
      %mul3A_4419 = vector.broadcast %mul3A_4418 : f32 to vector<64x1xf32>
      %mul3A_4420 = arith.mulf %mul3A_4419, %slice3A : vector<64x1xf32>
      %select_n3A_4421 = arith.select %ge3A_4411, %add3A_4417, %mul3A_4420 : vector<64x1xi1>, vector<64x1xf32>
      %max3A_4422 = arith.maximumf %broadcast_in_dim3A_4391, %mul3A_4404 : vector<64x1xf32>
      %sub3A_4423 = arith.subf %broadcast_in_dim3A_4391, %max3A_4422 : vector<64x1xf32>
      %exp23A_4424 = math.exp2 %sub3A_4423 : vector<64x1xf32>
      %mul3A_4425 = arith.mulf %broadcast_in_dim3A_4398, %exp23A_4424 : vector<64x1xf32>
      %sub3A_4426 = arith.subf %select_n3A_4421, %max3A_4422 : vector<64x1xf32>
      %exp23A_4427 = math.exp2 %sub3A_4426 : vector<64x1xf32>
      %sub3A_4428 = arith.subf %mul3A_4425, %exp23A_4427 : vector<64x1xf32>
      %sub3A_4429 = arith.subf %mul3A_4404, %max3A_4422 : vector<64x1xf32>
      %exp23A_4430 = math.exp2 %sub3A_4429 : vector<64x1xf32>
      %add3A_4431 = arith.addf %sub3A_4428, %exp23A_4430 : vector<64x1xf32>
      %log3A = math.log %add3A_4431 : vector<64x1xf32>
      %log3A_4432 = arith.constant 2.000000e+00 : f32
      %log3A_4433 = math.log %log3A_4432 : f32
      %div3A = vector.broadcast %log3A_4433 : f32 to vector<64x1xf32>
      %div3A_4434 = arith.divf %log3A, %div3A : vector<64x1xf32>
      %add3A_4435 = arith.addf %max3A_4422, %div3A_4434 : vector<64x1xf32>
      %sub3A_4436 = arith.subf %add3A_4435, %mul3A_4404 : vector<64x1xf32>
      %reduce_sum3A_4437 = vector.shape_cast %sub3A_4436 : vector<64x1xf32> to vector<1x64x1xf32>
      %reduce_sum3A_4438 = arith.constant dense<0.000000e+00> : vector<1xf32>
      %reduce_sum3A_4439 = vector.multi_reduction <add>, %reduce_sum3A_4437, %reduce_sum3A_4438 [1, 2] : vector<1x64x1xf32> to vector<1xf32>
      %reduce_sum3A_4440 = vector.shape_cast %reduce_sum3A_4439 : vector<1xf32> to vector<1x1x1xf32>
      %reduce_sum3A_4441 = vector.extract %reduce_sum3A_4440[0, 0, 0] : f32 from vector<1x1x1xf32>
      %mul3A_4442 = arith.constant 6.76901545E-4 : f32
      %mul3A_4443 = arith.mulf %reduce_sum3A_4441, %mul3A_4442 : f32
      %reshape3A = vector.broadcast %mul3A_4443 : f32 to vector<1x1x1xf32>
      %swap3A_4444 = arith.constant 0 : index
      %swap3A_4445 = arith.constant 0 : index
      %swap3A_4446 = arith.constant 0 : index
      %swap3A_4447 = vector.load %arg23[%swap3A_4444, %swap3A_4445, %swap3A_4446] : memref<1x1x1xf32, #tpu.memory_space<vmem>>, vector<1x1x1xf32>
      tpu.vector_store %arg23[%swap3A_4444, %swap3A_4445, %swap3A_4446], %reshape3A {strides = array<i32>} : memref<1x1x1xf32, #tpu.memory_space<vmem>>, vector<1x1x1xf32>,
    } else {
    }
    return
  }
  func.func @transform_0(%arg0: i32, %arg1: i32) -> (i32, i32) {
    %c0_i32 = arith.constant 0 : i32
    %c0_i32_0 = arith.constant 0 : i32
    return %arg0, %c0_i32 : i32, i32
  }
  func.func @transform_1(%arg0: i32, %arg1: i32) -> (i32, i32) {
    %c0_i32 = arith.constant 0 : i32
    %c0_i32_0 = arith.constant 0 : i32
    return %arg0, %c0_i32 : i32, i32
  }
  func.func @transform_2(%arg0: i32, %arg1: i32) -> (i32, i32) {
    %c0_i32 = arith.constant 0 : i32
    %c0_i32_0 = arith.constant 0 : i32
    return %arg0, %c0_i32 : i32, i32
  }
  func.func @transform_3(%arg0: i32, %arg1: i32) -> (i32, i32) {
    %add3A = arith.constant 0 : i32
    %add3A_0 = arith.addi %arg1, %add3A : i32
    %c0_i32 = arith.constant 0 : i32
    return %arg0, %add3A_0 : i32, i32
  }
  func.func @transform_4(%arg0: i32, %arg1: i32) -> (i32, i32) {
    %add3A = arith.constant 6 : i32
    %add3A_0 = arith.addi %arg1, %add3A : i32
    %c0_i32 = arith.constant 0 : i32
    return %arg0, %add3A_0 : i32, i32
  }
  func.func @transform_5(%arg0: i32, %arg1: i32) -> (i32, i32) {
    %add3A = arith.constant 12 : i32
    %add3A_0 = arith.addi %arg1, %add3A : i32
    %c0_i32 = arith.constant 0 : i32
    return %arg0, %add3A_0 : i32, i32
  }
  func.func @transform_6(%arg0: i32, %arg1: i32) -> (i32, i32) {
    %add3A = arith.constant 18 : i32
    %add3A_0 = arith.addi %arg1, %add3A : i32
    %c0_i32 = arith.constant 0 : i32
    return %arg0, %add3A_0 : i32, i32
  }
  func.func @transform_7(%arg0: i32, %arg1: i32) -> (i32, i32) {
    %add3A = arith.constant 24 : i32
    %add3A_0 = arith.addi %arg1, %add3A : i32
    %c0_i32 = arith.constant 0 : i32
    return %arg0, %add3A_0 : i32, i32
  }
  func.func @transform_8(%arg0: i32, %arg1: i32) -> (i32, i32) {
    %add3A = arith.constant 30 : i32
    %add3A_0 = arith.addi %arg1, %add3A : i32
    %c0_i32 = arith.constant 0 : i32
    return %arg0, %add3A_0 : i32, i32
  }
  func.func @transform_9(%arg0: i32, %arg1: i32) -> (i32, i32) {
    %add3A = arith.constant 36 : i32
    %add3A_0 = arith.addi %arg1, %add3A : i32
    %c0_i32 = arith.constant 0 : i32
    return %arg0, %add3A_0 : i32, i32
  }
  func.func @transform_10(%arg0: i32, %arg1: i32) -> (i32, i32) {
    %add3A = arith.constant 42 : i32
    %add3A_0 = arith.addi %arg1, %add3A : i32
    %c0_i32 = arith.constant 0 : i32
    return %arg0, %add3A_0 : i32, i32
  }
  func.func @transform_11(%arg0: i32, %arg1: i32) -> (i32, i32) {
    %c48_i32 = arith.constant 48 : i32
    %c0_i32 = arith.constant 0 : i32
    return %arg0, %c48_i32 : i32, i32
  }
  func.func @transform_12(%arg0: i32, %arg1: i32) -> (i32, i32) {
    %add3A = arith.constant 0 : i32
    %add3A_0 = arith.addi %arg1, %add3A : i32
    %c0_i32 = arith.constant 0 : i32
    return %arg0, %add3A_0 : i32, i32
  }
  func.func @transform_13(%arg0: i32, %arg1: i32) -> (i32, i32) {
    %add3A = arith.constant 6 : i32
    %add3A_0 = arith.addi %arg1, %add3A : i32
    %c0_i32 = arith.constant 0 : i32
    return %arg0, %add3A_0 : i32, i32
  }
  func.func @transform_14(%arg0: i32, %arg1: i32) -> (i32, i32) {
    %add3A = arith.constant 12 : i32
    %add3A_0 = arith.addi %arg1, %add3A : i32
    %c0_i32 = arith.constant 0 : i32
    return %arg0, %add3A_0 : i32, i32
  }
  func.func @transform_15(%arg0: i32, %arg1: i32) -> (i32, i32) {
    %add3A = arith.constant 18 : i32
    %add3A_0 = arith.addi %arg1, %add3A : i32
    %c0_i32 = arith.constant 0 : i32
    return %arg0, %add3A_0 : i32, i32
  }
  func.func @transform_16(%arg0: i32, %arg1: i32) -> (i32, i32) {
    %add3A = arith.constant 24 : i32
    %add3A_0 = arith.addi %arg1, %add3A : i32
    %c0_i32 = arith.constant 0 : i32
    return %arg0, %add3A_0 : i32, i32
  }
  func.func @transform_17(%arg0: i32, %arg1: i32) -> (i32, i32) {
    %add3A = arith.constant 30 : i32
    %add3A_0 = arith.addi %arg1, %add3A : i32
    %c0_i32 = arith.constant 0 : i32
    return %arg0, %add3A_0 : i32, i32
  }
  func.func @transform_18(%arg0: i32, %arg1: i32) -> (i32, i32) {
    %add3A = arith.constant 36 : i32
    %add3A_0 = arith.addi %arg1, %add3A : i32
    %c0_i32 = arith.constant 0 : i32
    return %arg0, %add3A_0 : i32, i32
  }
  func.func @transform_19(%arg0: i32, %arg1: i32) -> (i32, i32) {
    %add3A = arith.constant 42 : i32
    %add3A_0 = arith.addi %arg1, %add3A : i32
    %c0_i32 = arith.constant 0 : i32
    return %arg0, %add3A_0 : i32, i32
  }
  func.func @transform_20(%arg0: i32, %arg1: i32) -> (i32, i32) {
    %c48_i32 = arith.constant 48 : i32
    %c0_i32 = arith.constant 0 : i32
    return %arg0, %c48_i32 : i32, i32
  }
  func.func @transform_21(%arg0: i32, %arg1: i32) -> (i32, i32, i32) {
    %c0_i32 = arith.constant 0 : i32
    %c0_i32_0 = arith.constant 0 : i32
    %c0_i32_1 = arith.constant 0 : i32
    return %arg0, %c0_i32, %c0_i32_0 : i32, i32, i32
  }
}

</mosaic_0001>

<sc_bundles>
// kernel: kernel.4.cloned.1.call-start
scs
__scs_entry_jumppad:
0x0: {  	(pc) =	sbr.rel $0x88, $3  }
0x1: {  	(tag) =	ssettag $0x0;
	lr =	simm.s32 $0x1  }
0x2: {  	[smem:$0x3F9E] =	sst lr;
	_ =	strace $0xD0000000  }
0x3: {  	_ = 	snop  }
0x4: {  	_ = 	snop  }
0x5: {  	_ = 	snop  }
0x6: {  	_ = 	snop  }
0x7: {  	_ = 	snop  }
__scs_overlays_trampoline_lowered:
0x8: {  	[smem:$0x3FAD] =	sst s0  }
0x9: {  	[smem:$0x3FAE] =	sst s1  }
0xa: {  	[smem:$0x3FAF] =	sst s2  }
0xb: {  	[smem:$0x3FB0] =	sst s3  }
0xc: {  	[smem:$0x3FB1] =	sst s4  }
0xd: {  	[smem:$0x3FB2] =	sst s5  }
0xe: {  	[smem:$0x3FB3] =	sst s6  }
0xf: {  	[smem:$0x3FB4] =	sst s7  }
0x10: {  	[smem:$0x3FB5] =	sst s8  }
0x11: {  	[smem:$0x3FB6] =	sst s9;
	s0 =	simm.s32 @!p0 $0x0  }
0x12: {  	s1 =	sld [smem:$0x3F9C];
	s0 =	simm.s32 @p0 $0x1  }
0x13: {  	[smem:$0x3FB7] =	sst s0;
	s0 =	simm.s32 @!p1 $0x0  }
0x14: {  	s2 =	sld [smem:$0x3F9B];
	s0 =	simm.s32 @p1 $0x1  }
0x15: {  	[smem:$0x3FB8] =	sst s0;
	s0 =	simm.s32 @!p2 $0x0  }
0x16: {  	s3 =	sld [smem:$0x3FDB];
	s0 =	simm.s32 @p2 $0x1  }
0x17: {  	s4 =	simm.s32 $0x1BF5;
	[smem:$0x3FBA] =	sst s0  }
0x18: {  	s0 =	sld [smem:$0x3F9D];
	_ =	swait.ge [sflag:s4], $0x0  }
0x19: {  	s7 =	sld [smem:$0x3F9E]  }
0x1a: {  	s8 =	sadd.s32 $0xFFFFE003, lr  }
0x1b: {  	s9 =	sadd.s32 $0xFFFFFEF7, lr;
	s5 =	simm.s32 $0xFFFFFFFF;
	p2 =	slt.u32 s8, $0xFFFFF086  }
0x1c: {  	p1 =	slt.u32 s9, $0xF7A;
	s5 =	simm.s32 @!p2 $0x0  }
0x1d: {  	s5 =	simm.s32 @p1 $0x1;
	p0 =	seq.s32 s7, s2  }
0x1e: {  	s7 =	smul.u32 @!p0 $0xF7A, s2;
	p2 =	seq.s32 @!p0 s5, $0x0  }
0x1f: {  	s9 =	smul.u32 $0xF7A, s1;
	s8 =	simm.s32 @!p0 $0x1BF5;
	p2 =	por !p2, p0  }
0x20: {  	[sflag:s8] =	ssyncset.s32 @!p0 $0xFFFFF086;
	s6 =	sadd.s32 @!p0 s3, s7;
	s7 =	simm.s32 @!p0 $0x108  }
0x21: {  	s3 =	sadd.s32 s3, s9;
	s6 =	sadd.s32 @!p0 $0x88, s6;
	s7 =	simm.s32 @p2 $0x1082  }
0x22: {  	[simem:s7], [sflag:s8] =	dma.local @!p0 [hbm:s6], $0xF7A  }
0x23: {  	s9 =	sor.u32 $0xD0000000, s2;
	s6 =	simm.s32 $0x108;
	_ =	swait.ge @!p0 [sflag:s8], $0x0  }
0x24: {  	s3 =	sadd.s32 $0x88, s3;
	s6 =	simm.s32 @!p1 $0x1082;
	[sflag:s4] =	ssyncset.s32 $0xFFFFF086  }
0x25: {  	[simem:s6], [sflag:s4] =	dma.local [hbm:s3], $0xF7A  }
0x26: {  	[smem:$0x3F9E] =	sst s1;
	(tag) =	ssettag s2;
	_ =	strace s9  }
0x27: {  	s1 =	sld [smem:$0x3FAE]  }
0x28: {  	s2 =	sld [smem:$0x3FAF]  }
0x29: {  	s4 =	sld [smem:$0x3FB1]  }
0x2a: {  	p0 =	seq.s32 s5, $0x0;
	s5 =	sld [smem:$0x3FB2]  }
0x2b: {  	s6 =	sld [smem:$0x3FB3]  }
0x2c: {  	s7 =	sld [smem:$0x3FB4]  }
0x2d: {  	s3 =	simm.s32 $0x108;
	s8 =	sld [smem:$0x3FB5]  }
0x2e: {  	s3 =	simm.s32 @!p0 $0x1082;
	s9 =	sld [smem:$0x3FB6]  }
0x2f: {  	lr =	sadd.s32 s0, s3;
	s0 =	sld [smem:$0x3FAD]  }
0x30: {  	s3 =	sld [smem:$0x3FB0]  }
0x31: {  	[smem:$0x3FB9] =	sst s10  }
0x32: {  	s10 =	sld [smem:$0x3FB7];
	_ =	sdelay $0x3  }
0x33: {  	p0 =	seq.s32 s10, $0x1;
	s10 =	sld [smem:$0x3FB9];
	_ =	sdelay $0x3  }
0x34: {  	[smem:$0x3FB9] =	sst s10  }
0x35: {  	s10 =	sld [smem:$0x3FB8];
	_ =	sdelay $0x3  }
0x36: {  	p1 =	seq.s32 s10, $0x1;
	s10 =	sld [smem:$0x3FB9];
	_ =	sdelay $0x3  }
0x37: {  	[smem:$0x3FB9] =	sst s10  }
0x38: {  	s10 =	sld [smem:$0x3FBA]  }
0x39: {  	_ = 	snop;
	(pc) =	sbr.ind lr, $3  }
0x3a: {  	_ = 	snop  }
0x3b: {  	_ = 	snop  }
0x3c: {  	p2 =	seq.s32 s10, $0x1;
	s10 =	sld [smem:$0x3FB9]  }
0x3d: {  	_ =	shalt  }
0x3e: {  	_ =	shalt  }
0x3f: {  	_ =	shalt  }
0x40: {  	_ =	shalt  }
0x41: {  	_ =	shalt  }
0x42: {  	_ =	shalt  }
0x43: {  	_ =	shalt  }
0x44: {  	_ =	shalt  }
0x45: {  	_ =	shalt  }
0x46: {  	_ =	shalt  }
0x47: {  	_ =	shalt  }
0x48: {  	_ =	shalt  }
0x49: {  	_ =	shalt  }
0x4a: {  	_ =	shalt  }
0x4b: {  	_ =	shalt  }
0x4c: {  	_ =	shalt  }
0x4d: {  	_ =	shalt  }
0x4e: {  	_ =	shalt  }
0x4f: {  	_ =	shalt  }
0x50: {  	_ =	shalt  }
0x51: {  	_ =	shalt  }
0x52: {  	_ =	shalt  }
0x53: {  	_ =	shalt  }
0x54: {  	_ =	shalt  }
0x55: {  	_ =	shalt  }
0x56: {  	_ =	shalt  }
0x57: {  	_ =	shalt  }
0x58: {  	_ =	shalt  }
0x59: {  	_ =	shalt  }
0x5a: {  	_ =	shalt  }
0x5b: {  	_ =	shalt  }
0x5c: {  	_ =	shalt  }
0x5d: {  	_ =	shalt  }
0x5e: {  	_ =	shalt  }
0x5f: {  	_ =	shalt  }
0x60: {  	_ =	shalt  }
0x61: {  	_ =	shalt  }
0x62: {  	_ =	shalt  }
0x63: {  	_ =	shalt  }
0x64: {  	_ =	shalt  }
0x65: {  	_ =	shalt  }
0x66: {  	_ =	shalt  }
0x67: {  	_ =	shalt  }
0x68: {  	_ =	shalt  }
0x69: {  	_ =	shalt  }
0x6a: {  	_ =	shalt  }
0x6b: {  	_ =	shalt  }
0x6c: {  	_ =	shalt  }
0x6d: {  	_ =	shalt  }
0x6e: {  	_ =	shalt  }
0x6f: {  	_ =	shalt  }
0x70: {  	_ =	shalt  }
0x71: {  	_ =	shalt  }
0x72: {  	_ =	shalt  }
0x73: {  	_ =	shalt  }
0x74: {  	_ =	shalt  }
0x75: {  	_ =	shalt  }
0x76: {  	_ =	shalt  }
0x77: {  	_ =	shalt  }
0x78: {  	_ =	shalt  }
0x79: {  	_ =	shalt  }
0x7a: {  	_ =	shalt  }
0x7b: {  	_ =	shalt  }
0x7c: {  	_ =	shalt  }
0x7d: {  	_ =	shalt  }
0x7e: {  	_ =	shalt  }
0x7f: {  	_ =	shalt  }
0x80: {  	_ =	shalt  }
0x81: {  	_ =	shalt  }
0x82: {  	_ =	shalt  }
0x83: {  	_ =	shalt  }
0x84: {  	_ =	shalt  }
0x85: {  	_ =	shalt  }
0x86: {  	_ =	shalt  }
0x87: {  	_ =	shalt  }
.Lfunc_end0:
.L_simem_size_0:
called_computation_lowered:
.L_overlay_start_0:
0x88: {  	s2 =	sld [smem:$0x3FD9]  }
0x89: {  	s3 =	sld [smem:$0x3FFE];
	_ =	sdelay $0x1  }
0x8a: {  	s1 =	srdreg.scid  }
0x8b: {  	s0 =	sand.u32 $0x1, s1  }
0x8c: {  	s16 =	sshll.u32 s0, $0xA;
	s2 =	sadd.s32 s3, s2  }
0x8d: {  	s2 =	sadd.s32 s2, s16  }
0x8e: {  	[smem:$0x3FC5] =	sst s2  }
0x8f: {  	_ = 	snop  }
0x90: {  	(tm) =	ssettm $0x1  }
0x91: {  	s17 =	sld [smem:$0x3FFB];
	_ =	sdelay $0x3  }
0x92: {  	_ =	strace s17  }
0x93: {  	s2 =	sld [smem:$0x3FFC];
	_ =	sdelay $0x3  }
0x94: {  	_ =	strace s2  }
0x95: {  	s2 =	sld [smem:$0x3FFD];
	_ =	sdelay $0x3  }
0x96: {  	_ =	strace s2  }
0x97: {  	_ =	strace $0x8FFFFFFF  }
0x98: {  	s18 =	sld [smem:$0x3FDB];
	_ =	sdelay $0x1  }
0x99: {  	s19 =	simm.s32 $_scs_section_size  }
0x9a: {  	s4 =	simm.s32 $_size__tile_overlayer_lowered;
	s5 =	simm.s32 $_tile_overlayer_lowered  }
0x9b: {  	s22 =	simm.s32 $0x1BFF;
	s21 =	sshll.u32 s5, $0x1;
	s2 =	sadd.s32 s19, s18  }
0x9c: {  	s6 =	simm.s32 $0x0;
	s20 =	sshll.u32 s4, $0x1;
	s4 =	sadd.s32 s21, s2  }
0x9d: {  	[timem:s6], [sflag:s22] =	dma.local [hbm:s4], s20  }
0x9e: {  	_ =	swait.ge [sflag:s22], s20  }
0x9f: {  	s3 =	ssub.s32 $0x0, s20;
	[sflag:s22] =	ssyncset.done $0x0  }
0xa0: {  	[sflag:s22] =	ssyncadd.s32 s3;
	_ =	sdelay $0x1  }
0xa1: {  	s23 =	simm.s32 $0x1B8B  }
0xa2: {  	_ =	swait.ge [sflag:s23], $0x1  }
0xa3: {  	[sflag:s23] =	ssyncset.done $0x0  }
0xa4: {  	s25 =	simm.s32 $0x1B8E;
	s24 =	sld [smem:$0x3FFE];
	[sflag:s23] =	ssyncadd.s32 $0xFFFFFFFF  }
0xa5: {  	s26 =	simm.s32 $execute0_lowered;
	[smem:$0x3FD2] =	sst s25  }
0xa6: {  	s4 =	sshll.u32 s26, $0x1;
	_ =	strace $0x80000046;
	[dreg:$0x1] =	wrdreg $0xFFFFFFFF  }
0xa7: {  	s28 =	simm.s32 $_size_execute0_lowered;
	s2 =	sadd.s32 s2, s4;
	[dreg:$0x0] =	wrdreg $0x0  }
0xa8: {  	s4 =	sshll.u32 s28, $0x1;
	[dreg:$0x2] =	wrdreg s2  }
0xa9: {  	[dreg:$0x3] =	wrdreg s4  }
0xaa: {  	[dreg:$0x4] =	wrdreg $0xC0  }
0xab: {  	_ =	task [dreg:s6], $0x5FFFF  }
0xac: {  	[dreg:$0x1] =	wrdreg $0xFFFFFFFF  }
0xad: {  	[dreg:$0x0] =	wrdreg $0x60  }
0xae: {  	[dreg:$0x2] =	wrdreg s24  }
0xaf: {  	[dreg:$0x3] =	wrdreg $0x9  }
0xb0: {  	_ =	task.clear_ibuf [dreg:s6], $0x4FFFF;
	_ =	strace $0x90000046  }
0xb1: {  	s29 =	simm.s32 $0x9;
	_ =	strace $0x80000052  }
0xb2: {  	_ =	swait.ge [sflag:s29], $0x1  }
0xb3: {  	[sflag:s29] =	ssyncadd.s32 $0xFFFFFFFF  }
0xb4: {  	_ =	strace $0x90000052  }
0xb5: {  	_ =	sfence  }
0xb6: {  	s30 =	sld [smem:$0x0];
	_ =	sdelay $0x2  }
0xb7: {  	s31 =	sshll.u32 s1, $0xD;
	s1 =	sshrl.u32 s1, $0x2  }
0xb8: {  	s3 =	sand.u32 $0x4000, s31;
	s1 =	sadd.s32 s1, s30  }
0xb9: {  	s0 =	sor.u32 s3, s0;
	s1 =	sshll.u32 s1, $0x11  }
0xba: {  	s0 =	sor.u32 s1, s0  }
0xbb: {  	s0 =	sadd.s32 $0x8F2B, s0  }
0xbc: {  	[sflag:s0] =	ssyncadd.remote.s32 $0x1  }
0xbd: {  	_ =	sfence.sel $0xFFFF  }
0xbe: {  	[dreg:$0x0] =	wrdreg $0xFFFFFFFF;
	(pc) =	sbr.abs _section_cstart, $3  }
0xbf: {  	[dreg:$0x1] =	wrdreg $0xFFFFFFFF  }
0xc0: {  	_ =	task.clear_ibuf [dreg:s6], $0x2FFFF;
	_ =	strace $0x9FFFFFFF  }
0xc1: {  	(tm) =	ssettm $0x7FFFFFFF  }
tec
execute0_lowered:
.L_overlay_start_1:
0x0: {  	(tag) =	ssettag $0x1  }
0x1: {  	s1 =	stileid.u32  }
0x2: {  	p0 =	sgt.u32 s1, $0x7  }
.Ltmp0:
0x3: {  	_ = 	snop;
	(pc) =	sbr.rel @p0 .LBB2_4-.Ltmp0, $4  }
0x4: {  	_ = 	snop  }
0x5: {  	s11 =	rddreg [dreg:$0x0];
	s2 =	simm.s32 $0x0  }
0x6: {  	[smem:$0x7FF] =	sst s2  }
0x7: {  	s0 =	rddreg [dreg:$0x1];
	_ =	strace $0x80000047  }
0x8: {  	s12 =	smin.u32 s1, $0x8  }
0x9: {  	s3 =	sshll.u32 s12, $0x4  }
0xa: {  	s3 =	sadd.s32 s3, s11  }
0xb: {  	_ =	strace $0x80000048;
	s3 =	sadd.s32 $0x30DB000, s3  }
0xc: {  	[tilespmem:s2], [sflag:$0x1] =	stream.linear.gather [hbm4b:s3+s2], $0x80, $0x200038;
	[tilespmem:$0x10100] =	vst v63  }
0xd: {  	_ =	strace $0x90000048  }
0xe: {  	s4 =	simm.s32 $0x1;
	_ =	strace $0x8000004A  }
0xf: {  	_ =	swait.ge [sflag:s4], $0x80  }
0x10: {  	[sflag:s4] =	ssyncset.done $0x0  }
0x11: {  	[sflag:s4] =	ssyncadd.s32 $0xFFFFFF80  }
0x12: {  	s5 =	sadd.s32 $0xC38E00, s11;
	s6 =	simm.s32 $0x80;
	_ =	strace $0x9000004A  }
0x13: {  	s7 =	simm.s32 $0x100;
	s8 =	simm.s32 $0x7;
	_ =	strace $0x8000004B  }
0x14: {  	[tilespmem:s7], [sflag:$0x7] =	stream.indirect.gather [hbm4b:s5+s6], $0x80, s2, s6, $0x2000b8;
	[tilespmem:$0x10100] =	vst v63  }
0x15: {  	_ =	swait.ge [sflag:s8], $0x4000  }
0x16: {  	[sflag:s8] =	ssyncset.done $0x0  }
0x17: {  	s9 =	sadd.s32 $0x24A5E00, s11;
	s10 =	simm.s32 $0x8100;
	[sflag:s8] =	ssyncadd.s32 $0xFFFFC000  }
0x18: {  	[tilespmem:s10], [sflag:$0x7] =	stream.indirect.gather [hbm4b:s9+s6], $0x80, s2, s6, $0x2000b8;
	[tilespmem:$0x10100] =	vst v63  }
0x19: {  	_ =	swait.ge [sflag:s8], $0x4000  }
0x1a: {  	[sflag:s8] =	ssyncset.done $0x0  }
0x1b: {  	s12 =	sshll.u32 s12, $0xB;
	[sflag:s8] =	ssyncadd.s32 $0xFFFFC000  }
0x1c: {  	s12 =	sadd.s32 s12, s11;
	_ =	strace $0x9000004B  }
0x1d: {  	s11 =	sadd.s32 $0x30DB200, s12;
	_ =	strace $0x8000004C  }
0x1e: {  	[hbm4b:s11+s2] =	stream.linear.scatter [tilespmem:s7], [sflag:$0x3], $0x4000, $0x200038;
	[tilespmem:$0x10100] =	vst v63  }
0x1f: {  	s14 =	srdreg.scid;
	_ =	strace $0x9000004C  }
0x20: {  	s14 =	sand.u32 $0x1, s14;
	s12 =	sadd.s32 $0x30DF200, s12;
	_ =	strace $0x8000004D  }
0x21: {  	[hbm4b:s12+s2] =	stream.linear.scatter [tilespmem:s10], [sflag:$0x5], $0x4000, $0x200038;
	[tilespmem:$0x10100] =	vst v63  }
0x22: {  	s14 =	ssub.s32 $0x2, s14;
	_ =	strace $0x9000004D  }
0x23: {  	s13 =	simm.s32 $0x3;
	s15 =	sshrl.u32 s14, $0x1;
	_ =	strace $0x80000050  }
0x24: {  	s15 =	ssub.s32 s14, s15;
	_ =	swait.ge [sflag:s13], $0x4000  }
0x25: {  	s15 =	smax.u32 s15, $0x1;
	[sflag:s13] =	ssyncset.done $0x0  }
0x26: {  	p0 =	sne.s32 s15, $0x1;
	[sflag:s13] =	ssyncadd.s32 $0xFFFFC000  }
.Ltmp1:
0x27: {  	_ =	strace $0x90000050;
	(pc) =	sbr.rel @!p0 .LBB2_3-.Ltmp1, $4  }
0x28: {  	s14 =	simm.s32 $0x5;
	_ =	strace $0x80000051  }
0x29: {  	_ =	swait.ge [sflag:s14], $0x4000  }
0x2a: {  	[sflag:s14] =	ssyncset.done $0x0  }
0x2b: {  	s15 =	sadd.s32 $0xFFFFFFFF, s15;
	[sflag:s14] =	ssyncadd.s32 $0xFFFFC000  }
.LBB2_2:
0x2c: {  	p0 =	sne.s32 s15, $0x1;
	s15 =	sadd.s32 $0xFFFFFFFF, s15;
	_ =	strace $0x90000051  }
0x2d: {  	_ =	strace $0x80000048  }
0x2e: {  	[tilespmem:s2], [sflag:$0x1] =	stream.linear.gather [hbm4b:s3+s2], $0x80, $0x200038;
	[tilespmem:$0x10100] =	vst v63  }
0x2f: {  	_ =	strace $0x90000048  }
0x30: {  	_ =	strace $0x8000004A  }
0x31: {  	_ =	swait.ge [sflag:s4], $0x80  }
0x32: {  	[sflag:s4] =	ssyncset.done $0x0  }
0x33: {  	[sflag:s4] =	ssyncadd.s32 $0xFFFFFF80  }
0x34: {  	_ =	strace $0x9000004A  }
0x35: {  	_ =	strace $0x8000004B  }
0x36: {  	[tilespmem:s7], [sflag:$0x7] =	stream.indirect.gather [hbm4b:s5+s6], $0x80, s2, s6, $0x2000b8;
	[tilespmem:$0x10100] =	vst v63  }
0x37: {  	_ =	swait.ge [sflag:s8], $0x4000  }
0x38: {  	[sflag:s8] =	ssyncset.done $0x0  }
0x39: {  	[sflag:s8] =	ssyncadd.s32 $0xFFFFC000  }
0x3a: {  	[tilespmem:s10], [sflag:$0x7] =	stream.indirect.gather [hbm4b:s9+s6], $0x80, s2, s6, $0x2000b8;
	[tilespmem:$0x10100] =	vst v63  }
0x3b: {  	_ =	swait.ge [sflag:s8], $0x4000  }
0x3c: {  	[sflag:s8] =	ssyncset.done $0x0  }
0x3d: {  	[sflag:s8] =	ssyncadd.s32 $0xFFFFC000  }
0x3e: {  	_ =	strace $0x9000004B  }
0x3f: {  	_ =	strace $0x8000004C  }
0x40: {  	[hbm4b:s11+s2] =	stream.linear.scatter [tilespmem:s7], [sflag:$0x3], $0x4000, $0x200038;
	[tilespmem:$0x10100] =	vst v63  }
0x41: {  	_ =	strace $0x9000004C  }
0x42: {  	_ =	strace $0x8000004D  }
0x43: {  	[hbm4b:s12+s2] =	stream.linear.scatter [tilespmem:s10], [sflag:$0x5], $0x4000, $0x200038;
	[tilespmem:$0x10100] =	vst v63  }
0x44: {  	_ =	strace $0x9000004D  }
0x45: {  	_ =	strace $0x80000050  }
0x46: {  	_ =	swait.ge [sflag:s13], $0x4000  }
0x47: {  	[sflag:s13] =	ssyncset.done $0x0  }
0x48: {  	[sflag:s13] =	ssyncadd.s32 $0xFFFFC000  }
.Ltmp2:
0x49: {  	_ =	strace $0x90000050;
	(pc) =	sbr.rel @p0 .LBB2_2-.Ltmp2, $4  }
0x4a: {  	_ =	strace $0x80000051  }
0x4b: {  	_ =	swait.ge [sflag:s14], $0x4000  }
0x4c: {  	[sflag:s14] =	ssyncset.done $0x0  }
0x4d: {  	[sflag:s14] =	ssyncadd.s32 $0xFFFFC000  }
.LBB2_3:
0x4e: {  	_ =	strace $0x90000051  }
.LBB2_4:
0x4f: {  	_ =	sfence.sel $0x180000  }
0x50: {  	[bflag:$0x0] =	sbarrier.arrive $0xFFFF  }
0x51: {  	p0 =	sne.s32 s1, $0x0;
	_ =	strace $0x90000047  }
0x52: {  	s0 =	sadd.s32 @!p0 $0x100000, s0;
	[bflag:$0x2] =	sbarrier.arrive $0xFFFF  }
0x53: {  	[sflag:s0] =	ssyncadd.tile.s32 @!p0 $0x1;
	_ =	shalt  }
.Lfunc_end2:
_tile_overlayer_lowered:
.L_overlay_start_2:
0x54: {  	(tag) =	ssettag $0x2  }
0x55: {  	s0 =	rddreg [dreg:$0x0];
	s2 =	stileid.u32  }
0x56: {  	s1 =	rddreg [dreg:$0x1];
	p0 =	sne.s32 s2, $0x0  }
0x57: {  	s3 =	rddreg [dreg:$0x2];
	[bflag:$0x3] =	sbarrier.arrive $0xFFFF;
	s2 =	simm.s32 @!p0 $0x1C01  }
0x58: {  	[timem:s3], [sflag:s2] =	dma.local @!p0 [hbm:s0], s1  }
0x59: {  	s0 =	simm.s32 @!p0 $0x1  }
0x5a: {  	_ =	swait.ge @!p0 [sflag:s0], s1  }
0x5b: {  	s1 =	ssub.s32 @!p0 $0x0, s1;
	[sflag:s0] =	ssyncset.done @!p0 $0x0  }
0x5c: {  	[sflag:s0] =	ssyncadd.s32 @!p0 s1  }
0x5d: {  	[bflag:$0x3] =	sbarrier.arrive $0xFFFF  }
0x5e: {  	_ =	shalt  }

</sc_bundles>
